<compile_context>
chip_gen: v7x
topology: tpu7x:2x2x1
jax: 0.10.2.dev20260603
libtpu: 0.0.44.dev20260713+nightly
codegen_flags: <defaults>
</compile_context>

<pallas_src>
import functools
import jax
import jax.numpy as jnp
from jax import lax
from jax.experimental import pallas as pl
from jax.experimental.pallas import tpu as pltpu
from jax.experimental.pallas import tpu_sc as plsc

N = 50000
E = 800000
NP = 50176
EP = 819200
TRASH = N
NH = 4
F = 16
ROWS_PER_TILE = NP // 16
CHUNK = 128
CHUNKS_PER_TILE = (EP // 16) // CHUNK

_mesh = plsc.VectorSubcoreMesh(core_axis_name="c", subcore_axis_name="s")
_sc_params = pltpu.CompilerParams(use_tc_tiling_on_sc=False,
                                  needs_layout_passes=False)


def _emb_body(lon_t, lat_t, lon_i, lat_i, lon_o, lat_o, idx_v, rows_v, sem):
  c = lax.axis_index("c")
  s = lax.axis_index("s")
  wid = s * 2 + c
  per_w = NP // 32
  n_ch = per_w // 112

  def do_table(tab, idx_hbm, out_hbm):
    def body(k, _):
      base = wid * per_w + k * 112
      pltpu.sync_copy(idx_hbm.at[pl.ds(base, 112)], idx_v)
      pltpu.async_copy(tab.at[idx_v], rows_v, sem).wait()
      pltpu.sync_copy(rows_v, out_hbm.at[pl.ds(base, 112)])
      return 0
    lax.fori_loop(0, n_ch, body, 0)

  do_table(lon_t, lon_i, lon_o)
  do_table(lat_t, lat_i, lat_o)


_emb_call = pl.kernel(
    _emb_body,
    out_type=(jax.ShapeDtypeStruct((NP, 16), jnp.float32),
              jax.ShapeDtypeStruct((NP, 16), jnp.float32)),
    mesh=_mesh,
    scratch_types=[
        pltpu.VMEM((112,), jnp.int32),
        pltpu.VMEM((112, 16), jnp.float32),
        pltpu.SemaphoreType.DMA,
    ],
    compiler_params=_sc_params,
)


def _proj_body(lon_ref, lat_ref, nf_ref, wl, wt, wn, sl, st, sn, mcat, b,
               proj_o, skip_o, scat_o):
  lon = lon_ref[...]
  lat = lat_ref[...]
  nf = nf_ref[...]
  proj = (jnp.dot(lon, wl[...], preferred_element_type=jnp.float32)
          + jnp.dot(lat, wt[...], preferred_element_type=jnp.float32)
          + jnp.dot(nf, wn[...], preferred_element_type=jnp.float32))
  skip = (jnp.dot(lon, sl[...], preferred_element_type=jnp.float32)
          + jnp.dot(lat, st[...], preferred_element_type=jnp.float32)
          + jnp.dot(nf, sn[...], preferred_element_type=jnp.float32))
  proj_o[...] = proj
  skip_o[...] = skip + b[...]
  scat_o[...] = jnp.dot(proj, mcat[...], preferred_element_type=jnp.float32)


def _proj_call(lon, lat, nf, wl, wt, wn, sl, st, sn, mcat, b):
  g = NP // 256
  blk = lambda w: pl.BlockSpec((256, w), lambda i: (i, 0))
  full = lambda a, b_: pl.BlockSpec((a, b_), lambda i: (0, 0))
  return pl.pallas_call(
      _proj_body,
      grid=(g,),
      in_specs=[blk(16), blk(16), blk(128),
                full(16, 64), full(16, 64), full(128, 64),
                full(16, 64), full(16, 64), full(128, 64),
                full(64, 8), full(1, 64)],
      out_specs=[blk(64), blk(64), blk(8)],
      out_shape=[jax.ShapeDtypeStruct((NP, 64), jnp.float32),
                 jax.ShapeDtypeStruct((NP, 64), jnp.float32),
                 jax.ShapeDtypeStruct((NP, 8), jnp.float32)],
  )(lon, lat, nf, wl, wt, wn, sl, st, sn, mcat, b)


ACC_W = 17
PT_W = 20
ZROWS = ROWS_PER_TILE // 16


def _edge_body(src_e, dst_e, ptab,
               acc_o,
               sidx, didx, sidxa, didxa, prow, stw, mv, zb, cb,
               acc_s, sem0, sem2):
  c = lax.axis_index("c")
  s = lax.axis_index("s")
  band = s * ROWS_PER_TILE
  iota = lax.iota(jnp.int32, 16)
  z16 = jnp.zeros((16,), jnp.float32)

  def zrow_body(i, _):
    zb[i, pl.ds(0, 16)] = z16
    zb[i, pl.ds(1, 16)] = z16
    return 0
  lax.fori_loop(0, ZROWS, zrow_body, 0)

  for hp in range(2):
    hoff = (2 * c + hp) * NP

    def zcp_body(k, _):
      pltpu.sync_copy(zb, acc_s.at[pl.ds(band + k * ZROWS, ZROWS)])
      return 0
    lax.fori_loop(0, 16, zcp_body, 0)
    plsc.subcore_barrier()

    def chunk_body(g, _):
      base = (s * CHUNKS_PER_TILE + g) * CHUNK
      ai = pltpu.async_copy(src_e.at[pl.ds(base, CHUNK)], sidx, sem0)
      aj = pltpu.async_copy(dst_e.at[pl.ds(base, CHUNK)], didx, sem2)
      ai.wait()
      aj.wait()
      for g2 in range(CHUNK // 16):
        sl_ = pl.ds(g2 * 16, 16)
        sidxa[sl_] = sidx[sl_] + hoff
        didxa[sl_] = didx[sl_] + hoff
      a0 = pltpu.async_copy(ptab.at[sidxa], prow, sem0)
      a2 = pltpu.async_copy(ptab.at[didxa], stw, sem2)
      a0.wait()
      a2.wait()
      c16 = jnp.full((16,), 16, jnp.int32)
      c17 = jnp.full((16,), 17, jnp.int32)
      for g2 in range(CHUNK // 16):
        rows = iota + g2 * 16
        ev = (plsc.load_gather(prow, [rows, c16])
              + plsc.load_gather(stw, [rows, c17]))
        ev = jnp.where(ev > 0, ev, 0.2 * ev)
        w = jnp.exp(ev)
        plsc.store_scatter(mv, [rows, c16], w)
        for f in range(F):
          col = jnp.full((16,), f, jnp.int32)
          p = plsc.load_gather(prow, [rows, col])
          plsc.store_scatter(mv, [rows, col], p * w)
      pltpu.sync_copy(mv, acc_s.at[didx], add=True)
      return 0

    lax.fori_loop(0, CHUNKS_PER_TILE, chunk_body, 0)
    plsc.subcore_barrier()

    def out_body(k, _):
      r = band + k * ZROWS
      pltpu.sync_copy(acc_s.at[pl.ds(r, ZROWS)], cb)
      pltpu.sync_copy(cb, acc_o.at[pl.ds(hoff + r, ZROWS)])
      return 0
    lax.fori_loop(0, 16, out_body, 0)
    plsc.subcore_barrier()


_edge_call = pl.kernel(
    _edge_body,
    out_type=jax.ShapeDtypeStruct((4 * NP, ACC_W), jnp.float32),
    mesh=_mesh,
    scratch_types=[
        pltpu.VMEM((CHUNK,), jnp.int32),
        pltpu.VMEM((CHUNK,), jnp.int32),
        pltpu.VMEM((CHUNK,), jnp.int32),
        pltpu.VMEM((CHUNK,), jnp.int32),
        pltpu.VMEM((CHUNK, PT_W), jnp.float32),
        pltpu.VMEM((CHUNK, PT_W), jnp.float32),
        pltpu.VMEM((CHUNK, ACC_W), jnp.float32),
        pltpu.VMEM((ZROWS, ACC_W), jnp.float32),
        pltpu.VMEM((ZROWS, ACC_W), jnp.float32),
        pltpu.VMEM_SHARED((NP, ACC_W), jnp.float32),
        pltpu.SemaphoreType.DMA,
        pltpu.SemaphoreType.DMA,
    ],
    compiler_params=_sc_params,
)


def _fin_body(agg_ref, den_ref, skip_ref, out_ref):
  x = agg_ref[...] / (den_ref[...] + 1e-16) + skip_ref[...]
  out_ref[...] = jnp.where(x > 0, x, jnp.exp(x) - 1.0)


def _fin_call(agg, den, skip):
  g = NP // 256
  blk = pl.BlockSpec((256, 64), lambda i: (i, 0))
  return pl.pallas_call(
      _fin_body,
      grid=(g,),
      in_specs=[blk, blk, blk],
      out_specs=blk,
      out_shape=jax.ShapeDtypeStruct((NP, 64), jnp.float32),
  )(agg, den, skip)


@jax.jit
def kernel(node_features, lon_idx, lat_idx, edge_index, lon_table, lat_table,
           W, score_src, score_tgt, skip_W, bias):
  padn = NP - N
  lon_ip = jnp.pad(lon_idx, (0, padn))
  lat_ip = jnp.pad(lat_idx, (0, padn))
  nf_p = jnp.pad(node_features, ((0, padn), (0, 0)))

  src_p = jnp.pad(edge_index[0], (0, EP - E), constant_values=TRASH)
  dst_p = jnp.pad(edge_index[1], (0, EP - E), constant_values=TRASH)

  wl, wt, wn = W[:16], W[16:32], W[32:]
  sl_, st_, sn_ = skip_W[:16], skip_W[16:32], skip_W[32:]
  eye = jnp.eye(NH, dtype=jnp.float32)
  msrc = (score_src[:, :, None] * eye[:, None, :]).reshape(NH * F, NH)
  mtgt = (score_tgt[:, :, None] * eye[:, None, :]).reshape(NH * F, NH)
  mcat = jnp.concatenate([msrc, mtgt], axis=1)
  b2 = bias.reshape(1, 64)

  lon_emb, lat_emb = _emb_call(lon_table, lat_table, lon_ip, lat_ip)

  proj, skip, scat = _proj_call(lon_emb, lat_emb, nf_p,
                                wl, wt, wn, sl_, st_, sn_, mcat, b2)

  zp = jnp.zeros((NP, 2), jnp.float32)
  ptab = jnp.concatenate([
      jnp.concatenate([proj[:, hh * F:(hh + 1) * F],
                       scat[:, hh:hh + 1], scat[:, 4 + hh:5 + hh], zp], axis=1)
      for hh in range(NH)], axis=0)
  acc = _edge_call(src_p, dst_p, ptab)

  agg = jnp.concatenate([acc[hh * NP:(hh + 1) * NP, :F] for hh in range(NH)],
                        axis=1)
  den = jnp.concatenate([acc[hh * NP:(hh + 1) * NP, F:F + 1] for hh in range(NH)],
                        axis=1)
  denx = jnp.repeat(den, F, axis=1)
  out = _fin_call(agg, denx, skip)
  return out[:N]

# --- scband reference (transcript-rebuilt; emitter-appended) ---
"""Pipeline reference for scband-distance-gat-fc-31044023616253 (READ-ONLY COPY).

The authoritative reference and input builder live on the scoring server;
editing this copy changes nothing except your own understanding.
"""

import jax, jax.numpy as jnp
import numpy as np

N_NODES = 50000
N_EDGES = 800000
D_BASE = 128
GPS_DIM = 16
IMG = 1024
N_HEADS = 4
F_OUT = 16
FEAT_DIM = D_BASE + 2 * GPS_DIM  # 160


def setup_inputs(seed: int = 0) -> dict:
    key = jax.random.key(seed)
    ks = [jax.random.fold_in(key, i) for i in range(12)]
    node_features = jax.random.normal(ks[0], (N_NODES, D_BASE), dtype=jnp.float32)
    lon_idx = jax.random.randint(ks[1], (N_NODES,), 0, IMG, dtype=jnp.int64 if jax.config.jax_enable_x64 else jnp.int32).astype(jnp.int32)
    lat_idx = jax.random.randint(ks[2], (N_NODES,), 0, IMG, dtype=jnp.int32)
    edge_index = jax.random.randint(ks[3], (2, N_EDGES), 0, N_NODES, dtype=jnp.int32)
    lon_table = jax.random.normal(ks[4], (IMG, GPS_DIM), dtype=jnp.float32)
    lat_table = jax.random.normal(ks[5], (IMG, GPS_DIM), dtype=jnp.float32)
    W = jax.random.normal(ks[6], (FEAT_DIM, N_HEADS * F_OUT), dtype=jnp.float32) * (1.0 / np.sqrt(FEAT_DIM))
    score_src = jax.random.normal(ks[7], (N_HEADS, F_OUT), dtype=jnp.float32) * 0.1
    score_tgt = jax.random.normal(ks[8], (N_HEADS, F_OUT), dtype=jnp.float32) * 0.1
    skip_W = jax.random.normal(ks[9], (FEAT_DIM, N_HEADS * F_OUT), dtype=jnp.float32) * (1.0 / np.sqrt(FEAT_DIM))
    bias = jnp.zeros((N_HEADS * F_OUT,), dtype=jnp.float32)
    return {
        "node_features": node_features,
        "lon_idx": lon_idx,
        "lat_idx": lat_idx,
        "edge_index": edge_index,
        "lon_table": lon_table,
        "lat_table": lat_table,
        "W": W,
        "score_src": score_src,
        "score_tgt": score_tgt,
        "skip_W": skip_W,
        "bias": bias,
    }


def reference(node_features, lon_idx, lat_idx, edge_index, lon_table, lat_table,
              W, score_src, score_tgt, skip_W, bias):
    # GPS coordinate embeddings (embedding_lookup -> gather)
    lon_emb = jnp.take(lon_table, lon_idx, axis=0)   # [N, gps]
    lat_emb = jnp.take(lat_table, lat_idx, axis=0)   # [N, gps]
    in_feature = jnp.concatenate([lon_emb, lat_emb, node_features], axis=1)  # [N, 160]

    # GATLayerImp3-style single layer, concat=True
    proj = (in_feature @ W).reshape(N_NODES, N_HEADS, F_OUT)         # [N, H, F]
    s_src = jnp.sum(proj * score_src[None, :, :], axis=-1)           # [N, H]
    s_tgt = jnp.sum(proj * score_tgt[None, :, :], axis=-1)          # [N, H]

    src = edge_index[0]
    dst = edge_index[1]
    e = jax.nn.leaky_relu(s_src[src] + s_tgt[dst], negative_slope=0.2)  # [E, H]

    # neighborhood-aware softmax over incoming edges of each dst node
    e_max = jax.ops.segment_max(e, dst, num_segments=N_NODES)        # [N, H]
    e_exp = jnp.exp(e - e_max[dst])                                  # [E, H]
    denom = jax.ops.segment_sum(e_exp, dst, num_segments=N_NODES)    # [N, H]
    alpha = e_exp / (denom[dst] + 1e-16)                             # [E, H]

    # weighted aggregation: gather source projections, scatter-add into dst
    msgs = proj[src] * alpha[:, :, None]                             # [E, H, F]
    agg = jax.ops.segment_sum(msgs, dst, num_segments=N_NODES)       # [N, H, F]

    out = agg.reshape(N_NODES, N_HEADS * F_OUT)
    out = out + in_feature @ skip_W      # skip connection (projected)
    out = out + bias
    out = jax.nn.elu(out)
    return out

if __name__ == "__main__":
    import jax
    _d = setup_inputs()
    print(jax.jit(kernel)(*tuple(_d.values())))

</pallas_src>

<mosaic_0001>
#map = affine_map<(d0, d1) -> (0, 0)>
#map1 = affine_map<(d0, d1) -> (0)>
module attributes {stable_mosaic.version = 14 : i64} {
  func.func @_emb_body(%arg0: i32, %arg1: i32, %arg2: memref<1024x16xf32, #tpu.memory_space<hbm>>, %arg3: memref<1024x16xf32, #tpu.memory_space<hbm>>, %arg4: memref<50176xi32, #tpu.memory_space<hbm>>, %arg5: memref<50176xi32, #tpu.memory_space<hbm>>, %arg6: memref<50176x16xf32, #tpu.memory_space<hbm>>, %arg7: memref<50176x16xf32, #tpu.memory_space<hbm>>, %arg8: memref<112xi32, #tpu.memory_space<vmem>>, %arg9: memref<112x16xf32, #tpu.memory_space<vmem>>, %arg10: memref<!tpu.dma_semaphore, #tpu.memory_space<semaphore_mem>>) attributes {dimension_semantics = [#tpu.dimension_semantics<core_parallel>, #tpu.dimension_semantics<subcore_parallel>], iteration_bounds = array<i64: 2, 16>, scalar_prefetch = 0 : i64, scratch_operands = 3 : i64, tpu.core_type = #tpu.core_type<sc_vector_subcore>, window_params = [{transform_indices = #map}, {transform_indices = #map}, {transform_indices = #map1}, {transform_indices = #map1}, {transform_indices = #map}, {transform_indices = #map}]} {
    %mul3A = arith.constant 2 : i32
    %mul3A_0 = arith.muli %arg1, %mul3A : i32
    %add3A = arith.addi %mul3A_0, %arg0 : i32
    %scan3A = arith.constant 0 : i32
    %scan3A_1 = arith.constant 0 : i32
    %scan3A_2 = arith.constant 14 : i32
    %scan3A_3 = arith.addi %scan3A_1, %scan3A_2 : i32
    %scan3A_4 = arith.constant 1 : i32
    %scan3A_5 = scf.for %scan3A_14 = %scan3A_1 to %scan3A_3 step %scan3A_4 iter_args(%scan3A_15 = %scan3A) -> (i32)  : i32 {
      %mul3A_16 = arith.constant 1568 : i32
      %mul3A_17 = arith.muli %add3A, %mul3A_16 : i32
      %mul3A_18 = arith.constant 112 : i32
      %mul3A_19 = arith.muli %scan3A_14, %mul3A_18 : i32
      %add3A_20 = arith.addi %mul3A_17, %mul3A_19 : i32
      "tpu.region"() ({
        %run_scoped3A = tpu.sem_alloc : memref<!tpu.dma_semaphore, #tpu.memory_space<semaphore_mem>>
        %dma_start3A_26 = tpu.memref_slice %arg4[%add3A_20] : memref<50176xi32, #tpu.memory_space<hbm>> -> memref<112xi32, #tpu.memory_space<hbm>>
        %dma_start3A_27 = tpu.memref_slice %arg4[%add3A_20] : memref<50176xi32, #tpu.memory_space<hbm>> -> memref<112xi32, #tpu.memory_space<hbm>>
        tpu.enqueue_dma source(%dma_start3A_27 : memref<112xi32, #tpu.memory_space<hbm>>) target(%arg8 : memref<112xi32, #tpu.memory_space<vmem>>) target_semaphore(%run_scoped3A : memref<!tpu.dma_semaphore, #tpu.memory_space<semaphore_mem>>)
        %dma_wait3A_28 = tpu.memref_slice %arg4[%add3A_20] : memref<50176xi32, #tpu.memory_space<hbm>> -> memref<112xi32, #tpu.memory_space<hbm>>
        %dma_wait3A_29 = tpu.memref_slice %arg4[%add3A_20] : memref<50176xi32, #tpu.memory_space<hbm>> -> memref<112xi32, #tpu.memory_space<hbm>>
        tpu.wait_dma2 semaphore(%run_scoped3A : memref<!tpu.dma_semaphore, #tpu.memory_space<semaphore_mem>>) src(%dma_wait3A_29 : memref<112xi32, #tpu.memory_space<hbm>>) dst(%arg8 : memref<112xi32, #tpu.memory_space<vmem>>)
        tpu.yield
      }) : () -> ()
      %dma_start3A = arith.constant 0 : i32
      %dma_start3A_21 = arith.constant 0 : i32
      %dma_start3A_22 = tpu.memref_slice %arg2[%dma_start3A, %dma_start3A_21] : memref<1024x16xf32, #tpu.memory_space<hbm>> -> memref<1024x16xf32, #tpu.memory_space<hbm>>
      tpu.enqueue_indirect_dma source(%dma_start3A_22 : memref<1024x16xf32, #tpu.memory_space<hbm>>) target(%arg9 : memref<112x16xf32, #tpu.memory_space<vmem>>) offsets(%arg8 : memref<112xi32, #tpu.memory_space<vmem>>) semaphore(%arg10 : memref<!tpu.dma_semaphore, #tpu.memory_space<semaphore_mem>>)
      %dma_wait3A = arith.constant 0 : i32
      %dma_wait3A_23 = arith.constant 0 : i32
      %dma_wait3A_24 = tpu.memref_slice %arg2[%dma_wait3A, %dma_wait3A_23] : memref<1024x16xf32, #tpu.memory_space<hbm>> -> memref<1024x16xf32, #tpu.memory_space<hbm>>
      tpu.wait_indirect_dma semaphore(%arg10 : memref<!tpu.dma_semaphore, #tpu.memory_space<semaphore_mem>>) src(%dma_wait3A_24 : memref<1024x16xf32, #tpu.memory_space<hbm>>) dst(%arg9 : memref<112x16xf32, #tpu.memory_space<vmem>>)
      "tpu.region"() ({
        %run_scoped3A = tpu.sem_alloc : memref<!tpu.dma_semaphore, #tpu.memory_space<semaphore_mem>>
        %dma_start3A_26 = arith.constant 0 : i32
        %dma_start3A_27 = tpu.memref_slice %arg6[%add3A_20, %dma_start3A_26] : memref<50176x16xf32, #tpu.memory_space<hbm>> -> memref<112x16xf32, #tpu.memory_space<hbm>>
        %dma_start3A_28 = arith.constant 0 : i32
        %dma_start3A_29 = tpu.memref_slice %arg6[%add3A_20, %dma_start3A_28] : memref<50176x16xf32, #tpu.memory_space<hbm>> -> memref<112x16xf32, #tpu.memory_space<hbm>>
        tpu.enqueue_dma source(%arg9 : memref<112x16xf32, #tpu.memory_space<vmem>>) target(%dma_start3A_29 : memref<112x16xf32, #tpu.memory_space<hbm>>) target_semaphore(%run_scoped3A : memref<!tpu.dma_semaphore, #tpu.memory_space<semaphore_mem>>)
        %dma_wait3A_30 = arith.constant 0 : i32
        %dma_wait3A_31 = tpu.memref_slice %arg6[%add3A_20, %dma_wait3A_30] : memref<50176x16xf32, #tpu.memory_space<hbm>> -> memref<112x16xf32, #tpu.memory_space<hbm>>
        %dma_wait3A_32 = arith.constant 0 : i32
        %dma_wait3A_33 = tpu.memref_slice %arg6[%add3A_20, %dma_wait3A_32] : memref<50176x16xf32, #tpu.memory_space<hbm>> -> memref<112x16xf32, #tpu.memory_space<hbm>>
        tpu.wait_dma2 semaphore(%run_scoped3A : memref<!tpu.dma_semaphore, #tpu.memory_space<semaphore_mem>>) src(%arg9 : memref<112x16xf32, #tpu.memory_space<vmem>>) dst(%dma_wait3A_33 : memref<112x16xf32, #tpu.memory_space<hbm>>)
        tpu.yield
      }) : () -> ()
      %scan3A_25 = arith.constant 0 : i32
      scf.yield %scan3A_25 : i32
    }
    %scan3A_6 = arith.constant 14 : i32
    %scan3A_7 = arith.constant 0 : i32
    %scan3A_8 = arith.constant 0 : i32
    %scan3A_9 = arith.constant 14 : i32
    %scan3A_10 = arith.addi %scan3A_8, %scan3A_9 : i32
    %scan3A_11 = arith.constant 1 : i32
    %scan3A_12 = scf.for %scan3A_14 = %scan3A_8 to %scan3A_10 step %scan3A_11 iter_args(%scan3A_15 = %scan3A_7) -> (i32)  : i32 {
      %mul3A_16 = arith.constant 1568 : i32
      %mul3A_17 = arith.muli %add3A, %mul3A_16 : i32
      %mul3A_18 = arith.constant 112 : i32
      %mul3A_19 = arith.muli %scan3A_14, %mul3A_18 : i32
      %add3A_20 = arith.addi %mul3A_17, %mul3A_19 : i32
      "tpu.region"() ({
        %run_scoped3A = tpu.sem_alloc : memref<!tpu.dma_semaphore, #tpu.memory_space<semaphore_mem>>
        %dma_start3A_26 = tpu.memref_slice %arg5[%add3A_20] : memref<50176xi32, #tpu.memory_space<hbm>> -> memref<112xi32, #tpu.memory_space<hbm>>
        %dma_start3A_27 = tpu.memref_slice %arg5[%add3A_20] : memref<50176xi32, #tpu.memory_space<hbm>> -> memref<112xi32, #tpu.memory_space<hbm>>
        tpu.enqueue_dma source(%dma_start3A_27 : memref<112xi32, #tpu.memory_space<hbm>>) target(%arg8 : memref<112xi32, #tpu.memory_space<vmem>>) target_semaphore(%run_scoped3A : memref<!tpu.dma_semaphore, #tpu.memory_space<semaphore_mem>>)
        %dma_wait3A_28 = tpu.memref_slice %arg5[%add3A_20] : memref<50176xi32, #tpu.memory_space<hbm>> -> memref<112xi32, #tpu.memory_space<hbm>>
        %dma_wait3A_29 = tpu.memref_slice %arg5[%add3A_20] : memref<50176xi32, #tpu.memory_space<hbm>> -> memref<112xi32, #tpu.memory_space<hbm>>
        tpu.wait_dma2 semaphore(%run_scoped3A : memref<!tpu.dma_semaphore, #tpu.memory_space<semaphore_mem>>) src(%dma_wait3A_29 : memref<112xi32, #tpu.memory_space<hbm>>) dst(%arg8 : memref<112xi32, #tpu.memory_space<vmem>>)
        tpu.yield
      }) : () -> ()
      %dma_start3A = arith.constant 0 : i32
      %dma_start3A_21 = arith.constant 0 : i32
      %dma_start3A_22 = tpu.memref_slice %arg3[%dma_start3A, %dma_start3A_21] : memref<1024x16xf32, #tpu.memory_space<hbm>> -> memref<1024x16xf32, #tpu.memory_space<hbm>>
      tpu.enqueue_indirect_dma source(%dma_start3A_22 : memref<1024x16xf32, #tpu.memory_space<hbm>>) target(%arg9 : memref<112x16xf32, #tpu.memory_space<vmem>>) offsets(%arg8 : memref<112xi32, #tpu.memory_space<vmem>>) semaphore(%arg10 : memref<!tpu.dma_semaphore, #tpu.memory_space<semaphore_mem>>)
      %dma_wait3A = arith.constant 0 : i32
      %dma_wait3A_23 = arith.constant 0 : i32
      %dma_wait3A_24 = tpu.memref_slice %arg3[%dma_wait3A, %dma_wait3A_23] : memref<1024x16xf32, #tpu.memory_space<hbm>> -> memref<1024x16xf32, #tpu.memory_space<hbm>>
      tpu.wait_indirect_dma semaphore(%arg10 : memref<!tpu.dma_semaphore, #tpu.memory_space<semaphore_mem>>) src(%dma_wait3A_24 : memref<1024x16xf32, #tpu.memory_space<hbm>>) dst(%arg9 : memref<112x16xf32, #tpu.memory_space<vmem>>)
      "tpu.region"() ({
        %run_scoped3A = tpu.sem_alloc : memref<!tpu.dma_semaphore, #tpu.memory_space<semaphore_mem>>
        %dma_start3A_26 = arith.constant 0 : i32
        %dma_start3A_27 = tpu.memref_slice %arg7[%add3A_20, %dma_start3A_26] : memref<50176x16xf32, #tpu.memory_space<hbm>> -> memref<112x16xf32, #tpu.memory_space<hbm>>
        %dma_start3A_28 = arith.constant 0 : i32
        %dma_start3A_29 = tpu.memref_slice %arg7[%add3A_20, %dma_start3A_28] : memref<50176x16xf32, #tpu.memory_space<hbm>> -> memref<112x16xf32, #tpu.memory_space<hbm>>
        tpu.enqueue_dma source(%arg9 : memref<112x16xf32, #tpu.memory_space<vmem>>) target(%dma_start3A_29 : memref<112x16xf32, #tpu.memory_space<hbm>>) target_semaphore(%run_scoped3A : memref<!tpu.dma_semaphore, #tpu.memory_space<semaphore_mem>>)
        %dma_wait3A_30 = arith.constant 0 : i32
        %dma_wait3A_31 = tpu.memref_slice %arg7[%add3A_20, %dma_wait3A_30] : memref<50176x16xf32, #tpu.memory_space<hbm>> -> memref<112x16xf32, #tpu.memory_space<hbm>>
        %dma_wait3A_32 = arith.constant 0 : i32
        %dma_wait3A_33 = tpu.memref_slice %arg7[%add3A_20, %dma_wait3A_32] : memref<50176x16xf32, #tpu.memory_space<hbm>> -> memref<112x16xf32, #tpu.memory_space<hbm>>
        tpu.wait_dma2 semaphore(%run_scoped3A : memref<!tpu.dma_semaphore, #tpu.memory_space<semaphore_mem>>) src(%arg9 : memref<112x16xf32, #tpu.memory_space<vmem>>) dst(%dma_wait3A_33 : memref<112x16xf32, #tpu.memory_space<hbm>>)
        tpu.yield
      }) : () -> ()
      %scan3A_25 = arith.constant 0 : i32
      scf.yield %scan3A_25 : i32
    }
    %scan3A_13 = arith.constant 14 : i32
    return
  }
}

#map = affine_map<(d0, d1) -> (0)>
#map1 = affine_map<(d0, d1) -> (0, 0)>
module attributes {stable_mosaic.version = 14 : i64} {
  func.func @_edge_body(%arg0: i32, %arg1: i32, %arg2: memref<819200xi32, #tpu.memory_space<hbm>>, %arg3: memref<819200xi32, #tpu.memory_space<hbm>>, %arg4: memref<200704x20xf32, #tpu.memory_space<hbm>>, %arg5: memref<200704x17xf32, #tpu.memory_space<hbm>>, %arg6: memref<128xi32, #tpu.memory_space<vmem>>, %arg7: memref<128xi32, #tpu.memory_space<vmem>>, %arg8: memref<128xi32, #tpu.memory_space<vmem>>, %arg9: memref<128xi32, #tpu.memory_space<vmem>>, %arg10: memref<128x20xf32, #tpu.memory_space<vmem>>, %arg11: memref<128x20xf32, #tpu.memory_space<vmem>>, %arg12: memref<128x17xf32, #tpu.memory_space<vmem>>, %arg13: memref<196x17xf32, #tpu.memory_space<vmem>>, %arg14: memref<196x17xf32, #tpu.memory_space<vmem>>, %arg15: memref<50176x17xf32, #tpu.memory_space<vmem_shared>>, %arg16: memref<!tpu.dma_semaphore, #tpu.memory_space<semaphore_mem>>, %arg17: memref<!tpu.dma_semaphore, #tpu.memory_space<semaphore_mem>>) attributes {dimension_semantics = [#tpu.dimension_semantics<core_parallel>, #tpu.dimension_semantics<subcore_parallel>], iteration_bounds = array<i64: 2, 16>, scalar_prefetch = 0 : i64, scratch_operands = 12 : i64, tpu.core_type = #tpu.core_type<sc_vector_subcore>, window_params = [{transform_indices = #map}, {transform_indices = #map}, {transform_indices = #map1}, {transform_indices = #map1}]} {
    %mul3A = arith.constant 3136 : i32
    %mul3A_0 = arith.muli %arg1, %mul3A : i32
    %iota3A = tpu.iota {dimensions = array<i32: 0>} : vector<16xi32>
    %broadcast_in_dim3A = arith.constant 0.000000e+00 : f32
    %broadcast_in_dim3A_1 = vector.broadcast %broadcast_in_dim3A : f32 to vector<16xf32>
    %scan3A = arith.constant 0 : i32
    %scan3A_2 = arith.constant 0 : i32
    %scan3A_3 = arith.constant 196 : i32
    %scan3A_4 = arith.addi %scan3A_2, %scan3A_3 : i32
    %scan3A_5 = arith.constant 1 : i32
    %scan3A_6 = scf.for %scan3A_66 = %scan3A_2 to %scan3A_4 step %scan3A_5 iter_args(%scan3A_67 = %scan3A) -> (i32)  : i32 {
      %swap3A = arith.index_cast %scan3A_66 : i32 to index
      %swap3A_68 = arith.constant 0 : index
      %swap3A_69 = tpu.vector_load %arg13[%swap3A, %swap3A_68] {strides = array<i32>} : memref<196x17xf32, #tpu.memory_space<vmem>>, vector<16xf32>,
      tpu.vector_store %arg13[%swap3A, %swap3A_68], %broadcast_in_dim3A_1 {strides = array<i32>} : memref<196x17xf32, #tpu.memory_space<vmem>>, vector<16xf32>,
      %swap3A_70 = arith.index_cast %scan3A_66 : i32 to index
      %swap3A_71 = arith.constant 1 : index
      %swap3A_72 = tpu.vector_load %arg13[%swap3A_70, %swap3A_71] {strides = array<i32>} : memref<196x17xf32, #tpu.memory_space<vmem>>, vector<16xf32>,
      tpu.vector_store %arg13[%swap3A_70, %swap3A_71], %broadcast_in_dim3A_1 {strides = array<i32>} : memref<196x17xf32, #tpu.memory_space<vmem>>, vector<16xf32>,
      %scan3A_73 = arith.constant 0 : i32
      scf.yield %scan3A_73 : i32
    }
    %scan3A_7 = arith.constant 196 : i32
    %mul3A_8 = arith.constant 2 : i32
    %mul3A_9 = arith.muli %mul3A_8, %arg0 : i32
    %add3A = arith.constant 0 : i32
    %add3A_10 = arith.addi %mul3A_9, %add3A : i32
    %mul3A_11 = arith.constant 50176 : i32
    %mul3A_12 = arith.muli %add3A_10, %mul3A_11 : i32
    %scan3A_13 = arith.constant 0 : i32
    %scan3A_14 = arith.constant 0 : i32
    %scan3A_15 = arith.constant 16 : i32
    %scan3A_16 = arith.addi %scan3A_14, %scan3A_15 : i32
    %scan3A_17 = arith.constant 1 : i32
    %scan3A_18 = scf.for %scan3A_66 = %scan3A_14 to %scan3A_16 step %scan3A_17 iter_args(%scan3A_67 = %scan3A_13) -> (i32)  : i32 {
      %mul3A_68 = arith.constant 196 : i32
      %mul3A_69 = arith.muli %scan3A_66, %mul3A_68 : i32
      %add3A_70 = arith.addi %mul3A_0, %mul3A_69 : i32
      "tpu.region"() ({
        %run_scoped3A = tpu.sem_alloc : memref<!tpu.dma_semaphore, #tpu.memory_space<semaphore_mem>>
        %dma_start3A = arith.constant 0 : i32
        %dma_start3A_72 = tpu.memref_slice %arg15[%add3A_70, %dma_start3A] : memref<50176x17xf32, #tpu.memory_space<vmem_shared>> -> memref<196x17xf32, #tpu.memory_space<vmem_shared>>
        %dma_start3A_73 = arith.constant 0 : i32
        %dma_start3A_74 = tpu.memref_slice %arg15[%add3A_70, %dma_start3A_73] : memref<50176x17xf32, #tpu.memory_space<vmem_shared>> -> memref<196x17xf32, #tpu.memory_space<vmem_shared>>
        tpu.enqueue_dma source(%arg13 : memref<196x17xf32, #tpu.memory_space<vmem>>) target(%dma_start3A_74 : memref<196x17xf32, #tpu.memory_space<vmem_shared>>) target_semaphore(%run_scoped3A : memref<!tpu.dma_semaphore, #tpu.memory_space<semaphore_mem>>)
        %dma_wait3A = arith.constant 0 : i32
        %dma_wait3A_75 = tpu.memref_slice %arg15[%add3A_70, %dma_wait3A] : memref<50176x17xf32, #tpu.memory_space<vmem_shared>> -> memref<196x17xf32, #tpu.memory_space<vmem_shared>>
        %dma_wait3A_76 = arith.constant 0 : i32
        %dma_wait3A_77 = tpu.memref_slice %arg15[%add3A_70, %dma_wait3A_76] : memref<50176x17xf32, #tpu.memory_space<vmem_shared>> -> memref<196x17xf32, #tpu.memory_space<vmem_shared>>
        tpu.wait_dma2 semaphore(%run_scoped3A : memref<!tpu.dma_semaphore, #tpu.memory_space<semaphore_mem>>) src(%arg13 : memref<196x17xf32, #tpu.memory_space<vmem>>) dst(%dma_wait3A_77 : memref<196x17xf32, #tpu.memory_space<vmem_shared>>)
        tpu.yield
      }) : () -> ()
      %scan3A_71 = arith.constant 0 : i32
      scf.yield %scan3A_71 : i32
    }
    %scan3A_19 = arith.constant 16 : i32
    %barrier3A = arith.constant 0 : index
    tpu.barrier barrier_id(%barrier3A)
    %scan3A_20 = arith.constant 0 : i32
    %scan3A_21 = arith.constant 0 : i32
    %scan3A_22 = arith.constant 400 : i32
    %scan3A_23 = arith.addi %scan3A_21, %scan3A_22 : i32
    %scan3A_24 = arith.constant 1 : i32
    %scan3A_25 = scf.for %scan3A_66 = %scan3A_21 to %scan3A_23 step %scan3A_24 iter_args(%scan3A_67 = %scan3A_20) -> (i32)  : i32 {
      %mul3A_68 = arith.constant 400 : i32
      %mul3A_69 = arith.muli %arg1, %mul3A_68 : i32
      %add3A_70 = arith.addi %mul3A_69, %scan3A_66 : i32
      %mul3A_71 = arith.constant 128 : i32
      %mul3A_72 = arith.muli %add3A_70, %mul3A_71 : i32
      %dma_start3A = tpu.memref_slice %arg2[%mul3A_72] : memref<819200xi32, #tpu.memory_space<hbm>> -> memref<128xi32, #tpu.memory_space<hbm>>
      %dma_start3A_73 = tpu.memref_slice %arg2[%mul3A_72] : memref<819200xi32, #tpu.memory_space<hbm>> -> memref<128xi32, #tpu.memory_space<hbm>>
      tpu.enqueue_dma source(%dma_start3A_73 : memref<128xi32, #tpu.memory_space<hbm>>) target(%arg6 : memref<128xi32, #tpu.memory_space<vmem>>) target_semaphore(%arg16 : memref<!tpu.dma_semaphore, #tpu.memory_space<semaphore_mem>>)
      %dma_start3A_74 = tpu.memref_slice %arg3[%mul3A_72] : memref<819200xi32, #tpu.memory_space<hbm>> -> memref<128xi32, #tpu.memory_space<hbm>>
      %dma_start3A_75 = tpu.memref_slice %arg3[%mul3A_72] : memref<819200xi32, #tpu.memory_space<hbm>> -> memref<128xi32, #tpu.memory_space<hbm>>
      tpu.enqueue_dma source(%dma_start3A_75 : memref<128xi32, #tpu.memory_space<hbm>>) target(%arg7 : memref<128xi32, #tpu.memory_space<vmem>>) target_semaphore(%arg17 : memref<!tpu.dma_semaphore, #tpu.memory_space<semaphore_mem>>)
      %dma_wait3A = tpu.memref_slice %arg2[%mul3A_72] : memref<819200xi32, #tpu.memory_space<hbm>> -> memref<128xi32, #tpu.memory_space<hbm>>
      %dma_wait3A_76 = tpu.memref_slice %arg2[%mul3A_72] : memref<819200xi32, #tpu.memory_space<hbm>> -> memref<128xi32, #tpu.memory_space<hbm>>
      tpu.wait_dma2 semaphore(%arg16 : memref<!tpu.dma_semaphore, #tpu.memory_space<semaphore_mem>>) src(%dma_wait3A_76 : memref<128xi32, #tpu.memory_space<hbm>>) dst(%arg6 : memref<128xi32, #tpu.memory_space<vmem>>)
      %dma_wait3A_77 = tpu.memref_slice %arg3[%mul3A_72] : memref<819200xi32, #tpu.memory_space<hbm>> -> memref<128xi32, #tpu.memory_space<hbm>>
      %dma_wait3A_78 = tpu.memref_slice %arg3[%mul3A_72] : memref<819200xi32, #tpu.memory_space<hbm>> -> memref<128xi32, #tpu.memory_space<hbm>>
      tpu.wait_dma2 semaphore(%arg17 : memref<!tpu.dma_semaphore, #tpu.memory_space<semaphore_mem>>) src(%dma_wait3A_78 : memref<128xi32, #tpu.memory_space<hbm>>) dst(%arg7 : memref<128xi32, #tpu.memory_space<vmem>>)
      %get3A = arith.constant 0 : index
      %get3A_79 = tpu.vector_load %arg6[%get3A] {strides = array<i32>} : memref<128xi32, #tpu.memory_space<vmem>>, vector<16xi32>,
      %add3A_80 = vector.broadcast %mul3A_12 : i32 to vector<16xi32>
      %add3A_81 = arith.addi %get3A_79, %add3A_80 : vector<16xi32>
      %swap3A = arith.constant 0 : index
      %swap3A_82 = tpu.vector_load %arg8[%swap3A] {strides = array<i32>} : memref<128xi32, #tpu.memory_space<vmem>>, vector<16xi32>,
      tpu.vector_store %arg8[%swap3A], %add3A_81 {strides = array<i32>} : memref<128xi32, #tpu.memory_space<vmem>>, vector<16xi32>,
      %get3A_83 = arith.constant 0 : index
      %get3A_84 = tpu.vector_load %arg7[%get3A_83] {strides = array<i32>} : memref<128xi32, #tpu.memory_space<vmem>>, vector<16xi32>,
      %add3A_85 = vector.broadcast %mul3A_12 : i32 to vector<16xi32>
      %add3A_86 = arith.addi %get3A_84, %add3A_85 : vector<16xi32>
      %swap3A_87 = arith.constant 0 : index
      %swap3A_88 = tpu.vector_load %arg9[%swap3A_87] {strides = array<i32>} : memref<128xi32, #tpu.memory_space<vmem>>, vector<16xi32>,
      tpu.vector_store %arg9[%swap3A_87], %add3A_86 {strides = array<i32>} : memref<128xi32, #tpu.memory_space<vmem>>, vector<16xi32>,
      %get3A_89 = arith.constant 16 : index
      %get3A_90 = tpu.vector_load %arg6[%get3A_89] {strides = array<i32>} : memref<128xi32, #tpu.memory_space<vmem>>, vector<16xi32>,
      %add3A_91 = vector.broadcast %mul3A_12 : i32 to vector<16xi32>
      %add3A_92 = arith.addi %get3A_90, %add3A_91 : vector<16xi32>
      %swap3A_93 = arith.constant 16 : index
      %swap3A_94 = tpu.vector_load %arg8[%swap3A_93] {strides = array<i32>} : memref<128xi32, #tpu.memory_space<vmem>>, vector<16xi32>,
      tpu.vector_store %arg8[%swap3A_93], %add3A_92 {strides = array<i32>} : memref<128xi32, #tpu.memory_space<vmem>>, vector<16xi32>,
      %get3A_95 = arith.constant 16 : index
      %get3A_96 = tpu.vector_load %arg7[%get3A_95] {strides = array<i32>} : memref<128xi32, #tpu.memory_space<vmem>>, vector<16xi32>,
      %add3A_97 = vector.broadcast %mul3A_12 : i32 to vector<16xi32>
      %add3A_98 = arith.addi %get3A_96, %add3A_97 : vector<16xi32>
      %swap3A_99 = arith.constant 16 : index
      %swap3A_100 = tpu.vector_load %arg9[%swap3A_99] {strides = array<i32>} : memref<128xi32, #tpu.memory_space<vmem>>, vector<16xi32>,
      tpu.vector_store %arg9[%swap3A_99], %add3A_98 {strides = array<i32>} : memref<128xi32, #tpu.memory_space<vmem>>, vector<16xi32>,
      %get3A_101 = arith.constant 32 : index
      %get3A_102 = tpu.vector_load %arg6[%get3A_101] {strides = array<i32>} : memref<128xi32, #tpu.memory_space<vmem>>, vector<16xi32>,
      %add3A_103 = vector.broadcast %mul3A_12 : i32 to vector<16xi32>
      %add3A_104 = arith.addi %get3A_102, %add3A_103 : vector<16xi32>
      %swap3A_105 = arith.constant 32 : index
      %swap3A_106 = tpu.vector_load %arg8[%swap3A_105] {strides = array<i32>} : memref<128xi32, #tpu.memory_space<vmem>>, vector<16xi32>,
      tpu.vector_store %arg8[%swap3A_105], %add3A_104 {strides = array<i32>} : memref<128xi32, #tpu.memory_space<vmem>>, vector<16xi32>,
      %get3A_107 = arith.constant 32 : index
      %get3A_108 = tpu.vector_load %arg7[%get3A_107] {strides = array<i32>} : memref<128xi32, #tpu.memory_space<vmem>>, vector<16xi32>,
      %add3A_109 = vector.broadcast %mul3A_12 : i32 to vector<16xi32>
      %add3A_110 = arith.addi %get3A_108, %add3A_109 : vector<16xi32>
      %swap3A_111 = arith.constant 32 : index
      %swap3A_112 = tpu.vector_load %arg9[%swap3A_111] {strides = array<i32>} : memref<128xi32, #tpu.memory_space<vmem>>, vector<16xi32>,
      tpu.vector_store %arg9[%swap3A_111], %add3A_110 {strides = array<i32>} : memref<128xi32, #tpu.memory_space<vmem>>, vector<16xi32>,
      %get3A_113 = arith.constant 48 : index
      %get3A_114 = tpu.vector_load %arg6[%get3A_113] {strides = array<i32>} : memref<128xi32, #tpu.memory_space<vmem>>, vector<16xi32>,
      %add3A_115 = vector.broadcast %mul3A_12 : i32 to vector<16xi32>
      %add3A_116 = arith.addi %get3A_114, %add3A_115 : vector<16xi32>
      %swap3A_117 = arith.constant 48 : index
      %swap3A_118 = tpu.vector_load %arg8[%swap3A_117] {strides = array<i32>} : memref<128xi32, #tpu.memory_space<vmem>>, vector<16xi32>,
      tpu.vector_store %arg8[%swap3A_117], %add3A_116 {strides = array<i32>} : memref<128xi32, #tpu.memory_space<vmem>>, vector<16xi32>,
      %get3A_119 = arith.constant 48 : index
      %get3A_120 = tpu.vector_load %arg7[%get3A_119] {strides = array<i32>} : memref<128xi32, #tpu.memory_space<vmem>>, vector<16xi32>,
      %add3A_121 = vector.broadcast %mul3A_12 : i32 to vector<16xi32>
      %add3A_122 = arith.addi %get3A_120, %add3A_121 : vector<16xi32>
      %swap3A_123 = arith.constant 48 : index
      %swap3A_124 = tpu.vector_load %arg9[%swap3A_123] {strides = array<i32>} : memref<128xi32, #tpu.memory_space<vmem>>, vector<16xi32>,
      tpu.vector_store %arg9[%swap3A_123], %add3A_122 {strides = array<i32>} : memref<128xi32, #tpu.memory_space<vmem>>, vector<16xi32>,
      %get3A_125 = arith.constant 64 : index
      %get3A_126 = tpu.vector_load %arg6[%get3A_125] {strides = array<i32>} : memref<128xi32, #tpu.memory_space<vmem>>, vector<16xi32>,
      %add3A_127 = vector.broadcast %mul3A_12 : i32 to vector<16xi32>
      %add3A_128 = arith.addi %get3A_126, %add3A_127 : vector<16xi32>
      %swap3A_129 = arith.constant 64 : index
      %swap3A_130 = tpu.vector_load %arg8[%swap3A_129] {strides = array<i32>} : memref<128xi32, #tpu.memory_space<vmem>>, vector<16xi32>,
      tpu.vector_store %arg8[%swap3A_129], %add3A_128 {strides = array<i32>} : memref<128xi32, #tpu.memory_space<vmem>>, vector<16xi32>,
      %get3A_131 = arith.constant 64 : index
      %get3A_132 = tpu.vector_load %arg7[%get3A_131] {strides = array<i32>} : memref<128xi32, #tpu.memory_space<vmem>>, vector<16xi32>,
      %add3A_133 = vector.broadcast %mul3A_12 : i32 to vector<16xi32>
      %add3A_134 = arith.addi %get3A_132, %add3A_133 : vector<16xi32>
      %swap3A_135 = arith.constant 64 : index
      %swap3A_136 = tpu.vector_load %arg9[%swap3A_135] {strides = array<i32>} : memref<128xi32, #tpu.memory_space<vmem>>, vector<16xi32>,
      tpu.vector_store %arg9[%swap3A_135], %add3A_134 {strides = array<i32>} : memref<128xi32, #tpu.memory_space<vmem>>, vector<16xi32>,
      %get3A_137 = arith.constant 80 : index
      %get3A_138 = tpu.vector_load %arg6[%get3A_137] {strides = array<i32>} : memref<128xi32, #tpu.memory_space<vmem>>, vector<16xi32>,
      %add3A_139 = vector.broadcast %mul3A_12 : i32 to vector<16xi32>
      %add3A_140 = arith.addi %get3A_138, %add3A_139 : vector<16xi32>
      %swap3A_141 = arith.constant 80 : index
      %swap3A_142 = tpu.vector_load %arg8[%swap3A_141] {strides = array<i32>} : memref<128xi32, #tpu.memory_space<vmem>>, vector<16xi32>,
      tpu.vector_store %arg8[%swap3A_141], %add3A_140 {strides = array<i32>} : memref<128xi32, #tpu.memory_space<vmem>>, vector<16xi32>,
      %get3A_143 = arith.constant 80 : index
      %get3A_144 = tpu.vector_load %arg7[%get3A_143] {strides = array<i32>} : memref<128xi32, #tpu.memory_space<vmem>>, vector<16xi32>,
      %add3A_145 = vector.broadcast %mul3A_12 : i32 to vector<16xi32>
      %add3A_146 = arith.addi %get3A_144, %add3A_145 : vector<16xi32>
      %swap3A_147 = arith.constant 80 : index
      %swap3A_148 = tpu.vector_load %arg9[%swap3A_147] {strides = array<i32>} : memref<128xi32, #tpu.memory_space<vmem>>, vector<16xi32>,
      tpu.vector_store %arg9[%swap3A_147], %add3A_146 {strides = array<i32>} : memref<128xi32, #tpu.memory_space<vmem>>, vector<16xi32>,
      %get3A_149 = arith.constant 96 : index
      %get3A_150 = tpu.vector_load %arg6[%get3A_149] {strides = array<i32>} : memref<128xi32, #tpu.memory_space<vmem>>, vector<16xi32>,
      %add3A_151 = vector.broadcast %mul3A_12 : i32 to vector<16xi32>
      %add3A_152 = arith.addi %get3A_150, %add3A_151 : vector<16xi32>
      %swap3A_153 = arith.constant 96 : index
      %swap3A_154 = tpu.vector_load %arg8[%swap3A_153] {strides = array<i32>} : memref<128xi32, #tpu.memory_space<vmem>>, vector<16xi32>,
      tpu.vector_store %arg8[%swap3A_153], %add3A_152 {strides = array<i32>} : memref<128xi32, #tpu.memory_space<vmem>>, vector<16xi32>,
      %get3A_155 = arith.constant 96 : index
      %get3A_156 = tpu.vector_load %arg7[%get3A_155] {strides = array<i32>} : memref<128xi32, #tpu.memory_space<vmem>>, vector<16xi32>,
      %add3A_157 = vector.broadcast %mul3A_12 : i32 to vector<16xi32>
      %add3A_158 = arith.addi %get3A_156, %add3A_157 : vector<16xi32>
      %swap3A_159 = arith.constant 96 : index
      %swap3A_160 = tpu.vector_load %arg9[%swap3A_159] {strides = array<i32>} : memref<128xi32, #tpu.memory_space<vmem>>, vector<16xi32>,
      tpu.vector_store %arg9[%swap3A_159], %add3A_158 {strides = array<i32>} : memref<128xi32, #tpu.memory_space<vmem>>, vector<16xi32>,
      %get3A_161 = arith.constant 112 : index
      %get3A_162 = tpu.vector_load %arg6[%get3A_161] {strides = array<i32>} : memref<128xi32, #tpu.memory_space<vmem>>, vector<16xi32>,
      %add3A_163 = vector.broadcast %mul3A_12 : i32 to vector<16xi32>
      %add3A_164 = arith.addi %get3A_162, %add3A_163 : vector<16xi32>
      %swap3A_165 = arith.constant 112 : index
      %swap3A_166 = tpu.vector_load %arg8[%swap3A_165] {strides = array<i32>} : memref<128xi32, #tpu.memory_space<vmem>>, vector<16xi32>,
      tpu.vector_store %arg8[%swap3A_165], %add3A_164 {strides = array<i32>} : memref<128xi32, #tpu.memory_space<vmem>>, vector<16xi32>,
      %get3A_167 = arith.constant 112 : index
      %get3A_168 = tpu.vector_load %arg7[%get3A_167] {strides = array<i32>} : memref<128xi32, #tpu.memory_space<vmem>>, vector<16xi32>,
      %add3A_169 = vector.broadcast %mul3A_12 : i32 to vector<16xi32>
      %add3A_170 = arith.addi %get3A_168, %add3A_169 : vector<16xi32>
      %swap3A_171 = arith.constant 112 : index
      %swap3A_172 = tpu.vector_load %arg9[%swap3A_171] {strides = array<i32>} : memref<128xi32, #tpu.memory_space<vmem>>, vector<16xi32>,
      tpu.vector_store %arg9[%swap3A_171], %add3A_170 {strides = array<i32>} : memref<128xi32, #tpu.memory_space<vmem>>, vector<16xi32>,
      %dma_start3A_173 = arith.constant 0 : i32
      %dma_start3A_174 = arith.constant 0 : i32
      %dma_start3A_175 = tpu.memref_slice %arg4[%dma_start3A_173, %dma_start3A_174] : memref<200704x20xf32, #tpu.memory_space<hbm>> -> memref<200704x20xf32, #tpu.memory_space<hbm>>
      tpu.enqueue_indirect_dma source(%dma_start3A_175 : memref<200704x20xf32, #tpu.memory_space<hbm>>) target(%arg10 : memref<128x20xf32, #tpu.memory_space<vmem>>) offsets(%arg8 : memref<128xi32, #tpu.memory_space<vmem>>) semaphore(%arg16 : memref<!tpu.dma_semaphore, #tpu.memory_space<semaphore_mem>>)
      %dma_start3A_176 = arith.constant 0 : i32
      %dma_start3A_177 = arith.constant 0 : i32
      %dma_start3A_178 = tpu.memref_slice %arg4[%dma_start3A_176, %dma_start3A_177] : memref<200704x20xf32, #tpu.memory_space<hbm>> -> memref<200704x20xf32, #tpu.memory_space<hbm>>
      tpu.enqueue_indirect_dma source(%dma_start3A_178 : memref<200704x20xf32, #tpu.memory_space<hbm>>) target(%arg11 : memref<128x20xf32, #tpu.memory_space<vmem>>) offsets(%arg9 : memref<128xi32, #tpu.memory_space<vmem>>) semaphore(%arg17 : memref<!tpu.dma_semaphore, #tpu.memory_space<semaphore_mem>>)
      %dma_wait3A_179 = arith.constant 0 : i32
      %dma_wait3A_180 = arith.constant 0 : i32
      %dma_wait3A_181 = tpu.memref_slice %arg4[%dma_wait3A_179, %dma_wait3A_180] : memref<200704x20xf32, #tpu.memory_space<hbm>> -> memref<200704x20xf32, #tpu.memory_space<hbm>>
      tpu.wait_indirect_dma semaphore(%arg16 : memref<!tpu.dma_semaphore, #tpu.memory_space<semaphore_mem>>) src(%dma_wait3A_181 : memref<200704x20xf32, #tpu.memory_space<hbm>>) dst(%arg10 : memref<128x20xf32, #tpu.memory_space<vmem>>)
      %dma_wait3A_182 = arith.constant 0 : i32
      %dma_wait3A_183 = arith.constant 0 : i32
      %dma_wait3A_184 = tpu.memref_slice %arg4[%dma_wait3A_182, %dma_wait3A_183] : memref<200704x20xf32, #tpu.memory_space<hbm>> -> memref<200704x20xf32, #tpu.memory_space<hbm>>
      tpu.wait_indirect_dma semaphore(%arg17 : memref<!tpu.dma_semaphore, #tpu.memory_space<semaphore_mem>>) src(%dma_wait3A_184 : memref<200704x20xf32, #tpu.memory_space<hbm>>) dst(%arg11 : memref<128x20xf32, #tpu.memory_space<vmem>>)
      %broadcast_in_dim3A_185 = arith.constant 16 : i32
      %broadcast_in_dim3A_186 = vector.broadcast %broadcast_in_dim3A_185 : i32 to vector<16xi32>
      %broadcast_in_dim3A_187 = arith.constant 17 : i32
      %broadcast_in_dim3A_188 = vector.broadcast %broadcast_in_dim3A_187 : i32 to vector<16xi32>
      %add3A_189 = arith.constant 0 : i32
      %add3A_190 = vector.broadcast %add3A_189 : i32 to vector<16xi32>
      %add3A_191 = arith.addi %iota3A, %add3A_190 : vector<16xi32>
      %gather3A = tpu.vector_load_idx %arg10[%add3A_191, %broadcast_in_dim3A_186] : memref<128x20xf32, #tpu.memory_space<vmem>>[vector<16xi32>, vector<16xi32>], vector<16xf32>,
      %gather3A_192 = tpu.vector_load_idx %arg11[%add3A_191, %broadcast_in_dim3A_188] : memref<128x20xf32, #tpu.memory_space<vmem>>[vector<16xi32>, vector<16xi32>], vector<16xf32>,
      %add3A_193 = arith.addf %gather3A, %gather3A_192 : vector<16xf32>
      %gt3A = arith.constant 0.000000e+00 : f32
      %gt3A_194 = vector.broadcast %gt3A : f32 to vector<16xf32>
      %gt3A_195 = arith.cmpf ogt, %add3A_193, %gt3A_194 : vector<16xf32>
      %mul3A_196 = arith.constant 2.000000e-01 : f32
      %mul3A_197 = vector.broadcast %mul3A_196 : f32 to vector<16xf32>
      %mul3A_198 = arith.mulf %mul3A_197, %add3A_193 : vector<16xf32>
      %select_n3A = arith.select %gt3A_195, %add3A_193, %mul3A_198 : vector<16xi1>, vector<16xf32>
      %exp3A = math.exp %select_n3A : vector<16xf32>
      tpu.vector_store_idx %arg12[%add3A_191, %broadcast_in_dim3A_186], %exp3A : memref<128x17xf32, #tpu.memory_space<vmem>>[vector<16xi32>, vector<16xi32>], vector<16xf32>,
      %broadcast_in_dim3A_199 = arith.constant 0 : i32
      %broadcast_in_dim3A_200 = vector.broadcast %broadcast_in_dim3A_199 : i32 to vector<16xi32>
      %gather3A_201 = tpu.vector_load_idx %arg10[%add3A_191, %broadcast_in_dim3A_200] : memref<128x20xf32, #tpu.memory_space<vmem>>[vector<16xi32>, vector<16xi32>], vector<16xf32>,
      %mul3A_202 = arith.mulf %gather3A_201, %exp3A : vector<16xf32>
      tpu.vector_store_idx %arg12[%add3A_191, %broadcast_in_dim3A_200], %mul3A_202 : memref<128x17xf32, #tpu.memory_space<vmem>>[vector<16xi32>, vector<16xi32>], vector<16xf32>,
      %broadcast_in_dim3A_203 = arith.constant 1 : i32
      %broadcast_in_dim3A_204 = vector.broadcast %broadcast_in_dim3A_203 : i32 to vector<16xi32>
      %gather3A_205 = tpu.vector_load_idx %arg10[%add3A_191, %broadcast_in_dim3A_204] : memref<128x20xf32, #tpu.memory_space<vmem>>[vector<16xi32>, vector<16xi32>], vector<16xf32>,
      %mul3A_206 = arith.mulf %gather3A_205, %exp3A : vector<16xf32>
      tpu.vector_store_idx %arg12[%add3A_191, %broadcast_in_dim3A_204], %mul3A_206 : memref<128x17xf32, #tpu.memory_space<vmem>>[vector<16xi32>, vector<16xi32>], vector<16xf32>,
      %broadcast_in_dim3A_207 = arith.constant 2 : i32
      %broadcast_in_dim3A_208 = vector.broadcast %broadcast_in_dim3A_207 : i32 to vector<16xi32>
      %gather3A_209 = tpu.vector_load_idx %arg10[%add3A_191, %broadcast_in_dim3A_208] : memref<128x20xf32, #tpu.memory_space<vmem>>[vector<16xi32>, vector<16xi32>], vector<16xf32>,
      %mul3A_210 = arith.mulf %gather3A_209, %exp3A : vector<16xf32>
      tpu.vector_store_idx %arg12[%add3A_191, %broadcast_in_dim3A_208], %mul3A_210 : memref<128x17xf32, #tpu.memory_space<vmem>>[vector<16xi32>, vector<16xi32>], vector<16xf32>,
      %broadcast_in_dim3A_211 = arith.constant 3 : i32
      %broadcast_in_dim3A_212 = vector.broadcast %broadcast_in_dim3A_211 : i32 to vector<16xi32>
      %gather3A_213 = tpu.vector_load_idx %arg10[%add3A_191, %broadcast_in_dim3A_212] : memref<128x20xf32, #tpu.memory_space<vmem>>[vector<16xi32>, vector<16xi32>], vector<16xf32>,
      %mul3A_214 = arith.mulf %gather3A_213, %exp3A : vector<16xf32>
      tpu.vector_store_idx %arg12[%add3A_191, %broadcast_in_dim3A_212], %mul3A_214 : memref<128x17xf32, #tpu.memory_space<vmem>>[vector<16xi32>, vector<16xi32>], vector<16xf32>,
      %broadcast_in_dim3A_215 = arith.constant 4 : i32
      %broadcast_in_dim3A_216 = vector.broadcast %broadcast_in_dim3A_215 : i32 to vector<16xi32>
      %gather3A_217 = tpu.vector_load_idx %arg10[%add3A_191, %broadcast_in_dim3A_216] : memref<128x20xf32, #tpu.memory_space<vmem>>[vector<16xi32>, vector<16xi32>], vector<16xf32>,
      %mul3A_218 = arith.mulf %gather3A_217, %exp3A : vector<16xf32>
      tpu.vector_store_idx %arg12[%add3A_191, %broadcast_in_dim3A_216], %mul3A_218 : memref<128x17xf32, #tpu.memory_space<vmem>>[vector<16xi32>, vector<16xi32>], vector<16xf32>,
      %broadcast_in_dim3A_219 = arith.constant 5 : i32
      %broadcast_in_dim3A_220 = vector.broadcast %broadcast_in_dim3A_219 : i32 to vector<16xi32>
      %gather3A_221 = tpu.vector_load_idx %arg10[%add3A_191, %broadcast_in_dim3A_220] : memref<128x20xf32, #tpu.memory_space<vmem>>[vector<16xi32>, vector<16xi32>], vector<16xf32>,
      %mul3A_222 = arith.mulf %gather3A_221, %exp3A : vector<16xf32>
      tpu.vector_store_idx %arg12[%add3A_191, %broadcast_in_dim3A_220], %mul3A_222 : memref<128x17xf32, #tpu.memory_space<vmem>>[vector<16xi32>, vector<16xi32>], vector<16xf32>,
      %broadcast_in_dim3A_223 = arith.constant 6 : i32
      %broadcast_in_dim3A_224 = vector.broadcast %broadcast_in_dim3A_223 : i32 to vector<16xi32>
      %gather3A_225 = tpu.vector_load_idx %arg10[%add3A_191, %broadcast_in_dim3A_224] : memref<128x20xf32, #tpu.memory_space<vmem>>[vector<16xi32>, vector<16xi32>], vector<16xf32>,
      %mul3A_226 = arith.mulf %gather3A_225, %exp3A : vector<16xf32>
      tpu.vector_store_idx %arg12[%add3A_191, %broadcast_in_dim3A_224], %mul3A_226 : memref<128x17xf32, #tpu.memory_space<vmem>>[vector<16xi32>, vector<16xi32>], vector<16xf32>,
      %broadcast_in_dim3A_227 = arith.constant 7 : i32
      %broadcast_in_dim3A_228 = vector.broadcast %broadcast_in_dim3A_227 : i32 to vector<16xi32>
      %gather3A_229 = tpu.vector_load_idx %arg10[%add3A_191, %broadcast_in_dim3A_228] : memref<128x20xf32, #tpu.memory_space<vmem>>[vector<16xi32>, vector<16xi32>], vector<16xf32>,
      %mul3A_230 = arith.mulf %gather3A_229, %exp3A : vector<16xf32>
      tpu.vector_store_idx %arg12[%add3A_191, %broadcast_in_dim3A_228], %mul3A_230 : memref<128x17xf32, #tpu.memory_space<vmem>>[vector<16xi32>, vector<16xi32>], vector<16xf32>,
      %broadcast_in_dim3A_231 = arith.constant 8 : i32
      %broadcast_in_dim3A_232 = vector.broadcast %broadcast_in_dim3A_231 : i32 to vector<16xi32>
      %gather3A_233 = tpu.vector_load_idx %arg10[%add3A_191, %broadcast_in_dim3A_232] : memref<128x20xf32, #tpu.memory_space<vmem>>[vector<16xi32>, vector<16xi32>], vector<16xf32>,
      %mul3A_234 = arith.mulf %gather3A_233, %exp3A : vector<16xf32>
      tpu.vector_store_idx %arg12[%add3A_191, %broadcast_in_dim3A_232], %mul3A_234 : memref<128x17xf32, #tpu.memory_space<vmem>>[vector<16xi32>, vector<16xi32>], vector<16xf32>,
      %broadcast_in_dim3A_235 = arith.constant 9 : i32
      %broadcast_in_dim3A_236 = vector.broadcast %broadcast_in_dim3A_235 : i32 to vector<16xi32>
      %gather3A_237 = tpu.vector_load_idx %arg10[%add3A_191, %broadcast_in_dim3A_236] : memref<128x20xf32, #tpu.memory_space<vmem>>[vector<16xi32>, vector<16xi32>], vector<16xf32>,
      %mul3A_238 = arith.mulf %gather3A_237, %exp3A : vector<16xf32>
      tpu.vector_store_idx %arg12[%add3A_191, %broadcast_in_dim3A_236], %mul3A_238 : memref<128x17xf32, #tpu.memory_space<vmem>>[vector<16xi32>, vector<16xi32>], vector<16xf32>,
      %broadcast_in_dim3A_239 = arith.constant 10 : i32
      %broadcast_in_dim3A_240 = vector.broadcast %broadcast_in_dim3A_239 : i32 to vector<16xi32>
      %gather3A_241 = tpu.vector_load_idx %arg10[%add3A_191, %broadcast_in_dim3A_240] : memref<128x20xf32, #tpu.memory_space<vmem>>[vector<16xi32>, vector<16xi32>], vector<16xf32>,
      %mul3A_242 = arith.mulf %gather3A_241, %exp3A : vector<16xf32>
      tpu.vector_store_idx %arg12[%add3A_191, %broadcast_in_dim3A_240], %mul3A_242 : memref<128x17xf32, #tpu.memory_space<vmem>>[vector<16xi32>, vector<16xi32>], vector<16xf32>,
      %broadcast_in_dim3A_243 = arith.constant 11 : i32
      %broadcast_in_dim3A_244 = vector.broadcast %broadcast_in_dim3A_243 : i32 to vector<16xi32>
      %gather3A_245 = tpu.vector_load_idx %arg10[%add3A_191, %broadcast_in_dim3A_244] : memref<128x20xf32, #tpu.memory_space<vmem>>[vector<16xi32>, vector<16xi32>], vector<16xf32>,
      %mul3A_246 = arith.mulf %gather3A_245, %exp3A : vector<16xf32>
      tpu.vector_store_idx %arg12[%add3A_191, %broadcast_in_dim3A_244], %mul3A_246 : memref<128x17xf32, #tpu.memory_space<vmem>>[vector<16xi32>, vector<16xi32>], vector<16xf32>,
      %broadcast_in_dim3A_247 = arith.constant 12 : i32
      %broadcast_in_dim3A_248 = vector.broadcast %broadcast_in_dim3A_247 : i32 to vector<16xi32>
      %gather3A_249 = tpu.vector_load_idx %arg10[%add3A_191, %broadcast_in_dim3A_248] : memref<128x20xf32, #tpu.memory_space<vmem>>[vector<16xi32>, vector<16xi32>], vector<16xf32>,
      %mul3A_250 = arith.mulf %gather3A_249, %exp3A : vector<16xf32>
      tpu.vector_store_idx %arg12[%add3A_191, %broadcast_in_dim3A_248], %mul3A_250 : memref<128x17xf32, #tpu.memory_space<vmem>>[vector<16xi32>, vector<16xi32>], vector<16xf32>,
      %broadcast_in_dim3A_251 = arith.constant 13 : i32
      %broadcast_in_dim3A_252 = vector.broadcast %broadcast_in_dim3A_251 : i32 to vector<16xi32>
      %gather3A_253 = tpu.vector_load_idx %arg10[%add3A_191, %broadcast_in_dim3A_252] : memref<128x20xf32, #tpu.memory_space<vmem>>[vector<16xi32>, vector<16xi32>], vector<16xf32>,
      %mul3A_254 = arith.mulf %gather3A_253, %exp3A : vector<16xf32>
      tpu.vector_store_idx %arg12[%add3A_191, %broadcast_in_dim3A_252], %mul3A_254 : memref<128x17xf32, #tpu.memory_space<vmem>>[vector<16xi32>, vector<16xi32>], vector<16xf32>,
      %broadcast_in_dim3A_255 = arith.constant 14 : i32
      %broadcast_in_dim3A_256 = vector.broadcast %broadcast_in_dim3A_255 : i32 to vector<16xi32>
      %gather3A_257 = tpu.vector_load_idx %arg10[%add3A_191, %broadcast_in_dim3A_256] : memref<128x20xf32, #tpu.memory_space<vmem>>[vector<16xi32>, vector<16xi32>], vector<16xf32>,
      %mul3A_258 = arith.mulf %gather3A_257, %exp3A : vector<16xf32>
      tpu.vector_store_idx %arg12[%add3A_191, %broadcast_in_dim3A_256], %mul3A_258 : memref<128x17xf32, #tpu.memory_space<vmem>>[vector<16xi32>, vector<16xi32>], vector<16xf32>,
      %broadcast_in_dim3A_259 = arith.constant 15 : i32
      %broadcast_in_dim3A_260 = vector.broadcast %broadcast_in_dim3A_259 : i32 to vector<16xi32>
      %gather3A_261 = tpu.vector_load_idx %arg10[%add3A_191, %broadcast_in_dim3A_260] : memref<128x20xf32, #tpu.memory_space<vmem>>[vector<16xi32>, vector<16xi32>], vector<16xf32>,
      %mul3A_262 = arith.mulf %gather3A_261, %exp3A : vector<16xf32>
      tpu.vector_store_idx %arg12[%add3A_191, %broadcast_in_dim3A_260], %mul3A_262 : memref<128x17xf32, #tpu.memory_space<vmem>>[vector<16xi32>, vector<16xi32>], vector<16xf32>,
      %add3A_263 = arith.constant 16 : i32
      %add3A_264 = vector.broadcast %add3A_263 : i32 to vector<16xi32>
      %add3A_265 = arith.addi %iota3A, %add3A_264 : vector<16xi32>
      %gather3A_266 = tpu.vector_load_idx %arg10[%add3A_265, %broadcast_in_dim3A_186] : memref<128x20xf32, #tpu.memory_space<vmem>>[vector<16xi32>, vector<16xi32>], vector<16xf32>,
      %gather3A_267 = tpu.vector_load_idx %arg11[%add3A_265, %broadcast_in_dim3A_188] : memref<128x20xf32, #tpu.memory_space<vmem>>[vector<16xi32>, vector<16xi32>], vector<16xf32>,
      %add3A_268 = arith.addf %gather3A_266, %gather3A_267 : vector<16xf32>
      %gt3A_269 = arith.constant 0.000000e+00 : f32
      %gt3A_270 = vector.broadcast %gt3A_269 : f32 to vector<16xf32>
      %gt3A_271 = arith.cmpf ogt, %add3A_268, %gt3A_270 : vector<16xf32>
      %mul3A_272 = arith.constant 2.000000e-01 : f32
      %mul3A_273 = vector.broadcast %mul3A_272 : f32 to vector<16xf32>
      %mul3A_274 = arith.mulf %mul3A_273, %add3A_268 : vector<16xf32>
      %select_n3A_275 = arith.select %gt3A_271, %add3A_268, %mul3A_274 : vector<16xi1>, vector<16xf32>
      %exp3A_276 = math.exp %select_n3A_275 : vector<16xf32>
      tpu.vector_store_idx %arg12[%add3A_265, %broadcast_in_dim3A_186], %exp3A_276 : memref<128x17xf32, #tpu.memory_space<vmem>>[vector<16xi32>, vector<16xi32>], vector<16xf32>,
      %broadcast_in_dim3A_277 = arith.constant 0 : i32
      %broadcast_in_dim3A_278 = vector.broadcast %broadcast_in_dim3A_277 : i32 to vector<16xi32>
      %gather3A_279 = tpu.vector_load_idx %arg10[%add3A_265, %broadcast_in_dim3A_278] : memref<128x20xf32, #tpu.memory_space<vmem>>[vector<16xi32>, vector<16xi32>], vector<16xf32>,
      %mul3A_280 = arith.mulf %gather3A_279, %exp3A_276 : vector<16xf32>
      tpu.vector_store_idx %arg12[%add3A_265, %broadcast_in_dim3A_278], %mul3A_280 : memref<128x17xf32, #tpu.memory_space<vmem>>[vector<16xi32>, vector<16xi32>], vector<16xf32>,
      %broadcast_in_dim3A_281 = arith.constant 1 : i32
      %broadcast_in_dim3A_282 = vector.broadcast %broadcast_in_dim3A_281 : i32 to vector<16xi32>
      %gather3A_283 = tpu.vector_load_idx %arg10[%add3A_265, %broadcast_in_dim3A_282] : memref<128x20xf32, #tpu.memory_space<vmem>>[vector<16xi32>, vector<16xi32>], vector<16xf32>,
      %mul3A_284 = arith.mulf %gather3A_283, %exp3A_276 : vector<16xf32>
      tpu.vector_store_idx %arg12[%add3A_265, %broadcast_in_dim3A_282], %mul3A_284 : memref<128x17xf32, #tpu.memory_space<vmem>>[vector<16xi32>, vector<16xi32>], vector<16xf32>,
      %broadcast_in_dim3A_285 = arith.constant 2 : i32
      %broadcast_in_dim3A_286 = vector.broadcast %broadcast_in_dim3A_285 : i32 to vector<16xi32>
      %gather3A_287 = tpu.vector_load_idx %arg10[%add3A_265, %broadcast_in_dim3A_286] : memref<128x20xf32, #tpu.memory_space<vmem>>[vector<16xi32>, vector<16xi32>], vector<16xf32>,
      %mul3A_288 = arith.mulf %gather3A_287, %exp3A_276 : vector<16xf32>
      tpu.vector_store_idx %arg12[%add3A_265, %broadcast_in_dim3A_286], %mul3A_288 : memref<128x17xf32, #tpu.memory_space<vmem>>[vector<16xi32>, vector<16xi32>], vector<16xf32>,
      %broadcast_in_dim3A_289 = arith.constant 3 : i32
      %broadcast_in_dim3A_290 = vector.broadcast %broadcast_in_dim3A_289 : i32 to vector<16xi32>
      %gather3A_291 = tpu.vector_load_idx %arg10[%add3A_265, %broadcast_in_dim3A_290] : memref<128x20xf32, #tpu.memory_space<vmem>>[vector<16xi32>, vector<16xi32>], vector<16xf32>,
      %mul3A_292 = arith.mulf %gather3A_291, %exp3A_276 : vector<16xf32>
      tpu.vector_store_idx %arg12[%add3A_265, %broadcast_in_dim3A_290], %mul3A_292 : memref<128x17xf32, #tpu.memory_space<vmem>>[vector<16xi32>, vector<16xi32>], vector<16xf32>,
      %broadcast_in_dim3A_293 = arith.constant 4 : i32
      %broadcast_in_dim3A_294 = vector.broadcast %broadcast_in_dim3A_293 : i32 to vector<16xi32>
      %gather3A_295 = tpu.vector_load_idx %arg10[%add3A_265, %broadcast_in_dim3A_294] : memref<128x20xf32, #tpu.memory_space<vmem>>[vector<16xi32>, vector<16xi32>], vector<16xf32>,
      %mul3A_296 = arith.mulf %gather3A_295, %exp3A_276 : vector<16xf32>
      tpu.vector_store_idx %arg12[%add3A_265, %broadcast_in_dim3A_294], %mul3A_296 : memref<128x17xf32, #tpu.memory_space<vmem>>[vector<16xi32>, vector<16xi32>], vector<16xf32>,
      %broadcast_in_dim3A_297 = arith.constant 5 : i32
      %broadcast_in_dim3A_298 = vector.broadcast %broadcast_in_dim3A_297 : i32 to vector<16xi32>
      %gather3A_299 = tpu.vector_load_idx %arg10[%add3A_265, %broadcast_in_dim3A_298] : memref<128x20xf32, #tpu.memory_space<vmem>>[vector<16xi32>, vector<16xi32>], vector<16xf32>,
      %mul3A_300 = arith.mulf %gather3A_299, %exp3A_276 : vector<16xf32>
      tpu.vector_store_idx %arg12[%add3A_265, %broadcast_in_dim3A_298], %mul3A_300 : memref<128x17xf32, #tpu.memory_space<vmem>>[vector<16xi32>, vector<16xi32>], vector<16xf32>,
      %broadcast_in_dim3A_301 = arith.constant 6 : i32
      %broadcast_in_dim3A_302 = vector.broadcast %broadcast_in_dim3A_301 : i32 to vector<16xi32>
      %gather3A_303 = tpu.vector_load_idx %arg10[%add3A_265, %broadcast_in_dim3A_302] : memref<128x20xf32, #tpu.memory_space<vmem>>[vector<16xi32>, vector<16xi32>], vector<16xf32>,
      %mul3A_304 = arith.mulf %gather3A_303, %exp3A_276 : vector<16xf32>
      tpu.vector_store_idx %arg12[%add3A_265, %broadcast_in_dim3A_302], %mul3A_304 : memref<128x17xf32, #tpu.memory_space<vmem>>[vector<16xi32>, vector<16xi32>], vector<16xf32>,
      %broadcast_in_dim3A_305 = arith.constant 7 : i32
      %broadcast_in_dim3A_306 = vector.broadcast %broadcast_in_dim3A_305 : i32 to vector<16xi32>
      %gather3A_307 = tpu.vector_load_idx %arg10[%add3A_265, %broadcast_in_dim3A_306] : memref<128x20xf32, #tpu.memory_space<vmem>>[vector<16xi32>, vector<16xi32>], vector<16xf32>,
      %mul3A_308 = arith.mulf %gather3A_307, %exp3A_276 : vector<16xf32>
      tpu.vector_store_idx %arg12[%add3A_265, %broadcast_in_dim3A_306], %mul3A_308 : memref<128x17xf32, #tpu.memory_space<vmem>>[vector<16xi32>, vector<16xi32>], vector<16xf32>,
      %broadcast_in_dim3A_309 = arith.constant 8 : i32
      %broadcast_in_dim3A_310 = vector.broadcast %broadcast_in_dim3A_309 : i32 to vector<16xi32>
      %gather3A_311 = tpu.vector_load_idx %arg10[%add3A_265, %broadcast_in_dim3A_310] : memref<128x20xf32, #tpu.memory_space<vmem>>[vector<16xi32>, vector<16xi32>], vector<16xf32>,
      %mul3A_312 = arith.mulf %gather3A_311, %exp3A_276 : vector<16xf32>
      tpu.vector_store_idx %arg12[%add3A_265, %broadcast_in_dim3A_310], %mul3A_312 : memref<128x17xf32, #tpu.memory_space<vmem>>[vector<16xi32>, vector<16xi32>], vector<16xf32>,
      %broadcast_in_dim3A_313 = arith.constant 9 : i32
      %broadcast_in_dim3A_314 = vector.broadcast %broadcast_in_dim3A_313 : i32 to vector<16xi32>
      %gather3A_315 = tpu.vector_load_idx %arg10[%add3A_265, %broadcast_in_dim3A_314] : memref<128x20xf32, #tpu.memory_space<vmem>>[vector<16xi32>, vector<16xi32>], vector<16xf32>,
      %mul3A_316 = arith.mulf %gather3A_315, %exp3A_276 : vector<16xf32>
      tpu.vector_store_idx %arg12[%add3A_265, %broadcast_in_dim3A_314], %mul3A_316 : memref<128x17xf32, #tpu.memory_space<vmem>>[vector<16xi32>, vector<16xi32>], vector<16xf32>,
      %broadcast_in_dim3A_317 = arith.constant 10 : i32
      %broadcast_in_dim3A_318 = vector.broadcast %broadcast_in_dim3A_317 : i32 to vector<16xi32>
      %gather3A_319 = tpu.vector_load_idx %arg10[%add3A_265, %broadcast_in_dim3A_318] : memref<128x20xf32, #tpu.memory_space<vmem>>[vector<16xi32>, vector<16xi32>], vector<16xf32>,
      %mul3A_320 = arith.mulf %gather3A_319, %exp3A_276 : vector<16xf32>
      tpu.vector_store_idx %arg12[%add3A_265, %broadcast_in_dim3A_318], %mul3A_320 : memref<128x17xf32, #tpu.memory_space<vmem>>[vector<16xi32>, vector<16xi32>], vector<16xf32>,
      %broadcast_in_dim3A_321 = arith.constant 11 : i32
      %broadcast_in_dim3A_322 = vector.broadcast %broadcast_in_dim3A_321 : i32 to vector<16xi32>
      %gather3A_323 = tpu.vector_load_idx %arg10[%add3A_265, %broadcast_in_dim3A_322] : memref<128x20xf32, #tpu.memory_space<vmem>>[vector<16xi32>, vector<16xi32>], vector<16xf32>,
      %mul3A_324 = arith.mulf %gather3A_323, %exp3A_276 : vector<16xf32>
      tpu.vector_store_idx %arg12[%add3A_265, %broadcast_in_dim3A_322], %mul3A_324 : memref<128x17xf32, #tpu.memory_space<vmem>>[vector<16xi32>, vector<16xi32>], vector<16xf32>,
      %broadcast_in_dim3A_325 = arith.constant 12 : i32
      %broadcast_in_dim3A_326 = vector.broadcast %broadcast_in_dim3A_325 : i32 to vector<16xi32>
      %gather3A_327 = tpu.vector_load_idx %arg10[%add3A_265, %broadcast_in_dim3A_326] : memref<128x20xf32, #tpu.memory_space<vmem>>[vector<16xi32>, vector<16xi32>], vector<16xf32>,
      %mul3A_328 = arith.mulf %gather3A_327, %exp3A_276 : vector<16xf32>
      tpu.vector_store_idx %arg12[%add3A_265, %broadcast_in_dim3A_326], %mul3A_328 : memref<128x17xf32, #tpu.memory_space<vmem>>[vector<16xi32>, vector<16xi32>], vector<16xf32>,
      %broadcast_in_dim3A_329 = arith.constant 13 : i32
      %broadcast_in_dim3A_330 = vector.broadcast %broadcast_in_dim3A_329 : i32 to vector<16xi32>
      %gather3A_331 = tpu.vector_load_idx %arg10[%add3A_265, %broadcast_in_dim3A_330] : memref<128x20xf32, #tpu.memory_space<vmem>>[vector<16xi32>, vector<16xi32>], vector<16xf32>,
      %mul3A_332 = arith.mulf %gather3A_331, %exp3A_276 : vector<16xf32>
      tpu.vector_store_idx %arg12[%add3A_265, %broadcast_in_dim3A_330], %mul3A_332 : memref<128x17xf32, #tpu.memory_space<vmem>>[vector<16xi32>, vector<16xi32>], vector<16xf32>,
      %broadcast_in_dim3A_333 = arith.constant 14 : i32
      %broadcast_in_dim3A_334 = vector.broadcast %broadcast_in_dim3A_333 : i32 to vector<16xi32>
      %gather3A_335 = tpu.vector_load_idx %arg10[%add3A_265, %broadcast_in_dim3A_334] : memref<128x20xf32, #tpu.memory_space<vmem>>[vector<16xi32>, vector<16xi32>], vector<16xf32>,
      %mul3A_336 = arith.mulf %gather3A_335, %exp3A_276 : vector<16xf32>
      tpu.vector_store_idx %arg12[%add3A_265, %broadcast_in_dim3A_334], %mul3A_336 : memref<128x17xf32, #tpu.memory_space<vmem>>[vector<16xi32>, vector<16xi32>], vector<16xf32>,
      %broadcast_in_dim3A_337 = arith.constant 15 : i32
      %broadcast_in_dim3A_338 = vector.broadcast %broadcast_in_dim3A_337 : i32 to vector<16xi32>
      %gather3A_339 = tpu.vector_load_idx %arg10[%add3A_265, %broadcast_in_dim3A_338] : memref<128x20xf32, #tpu.memory_space<vmem>>[vector<16xi32>, vector<16xi32>], vector<16xf32>,
      %mul3A_340 = arith.mulf %gather3A_339, %exp3A_276 : vector<16xf32>
      tpu.vector_store_idx %arg12[%add3A_265, %broadcast_in_dim3A_338], %mul3A_340 : memref<128x17xf32, #tpu.memory_space<vmem>>[vector<16xi32>, vector<16xi32>], vector<16xf32>,
      %add3A_341 = arith.constant 32 : i32
      %add3A_342 = vector.broadcast %add3A_341 : i32 to vector<16xi32>
      %add3A_343 = arith.addi %iota3A, %add3A_342 : vector<16xi32>
      %gather3A_344 = tpu.vector_load_idx %arg10[%add3A_343, %broadcast_in_dim3A_186] : memref<128x20xf32, #tpu.memory_space<vmem>>[vector<16xi32>, vector<16xi32>], vector<16xf32>,
      %gather3A_345 = tpu.vector_load_idx %arg11[%add3A_343, %broadcast_in_dim3A_188] : memref<128x20xf32, #tpu.memory_space<vmem>>[vector<16xi32>, vector<16xi32>], vector<16xf32>,
      %add3A_346 = arith.addf %gather3A_344, %gather3A_345 : vector<16xf32>
      %gt3A_347 = arith.constant 0.000000e+00 : f32
      %gt3A_348 = vector.broadcast %gt3A_347 : f32 to vector<16xf32>
      %gt3A_349 = arith.cmpf ogt, %add3A_346, %gt3A_348 : vector<16xf32>
      %mul3A_350 = arith.constant 2.000000e-01 : f32
      %mul3A_351 = vector.broadcast %mul3A_350 : f32 to vector<16xf32>
      %mul3A_352 = arith.mulf %mul3A_351, %add3A_346 : vector<16xf32>
      %select_n3A_353 = arith.select %gt3A_349, %add3A_346, %mul3A_352 : vector<16xi1>, vector<16xf32>
      %exp3A_354 = math.exp %select_n3A_353 : vector<16xf32>
      tpu.vector_store_idx %arg12[%add3A_343, %broadcast_in_dim3A_186], %exp3A_354 : memref<128x17xf32, #tpu.memory_space<vmem>>[vector<16xi32>, vector<16xi32>], vector<16xf32>,
      %broadcast_in_dim3A_355 = arith.constant 0 : i32
      %broadcast_in_dim3A_356 = vector.broadcast %broadcast_in_dim3A_355 : i32 to vector<16xi32>
      %gather3A_357 = tpu.vector_load_idx %arg10[%add3A_343, %broadcast_in_dim3A_356] : memref<128x20xf32, #tpu.memory_space<vmem>>[vector<16xi32>, vector<16xi32>], vector<16xf32>,
      %mul3A_358 = arith.mulf %gather3A_357, %exp3A_354 : vector<16xf32>
      tpu.vector_store_idx %arg12[%add3A_343, %broadcast_in_dim3A_356], %mul3A_358 : memref<128x17xf32, #tpu.memory_space<vmem>>[vector<16xi32>, vector<16xi32>], vector<16xf32>,
      %broadcast_in_dim3A_359 = arith.constant 1 : i32
      %broadcast_in_dim3A_360 = vector.broadcast %broadcast_in_dim3A_359 : i32 to vector<16xi32>
      %gather3A_361 = tpu.vector_load_idx %arg10[%add3A_343, %broadcast_in_dim3A_360] : memref<128x20xf32, #tpu.memory_space<vmem>>[vector<16xi32>, vector<16xi32>], vector<16xf32>,
      %mul3A_362 = arith.mulf %gather3A_361, %exp3A_354 : vector<16xf32>
      tpu.vector_store_idx %arg12[%add3A_343, %broadcast_in_dim3A_360], %mul3A_362 : memref<128x17xf32, #tpu.memory_space<vmem>>[vector<16xi32>, vector<16xi32>], vector<16xf32>,
      %broadcast_in_dim3A_363 = arith.constant 2 : i32
      %broadcast_in_dim3A_364 = vector.broadcast %broadcast_in_dim3A_363 : i32 to vector<16xi32>
      %gather3A_365 = tpu.vector_load_idx %arg10[%add3A_343, %broadcast_in_dim3A_364] : memref<128x20xf32, #tpu.memory_space<vmem>>[vector<16xi32>, vector<16xi32>], vector<16xf32>,
      %mul3A_366 = arith.mulf %gather3A_365, %exp3A_354 : vector<16xf32>
      tpu.vector_store_idx %arg12[%add3A_343, %broadcast_in_dim3A_364], %mul3A_366 : memref<128x17xf32, #tpu.memory_space<vmem>>[vector<16xi32>, vector<16xi32>], vector<16xf32>,
      %broadcast_in_dim3A_367 = arith.constant 3 : i32
      %broadcast_in_dim3A_368 = vector.broadcast %broadcast_in_dim3A_367 : i32 to vector<16xi32>
      %gather3A_369 = tpu.vector_load_idx %arg10[%add3A_343, %broadcast_in_dim3A_368] : memref<128x20xf32, #tpu.memory_space<vmem>>[vector<16xi32>, vector<16xi32>], vector<16xf32>,
      %mul3A_370 = arith.mulf %gather3A_369, %exp3A_354 : vector<16xf32>
      tpu.vector_store_idx %arg12[%add3A_343, %broadcast_in_dim3A_368], %mul3A_370 : memref<128x17xf32, #tpu.memory_space<vmem>>[vector<16xi32>, vector<16xi32>], vector<16xf32>,
      %broadcast_in_dim3A_371 = arith.constant 4 : i32
      %broadcast_in_dim3A_372 = vector.broadcast %broadcast_in_dim3A_371 : i32 to vector<16xi32>
      %gather3A_373 = tpu.vector_load_idx %arg10[%add3A_343, %broadcast_in_dim3A_372] : memref<128x20xf32, #tpu.memory_space<vmem>>[vector<16xi32>, vector<16xi32>], vector<16xf32>,
      %mul3A_374 = arith.mulf %gather3A_373, %exp3A_354 : vector<16xf32>
      tpu.vector_store_idx %arg12[%add3A_343, %broadcast_in_dim3A_372], %mul3A_374 : memref<128x17xf32, #tpu.memory_space<vmem>>[vector<16xi32>, vector<16xi32>], vector<16xf32>,
      %broadcast_in_dim3A_375 = arith.constant 5 : i32
      %broadcast_in_dim3A_376 = vector.broadcast %broadcast_in_dim3A_375 : i32 to vector<16xi32>
      %gather3A_377 = tpu.vector_load_idx %arg10[%add3A_343, %broadcast_in_dim3A_376] : memref<128x20xf32, #tpu.memory_space<vmem>>[vector<16xi32>, vector<16xi32>], vector<16xf32>,
      %mul3A_378 = arith.mulf %gather3A_377, %exp3A_354 : vector<16xf32>
      tpu.vector_store_idx %arg12[%add3A_343, %broadcast_in_dim3A_376], %mul3A_378 : memref<128x17xf32, #tpu.memory_space<vmem>>[vector<16xi32>, vector<16xi32>], vector<16xf32>,
      %broadcast_in_dim3A_379 = arith.constant 6 : i32
      %broadcast_in_dim3A_380 = vector.broadcast %broadcast_in_dim3A_379 : i32 to vector<16xi32>
      %gather3A_381 = tpu.vector_load_idx %arg10[%add3A_343, %broadcast_in_dim3A_380] : memref<128x20xf32, #tpu.memory_space<vmem>>[vector<16xi32>, vector<16xi32>], vector<16xf32>,
      %mul3A_382 = arith.mulf %gather3A_381, %exp3A_354 : vector<16xf32>
      tpu.vector_store_idx %arg12[%add3A_343, %broadcast_in_dim3A_380], %mul3A_382 : memref<128x17xf32, #tpu.memory_space<vmem>>[vector<16xi32>, vector<16xi32>], vector<16xf32>,
      %broadcast_in_dim3A_383 = arith.constant 7 : i32
      %broadcast_in_dim3A_384 = vector.broadcast %broadcast_in_dim3A_383 : i32 to vector<16xi32>
      %gather3A_385 = tpu.vector_load_idx %arg10[%add3A_343, %broadcast_in_dim3A_384] : memref<128x20xf32, #tpu.memory_space<vmem>>[vector<16xi32>, vector<16xi32>], vector<16xf32>,
      %mul3A_386 = arith.mulf %gather3A_385, %exp3A_354 : vector<16xf32>
      tpu.vector_store_idx %arg12[%add3A_343, %broadcast_in_dim3A_384], %mul3A_386 : memref<128x17xf32, #tpu.memory_space<vmem>>[vector<16xi32>, vector<16xi32>], vector<16xf32>,
      %broadcast_in_dim3A_387 = arith.constant 8 : i32
      %broadcast_in_dim3A_388 = vector.broadcast %broadcast_in_dim3A_387 : i32 to vector<16xi32>
      %gather3A_389 = tpu.vector_load_idx %arg10[%add3A_343, %broadcast_in_dim3A_388] : memref<128x20xf32, #tpu.memory_space<vmem>>[vector<16xi32>, vector<16xi32>], vector<16xf32>,
      %mul3A_390 = arith.mulf %gather3A_389, %exp3A_354 : vector<16xf32>
      tpu.vector_store_idx %arg12[%add3A_343, %broadcast_in_dim3A_388], %mul3A_390 : memref<128x17xf32, #tpu.memory_space<vmem>>[vector<16xi32>, vector<16xi32>], vector<16xf32>,
      %broadcast_in_dim3A_391 = arith.constant 9 : i32
      %broadcast_in_dim3A_392 = vector.broadcast %broadcast_in_dim3A_391 : i32 to vector<16xi32>
      %gather3A_393 = tpu.vector_load_idx %arg10[%add3A_343, %broadcast_in_dim3A_392] : memref<128x20xf32, #tpu.memory_space<vmem>>[vector<16xi32>, vector<16xi32>], vector<16xf32>,
      %mul3A_394 = arith.mulf %gather3A_393, %exp3A_354 : vector<16xf32>
      tpu.vector_store_idx %arg12[%add3A_343, %broadcast_in_dim3A_392], %mul3A_394 : memref<128x17xf32, #tpu.memory_space<vmem>>[vector<16xi32>, vector<16xi32>], vector<16xf32>,
      %broadcast_in_dim3A_395 = arith.constant 10 : i32
      %broadcast_in_dim3A_396 = vector.broadcast %broadcast_in_dim3A_395 : i32 to vector<16xi32>
      %gather3A_397 = tpu.vector_load_idx %arg10[%add3A_343, %broadcast_in_dim3A_396] : memref<128x20xf32, #tpu.memory_space<vmem>>[vector<16xi32>, vector<16xi32>], vector<16xf32>,
      %mul3A_398 = arith.mulf %gather3A_397, %exp3A_354 : vector<16xf32>
      tpu.vector_store_idx %arg12[%add3A_343, %broadcast_in_dim3A_396], %mul3A_398 : memref<128x17xf32, #tpu.memory_space<vmem>>[vector<16xi32>, vector<16xi32>], vector<16xf32>,
      %broadcast_in_dim3A_399 = arith.constant 11 : i32
      %broadcast_in_dim3A_400 = vector.broadcast %broadcast_in_dim3A_399 : i32 to vector<16xi32>
      %gather3A_401 = tpu.vector_load_idx %arg10[%add3A_343, %broadcast_in_dim3A_400] : memref<128x20xf32, #tpu.memory_space<vmem>>[vector<16xi32>, vector<16xi32>], vector<16xf32>,
      %mul3A_402 = arith.mulf %gather3A_401, %exp3A_354 : vector<16xf32>
      tpu.vector_store_idx %arg12[%add3A_343, %broadcast_in_dim3A_400], %mul3A_402 : memref<128x17xf32, #tpu.memory_space<vmem>>[vector<16xi32>, vector<16xi32>], vector<16xf32>,
      %broadcast_in_dim3A_403 = arith.constant 12 : i32
      %broadcast_in_dim3A_404 = vector.broadcast %broadcast_in_dim3A_403 : i32 to vector<16xi32>
      %gather3A_405 = tpu.vector_load_idx %arg10[%add3A_343, %broadcast_in_dim3A_404] : memref<128x20xf32, #tpu.memory_space<vmem>>[vector<16xi32>, vector<16xi32>], vector<16xf32>,
      %mul3A_406 = arith.mulf %gather3A_405, %exp3A_354 : vector<16xf32>
      tpu.vector_store_idx %arg12[%add3A_343, %broadcast_in_dim3A_404], %mul3A_406 : memref<128x17xf32, #tpu.memory_space<vmem>>[vector<16xi32>, vector<16xi32>], vector<16xf32>,
      %broadcast_in_dim3A_407 = arith.constant 13 : i32
      %broadcast_in_dim3A_408 = vector.broadcast %broadcast_in_dim3A_407 : i32 to vector<16xi32>
      %gather3A_409 = tpu.vector_load_idx %arg10[%add3A_343, %broadcast_in_dim3A_408] : memref<128x20xf32, #tpu.memory_space<vmem>>[vector<16xi32>, vector<16xi32>], vector<16xf32>,
      %mul3A_410 = arith.mulf %gather3A_409, %exp3A_354 : vector<16xf32>
      tpu.vector_store_idx %arg12[%add3A_343, %broadcast_in_dim3A_408], %mul3A_410 : memref<128x17xf32, #tpu.memory_space<vmem>>[vector<16xi32>, vector<16xi32>], vector<16xf32>,
      %broadcast_in_dim3A_411 = arith.constant 14 : i32
      %broadcast_in_dim3A_412 = vector.broadcast %broadcast_in_dim3A_411 : i32 to vector<16xi32>
      %gather3A_413 = tpu.vector_load_idx %arg10[%add3A_343, %broadcast_in_dim3A_412] : memref<128x20xf32, #tpu.memory_space<vmem>>[vector<16xi32>, vector<16xi32>], vector<16xf32>,
      %mul3A_414 = arith.mulf %gather3A_413, %exp3A_354 : vector<16xf32>
      tpu.vector_store_idx %arg12[%add3A_343, %broadcast_in_dim3A_412], %mul3A_414 : memref<128x17xf32, #tpu.memory_space<vmem>>[vector<16xi32>, vector<16xi32>], vector<16xf32>,
      %broadcast_in_dim3A_415 = arith.constant 15 : i32
      %broadcast_in_dim3A_416 = vector.broadcast %broadcast_in_dim3A_415 : i32 to vector<16xi32>
      %gather3A_417 = tpu.vector_load_idx %arg10[%add3A_343, %broadcast_in_dim3A_416] : memref<128x20xf32, #tpu.memory_space<vmem>>[vector<16xi32>, vector<16xi32>], vector<16xf32>,
      %mul3A_418 = arith.mulf %gather3A_417, %exp3A_354 : vector<16xf32>
      tpu.vector_store_idx %arg12[%add3A_343, %broadcast_in_dim3A_416], %mul3A_418 : memref<128x17xf32, #tpu.memory_space<vmem>>[vector<16xi32>, vector<16xi32>], vector<16xf32>,
      %add3A_419 = arith.constant 48 : i32
      %add3A_420 = vector.broadcast %add3A_419 : i32 to vector<16xi32>
      %add3A_421 = arith.addi %iota3A, %add3A_420 : vector<16xi32>
      %gather3A_422 = tpu.vector_load_idx %arg10[%add3A_421, %broadcast_in_dim3A_186] : memref<128x20xf32, #tpu.memory_space<vmem>>[vector<16xi32>, vector<16xi32>], vector<16xf32>,
      %gather3A_423 = tpu.vector_load_idx %arg11[%add3A_421, %broadcast_in_dim3A_188] : memref<128x20xf32, #tpu.memory_space<vmem>>[vector<16xi32>, vector<16xi32>], vector<16xf32>,
      %add3A_424 = arith.addf %gather3A_422, %gather3A_423 : vector<16xf32>
      %gt3A_425 = arith.constant 0.000000e+00 : f32
      %gt3A_426 = vector.broadcast %gt3A_425 : f32 to vector<16xf32>
      %gt3A_427 = arith.cmpf ogt, %add3A_424, %gt3A_426 : vector<16xf32>
      %mul3A_428 = arith.constant 2.000000e-01 : f32
      %mul3A_429 = vector.broadcast %mul3A_428 : f32 to vector<16xf32>
      %mul3A_430 = arith.mulf %mul3A_429, %add3A_424 : vector<16xf32>
      %select_n3A_431 = arith.select %gt3A_427, %add3A_424, %mul3A_430 : vector<16xi1>, vector<16xf32>
      %exp3A_432 = math.exp %select_n3A_431 : vector<16xf32>
      tpu.vector_store_idx %arg12[%add3A_421, %broadcast_in_dim3A_186], %exp3A_432 : memref<128x17xf32, #tpu.memory_space<vmem>>[vector<16xi32>, vector<16xi32>], vector<16xf32>,
      %broadcast_in_dim3A_433 = arith.constant 0 : i32
      %broadcast_in_dim3A_434 = vector.broadcast %broadcast_in_dim3A_433 : i32 to vector<16xi32>
      %gather3A_435 = tpu.vector_load_idx %arg10[%add3A_421, %broadcast_in_dim3A_434] : memref<128x20xf32, #tpu.memory_space<vmem>>[vector<16xi32>, vector<16xi32>], vector<16xf32>,
      %mul3A_436 = arith.mulf %gather3A_435, %exp3A_432 : vector<16xf32>
      tpu.vector_store_idx %arg12[%add3A_421, %broadcast_in_dim3A_434], %mul3A_436 : memref<128x17xf32, #tpu.memory_space<vmem>>[vector<16xi32>, vector<16xi32>], vector<16xf32>,
      %broadcast_in_dim3A_437 = arith.constant 1 : i32
      %broadcast_in_dim3A_438 = vector.broadcast %broadcast_in_dim3A_437 : i32 to vector<16xi32>
      %gather3A_439 = tpu.vector_load_idx %arg10[%add3A_421, %broadcast_in_dim3A_438] : memref<128x20xf32, #tpu.memory_space<vmem>>[vector<16xi32>, vector<16xi32>], vector<16xf32>,
      %mul3A_440 = arith.mulf %gather3A_439, %exp3A_432 : vector<16xf32>
      tpu.vector_store_idx %arg12[%add3A_421, %broadcast_in_dim3A_438], %mul3A_440 : memref<128x17xf32, #tpu.memory_space<vmem>>[vector<16xi32>, vector<16xi32>], vector<16xf32>,
      %broadcast_in_dim3A_441 = arith.constant 2 : i32
      %broadcast_in_dim3A_442 = vector.broadcast %broadcast_in_dim3A_441 : i32 to vector<16xi32>
      %gather3A_443 = tpu.vector_load_idx %arg10[%add3A_421, %broadcast_in_dim3A_442] : memref<128x20xf32, #tpu.memory_space<vmem>>[vector<16xi32>, vector<16xi32>], vector<16xf32>,
      %mul3A_444 = arith.mulf %gather3A_443, %exp3A_432 : vector<16xf32>
      tpu.vector_store_idx %arg12[%add3A_421, %broadcast_in_dim3A_442], %mul3A_444 : memref<128x17xf32, #tpu.memory_space<vmem>>[vector<16xi32>, vector<16xi32>], vector<16xf32>,
      %broadcast_in_dim3A_445 = arith.constant 3 : i32
      %broadcast_in_dim3A_446 = vector.broadcast %broadcast_in_dim3A_445 : i32 to vector<16xi32>
      %gather3A_447 = tpu.vector_load_idx %arg10[%add3A_421, %broadcast_in_dim3A_446] : memref<128x20xf32, #tpu.memory_space<vmem>>[vector<16xi32>, vector<16xi32>], vector<16xf32>,
      %mul3A_448 = arith.mulf %gather3A_447, %exp3A_432 : vector<16xf32>
      tpu.vector_store_idx %arg12[%add3A_421, %broadcast_in_dim3A_446], %mul3A_448 : memref<128x17xf32, #tpu.memory_space<vmem>>[vector<16xi32>, vector<16xi32>], vector<16xf32>,
      %broadcast_in_dim3A_449 = arith.constant 4 : i32
      %broadcast_in_dim3A_450 = vector.broadcast %broadcast_in_dim3A_449 : i32 to vector<16xi32>
      %gather3A_451 = tpu.vector_load_idx %arg10[%add3A_421, %broadcast_in_dim3A_450] : memref<128x20xf32, #tpu.memory_space<vmem>>[vector<16xi32>, vector<16xi32>], vector<16xf32>,
      %mul3A_452 = arith.mulf %gather3A_451, %exp3A_432 : vector<16xf32>
      tpu.vector_store_idx %arg12[%add3A_421, %broadcast_in_dim3A_450], %mul3A_452 : memref<128x17xf32, #tpu.memory_space<vmem>>[vector<16xi32>, vector<16xi32>], vector<16xf32>,
      %broadcast_in_dim3A_453 = arith.constant 5 : i32
      %broadcast_in_dim3A_454 = vector.broadcast %broadcast_in_dim3A_453 : i32 to vector<16xi32>
      %gather3A_455 = tpu.vector_load_idx %arg10[%add3A_421, %broadcast_in_dim3A_454] : memref<128x20xf32, #tpu.memory_space<vmem>>[vector<16xi32>, vector<16xi32>], vector<16xf32>,
      %mul3A_456 = arith.mulf %gather3A_455, %exp3A_432 : vector<16xf32>
      tpu.vector_store_idx %arg12[%add3A_421, %broadcast_in_dim3A_454], %mul3A_456 : memref<128x17xf32, #tpu.memory_space<vmem>>[vector<16xi32>, vector<16xi32>], vector<16xf32>,
      %broadcast_in_dim3A_457 = arith.constant 6 : i32
      %broadcast_in_dim3A_458 = vector.broadcast %broadcast_in_dim3A_457 : i32 to vector<16xi32>
      %gather3A_459 = tpu.vector_load_idx %arg10[%add3A_421, %broadcast_in_dim3A_458] : memref<128x20xf32, #tpu.memory_space<vmem>>[vector<16xi32>, vector<16xi32>], vector<16xf32>,
      %mul3A_460 = arith.mulf %gather3A_459, %exp3A_432 : vector<16xf32>
      tpu.vector_store_idx %arg12[%add3A_421, %broadcast_in_dim3A_458], %mul3A_460 : memref<128x17xf32, #tpu.memory_space<vmem>>[vector<16xi32>, vector<16xi32>], vector<16xf32>,
      %broadcast_in_dim3A_461 = arith.constant 7 : i32
      %broadcast_in_dim3A_462 = vector.broadcast %broadcast_in_dim3A_461 : i32 to vector<16xi32>
      %gather3A_463 = tpu.vector_load_idx %arg10[%add3A_421, %broadcast_in_dim3A_462] : memref<128x20xf32, #tpu.memory_space<vmem>>[vector<16xi32>, vector<16xi32>], vector<16xf32>,
      %mul3A_464 = arith.mulf %gather3A_463, %exp3A_432 : vector<16xf32>
      tpu.vector_store_idx %arg12[%add3A_421, %broadcast_in_dim3A_462], %mul3A_464 : memref<128x17xf32, #tpu.memory_space<vmem>>[vector<16xi32>, vector<16xi32>], vector<16xf32>,
      %broadcast_in_dim3A_465 = arith.constant 8 : i32
      %broadcast_in_dim3A_466 = vector.broadcast %broadcast_in_dim3A_465 : i32 to vector<16xi32>
      %gather3A_467 = tpu.vector_load_idx %arg10[%add3A_421, %broadcast_in_dim3A_466] : memref<128x20xf32, #tpu.memory_space<vmem>>[vector<16xi32>, vector<16xi32>], vector<16xf32>,
      %mul3A_468 = arith.mulf %gather3A_467, %exp3A_432 : vector<16xf32>
      tpu.vector_store_idx %arg12[%add3A_421, %broadcast_in_dim3A_466], %mul3A_468 : memref<128x17xf32, #tpu.memory_space<vmem>>[vector<16xi32>, vector<16xi32>], vector<16xf32>,
      %broadcast_in_dim3A_469 = arith.constant 9 : i32
      %broadcast_in_dim3A_470 = vector.broadcast %broadcast_in_dim3A_469 : i32 to vector<16xi32>
      %gather3A_471 = tpu.vector_load_idx %arg10[%add3A_421, %broadcast_in_dim3A_470] : memref<128x20xf32, #tpu.memory_space<vmem>>[vector<16xi32>, vector<16xi32>], vector<16xf32>,
      %mul3A_472 = arith.mulf %gather3A_471, %exp3A_432 : vector<16xf32>
      tpu.vector_store_idx %arg12[%add3A_421, %broadcast_in_dim3A_470], %mul3A_472 : memref<128x17xf32, #tpu.memory_space<vmem>>[vector<16xi32>, vector<16xi32>], vector<16xf32>,
      %broadcast_in_dim3A_473 = arith.constant 10 : i32
      %broadcast_in_dim3A_474 = vector.broadcast %broadcast_in_dim3A_473 : i32 to vector<16xi32>
      %gather3A_475 = tpu.vector_load_idx %arg10[%add3A_421, %broadcast_in_dim3A_474] : memref<128x20xf32, #tpu.memory_space<vmem>>[vector<16xi32>, vector<16xi32>], vector<16xf32>,
      %mul3A_476 = arith.mulf %gather3A_475, %exp3A_432 : vector<16xf32>
      tpu.vector_store_idx %arg12[%add3A_421, %broadcast_in_dim3A_474], %mul3A_476 : memref<128x17xf32, #tpu.memory_space<vmem>>[vector<16xi32>, vector<16xi32>], vector<16xf32>,
      %broadcast_in_dim3A_477 = arith.constant 11 : i32
      %broadcast_in_dim3A_478 = vector.broadcast %broadcast_in_dim3A_477 : i32 to vector<16xi32>
      %gather3A_479 = tpu.vector_load_idx %arg10[%add3A_421, %broadcast_in_dim3A_478] : memref<128x20xf32, #tpu.memory_space<vmem>>[vector<16xi32>, vector<16xi32>], vector<16xf32>,
      %mul3A_480 = arith.mulf %gather3A_479, %exp3A_432 : vector<16xf32>
      tpu.vector_store_idx %arg12[%add3A_421, %broadcast_in_dim3A_478], %mul3A_480 : memref<128x17xf32, #tpu.memory_space<vmem>>[vector<16xi32>, vector<16xi32>], vector<16xf32>,
      %broadcast_in_dim3A_481 = arith.constant 12 : i32
      %broadcast_in_dim3A_482 = vector.broadcast %broadcast_in_dim3A_481 : i32 to vector<16xi32>
      %gather3A_483 = tpu.vector_load_idx %arg10[%add3A_421, %broadcast_in_dim3A_482] : memref<128x20xf32, #tpu.memory_space<vmem>>[vector<16xi32>, vector<16xi32>], vector<16xf32>,
      %mul3A_484 = arith.mulf %gather3A_483, %exp3A_432 : vector<16xf32>
      tpu.vector_store_idx %arg12[%add3A_421, %broadcast_in_dim3A_482], %mul3A_484 : memref<128x17xf32, #tpu.memory_space<vmem>>[vector<16xi32>, vector<16xi32>], vector<16xf32>,
      %broadcast_in_dim3A_485 = arith.constant 13 : i32
      %broadcast_in_dim3A_486 = vector.broadcast %broadcast_in_dim3A_485 : i32 to vector<16xi32>
      %gather3A_487 = tpu.vector_load_idx %arg10[%add3A_421, %broadcast_in_dim3A_486] : memref<128x20xf32, #tpu.memory_space<vmem>>[vector<16xi32>, vector<16xi32>], vector<16xf32>,
      %mul3A_488 = arith.mulf %gather3A_487, %exp3A_432 : vector<16xf32>
      tpu.vector_store_idx %arg12[%add3A_421, %broadcast_in_dim3A_486], %mul3A_488 : memref<128x17xf32, #tpu.memory_space<vmem>>[vector<16xi32>, vector<16xi32>], vector<16xf32>,
      %broadcast_in_dim3A_489 = arith.constant 14 : i32
      %broadcast_in_dim3A_490 = vector.broadcast %broadcast_in_dim3A_489 : i32 to vector<16xi32>
      %gather3A_491 = tpu.vector_load_idx %arg10[%add3A_421, %broadcast_in_dim3A_490] : memref<128x20xf32, #tpu.memory_space<vmem>>[vector<16xi32>, vector<16xi32>], vector<16xf32>,
      %mul3A_492 = arith.mulf %gather3A_491, %exp3A_432 : vector<16xf32>
      tpu.vector_store_idx %arg12[%add3A_421, %broadcast_in_dim3A_490], %mul3A_492 : memref<128x17xf32, #tpu.memory_space<vmem>>[vector<16xi32>, vector<16xi32>], vector<16xf32>,
      %broadcast_in_dim3A_493 = arith.constant 15 : i32
      %broadcast_in_dim3A_494 = vector.broadcast %broadcast_in_dim3A_493 : i32 to vector<16xi32>
      %gather3A_495 = tpu.vector_load_idx %arg10[%add3A_421, %broadcast_in_dim3A_494] : memref<128x20xf32, #tpu.memory_space<vmem>>[vector<16xi32>, vector<16xi32>], vector<16xf32>,
      %mul3A_496 = arith.mulf %gather3A_495, %exp3A_432 : vector<16xf32>
      tpu.vector_store_idx %arg12[%add3A_421, %broadcast_in_dim3A_494], %mul3A_496 : memref<128x17xf32, #tpu.memory_space<vmem>>[vector<16xi32>, vector<16xi32>], vector<16xf32>,
      %add3A_497 = arith.constant 64 : i32
      %add3A_498 = vector.broadcast %add3A_497 : i32 to vector<16xi32>
      %add3A_499 = arith.addi %iota3A, %add3A_498 : vector<16xi32>
      %gather3A_500 = tpu.vector_load_idx %arg10[%add3A_499, %broadcast_in_dim3A_186] : memref<128x20xf32, #tpu.memory_space<vmem>>[vector<16xi32>, vector<16xi32>], vector<16xf32>,
      %gather3A_501 = tpu.vector_load_idx %arg11[%add3A_499, %broadcast_in_dim3A_188] : memref<128x20xf32, #tpu.memory_space<vmem>>[vector<16xi32>, vector<16xi32>], vector<16xf32>,
      %add3A_502 = arith.addf %gather3A_500, %gather3A_501 : vector<16xf32>
      %gt3A_503 = arith.constant 0.000000e+00 : f32
      %gt3A_504 = vector.broadcast %gt3A_503 : f32 to vector<16xf32>
      %gt3A_505 = arith.cmpf ogt, %add3A_502, %gt3A_504 : vector<16xf32>
      %mul3A_506 = arith.constant 2.000000e-01 : f32
      %mul3A_507 = vector.broadcast %mul3A_506 : f32 to vector<16xf32>
      %mul3A_508 = arith.mulf %mul3A_507, %add3A_502 : vector<16xf32>
      %select_n3A_509 = arith.select %gt3A_505, %add3A_502, %mul3A_508 : vector<16xi1>, vector<16xf32>
      %exp3A_510 = math.exp %select_n3A_509 : vector<16xf32>
      tpu.vector_store_idx %arg12[%add3A_499, %broadcast_in_dim3A_186], %exp3A_510 : memref<128x17xf32, #tpu.memory_space<vmem>>[vector<16xi32>, vector<16xi32>], vector<16xf32>,
      %broadcast_in_dim3A_511 = arith.constant 0 : i32
      %broadcast_in_dim3A_512 = vector.broadcast %broadcast_in_dim3A_511 : i32 to vector<16xi32>
      %gather3A_513 = tpu.vector_load_idx %arg10[%add3A_499, %broadcast_in_dim3A_512] : memref<128x20xf32, #tpu.memory_space<vmem>>[vector<16xi32>, vector<16xi32>], vector<16xf32>,
      %mul3A_514 = arith.mulf %gather3A_513, %exp3A_510 : vector<16xf32>
      tpu.vector_store_idx %arg12[%add3A_499, %broadcast_in_dim3A_512], %mul3A_514 : memref<128x17xf32, #tpu.memory_space<vmem>>[vector<16xi32>, vector<16xi32>], vector<16xf32>,
      %broadcast_in_dim3A_515 = arith.constant 1 : i32
      %broadcast_in_dim3A_516 = vector.broadcast %broadcast_in_dim3A_515 : i32 to vector<16xi32>
      %gather3A_517 = tpu.vector_load_idx %arg10[%add3A_499, %broadcast_in_dim3A_516] : memref<128x20xf32, #tpu.memory_space<vmem>>[vector<16xi32>, vector<16xi32>], vector<16xf32>,
      %mul3A_518 = arith.mulf %gather3A_517, %exp3A_510 : vector<16xf32>
      tpu.vector_store_idx %arg12[%add3A_499, %broadcast_in_dim3A_516], %mul3A_518 : memref<128x17xf32, #tpu.memory_space<vmem>>[vector<16xi32>, vector<16xi32>], vector<16xf32>,
      %broadcast_in_dim3A_519 = arith.constant 2 : i32
      %broadcast_in_dim3A_520 = vector.broadcast %broadcast_in_dim3A_519 : i32 to vector<16xi32>
      %gather3A_521 = tpu.vector_load_idx %arg10[%add3A_499, %broadcast_in_dim3A_520] : memref<128x20xf32, #tpu.memory_space<vmem>>[vector<16xi32>, vector<16xi32>], vector<16xf32>,
      %mul3A_522 = arith.mulf %gather3A_521, %exp3A_510 : vector<16xf32>
      tpu.vector_store_idx %arg12[%add3A_499, %broadcast_in_dim3A_520], %mul3A_522 : memref<128x17xf32, #tpu.memory_space<vmem>>[vector<16xi32>, vector<16xi32>], vector<16xf32>,
      %broadcast_in_dim3A_523 = arith.constant 3 : i32
      %broadcast_in_dim3A_524 = vector.broadcast %broadcast_in_dim3A_523 : i32 to vector<16xi32>
      %gather3A_525 = tpu.vector_load_idx %arg10[%add3A_499, %broadcast_in_dim3A_524] : memref<128x20xf32, #tpu.memory_space<vmem>>[vector<16xi32>, vector<16xi32>], vector<16xf32>,
      %mul3A_526 = arith.mulf %gather3A_525, %exp3A_510 : vector<16xf32>
      tpu.vector_store_idx %arg12[%add3A_499, %broadcast_in_dim3A_524], %mul3A_526 : memref<128x17xf32, #tpu.memory_space<vmem>>[vector<16xi32>, vector<16xi32>], vector<16xf32>,
      %broadcast_in_dim3A_527 = arith.constant 4 : i32
      %broadcast_in_dim3A_528 = vector.broadcast %broadcast_in_dim3A_527 : i32 to vector<16xi32>
      %gather3A_529 = tpu.vector_load_idx %arg10[%add3A_499, %broadcast_in_dim3A_528] : memref<128x20xf32, #tpu.memory_space<vmem>>[vector<16xi32>, vector<16xi32>], vector<16xf32>,
      %mul3A_530 = arith.mulf %gather3A_529, %exp3A_510 : vector<16xf32>
      tpu.vector_store_idx %arg12[%add3A_499, %broadcast_in_dim3A_528], %mul3A_530 : memref<128x17xf32, #tpu.memory_space<vmem>>[vector<16xi32>, vector<16xi32>], vector<16xf32>,
      %broadcast_in_dim3A_531 = arith.constant 5 : i32
      %broadcast_in_dim3A_532 = vector.broadcast %broadcast_in_dim3A_531 : i32 to vector<16xi32>
      %gather3A_533 = tpu.vector_load_idx %arg10[%add3A_499, %broadcast_in_dim3A_532] : memref<128x20xf32, #tpu.memory_space<vmem>>[vector<16xi32>, vector<16xi32>], vector<16xf32>,
      %mul3A_534 = arith.mulf %gather3A_533, %exp3A_510 : vector<16xf32>
      tpu.vector_store_idx %arg12[%add3A_499, %broadcast_in_dim3A_532], %mul3A_534 : memref<128x17xf32, #tpu.memory_space<vmem>>[vector<16xi32>, vector<16xi32>], vector<16xf32>,
      %broadcast_in_dim3A_535 = arith.constant 6 : i32
      %broadcast_in_dim3A_536 = vector.broadcast %broadcast_in_dim3A_535 : i32 to vector<16xi32>
      %gather3A_537 = tpu.vector_load_idx %arg10[%add3A_499, %broadcast_in_dim3A_536] : memref<128x20xf32, #tpu.memory_space<vmem>>[vector<16xi32>, vector<16xi32>], vector<16xf32>,
      %mul3A_538 = arith.mulf %gather3A_537, %exp3A_510 : vector<16xf32>
      tpu.vector_store_idx %arg12[%add3A_499, %broadcast_in_dim3A_536], %mul3A_538 : memref<128x17xf32, #tpu.memory_space<vmem>>[vector<16xi32>, vector<16xi32>], vector<16xf32>,
      %broadcast_in_dim3A_539 = arith.constant 7 : i32
      %broadcast_in_dim3A_540 = vector.broadcast %broadcast_in_dim3A_539 : i32 to vector<16xi32>
      %gather3A_541 = tpu.vector_load_idx %arg10[%add3A_499, %broadcast_in_dim3A_540] : memref<128x20xf32, #tpu.memory_space<vmem>>[vector<16xi32>, vector<16xi32>], vector<16xf32>,
      %mul3A_542 = arith.mulf %gather3A_541, %exp3A_510 : vector<16xf32>
      tpu.vector_store_idx %arg12[%add3A_499, %broadcast_in_dim3A_540], %mul3A_542 : memref<128x17xf32, #tpu.memory_space<vmem>>[vector<16xi32>, vector<16xi32>], vector<16xf32>,
      %broadcast_in_dim3A_543 = arith.constant 8 : i32
      %broadcast_in_dim3A_544 = vector.broadcast %broadcast_in_dim3A_543 : i32 to vector<16xi32>
      %gather3A_545 = tpu.vector_load_idx %arg10[%add3A_499, %broadcast_in_dim3A_544] : memref<128x20xf32, #tpu.memory_space<vmem>>[vector<16xi32>, vector<16xi32>], vector<16xf32>,
      %mul3A_546 = arith.mulf %gather3A_545, %exp3A_510 : vector<16xf32>
      tpu.vector_store_idx %arg12[%add3A_499, %broadcast_in_dim3A_544], %mul3A_546 : memref<128x17xf32, #tpu.memory_space<vmem>>[vector<16xi32>, vector<16xi32>], vector<16xf32>,
      %broadcast_in_dim3A_547 = arith.constant 9 : i32
      %broadcast_in_dim3A_548 = vector.broadcast %broadcast_in_dim3A_547 : i32 to vector<16xi32>
      %gather3A_549 = tpu.vector_load_idx %arg10[%add3A_499, %broadcast_in_dim3A_548] : memref<128x20xf32, #tpu.memory_space<vmem>>[vector<16xi32>, vector<16xi32>], vector<16xf32>,
      %mul3A_550 = arith.mulf %gather3A_549, %exp3A_510 : vector<16xf32>
      tpu.vector_store_idx %arg12[%add3A_499, %broadcast_in_dim3A_548], %mul3A_550 : memref<128x17xf32, #tpu.memory_space<vmem>>[vector<16xi32>, vector<16xi32>], vector<16xf32>,
      %broadcast_in_dim3A_551 = arith.constant 10 : i32
      %broadcast_in_dim3A_552 = vector.broadcast %broadcast_in_dim3A_551 : i32 to vector<16xi32>
      %gather3A_553 = tpu.vector_load_idx %arg10[%add3A_499, %broadcast_in_dim3A_552] : memref<128x20xf32, #tpu.memory_space<vmem>>[vector<16xi32>, vector<16xi32>], vector<16xf32>,
      %mul3A_554 = arith.mulf %gather3A_553, %exp3A_510 : vector<16xf32>
      tpu.vector_store_idx %arg12[%add3A_499, %broadcast_in_dim3A_552], %mul3A_554 : memref<128x17xf32, #tpu.memory_space<vmem>>[vector<16xi32>, vector<16xi32>], vector<16xf32>,
      %broadcast_in_dim3A_555 = arith.constant 11 : i32
      %broadcast_in_dim3A_556 = vector.broadcast %broadcast_in_dim3A_555 : i32 to vector<16xi32>
      %gather3A_557 = tpu.vector_load_idx %arg10[%add3A_499, %broadcast_in_dim3A_556] : memref<128x20xf32, #tpu.memory_space<vmem>>[vector<16xi32>, vector<16xi32>], vector<16xf32>,
      %mul3A_558 = arith.mulf %gather3A_557, %exp3A_510 : vector<16xf32>
      tpu.vector_store_idx %arg12[%add3A_499, %broadcast_in_dim3A_556], %mul3A_558 : memref<128x17xf32, #tpu.memory_space<vmem>>[vector<16xi32>, vector<16xi32>], vector<16xf32>,
      %broadcast_in_dim3A_559 = arith.constant 12 : i32
      %broadcast_in_dim3A_560 = vector.broadcast %broadcast_in_dim3A_559 : i32 to vector<16xi32>
      %gather3A_561 = tpu.vector_load_idx %arg10[%add3A_499, %broadcast_in_dim3A_560] : memref<128x20xf32, #tpu.memory_space<vmem>>[vector<16xi32>, vector<16xi32>], vector<16xf32>,
      %mul3A_562 = arith.mulf %gather3A_561, %exp3A_510 : vector<16xf32>
      tpu.vector_store_idx %arg12[%add3A_499, %broadcast_in_dim3A_560], %mul3A_562 : memref<128x17xf32, #tpu.memory_space<vmem>>[vector<16xi32>, vector<16xi32>], vector<16xf32>,
      %broadcast_in_dim3A_563 = arith.constant 13 : i32
      %broadcast_in_dim3A_564 = vector.broadcast %broadcast_in_dim3A_563 : i32 to vector<16xi32>
      %gather3A_565 = tpu.vector_load_idx %arg10[%add3A_499, %broadcast_in_dim3A_564] : memref<128x20xf32, #tpu.memory_space<vmem>>[vector<16xi32>, vector<16xi32>], vector<16xf32>,
      %mul3A_566 = arith.mulf %gather3A_565, %exp3A_510 : vector<16xf32>
      tpu.vector_store_idx %arg12[%add3A_499, %broadcast_in_dim3A_564], %mul3A_566 : memref<128x17xf32, #tpu.memory_space<vmem>>[vector<16xi32>, vector<16xi32>], vector<16xf32>,
      %broadcast_in_dim3A_567 = arith.constant 14 : i32
      %broadcast_in_dim3A_568 = vector.broadcast %broadcast_in_dim3A_567 : i32 to vector<16xi32>
      %gather3A_569 = tpu.vector_load_idx %arg10[%add3A_499, %broadcast_in_dim3A_568] : memref<128x20xf32, #tpu.memory_space<vmem>>[vector<16xi32>, vector<16xi32>], vector<16xf32>,
      %mul3A_570 = arith.mulf %gather3A_569, %exp3A_510 : vector<16xf32>
      tpu.vector_store_idx %arg12[%add3A_499, %broadcast_in_dim3A_568], %mul3A_570 : memref<128x17xf32, #tpu.memory_space<vmem>>[vector<16xi32>, vector<16xi32>], vector<16xf32>,
      %broadcast_in_dim3A_571 = arith.constant 15 : i32
      %broadcast_in_dim3A_572 = vector.broadcast %broadcast_in_dim3A_571 : i32 to vector<16xi32>
      %gather3A_573 = tpu.vector_load_idx %arg10[%add3A_499, %broadcast_in_dim3A_572] : memref<128x20xf32, #tpu.memory_space<vmem>>[vector<16xi32>, vector<16xi32>], vector<16xf32>,
      %mul3A_574 = arith.mulf %gather3A_573, %exp3A_510 : vector<16xf32>
      tpu.vector_store_idx %arg12[%add3A_499, %broadcast_in_dim3A_572], %mul3A_574 : memref<128x17xf32, #tpu.memory_space<vmem>>[vector<16xi32>, vector<16xi32>], vector<16xf32>,
      %add3A_575 = arith.constant 80 : i32
      %add3A_576 = vector.broadcast %add3A_575 : i32 to vector<16xi32>
      %add3A_577 = arith.addi %iota3A, %add3A_576 : vector<16xi32>
      %gather3A_578 = tpu.vector_load_idx %arg10[%add3A_577, %broadcast_in_dim3A_186] : memref<128x20xf32, #tpu.memory_space<vmem>>[vector<16xi32>, vector<16xi32>], vector<16xf32>,
      %gather3A_579 = tpu.vector_load_idx %arg11[%add3A_577, %broadcast_in_dim3A_188] : memref<128x20xf32, #tpu.memory_space<vmem>>[vector<16xi32>, vector<16xi32>], vector<16xf32>,
      %add3A_580 = arith.addf %gather3A_578, %gather3A_579 : vector<16xf32>
      %gt3A_581 = arith.constant 0.000000e+00 : f32
      %gt3A_582 = vector.broadcast %gt3A_581 : f32 to vector<16xf32>
      %gt3A_583 = arith.cmpf ogt, %add3A_580, %gt3A_582 : vector<16xf32>
      %mul3A_584 = arith.constant 2.000000e-01 : f32
      %mul3A_585 = vector.broadcast %mul3A_584 : f32 to vector<16xf32>
      %mul3A_586 = arith.mulf %mul3A_585, %add3A_580 : vector<16xf32>
      %select_n3A_587 = arith.select %gt3A_583, %add3A_580, %mul3A_586 : vector<16xi1>, vector<16xf32>
      %exp3A_588 = math.exp %select_n3A_587 : vector<16xf32>
      tpu.vector_store_idx %arg12[%add3A_577, %broadcast_in_dim3A_186], %exp3A_588 : memref<128x17xf32, #tpu.memory_space<vmem>>[vector<16xi32>, vector<16xi32>], vector<16xf32>,
      %broadcast_in_dim3A_589 = arith.constant 0 : i32
      %broadcast_in_dim3A_590 = vector.broadcast %broadcast_in_dim3A_589 : i32 to vector<16xi32>
      %gather3A_591 = tpu.vector_load_idx %arg10[%add3A_577, %broadcast_in_dim3A_590] : memref<128x20xf32, #tpu.memory_space<vmem>>[vector<16xi32>, vector<16xi32>], vector<16xf32>,
      %mul3A_592 = arith.mulf %gather3A_591, %exp3A_588 : vector<16xf32>
      tpu.vector_store_idx %arg12[%add3A_577, %broadcast_in_dim3A_590], %mul3A_592 : memref<128x17xf32, #tpu.memory_space<vmem>>[vector<16xi32>, vector<16xi32>], vector<16xf32>,
      %broadcast_in_dim3A_593 = arith.constant 1 : i32
      %broadcast_in_dim3A_594 = vector.broadcast %broadcast_in_dim3A_593 : i32 to vector<16xi32>
      %gather3A_595 = tpu.vector_load_idx %arg10[%add3A_577, %broadcast_in_dim3A_594] : memref<128x20xf32, #tpu.memory_space<vmem>>[vector<16xi32>, vector<16xi32>], vector<16xf32>,
      %mul3A_596 = arith.mulf %gather3A_595, %exp3A_588 : vector<16xf32>
      tpu.vector_store_idx %arg12[%add3A_577, %broadcast_in_dim3A_594], %mul3A_596 : memref<128x17xf32, #tpu.memory_space<vmem>>[vector<16xi32>, vector<16xi32>], vector<16xf32>,
      %broadcast_in_dim3A_597 = arith.constant 2 : i32
      %broadcast_in_dim3A_598 = vector.broadcast %broadcast_in_dim3A_597 : i32 to vector<16xi32>
      %gather3A_599 = tpu.vector_load_idx %arg10[%add3A_577, %broadcast_in_dim3A_598] : memref<128x20xf32, #tpu.memory_space<vmem>>[vector<16xi32>, vector<16xi32>], vector<16xf32>,
      %mul3A_600 = arith.mulf %gather3A_599, %exp3A_588 : vector<16xf32>
      tpu.vector_store_idx %arg12[%add3A_577, %broadcast_in_dim3A_598], %mul3A_600 : memref<128x17xf32, #tpu.memory_space<vmem>>[vector<16xi32>, vector<16xi32>], vector<16xf32>,
      %broadcast_in_dim3A_601 = arith.constant 3 : i32
      %broadcast_in_dim3A_602 = vector.broadcast %broadcast_in_dim3A_601 : i32 to vector<16xi32>
      %gather3A_603 = tpu.vector_load_idx %arg10[%add3A_577, %broadcast_in_dim3A_602] : memref<128x20xf32, #tpu.memory_space<vmem>>[vector<16xi32>, vector<16xi32>], vector<16xf32>,
      %mul3A_604 = arith.mulf %gather3A_603, %exp3A_588 : vector<16xf32>
      tpu.vector_store_idx %arg12[%add3A_577, %broadcast_in_dim3A_602], %mul3A_604 : memref<128x17xf32, #tpu.memory_space<vmem>>[vector<16xi32>, vector<16xi32>], vector<16xf32>,
      %broadcast_in_dim3A_605 = arith.constant 4 : i32
      %broadcast_in_dim3A_606 = vector.broadcast %broadcast_in_dim3A_605 : i32 to vector<16xi32>
      %gather3A_607 = tpu.vector_load_idx %arg10[%add3A_577, %broadcast_in_dim3A_606] : memref<128x20xf32, #tpu.memory_space<vmem>>[vector<16xi32>, vector<16xi32>], vector<16xf32>,
      %mul3A_608 = arith.mulf %gather3A_607, %exp3A_588 : vector<16xf32>
      tpu.vector_store_idx %arg12[%add3A_577, %broadcast_in_dim3A_606], %mul3A_608 : memref<128x17xf32, #tpu.memory_space<vmem>>[vector<16xi32>, vector<16xi32>], vector<16xf32>,
      %broadcast_in_dim3A_609 = arith.constant 5 : i32
      %broadcast_in_dim3A_610 = vector.broadcast %broadcast_in_dim3A_609 : i32 to vector<16xi32>
      %gather3A_611 = tpu.vector_load_idx %arg10[%add3A_577, %broadcast_in_dim3A_610] : memref<128x20xf32, #tpu.memory_space<vmem>>[vector<16xi32>, vector<16xi32>], vector<16xf32>,
      %mul3A_612 = arith.mulf %gather3A_611, %exp3A_588 : vector<16xf32>
      tpu.vector_store_idx %arg12[%add3A_577, %broadcast_in_dim3A_610], %mul3A_612 : memref<128x17xf32, #tpu.memory_space<vmem>>[vector<16xi32>, vector<16xi32>], vector<16xf32>,
      %broadcast_in_dim3A_613 = arith.constant 6 : i32
      %broadcast_in_dim3A_614 = vector.broadcast %broadcast_in_dim3A_613 : i32 to vector<16xi32>
      %gather3A_615 = tpu.vector_load_idx %arg10[%add3A_577, %broadcast_in_dim3A_614] : memref<128x20xf32, #tpu.memory_space<vmem>>[vector<16xi32>, vector<16xi32>], vector<16xf32>,
      %mul3A_616 = arith.mulf %gather3A_615, %exp3A_588 : vector<16xf32>
      tpu.vector_store_idx %arg12[%add3A_577, %broadcast_in_dim3A_614], %mul3A_616 : memref<128x17xf32, #tpu.memory_space<vmem>>[vector<16xi32>, vector<16xi32>], vector<16xf32>,
      %broadcast_in_dim3A_617 = arith.constant 7 : i32
      %broadcast_in_dim3A_618 = vector.broadcast %broadcast_in_dim3A_617 : i32 to vector<16xi32>
      %gather3A_619 = tpu.vector_load_idx %arg10[%add3A_577, %broadcast_in_dim3A_618] : memref<128x20xf32, #tpu.memory_space<vmem>>[vector<16xi32>, vector<16xi32>], vector<16xf32>,
      %mul3A_620 = arith.mulf %gather3A_619, %exp3A_588 : vector<16xf32>
      tpu.vector_store_idx %arg12[%add3A_577, %broadcast_in_dim3A_618], %mul3A_620 : memref<128x17xf32, #tpu.memory_space<vmem>>[vector<16xi32>, vector<16xi32>], vector<16xf32>,
      %broadcast_in_dim3A_621 = arith.constant 8 : i32
      %broadcast_in_dim3A_622 = vector.broadcast %broadcast_in_dim3A_621 : i32 to vector<16xi32>
      %gather3A_623 = tpu.vector_load_idx %arg10[%add3A_577, %broadcast_in_dim3A_622] : memref<128x20xf32, #tpu.memory_space<vmem>>[vector<16xi32>, vector<16xi32>], vector<16xf32>,
      %mul3A_624 = arith.mulf %gather3A_623, %exp3A_588 : vector<16xf32>
      tpu.vector_store_idx %arg12[%add3A_577, %broadcast_in_dim3A_622], %mul3A_624 : memref<128x17xf32, #tpu.memory_space<vmem>>[vector<16xi32>, vector<16xi32>], vector<16xf32>,
      %broadcast_in_dim3A_625 = arith.constant 9 : i32
      %broadcast_in_dim3A_626 = vector.broadcast %broadcast_in_dim3A_625 : i32 to vector<16xi32>
      %gather3A_627 = tpu.vector_load_idx %arg10[%add3A_577, %broadcast_in_dim3A_626] : memref<128x20xf32, #tpu.memory_space<vmem>>[vector<16xi32>, vector<16xi32>], vector<16xf32>,
      %mul3A_628 = arith.mulf %gather3A_627, %exp3A_588 : vector<16xf32>
      tpu.vector_store_idx %arg12[%add3A_577, %broadcast_in_dim3A_626], %mul3A_628 : memref<128x17xf32, #tpu.memory_space<vmem>>[vector<16xi32>, vector<16xi32>], vector<16xf32>,
      %broadcast_in_dim3A_629 = arith.constant 10 : i32
      %broadcast_in_dim3A_630 = vector.broadcast %broadcast_in_dim3A_629 : i32 to vector<16xi32>
      %gather3A_631 = tpu.vector_load_idx %arg10[%add3A_577, %broadcast_in_dim3A_630] : memref<128x20xf32, #tpu.memory_space<vmem>>[vector<16xi32>, vector<16xi32>], vector<16xf32>,
      %mul3A_632 = arith.mulf %gather3A_631, %exp3A_588 : vector<16xf32>
      tpu.vector_store_idx %arg12[%add3A_577, %broadcast_in_dim3A_630], %mul3A_632 : memref<128x17xf32, #tpu.memory_space<vmem>>[vector<16xi32>, vector<16xi32>], vector<16xf32>,
      %broadcast_in_dim3A_633 = arith.constant 11 : i32
      %broadcast_in_dim3A_634 = vector.broadcast %broadcast_in_dim3A_633 : i32 to vector<16xi32>
      %gather3A_635 = tpu.vector_load_idx %arg10[%add3A_577, %broadcast_in_dim3A_634] : memref<128x20xf32, #tpu.memory_space<vmem>>[vector<16xi32>, vector<16xi32>], vector<16xf32>,
      %mul3A_636 = arith.mulf %gather3A_635, %exp3A_588 : vector<16xf32>
      tpu.vector_store_idx %arg12[%add3A_577, %broadcast_in_dim3A_634], %mul3A_636 : memref<128x17xf32, #tpu.memory_space<vmem>>[vector<16xi32>, vector<16xi32>], vector<16xf32>,
      %broadcast_in_dim3A_637 = arith.constant 12 : i32
      %broadcast_in_dim3A_638 = vector.broadcast %broadcast_in_dim3A_637 : i32 to vector<16xi32>
      %gather3A_639 = tpu.vector_load_idx %arg10[%add3A_577, %broadcast_in_dim3A_638] : memref<128x20xf32, #tpu.memory_space<vmem>>[vector<16xi32>, vector<16xi32>], vector<16xf32>,
      %mul3A_640 = arith.mulf %gather3A_639, %exp3A_588 : vector<16xf32>
      tpu.vector_store_idx %arg12[%add3A_577, %broadcast_in_dim3A_638], %mul3A_640 : memref<128x17xf32, #tpu.memory_space<vmem>>[vector<16xi32>, vector<16xi32>], vector<16xf32>,
      %broadcast_in_dim3A_641 = arith.constant 13 : i32
      %broadcast_in_dim3A_642 = vector.broadcast %broadcast_in_dim3A_641 : i32 to vector<16xi32>
      %gather3A_643 = tpu.vector_load_idx %arg10[%add3A_577, %broadcast_in_dim3A_642] : memref<128x20xf32, #tpu.memory_space<vmem>>[vector<16xi32>, vector<16xi32>], vector<16xf32>,
      %mul3A_644 = arith.mulf %gather3A_643, %exp3A_588 : vector<16xf32>
      tpu.vector_store_idx %arg12[%add3A_577, %broadcast_in_dim3A_642], %mul3A_644 : memref<128x17xf32, #tpu.memory_space<vmem>>[vector<16xi32>, vector<16xi32>], vector<16xf32>,
      %broadcast_in_dim3A_645 = arith.constant 14 : i32
      %broadcast_in_dim3A_646 = vector.broadcast %broadcast_in_dim3A_645 : i32 to vector<16xi32>
      %gather3A_647 = tpu.vector_load_idx %arg10[%add3A_577, %broadcast_in_dim3A_646] : memref<128x20xf32, #tpu.memory_space<vmem>>[vector<16xi32>, vector<16xi32>], vector<16xf32>,
      %mul3A_648 = arith.mulf %gather3A_647, %exp3A_588 : vector<16xf32>
      tpu.vector_store_idx %arg12[%add3A_577, %broadcast_in_dim3A_646], %mul3A_648 : memref<128x17xf32, #tpu.memory_space<vmem>>[vector<16xi32>, vector<16xi32>], vector<16xf32>,
      %broadcast_in_dim3A_649 = arith.constant 15 : i32
      %broadcast_in_dim3A_650 = vector.broadcast %broadcast_in_dim3A_649 : i32 to vector<16xi32>
      %gather3A_651 = tpu.vector_load_idx %arg10[%add3A_577, %broadcast_in_dim3A_650] : memref<128x20xf32, #tpu.memory_space<vmem>>[vector<16xi32>, vector<16xi32>], vector<16xf32>,
      %mul3A_652 = arith.mulf %gather3A_651, %exp3A_588 : vector<16xf32>
      tpu.vector_store_idx %arg12[%add3A_577, %broadcast_in_dim3A_650], %mul3A_652 : memref<128x17xf32, #tpu.memory_space<vmem>>[vector<16xi32>, vector<16xi32>], vector<16xf32>,
      %add3A_653 = arith.constant 96 : i32
      %add3A_654 = vector.broadcast %add3A_653 : i32 to vector<16xi32>
      %add3A_655 = arith.addi %iota3A, %add3A_654 : vector<16xi32>
      %gather3A_656 = tpu.vector_load_idx %arg10[%add3A_655, %broadcast_in_dim3A_186] : memref<128x20xf32, #tpu.memory_space<vmem>>[vector<16xi32>, vector<16xi32>], vector<16xf32>,
      %gather3A_657 = tpu.vector_load_idx %arg11[%add3A_655, %broadcast_in_dim3A_188] : memref<128x20xf32, #tpu.memory_space<vmem>>[vector<16xi32>, vector<16xi32>], vector<16xf32>,
      %add3A_658 = arith.addf %gather3A_656, %gather3A_657 : vector<16xf32>
      %gt3A_659 = arith.constant 0.000000e+00 : f32
      %gt3A_660 = vector.broadcast %gt3A_659 : f32 to vector<16xf32>
      %gt3A_661 = arith.cmpf ogt, %add3A_658, %gt3A_660 : vector<16xf32>
      %mul3A_662 = arith.constant 2.000000e-01 : f32
      %mul3A_663 = vector.broadcast %mul3A_662 : f32 to vector<16xf32>
      %mul3A_664 = arith.mulf %mul3A_663, %add3A_658 : vector<16xf32>
      %select_n3A_665 = arith.select %gt3A_661, %add3A_658, %mul3A_664 : vector<16xi1>, vector<16xf32>
      %exp3A_666 = math.exp %select_n3A_665 : vector<16xf32>
      tpu.vector_store_idx %arg12[%add3A_655, %broadcast_in_dim3A_186], %exp3A_666 : memref<128x17xf32, #tpu.memory_space<vmem>>[vector<16xi32>, vector<16xi32>], vector<16xf32>,
      %broadcast_in_dim3A_667 = arith.constant 0 : i32
      %broadcast_in_dim3A_668 = vector.broadcast %broadcast_in_dim3A_667 : i32 to vector<16xi32>
      %gather3A_669 = tpu.vector_load_idx %arg10[%add3A_655, %broadcast_in_dim3A_668] : memref<128x20xf32, #tpu.memory_space<vmem>>[vector<16xi32>, vector<16xi32>], vector<16xf32>,
      %mul3A_670 = arith.mulf %gather3A_669, %exp3A_666 : vector<16xf32>
      tpu.vector_store_idx %arg12[%add3A_655, %broadcast_in_dim3A_668], %mul3A_670 : memref<128x17xf32, #tpu.memory_space<vmem>>[vector<16xi32>, vector<16xi32>], vector<16xf32>,
      %broadcast_in_dim3A_671 = arith.constant 1 : i32
      %broadcast_in_dim3A_672 = vector.broadcast %broadcast_in_dim3A_671 : i32 to vector<16xi32>
      %gather3A_673 = tpu.vector_load_idx %arg10[%add3A_655, %broadcast_in_dim3A_672] : memref<128x20xf32, #tpu.memory_space<vmem>>[vector<16xi32>, vector<16xi32>], vector<16xf32>,
      %mul3A_674 = arith.mulf %gather3A_673, %exp3A_666 : vector<16xf32>
      tpu.vector_store_idx %arg12[%add3A_655, %broadcast_in_dim3A_672], %mul3A_674 : memref<128x17xf32, #tpu.memory_space<vmem>>[vector<16xi32>, vector<16xi32>], vector<16xf32>,
      %broadcast_in_dim3A_675 = arith.constant 2 : i32
      %broadcast_in_dim3A_676 = vector.broadcast %broadcast_in_dim3A_675 : i32 to vector<16xi32>
      %gather3A_677 = tpu.vector_load_idx %arg10[%add3A_655, %broadcast_in_dim3A_676] : memref<128x20xf32, #tpu.memory_space<vmem>>[vector<16xi32>, vector<16xi32>], vector<16xf32>,
      %mul3A_678 = arith.mulf %gather3A_677, %exp3A_666 : vector<16xf32>
      tpu.vector_store_idx %arg12[%add3A_655, %broadcast_in_dim3A_676], %mul3A_678 : memref<128x17xf32, #tpu.memory_space<vmem>>[vector<16xi32>, vector<16xi32>], vector<16xf32>,
      %broadcast_in_dim3A_679 = arith.constant 3 : i32
      %broadcast_in_dim3A_680 = vector.broadcast %broadcast_in_dim3A_679 : i32 to vector<16xi32>
      %gather3A_681 = tpu.vector_load_idx %arg10[%add3A_655, %broadcast_in_dim3A_680] : memref<128x20xf32, #tpu.memory_space<vmem>>[vector<16xi32>, vector<16xi32>], vector<16xf32>,
      %mul3A_682 = arith.mulf %gather3A_681, %exp3A_666 : vector<16xf32>
      tpu.vector_store_idx %arg12[%add3A_655, %broadcast_in_dim3A_680], %mul3A_682 : memref<128x17xf32, #tpu.memory_space<vmem>>[vector<16xi32>, vector<16xi32>], vector<16xf32>,
      %broadcast_in_dim3A_683 = arith.constant 4 : i32
      %broadcast_in_dim3A_684 = vector.broadcast %broadcast_in_dim3A_683 : i32 to vector<16xi32>
      %gather3A_685 = tpu.vector_load_idx %arg10[%add3A_655, %broadcast_in_dim3A_684] : memref<128x20xf32, #tpu.memory_space<vmem>>[vector<16xi32>, vector<16xi32>], vector<16xf32>,
      %mul3A_686 = arith.mulf %gather3A_685, %exp3A_666 : vector<16xf32>
      tpu.vector_store_idx %arg12[%add3A_655, %broadcast_in_dim3A_684], %mul3A_686 : memref<128x17xf32, #tpu.memory_space<vmem>>[vector<16xi32>, vector<16xi32>], vector<16xf32>,
      %broadcast_in_dim3A_687 = arith.constant 5 : i32
      %broadcast_in_dim3A_688 = vector.broadcast %broadcast_in_dim3A_687 : i32 to vector<16xi32>
      %gather3A_689 = tpu.vector_load_idx %arg10[%add3A_655, %broadcast_in_dim3A_688] : memref<128x20xf32, #tpu.memory_space<vmem>>[vector<16xi32>, vector<16xi32>], vector<16xf32>,
      %mul3A_690 = arith.mulf %gather3A_689, %exp3A_666 : vector<16xf32>
      tpu.vector_store_idx %arg12[%add3A_655, %broadcast_in_dim3A_688], %mul3A_690 : memref<128x17xf32, #tpu.memory_space<vmem>>[vector<16xi32>, vector<16xi32>], vector<16xf32>,
      %broadcast_in_dim3A_691 = arith.constant 6 : i32
      %broadcast_in_dim3A_692 = vector.broadcast %broadcast_in_dim3A_691 : i32 to vector<16xi32>
      %gather3A_693 = tpu.vector_load_idx %arg10[%add3A_655, %broadcast_in_dim3A_692] : memref<128x20xf32, #tpu.memory_space<vmem>>[vector<16xi32>, vector<16xi32>], vector<16xf32>,
      %mul3A_694 = arith.mulf %gather3A_693, %exp3A_666 : vector<16xf32>
      tpu.vector_store_idx %arg12[%add3A_655, %broadcast_in_dim3A_692], %mul3A_694 : memref<128x17xf32, #tpu.memory_space<vmem>>[vector<16xi32>, vector<16xi32>], vector<16xf32>,
      %broadcast_in_dim3A_695 = arith.constant 7 : i32
      %broadcast_in_dim3A_696 = vector.broadcast %broadcast_in_dim3A_695 : i32 to vector<16xi32>
      %gather3A_697 = tpu.vector_load_idx %arg10[%add3A_655, %broadcast_in_dim3A_696] : memref<128x20xf32, #tpu.memory_space<vmem>>[vector<16xi32>, vector<16xi32>], vector<16xf32>,
      %mul3A_698 = arith.mulf %gather3A_697, %exp3A_666 : vector<16xf32>
      tpu.vector_store_idx %arg12[%add3A_655, %broadcast_in_dim3A_696], %mul3A_698 : memref<128x17xf32, #tpu.memory_space<vmem>>[vector<16xi32>, vector<16xi32>], vector<16xf32>,
      %broadcast_in_dim3A_699 = arith.constant 8 : i32
      %broadcast_in_dim3A_700 = vector.broadcast %broadcast_in_dim3A_699 : i32 to vector<16xi32>
      %gather3A_701 = tpu.vector_load_idx %arg10[%add3A_655, %broadcast_in_dim3A_700] : memref<128x20xf32, #tpu.memory_space<vmem>>[vector<16xi32>, vector<16xi32>], vector<16xf32>,
      %mul3A_702 = arith.mulf %gather3A_701, %exp3A_666 : vector<16xf32>
      tpu.vector_store_idx %arg12[%add3A_655, %broadcast_in_dim3A_700], %mul3A_702 : memref<128x17xf32, #tpu.memory_space<vmem>>[vector<16xi32>, vector<16xi32>], vector<16xf32>,
      %broadcast_in_dim3A_703 = arith.constant 9 : i32
      %broadcast_in_dim3A_704 = vector.broadcast %broadcast_in_dim3A_703 : i32 to vector<16xi32>
      %gather3A_705 = tpu.vector_load_idx %arg10[%add3A_655, %broadcast_in_dim3A_704] : memref<128x20xf32, #tpu.memory_space<vmem>>[vector<16xi32>, vector<16xi32>], vector<16xf32>,
      %mul3A_706 = arith.mulf %gather3A_705, %exp3A_666 : vector<16xf32>
      tpu.vector_store_idx %arg12[%add3A_655, %broadcast_in_dim3A_704], %mul3A_706 : memref<128x17xf32, #tpu.memory_space<vmem>>[vector<16xi32>, vector<16xi32>], vector<16xf32>,
      %broadcast_in_dim3A_707 = arith.constant 10 : i32
      %broadcast_in_dim3A_708 = vector.broadcast %broadcast_in_dim3A_707 : i32 to vector<16xi32>
      %gather3A_709 = tpu.vector_load_idx %arg10[%add3A_655, %broadcast_in_dim3A_708] : memref<128x20xf32, #tpu.memory_space<vmem>>[vector<16xi32>, vector<16xi32>], vector<16xf32>,
      %mul3A_710 = arith.mulf %gather3A_709, %exp3A_666 : vector<16xf32>
      tpu.vector_store_idx %arg12[%add3A_655, %broadcast_in_dim3A_708], %mul3A_710 : memref<128x17xf32, #tpu.memory_space<vmem>>[vector<16xi32>, vector<16xi32>], vector<16xf32>,
      %broadcast_in_dim3A_711 = arith.constant 11 : i32
      %broadcast_in_dim3A_712 = vector.broadcast %broadcast_in_dim3A_711 : i32 to vector<16xi32>
      %gather3A_713 = tpu.vector_load_idx %arg10[%add3A_655, %broadcast_in_dim3A_712] : memref<128x20xf32, #tpu.memory_space<vmem>>[vector<16xi32>, vector<16xi32>], vector<16xf32>,
      %mul3A_714 = arith.mulf %gather3A_713, %exp3A_666 : vector<16xf32>
      tpu.vector_store_idx %arg12[%add3A_655, %broadcast_in_dim3A_712], %mul3A_714 : memref<128x17xf32, #tpu.memory_space<vmem>>[vector<16xi32>, vector<16xi32>], vector<16xf32>,
      %broadcast_in_dim3A_715 = arith.constant 12 : i32
      %broadcast_in_dim3A_716 = vector.broadcast %broadcast_in_dim3A_715 : i32 to vector<16xi32>
      %gather3A_717 = tpu.vector_load_idx %arg10[%add3A_655, %broadcast_in_dim3A_716] : memref<128x20xf32, #tpu.memory_space<vmem>>[vector<16xi32>, vector<16xi32>], vector<16xf32>,
      %mul3A_718 = arith.mulf %gather3A_717, %exp3A_666 : vector<16xf32>
      tpu.vector_store_idx %arg12[%add3A_655, %broadcast_in_dim3A_716], %mul3A_718 : memref<128x17xf32, #tpu.memory_space<vmem>>[vector<16xi32>, vector<16xi32>], vector<16xf32>,
      %broadcast_in_dim3A_719 = arith.constant 13 : i32
      %broadcast_in_dim3A_720 = vector.broadcast %broadcast_in_dim3A_719 : i32 to vector<16xi32>
      %gather3A_721 = tpu.vector_load_idx %arg10[%add3A_655, %broadcast_in_dim3A_720] : memref<128x20xf32, #tpu.memory_space<vmem>>[vector<16xi32>, vector<16xi32>], vector<16xf32>,
      %mul3A_722 = arith.mulf %gather3A_721, %exp3A_666 : vector<16xf32>
      tpu.vector_store_idx %arg12[%add3A_655, %broadcast_in_dim3A_720], %mul3A_722 : memref<128x17xf32, #tpu.memory_space<vmem>>[vector<16xi32>, vector<16xi32>], vector<16xf32>,
      %broadcast_in_dim3A_723 = arith.constant 14 : i32
      %broadcast_in_dim3A_724 = vector.broadcast %broadcast_in_dim3A_723 : i32 to vector<16xi32>
      %gather3A_725 = tpu.vector_load_idx %arg10[%add3A_655, %broadcast_in_dim3A_724] : memref<128x20xf32, #tpu.memory_space<vmem>>[vector<16xi32>, vector<16xi32>], vector<16xf32>,
      %mul3A_726 = arith.mulf %gather3A_725, %exp3A_666 : vector<16xf32>
      tpu.vector_store_idx %arg12[%add3A_655, %broadcast_in_dim3A_724], %mul3A_726 : memref<128x17xf32, #tpu.memory_space<vmem>>[vector<16xi32>, vector<16xi32>], vector<16xf32>,
      %broadcast_in_dim3A_727 = arith.constant 15 : i32
      %broadcast_in_dim3A_728 = vector.broadcast %broadcast_in_dim3A_727 : i32 to vector<16xi32>
      %gather3A_729 = tpu.vector_load_idx %arg10[%add3A_655, %broadcast_in_dim3A_728] : memref<128x20xf32, #tpu.memory_space<vmem>>[vector<16xi32>, vector<16xi32>], vector<16xf32>,
      %mul3A_730 = arith.mulf %gather3A_729, %exp3A_666 : vector<16xf32>
      tpu.vector_store_idx %arg12[%add3A_655, %broadcast_in_dim3A_728], %mul3A_730 : memref<128x17xf32, #tpu.memory_space<vmem>>[vector<16xi32>, vector<16xi32>], vector<16xf32>,
      %add3A_731 = arith.constant 112 : i32
      %add3A_732 = vector.broadcast %add3A_731 : i32 to vector<16xi32>
      %add3A_733 = arith.addi %iota3A, %add3A_732 : vector<16xi32>
      %gather3A_734 = tpu.vector_load_idx %arg10[%add3A_733, %broadcast_in_dim3A_186] : memref<128x20xf32, #tpu.memory_space<vmem>>[vector<16xi32>, vector<16xi32>], vector<16xf32>,
      %gather3A_735 = tpu.vector_load_idx %arg11[%add3A_733, %broadcast_in_dim3A_188] : memref<128x20xf32, #tpu.memory_space<vmem>>[vector<16xi32>, vector<16xi32>], vector<16xf32>,
      %add3A_736 = arith.addf %gather3A_734, %gather3A_735 : vector<16xf32>
      %gt3A_737 = arith.constant 0.000000e+00 : f32
      %gt3A_738 = vector.broadcast %gt3A_737 : f32 to vector<16xf32>
      %gt3A_739 = arith.cmpf ogt, %add3A_736, %gt3A_738 : vector<16xf32>
      %mul3A_740 = arith.constant 2.000000e-01 : f32
      %mul3A_741 = vector.broadcast %mul3A_740 : f32 to vector<16xf32>
      %mul3A_742 = arith.mulf %mul3A_741, %add3A_736 : vector<16xf32>
      %select_n3A_743 = arith.select %gt3A_739, %add3A_736, %mul3A_742 : vector<16xi1>, vector<16xf32>
      %exp3A_744 = math.exp %select_n3A_743 : vector<16xf32>
      tpu.vector_store_idx %arg12[%add3A_733, %broadcast_in_dim3A_186], %exp3A_744 : memref<128x17xf32, #tpu.memory_space<vmem>>[vector<16xi32>, vector<16xi32>], vector<16xf32>,
      %broadcast_in_dim3A_745 = arith.constant 0 : i32
      %broadcast_in_dim3A_746 = vector.broadcast %broadcast_in_dim3A_745 : i32 to vector<16xi32>
      %gather3A_747 = tpu.vector_load_idx %arg10[%add3A_733, %broadcast_in_dim3A_746] : memref<128x20xf32, #tpu.memory_space<vmem>>[vector<16xi32>, vector<16xi32>], vector<16xf32>,
      %mul3A_748 = arith.mulf %gather3A_747, %exp3A_744 : vector<16xf32>
      tpu.vector_store_idx %arg12[%add3A_733, %broadcast_in_dim3A_746], %mul3A_748 : memref<128x17xf32, #tpu.memory_space<vmem>>[vector<16xi32>, vector<16xi32>], vector<16xf32>,
      %broadcast_in_dim3A_749 = arith.constant 1 : i32
      %broadcast_in_dim3A_750 = vector.broadcast %broadcast_in_dim3A_749 : i32 to vector<16xi32>
      %gather3A_751 = tpu.vector_load_idx %arg10[%add3A_733, %broadcast_in_dim3A_750] : memref<128x20xf32, #tpu.memory_space<vmem>>[vector<16xi32>, vector<16xi32>], vector<16xf32>,
      %mul3A_752 = arith.mulf %gather3A_751, %exp3A_744 : vector<16xf32>
      tpu.vector_store_idx %arg12[%add3A_733, %broadcast_in_dim3A_750], %mul3A_752 : memref<128x17xf32, #tpu.memory_space<vmem>>[vector<16xi32>, vector<16xi32>], vector<16xf32>,
      %broadcast_in_dim3A_753 = arith.constant 2 : i32
      %broadcast_in_dim3A_754 = vector.broadcast %broadcast_in_dim3A_753 : i32 to vector<16xi32>
      %gather3A_755 = tpu.vector_load_idx %arg10[%add3A_733, %broadcast_in_dim3A_754] : memref<128x20xf32, #tpu.memory_space<vmem>>[vector<16xi32>, vector<16xi32>], vector<16xf32>,
      %mul3A_756 = arith.mulf %gather3A_755, %exp3A_744 : vector<16xf32>
      tpu.vector_store_idx %arg12[%add3A_733, %broadcast_in_dim3A_754], %mul3A_756 : memref<128x17xf32, #tpu.memory_space<vmem>>[vector<16xi32>, vector<16xi32>], vector<16xf32>,
      %broadcast_in_dim3A_757 = arith.constant 3 : i32
      %broadcast_in_dim3A_758 = vector.broadcast %broadcast_in_dim3A_757 : i32 to vector<16xi32>
      %gather3A_759 = tpu.vector_load_idx %arg10[%add3A_733, %broadcast_in_dim3A_758] : memref<128x20xf32, #tpu.memory_space<vmem>>[vector<16xi32>, vector<16xi32>], vector<16xf32>,
      %mul3A_760 = arith.mulf %gather3A_759, %exp3A_744 : vector<16xf32>
      tpu.vector_store_idx %arg12[%add3A_733, %broadcast_in_dim3A_758], %mul3A_760 : memref<128x17xf32, #tpu.memory_space<vmem>>[vector<16xi32>, vector<16xi32>], vector<16xf32>,
      %broadcast_in_dim3A_761 = arith.constant 4 : i32
      %broadcast_in_dim3A_762 = vector.broadcast %broadcast_in_dim3A_761 : i32 to vector<16xi32>
      %gather3A_763 = tpu.vector_load_idx %arg10[%add3A_733, %broadcast_in_dim3A_762] : memref<128x20xf32, #tpu.memory_space<vmem>>[vector<16xi32>, vector<16xi32>], vector<16xf32>,
      %mul3A_764 = arith.mulf %gather3A_763, %exp3A_744 : vector<16xf32>
      tpu.vector_store_idx %arg12[%add3A_733, %broadcast_in_dim3A_762], %mul3A_764 : memref<128x17xf32, #tpu.memory_space<vmem>>[vector<16xi32>, vector<16xi32>], vector<16xf32>,
      %broadcast_in_dim3A_765 = arith.constant 5 : i32
      %broadcast_in_dim3A_766 = vector.broadcast %broadcast_in_dim3A_765 : i32 to vector<16xi32>
      %gather3A_767 = tpu.vector_load_idx %arg10[%add3A_733, %broadcast_in_dim3A_766] : memref<128x20xf32, #tpu.memory_space<vmem>>[vector<16xi32>, vector<16xi32>], vector<16xf32>,
      %mul3A_768 = arith.mulf %gather3A_767, %exp3A_744 : vector<16xf32>
      tpu.vector_store_idx %arg12[%add3A_733, %broadcast_in_dim3A_766], %mul3A_768 : memref<128x17xf32, #tpu.memory_space<vmem>>[vector<16xi32>, vector<16xi32>], vector<16xf32>,
      %broadcast_in_dim3A_769 = arith.constant 6 : i32
      %broadcast_in_dim3A_770 = vector.broadcast %broadcast_in_dim3A_769 : i32 to vector<16xi32>
      %gather3A_771 = tpu.vector_load_idx %arg10[%add3A_733, %broadcast_in_dim3A_770] : memref<128x20xf32, #tpu.memory_space<vmem>>[vector<16xi32>, vector<16xi32>], vector<16xf32>,
      %mul3A_772 = arith.mulf %gather3A_771, %exp3A_744 : vector<16xf32>
      tpu.vector_store_idx %arg12[%add3A_733, %broadcast_in_dim3A_770], %mul3A_772 : memref<128x17xf32, #tpu.memory_space<vmem>>[vector<16xi32>, vector<16xi32>], vector<16xf32>,
      %broadcast_in_dim3A_773 = arith.constant 7 : i32
      %broadcast_in_dim3A_774 = vector.broadcast %broadcast_in_dim3A_773 : i32 to vector<16xi32>
      %gather3A_775 = tpu.vector_load_idx %arg10[%add3A_733, %broadcast_in_dim3A_774] : memref<128x20xf32, #tpu.memory_space<vmem>>[vector<16xi32>, vector<16xi32>], vector<16xf32>,
      %mul3A_776 = arith.mulf %gather3A_775, %exp3A_744 : vector<16xf32>
      tpu.vector_store_idx %arg12[%add3A_733, %broadcast_in_dim3A_774], %mul3A_776 : memref<128x17xf32, #tpu.memory_space<vmem>>[vector<16xi32>, vector<16xi32>], vector<16xf32>,
      %broadcast_in_dim3A_777 = arith.constant 8 : i32
      %broadcast_in_dim3A_778 = vector.broadcast %broadcast_in_dim3A_777 : i32 to vector<16xi32>
      %gather3A_779 = tpu.vector_load_idx %arg10[%add3A_733, %broadcast_in_dim3A_778] : memref<128x20xf32, #tpu.memory_space<vmem>>[vector<16xi32>, vector<16xi32>], vector<16xf32>,
      %mul3A_780 = arith.mulf %gather3A_779, %exp3A_744 : vector<16xf32>
      tpu.vector_store_idx %arg12[%add3A_733, %broadcast_in_dim3A_778], %mul3A_780 : memref<128x17xf32, #tpu.memory_space<vmem>>[vector<16xi32>, vector<16xi32>], vector<16xf32>,
      %broadcast_in_dim3A_781 = arith.constant 9 : i32
      %broadcast_in_dim3A_782 = vector.broadcast %broadcast_in_dim3A_781 : i32 to vector<16xi32>
      %gather3A_783 = tpu.vector_load_idx %arg10[%add3A_733, %broadcast_in_dim3A_782] : memref<128x20xf32, #tpu.memory_space<vmem>>[vector<16xi32>, vector<16xi32>], vector<16xf32>,
      %mul3A_784 = arith.mulf %gather3A_783, %exp3A_744 : vector<16xf32>
      tpu.vector_store_idx %arg12[%add3A_733, %broadcast_in_dim3A_782], %mul3A_784 : memref<128x17xf32, #tpu.memory_space<vmem>>[vector<16xi32>, vector<16xi32>], vector<16xf32>,
      %broadcast_in_dim3A_785 = arith.constant 10 : i32
      %broadcast_in_dim3A_786 = vector.broadcast %broadcast_in_dim3A_785 : i32 to vector<16xi32>
      %gather3A_787 = tpu.vector_load_idx %arg10[%add3A_733, %broadcast_in_dim3A_786] : memref<128x20xf32, #tpu.memory_space<vmem>>[vector<16xi32>, vector<16xi32>], vector<16xf32>,
      %mul3A_788 = arith.mulf %gather3A_787, %exp3A_744 : vector<16xf32>
      tpu.vector_store_idx %arg12[%add3A_733, %broadcast_in_dim3A_786], %mul3A_788 : memref<128x17xf32, #tpu.memory_space<vmem>>[vector<16xi32>, vector<16xi32>], vector<16xf32>,
      %broadcast_in_dim3A_789 = arith.constant 11 : i32
      %broadcast_in_dim3A_790 = vector.broadcast %broadcast_in_dim3A_789 : i32 to vector<16xi32>
      %gather3A_791 = tpu.vector_load_idx %arg10[%add3A_733, %broadcast_in_dim3A_790] : memref<128x20xf32, #tpu.memory_space<vmem>>[vector<16xi32>, vector<16xi32>], vector<16xf32>,
      %mul3A_792 = arith.mulf %gather3A_791, %exp3A_744 : vector<16xf32>
      tpu.vector_store_idx %arg12[%add3A_733, %broadcast_in_dim3A_790], %mul3A_792 : memref<128x17xf32, #tpu.memory_space<vmem>>[vector<16xi32>, vector<16xi32>], vector<16xf32>,
      %broadcast_in_dim3A_793 = arith.constant 12 : i32
      %broadcast_in_dim3A_794 = vector.broadcast %broadcast_in_dim3A_793 : i32 to vector<16xi32>
      %gather3A_795 = tpu.vector_load_idx %arg10[%add3A_733, %broadcast_in_dim3A_794] : memref<128x20xf32, #tpu.memory_space<vmem>>[vector<16xi32>, vector<16xi32>], vector<16xf32>,
      %mul3A_796 = arith.mulf %gather3A_795, %exp3A_744 : vector<16xf32>
      tpu.vector_store_idx %arg12[%add3A_733, %broadcast_in_dim3A_794], %mul3A_796 : memref<128x17xf32, #tpu.memory_space<vmem>>[vector<16xi32>, vector<16xi32>], vector<16xf32>,
      %broadcast_in_dim3A_797 = arith.constant 13 : i32
      %broadcast_in_dim3A_798 = vector.broadcast %broadcast_in_dim3A_797 : i32 to vector<16xi32>
      %gather3A_799 = tpu.vector_load_idx %arg10[%add3A_733, %broadcast_in_dim3A_798] : memref<128x20xf32, #tpu.memory_space<vmem>>[vector<16xi32>, vector<16xi32>], vector<16xf32>,
      %mul3A_800 = arith.mulf %gather3A_799, %exp3A_744 : vector<16xf32>
      tpu.vector_store_idx %arg12[%add3A_733, %broadcast_in_dim3A_798], %mul3A_800 : memref<128x17xf32, #tpu.memory_space<vmem>>[vector<16xi32>, vector<16xi32>], vector<16xf32>,
      %broadcast_in_dim3A_801 = arith.constant 14 : i32
      %broadcast_in_dim3A_802 = vector.broadcast %broadcast_in_dim3A_801 : i32 to vector<16xi32>
      %gather3A_803 = tpu.vector_load_idx %arg10[%add3A_733, %broadcast_in_dim3A_802] : memref<128x20xf32, #tpu.memory_space<vmem>>[vector<16xi32>, vector<16xi32>], vector<16xf32>,
      %mul3A_804 = arith.mulf %gather3A_803, %exp3A_744 : vector<16xf32>
      tpu.vector_store_idx %arg12[%add3A_733, %broadcast_in_dim3A_802], %mul3A_804 : memref<128x17xf32, #tpu.memory_space<vmem>>[vector<16xi32>, vector<16xi32>], vector<16xf32>,
      %broadcast_in_dim3A_805 = arith.constant 15 : i32
      %broadcast_in_dim3A_806 = vector.broadcast %broadcast_in_dim3A_805 : i32 to vector<16xi32>
      %gather3A_807 = tpu.vector_load_idx %arg10[%add3A_733, %broadcast_in_dim3A_806] : memref<128x20xf32, #tpu.memory_space<vmem>>[vector<16xi32>, vector<16xi32>], vector<16xf32>,
      %mul3A_808 = arith.mulf %gather3A_807, %exp3A_744 : vector<16xf32>
      tpu.vector_store_idx %arg12[%add3A_733, %broadcast_in_dim3A_806], %mul3A_808 : memref<128x17xf32, #tpu.memory_space<vmem>>[vector<16xi32>, vector<16xi32>], vector<16xf32>,
      "tpu.region"() ({
        %run_scoped3A = tpu.sem_alloc : memref<!tpu.dma_semaphore, #tpu.memory_space<semaphore_mem>>
        %dma_start3A_810 = arith.constant 0 : i32
        %dma_start3A_811 = arith.constant 0 : i32
        %dma_start3A_812 = tpu.memref_slice %arg15[%dma_start3A_810, %dma_start3A_811] : memref<50176x17xf32, #tpu.memory_space<vmem_shared>> -> memref<50176x17xf32, #tpu.memory_space<vmem_shared>>
        tpu.enqueue_indirect_dma source(%arg12 : memref<128x17xf32, #tpu.memory_space<vmem>>) target(%dma_start3A_812 : memref<50176x17xf32, #tpu.memory_space<vmem_shared>>) offsets(%arg7 : memref<128xi32, #tpu.memory_space<vmem>>) semaphore(%run_scoped3A : memref<!tpu.dma_semaphore, #tpu.memory_space<semaphore_mem>>) {add = true}
        %dma_wait3A_813 = arith.constant 0 : i32
        %dma_wait3A_814 = arith.constant 0 : i32
        %dma_wait3A_815 = tpu.memref_slice %arg15[%dma_wait3A_813, %dma_wait3A_814] : memref<50176x17xf32, #tpu.memory_space<vmem_shared>> -> memref<50176x17xf32, #tpu.memory_space<vmem_shared>>
        tpu.wait_indirect_dma semaphore(%run_scoped3A : memref<!tpu.dma_semaphore, #tpu.memory_space<semaphore_mem>>) src(%arg12 : memref<128x17xf32, #tpu.memory_space<vmem>>) dst(%dma_wait3A_815 : memref<50176x17xf32, #tpu.memory_space<vmem_shared>>)
        tpu.yield
      }) : () -> ()
      %scan3A_809 = arith.constant 0 : i32
      scf.yield %scan3A_809 : i32
    }
    %scan3A_26 = arith.constant 400 : i32
    %barrier3A_27 = arith.constant 0 : index
    tpu.barrier barrier_id(%barrier3A_27)
    %scan3A_28 = arith.constant 0 : i32
    %scan3A_29 = arith.constant 0 : i32
    %scan3A_30 = arith.constant 16 : i32
    %scan3A_31 = arith.addi %scan3A_29, %scan3A_30 : i32
    %scan3A_32 = arith.constant 1 : i32
    %scan3A_33 = scf.for %scan3A_66 = %scan3A_29 to %scan3A_31 step %scan3A_32 iter_args(%scan3A_67 = %scan3A_28) -> (i32)  : i32 {
      %mul3A_68 = arith.constant 196 : i32
      %mul3A_69 = arith.muli %scan3A_66, %mul3A_68 : i32
      %add3A_70 = arith.addi %mul3A_0, %mul3A_69 : i32
      "tpu.region"() ({
        %run_scoped3A = tpu.sem_alloc : memref<!tpu.dma_semaphore, #tpu.memory_space<semaphore_mem>>
        %dma_start3A = arith.constant 0 : i32
        %dma_start3A_73 = tpu.memref_slice %arg15[%add3A_70, %dma_start3A] : memref<50176x17xf32, #tpu.memory_space<vmem_shared>> -> memref<196x17xf32, #tpu.memory_space<vmem_shared>>
        %dma_start3A_74 = arith.constant 0 : i32
        %dma_start3A_75 = tpu.memref_slice %arg15[%add3A_70, %dma_start3A_74] : memref<50176x17xf32, #tpu.memory_space<vmem_shared>> -> memref<196x17xf32, #tpu.memory_space<vmem_shared>>
        tpu.enqueue_dma source(%dma_start3A_75 : memref<196x17xf32, #tpu.memory_space<vmem_shared>>) target(%arg14 : memref<196x17xf32, #tpu.memory_space<vmem>>) target_semaphore(%run_scoped3A : memref<!tpu.dma_semaphore, #tpu.memory_space<semaphore_mem>>)
        %dma_wait3A = arith.constant 0 : i32
        %dma_wait3A_76 = tpu.memref_slice %arg15[%add3A_70, %dma_wait3A] : memref<50176x17xf32, #tpu.memory_space<vmem_shared>> -> memref<196x17xf32, #tpu.memory_space<vmem_shared>>
        %dma_wait3A_77 = arith.constant 0 : i32
        %dma_wait3A_78 = tpu.memref_slice %arg15[%add3A_70, %dma_wait3A_77] : memref<50176x17xf32, #tpu.memory_space<vmem_shared>> -> memref<196x17xf32, #tpu.memory_space<vmem_shared>>
        tpu.wait_dma2 semaphore(%run_scoped3A : memref<!tpu.dma_semaphore, #tpu.memory_space<semaphore_mem>>) src(%dma_wait3A_78 : memref<196x17xf32, #tpu.memory_space<vmem_shared>>) dst(%arg14 : memref<196x17xf32, #tpu.memory_space<vmem>>)
        tpu.yield
      }) : () -> ()
      %add3A_71 = arith.addi %mul3A_12, %add3A_70 : i32
      "tpu.region"() ({
        %run_scoped3A = tpu.sem_alloc : memref<!tpu.dma_semaphore, #tpu.memory_space<semaphore_mem>>
        %dma_start3A = arith.constant 0 : i32
        %dma_start3A_73 = tpu.memref_slice %arg5[%add3A_71, %dma_start3A] : memref<200704x17xf32, #tpu.memory_space<hbm>> -> memref<196x17xf32, #tpu.memory_space<hbm>>
        %dma_start3A_74 = arith.constant 0 : i32
        %dma_start3A_75 = tpu.memref_slice %arg5[%add3A_71, %dma_start3A_74] : memref<200704x17xf32, #tpu.memory_space<hbm>> -> memref<196x17xf32, #tpu.memory_space<hbm>>
        tpu.enqueue_dma source(%arg14 : memref<196x17xf32, #tpu.memory_space<vmem>>) target(%dma_start3A_75 : memref<196x17xf32, #tpu.memory_space<hbm>>) target_semaphore(%run_scoped3A : memref<!tpu.dma_semaphore, #tpu.memory_space<semaphore_mem>>)
        %dma_wait3A = arith.constant 0 : i32
        %dma_wait3A_76 = tpu.memref_slice %arg5[%add3A_71, %dma_wait3A] : memref<200704x17xf32, #tpu.memory_space<hbm>> -> memref<196x17xf32, #tpu.memory_space<hbm>>
        %dma_wait3A_77 = arith.constant 0 : i32
        %dma_wait3A_78 = tpu.memref_slice %arg5[%add3A_71, %dma_wait3A_77] : memref<200704x17xf32, #tpu.memory_space<hbm>> -> memref<196x17xf32, #tpu.memory_space<hbm>>
        tpu.wait_dma2 semaphore(%run_scoped3A : memref<!tpu.dma_semaphore, #tpu.memory_space<semaphore_mem>>) src(%arg14 : memref<196x17xf32, #tpu.memory_space<vmem>>) dst(%dma_wait3A_78 : memref<196x17xf32, #tpu.memory_space<hbm>>)
        tpu.yield
      }) : () -> ()
      %scan3A_72 = arith.constant 0 : i32
      scf.yield %scan3A_72 : i32
    }
    %scan3A_34 = arith.constant 16 : i32
    %barrier3A_35 = arith.constant 0 : index
    tpu.barrier barrier_id(%barrier3A_35)
    %mul3A_36 = arith.constant 2 : i32
    %mul3A_37 = arith.muli %mul3A_36, %arg0 : i32
    %add3A_38 = arith.constant 1 : i32
    %add3A_39 = arith.addi %mul3A_37, %add3A_38 : i32
    %mul3A_40 = arith.constant 50176 : i32
    %mul3A_41 = arith.muli %add3A_39, %mul3A_40 : i32
    %scan3A_42 = arith.constant 0 : i32
    %scan3A_43 = arith.constant 0 : i32
    %scan3A_44 = arith.constant 16 : i32
    %scan3A_45 = arith.addi %scan3A_43, %scan3A_44 : i32
    %scan3A_46 = arith.constant 1 : i32
    %scan3A_47 = scf.for %scan3A_66 = %scan3A_43 to %scan3A_45 step %scan3A_46 iter_args(%scan3A_67 = %scan3A_42) -> (i32)  : i32 {
      %mul3A_68 = arith.constant 196 : i32
      %mul3A_69 = arith.muli %scan3A_66, %mul3A_68 : i32
      %add3A_70 = arith.addi %mul3A_0, %mul3A_69 : i32
      "tpu.region"() ({
        %run_scoped3A = tpu.sem_alloc : memref<!tpu.dma_semaphore, #tpu.memory_space<semaphore_mem>>
        %dma_start3A = arith.constant 0 : i32
        %dma_start3A_72 = tpu.memref_slice %arg15[%add3A_70, %dma_start3A] : memref<50176x17xf32, #tpu.memory_space<vmem_shared>> -> memref<196x17xf32, #tpu.memory_space<vmem_shared>>
        %dma_start3A_73 = arith.constant 0 : i32
        %dma_start3A_74 = tpu.memref_slice %arg15[%add3A_70, %dma_start3A_73] : memref<50176x17xf32, #tpu.memory_space<vmem_shared>> -> memref<196x17xf32, #tpu.memory_space<vmem_shared>>
        tpu.enqueue_dma source(%arg13 : memref<196x17xf32, #tpu.memory_space<vmem>>) target(%dma_start3A_74 : memref<196x17xf32, #tpu.memory_space<vmem_shared>>) target_semaphore(%run_scoped3A : memref<!tpu.dma_semaphore, #tpu.memory_space<semaphore_mem>>)
        %dma_wait3A = arith.constant 0 : i32
        %dma_wait3A_75 = tpu.memref_slice %arg15[%add3A_70, %dma_wait3A] : memref<50176x17xf32, #tpu.memory_space<vmem_shared>> -> memref<196x17xf32, #tpu.memory_space<vmem_shared>>
        %dma_wait3A_76 = arith.constant 0 : i32
        %dma_wait3A_77 = tpu.memref_slice %arg15[%add3A_70, %dma_wait3A_76] : memref<50176x17xf32, #tpu.memory_space<vmem_shared>> -> memref<196x17xf32, #tpu.memory_space<vmem_shared>>
        tpu.wait_dma2 semaphore(%run_scoped3A : memref<!tpu.dma_semaphore, #tpu.memory_space<semaphore_mem>>) src(%arg13 : memref<196x17xf32, #tpu.memory_space<vmem>>) dst(%dma_wait3A_77 : memref<196x17xf32, #tpu.memory_space<vmem_shared>>)
        tpu.yield
      }) : () -> ()
      %scan3A_71 = arith.constant 0 : i32
      scf.yield %scan3A_71 : i32
    }
    %scan3A_48 = arith.constant 16 : i32
    %barrier3A_49 = arith.constant 0 : index
    tpu.barrier barrier_id(%barrier3A_49)
    %scan3A_50 = arith.constant 0 : i32
    %scan3A_51 = arith.constant 0 : i32
    %scan3A_52 = arith.constant 400 : i32
    %scan3A_53 = arith.addi %scan3A_51, %scan3A_52 : i32
    %scan3A_54 = arith.constant 1 : i32
    %scan3A_55 = scf.for %scan3A_66 = %scan3A_51 to %scan3A_53 step %scan3A_54 iter_args(%scan3A_67 = %scan3A_50) -> (i32)  : i32 {
      %mul3A_68 = arith.constant 400 : i32
      %mul3A_69 = arith.muli %arg1, %mul3A_68 : i32
      %add3A_70 = arith.addi %mul3A_69, %scan3A_66 : i32
      %mul3A_71 = arith.constant 128 : i32
      %mul3A_72 = arith.muli %add3A_70, %mul3A_71 : i32
      %dma_start3A = tpu.memref_slice %arg2[%mul3A_72] : memref<819200xi32, #tpu.memory_space<hbm>> -> memref<128xi32, #tpu.memory_space<hbm>>
      %dma_start3A_73 = tpu.memref_slice %arg2[%mul3A_72] : memref<819200xi32, #tpu.memory_space<hbm>> -> memref<128xi32, #tpu.memory_space<hbm>>
      tpu.enqueue_dma source(%dma_start3A_73 : memref<128xi32, #tpu.memory_space<hbm>>) target(%arg6 : memref<128xi32, #tpu.memory_space<vmem>>) target_semaphore(%arg16 : memref<!tpu.dma_semaphore, #tpu.memory_space<semaphore_mem>>)
      %dma_start3A_74 = tpu.memref_slice %arg3[%mul3A_72] : memref<819200xi32, #tpu.memory_space<hbm>> -> memref<128xi32, #tpu.memory_space<hbm>>
      %dma_start3A_75 = tpu.memref_slice %arg3[%mul3A_72] : memref<819200xi32, #tpu.memory_space<hbm>> -> memref<128xi32, #tpu.memory_space<hbm>>
      tpu.enqueue_dma source(%dma_start3A_75 : memref<128xi32, #tpu.memory_space<hbm>>) target(%arg7 : memref<128xi32, #tpu.memory_space<vmem>>) target_semaphore(%arg17 : memref<!tpu.dma_semaphore, #tpu.memory_space<semaphore_mem>>)
      %dma_wait3A = tpu.memref_slice %arg2[%mul3A_72] : memref<819200xi32, #tpu.memory_space<hbm>> -> memref<128xi32, #tpu.memory_space<hbm>>
      %dma_wait3A_76 = tpu.memref_slice %arg2[%mul3A_72] : memref<819200xi32, #tpu.memory_space<hbm>> -> memref<128xi32, #tpu.memory_space<hbm>>
      tpu.wait_dma2 semaphore(%arg16 : memref<!tpu.dma_semaphore, #tpu.memory_space<semaphore_mem>>) src(%dma_wait3A_76 : memref<128xi32, #tpu.memory_space<hbm>>) dst(%arg6 : memref<128xi32, #tpu.memory_space<vmem>>)
      %dma_wait3A_77 = tpu.memref_slice %arg3[%mul3A_72] : memref<819200xi32, #tpu.memory_space<hbm>> -> memref<128xi32, #tpu.memory_space<hbm>>
      %dma_wait3A_78 = tpu.memref_slice %arg3[%mul3A_72] : memref<819200xi32, #tpu.memory_space<hbm>> -> memref<128xi32, #tpu.memory_space<hbm>>
      tpu.wait_dma2 semaphore(%arg17 : memref<!tpu.dma_semaphore, #tpu.memory_space<semaphore_mem>>) src(%dma_wait3A_78 : memref<128xi32, #tpu.memory_space<hbm>>) dst(%arg7 : memref<128xi32, #tpu.memory_space<vmem>>)
      %get3A = arith.constant 0 : index
      %get3A_79 = tpu.vector_load %arg6[%get3A] {strides = array<i32>} : memref<128xi32, #tpu.memory_space<vmem>>, vector<16xi32>,
      %add3A_80 = vector.broadcast %mul3A_41 : i32 to vector<16xi32>
      %add3A_81 = arith.addi %get3A_79, %add3A_80 : vector<16xi32>
      %swap3A = arith.constant 0 : index
      %swap3A_82 = tpu.vector_load %arg8[%swap3A] {strides = array<i32>} : memref<128xi32, #tpu.memory_space<vmem>>, vector<16xi32>,
      tpu.vector_store %arg8[%swap3A], %add3A_81 {strides = array<i32>} : memref<128xi32, #tpu.memory_space<vmem>>, vector<16xi32>,
      %get3A_83 = arith.constant 0 : index
      %get3A_84 = tpu.vector_load %arg7[%get3A_83] {strides = array<i32>} : memref<128xi32, #tpu.memory_space<vmem>>, vector<16xi32>,
      %add3A_85 = vector.broadcast %mul3A_41 : i32 to vector<16xi32>
      %add3A_86 = arith.addi %get3A_84, %add3A_85 : vector<16xi32>
      %swap3A_87 = arith.constant 0 : index
      %swap3A_88 = tpu.vector_load %arg9[%swap3A_87] {strides = array<i32>} : memref<128xi32, #tpu.memory_space<vmem>>, vector<16xi32>,
      tpu.vector_store %arg9[%swap3A_87], %add3A_86 {strides = array<i32>} : memref<128xi32, #tpu.memory_space<vmem>>, vector<16xi32>,
      %get3A_89 = arith.constant 16 : index
      %get3A_90 = tpu.vector_load %arg6[%get3A_89] {strides = array<i32>} : memref<128xi32, #tpu.memory_space<vmem>>, vector<16xi32>,
      %add3A_91 = vector.broadcast %mul3A_41 : i32 to vector<16xi32>
      %add3A_92 = arith.addi %get3A_90, %add3A_91 : vector<16xi32>
      %swap3A_93 = arith.constant 16 : index
      %swap3A_94 = tpu.vector_load %arg8[%swap3A_93] {strides = array<i32>} : memref<128xi32, #tpu.memory_space<vmem>>, vector<16xi32>,
      tpu.vector_store %arg8[%swap3A_93], %add3A_92 {strides = array<i32>} : memref<128xi32, #tpu.memory_space<vmem>>, vector<16xi32>,
      %get3A_95 = arith.constant 16 : index
      %get3A_96 = tpu.vector_load %arg7[%get3A_95] {strides = array<i32>} : memref<128xi32, #tpu.memory_space<vmem>>, vector<16xi32>,
      %add3A_97 = vector.broadcast %mul3A_41 : i32 to vector<16xi32>
      %add3A_98 = arith.addi %get3A_96, %add3A_97 : vector<16xi32>
      %swap3A_99 = arith.constant 16 : index
      %swap3A_100 = tpu.vector_load %arg9[%swap3A_99] {strides = array<i32>} : memref<128xi32, #tpu.memory_space<vmem>>, vector<16xi32>,
      tpu.vector_store %arg9[%swap3A_99], %add3A_98 {strides = array<i32>} : memref<128xi32, #tpu.memory_space<vmem>>, vector<16xi32>,
      %get3A_101 = arith.constant 32 : index
      %get3A_102 = tpu.vector_load %arg6[%get3A_101] {strides = array<i32>} : memref<128xi32, #tpu.memory_space<vmem>>, vector<16xi32>,
      %add3A_103 = vector.broadcast %mul3A_41 : i32 to vector<16xi32>
      %add3A_104 = arith.addi %get3A_102, %add3A_103 : vector<16xi32>
      %swap3A_105 = arith.constant 32 : index
      %swap3A_106 = tpu.vector_load %arg8[%swap3A_105] {strides = array<i32>} : memref<128xi32, #tpu.memory_space<vmem>>, vector<16xi32>,
      tpu.vector_store %arg8[%swap3A_105], %add3A_104 {strides = array<i32>} : memref<128xi32, #tpu.memory_space<vmem>>, vector<16xi32>,
      %get3A_107 = arith.constant 32 : index
      %get3A_108 = tpu.vector_load %arg7[%get3A_107] {strides = array<i32>} : memref<128xi32, #tpu.memory_space<vmem>>, vector<16xi32>,
      %add3A_109 = vector.broadcast %mul3A_41 : i32 to vector<16xi32>
      %add3A_110 = arith.addi %get3A_108, %add3A_109 : vector<16xi32>
      %swap3A_111 = arith.constant 32 : index
      %swap3A_112 = tpu.vector_load %arg9[%swap3A_111] {strides = array<i32>} : memref<128xi32, #tpu.memory_space<vmem>>, vector<16xi32>,
      tpu.vector_store %arg9[%swap3A_111], %add3A_110 {strides = array<i32>} : memref<128xi32, #tpu.memory_space<vmem>>, vector<16xi32>,
      %get3A_113 = arith.constant 48 : index
      %get3A_114 = tpu.vector_load %arg6[%get3A_113] {strides = array<i32>} : memref<128xi32, #tpu.memory_space<vmem>>, vector<16xi32>,
      %add3A_115 = vector.broadcast %mul3A_41 : i32 to vector<16xi32>
      %add3A_116 = arith.addi %get3A_114, %add3A_115 : vector<16xi32>
      %swap3A_117 = arith.constant 48 : index
      %swap3A_118 = tpu.vector_load %arg8[%swap3A_117] {strides = array<i32>} : memref<128xi32, #tpu.memory_space<vmem>>, vector<16xi32>,
      tpu.vector_store %arg8[%swap3A_117], %add3A_116 {strides = array<i32>} : memref<128xi32, #tpu.memory_space<vmem>>, vector<16xi32>,
      %get3A_119 = arith.constant 48 : index
      %get3A_120 = tpu.vector_load %arg7[%get3A_119] {strides = array<i32>} : memref<128xi32, #tpu.memory_space<vmem>>, vector<16xi32>,
      %add3A_121 = vector.broadcast %mul3A_41 : i32 to vector<16xi32>
      %add3A_122 = arith.addi %get3A_120, %add3A_121 : vector<16xi32>
      %swap3A_123 = arith.constant 48 : index
      %swap3A_124 = tpu.vector_load %arg9[%swap3A_123] {strides = array<i32>} : memref<128xi32, #tpu.memory_space<vmem>>, vector<16xi32>,
      tpu.vector_store %arg9[%swap3A_123], %add3A_122 {strides = array<i32>} : memref<128xi32, #tpu.memory_space<vmem>>, vector<16xi32>,
      %get3A_125 = arith.constant 64 : index
      %get3A_126 = tpu.vector_load %arg6[%get3A_125] {strides = array<i32>} : memref<128xi32, #tpu.memory_space<vmem>>, vector<16xi32>,
      %add3A_127 = vector.broadcast %mul3A_41 : i32 to vector<16xi32>
      %add3A_128 = arith.addi %get3A_126, %add3A_127 : vector<16xi32>
      %swap3A_129 = arith.constant 64 : index
      %swap3A_130 = tpu.vector_load %arg8[%swap3A_129] {strides = array<i32>} : memref<128xi32, #tpu.memory_space<vmem>>, vector<16xi32>,
      tpu.vector_store %arg8[%swap3A_129], %add3A_128 {strides = array<i32>} : memref<128xi32, #tpu.memory_space<vmem>>, vector<16xi32>,
      %get3A_131 = arith.constant 64 : index
      %get3A_132 = tpu.vector_load %arg7[%get3A_131] {strides = array<i32>} : memref<128xi32, #tpu.memory_space<vmem>>, vector<16xi32>,
      %add3A_133 = vector.broadcast %mul3A_41 : i32 to vector<16xi32>
      %add3A_134 = arith.addi %get3A_132, %add3A_133 : vector<16xi32>
      %swap3A_135 = arith.constant 64 : index
      %swap3A_136 = tpu.vector_load %arg9[%swap3A_135] {strides = array<i32>} : memref<128xi32, #tpu.memory_space<vmem>>, vector<16xi32>,
      tpu.vector_store %arg9[%swap3A_135], %add3A_134 {strides = array<i32>} : memref<128xi32, #tpu.memory_space<vmem>>, vector<16xi32>,
      %get3A_137 = arith.constant 80 : index
      %get3A_138 = tpu.vector_load %arg6[%get3A_137] {strides = array<i32>} : memref<128xi32, #tpu.memory_space<vmem>>, vector<16xi32>,
      %add3A_139 = vector.broadcast %mul3A_41 : i32 to vector<16xi32>
      %add3A_140 = arith.addi %get3A_138, %add3A_139 : vector<16xi32>
      %swap3A_141 = arith.constant 80 : index
      %swap3A_142 = tpu.vector_load %arg8[%swap3A_141] {strides = array<i32>} : memref<128xi32, #tpu.memory_space<vmem>>, vector<16xi32>,
      tpu.vector_store %arg8[%swap3A_141], %add3A_140 {strides = array<i32>} : memref<128xi32, #tpu.memory_space<vmem>>, vector<16xi32>,
      %get3A_143 = arith.constant 80 : index
      %get3A_144 = tpu.vector_load %arg7[%get3A_143] {strides = array<i32>} : memref<128xi32, #tpu.memory_space<vmem>>, vector<16xi32>,
      %add3A_145 = vector.broadcast %mul3A_41 : i32 to vector<16xi32>
      %add3A_146 = arith.addi %get3A_144, %add3A_145 : vector<16xi32>
      %swap3A_147 = arith.constant 80 : index
      %swap3A_148 = tpu.vector_load %arg9[%swap3A_147] {strides = array<i32>} : memref<128xi32, #tpu.memory_space<vmem>>, vector<16xi32>,
      tpu.vector_store %arg9[%swap3A_147], %add3A_146 {strides = array<i32>} : memref<128xi32, #tpu.memory_space<vmem>>, vector<16xi32>,
      %get3A_149 = arith.constant 96 : index
      %get3A_150 = tpu.vector_load %arg6[%get3A_149] {strides = array<i32>} : memref<128xi32, #tpu.memory_space<vmem>>, vector<16xi32>,
      %add3A_151 = vector.broadcast %mul3A_41 : i32 to vector<16xi32>
      %add3A_152 = arith.addi %get3A_150, %add3A_151 : vector<16xi32>
      %swap3A_153 = arith.constant 96 : index
      %swap3A_154 = tpu.vector_load %arg8[%swap3A_153] {strides = array<i32>} : memref<128xi32, #tpu.memory_space<vmem>>, vector<16xi32>,
      tpu.vector_store %arg8[%swap3A_153], %add3A_152 {strides = array<i32>} : memref<128xi32, #tpu.memory_space<vmem>>, vector<16xi32>,
      %get3A_155 = arith.constant 96 : index
      %get3A_156 = tpu.vector_load %arg7[%get3A_155] {strides = array<i32>} : memref<128xi32, #tpu.memory_space<vmem>>, vector<16xi32>,
      %add3A_157 = vector.broadcast %mul3A_41 : i32 to vector<16xi32>
      %add3A_158 = arith.addi %get3A_156, %add3A_157 : vector<16xi32>
      %swap3A_159 = arith.constant 96 : index
      %swap3A_160 = tpu.vector_load %arg9[%swap3A_159] {strides = array<i32>} : memref<128xi32, #tpu.memory_space<vmem>>, vector<16xi32>,
      tpu.vector_store %arg9[%swap3A_159], %add3A_158 {strides = array<i32>} : memref<128xi32, #tpu.memory_space<vmem>>, vector<16xi32>,
      %get3A_161 = arith.constant 112 : index
      %get3A_162 = tpu.vector_load %arg6[%get3A_161] {strides = array<i32>} : memref<128xi32, #tpu.memory_space<vmem>>, vector<16xi32>,
      %add3A_163 = vector.broadcast %mul3A_41 : i32 to vector<16xi32>
      %add3A_164 = arith.addi %get3A_162, %add3A_163 : vector<16xi32>
      %swap3A_165 = arith.constant 112 : index
      %swap3A_166 = tpu.vector_load %arg8[%swap3A_165] {strides = array<i32>} : memref<128xi32, #tpu.memory_space<vmem>>, vector<16xi32>,
      tpu.vector_store %arg8[%swap3A_165], %add3A_164 {strides = array<i32>} : memref<128xi32, #tpu.memory_space<vmem>>, vector<16xi32>,
      %get3A_167 = arith.constant 112 : index
      %get3A_168 = tpu.vector_load %arg7[%get3A_167] {strides = array<i32>} : memref<128xi32, #tpu.memory_space<vmem>>, vector<16xi32>,
      %add3A_169 = vector.broadcast %mul3A_41 : i32 to vector<16xi32>
      %add3A_170 = arith.addi %get3A_168, %add3A_169 : vector<16xi32>
      %swap3A_171 = arith.constant 112 : index
      %swap3A_172 = tpu.vector_load %arg9[%swap3A_171] {strides = array<i32>} : memref<128xi32, #tpu.memory_space<vmem>>, vector<16xi32>,
      tpu.vector_store %arg9[%swap3A_171], %add3A_170 {strides = array<i32>} : memref<128xi32, #tpu.memory_space<vmem>>, vector<16xi32>,
      %dma_start3A_173 = arith.constant 0 : i32
      %dma_start3A_174 = arith.constant 0 : i32
      %dma_start3A_175 = tpu.memref_slice %arg4[%dma_start3A_173, %dma_start3A_174] : memref<200704x20xf32, #tpu.memory_space<hbm>> -> memref<200704x20xf32, #tpu.memory_space<hbm>>
      tpu.enqueue_indirect_dma source(%dma_start3A_175 : memref<200704x20xf32, #tpu.memory_space<hbm>>) target(%arg10 : memref<128x20xf32, #tpu.memory_space<vmem>>) offsets(%arg8 : memref<128xi32, #tpu.memory_space<vmem>>) semaphore(%arg16 : memref<!tpu.dma_semaphore, #tpu.memory_space<semaphore_mem>>)
      %dma_start3A_176 = arith.constant 0 : i32
      %dma_start3A_177 = arith.constant 0 : i32
      %dma_start3A_178 = tpu.memref_slice %arg4[%dma_start3A_176, %dma_start3A_177] : memref<200704x20xf32, #tpu.memory_space<hbm>> -> memref<200704x20xf32, #tpu.memory_space<hbm>>
      tpu.enqueue_indirect_dma source(%dma_start3A_178 : memref<200704x20xf32, #tpu.memory_space<hbm>>) target(%arg11 : memref<128x20xf32, #tpu.memory_space<vmem>>) offsets(%arg9 : memref<128xi32, #tpu.memory_space<vmem>>) semaphore(%arg17 : memref<!tpu.dma_semaphore, #tpu.memory_space<semaphore_mem>>)
      %dma_wait3A_179 = arith.constant 0 : i32
      %dma_wait3A_180 = arith.constant 0 : i32
      %dma_wait3A_181 = tpu.memref_slice %arg4[%dma_wait3A_179, %dma_wait3A_180] : memref<200704x20xf32, #tpu.memory_space<hbm>> -> memref<200704x20xf32, #tpu.memory_space<hbm>>
      tpu.wait_indirect_dma semaphore(%arg16 : memref<!tpu.dma_semaphore, #tpu.memory_space<semaphore_mem>>) src(%dma_wait3A_181 : memref<200704x20xf32, #tpu.memory_space<hbm>>) dst(%arg10 : memref<128x20xf32, #tpu.memory_space<vmem>>)
      %dma_wait3A_182 = arith.constant 0 : i32
      %dma_wait3A_183 = arith.constant 0 : i32
      %dma_wait3A_184 = tpu.memref_slice %arg4[%dma_wait3A_182, %dma_wait3A_183] : memref<200704x20xf32, #tpu.memory_space<hbm>> -> memref<200704x20xf32, #tpu.memory_space<hbm>>
      tpu.wait_indirect_dma semaphore(%arg17 : memref<!tpu.dma_semaphore, #tpu.memory_space<semaphore_mem>>) src(%dma_wait3A_184 : memref<200704x20xf32, #tpu.memory_space<hbm>>) dst(%arg11 : memref<128x20xf32, #tpu.memory_space<vmem>>)
      %broadcast_in_dim3A_185 = arith.constant 16 : i32
      %broadcast_in_dim3A_186 = vector.broadcast %broadcast_in_dim3A_185 : i32 to vector<16xi32>
      %broadcast_in_dim3A_187 = arith.constant 17 : i32
      %broadcast_in_dim3A_188 = vector.broadcast %broadcast_in_dim3A_187 : i32 to vector<16xi32>
      %add3A_189 = arith.constant 0 : i32
      %add3A_190 = vector.broadcast %add3A_189 : i32 to vector<16xi32>
      %add3A_191 = arith.addi %iota3A, %add3A_190 : vector<16xi32>
      %gather3A = tpu.vector_load_idx %arg10[%add3A_191, %broadcast_in_dim3A_186] : memref<128x20xf32, #tpu.memory_space<vmem>>[vector<16xi32>, vector<16xi32>], vector<16xf32>,
      %gather3A_192 = tpu.vector_load_idx %arg11[%add3A_191, %broadcast_in_dim3A_188] : memref<128x20xf32, #tpu.memory_space<vmem>>[vector<16xi32>, vector<16xi32>], vector<16xf32>,
      %add3A_193 = arith.addf %gather3A, %gather3A_192 : vector<16xf32>
      %gt3A = arith.constant 0.000000e+00 : f32
      %gt3A_194 = vector.broadcast %gt3A : f32 to vector<16xf32>
      %gt3A_195 = arith.cmpf ogt, %add3A_193, %gt3A_194 : vector<16xf32>
      %mul3A_196 = arith.constant 2.000000e-01 : f32
      %mul3A_197 = vector.broadcast %mul3A_196 : f32 to vector<16xf32>
      %mul3A_198 = arith.mulf %mul3A_197, %add3A_193 : vector<16xf32>
      %select_n3A = arith.select %gt3A_195, %add3A_193, %mul3A_198 : vector<16xi1>, vector<16xf32>
      %exp3A = math.exp %select_n3A : vector<16xf32>
      tpu.vector_store_idx %arg12[%add3A_191, %broadcast_in_dim3A_186], %exp3A : memref<128x17xf32, #tpu.memory_space<vmem>>[vector<16xi32>, vector<16xi32>], vector<16xf32>,
      %broadcast_in_dim3A_199 = arith.constant 0 : i32
      %broadcast_in_dim3A_200 = vector.broadcast %broadcast_in_dim3A_199 : i32 to vector<16xi32>
      %gather3A_201 = tpu.vector_load_idx %arg10[%add3A_191, %broadcast_in_dim3A_200] : memref<128x20xf32, #tpu.memory_space<vmem>>[vector<16xi32>, vector<16xi32>], vector<16xf32>,
      %mul3A_202 = arith.mulf %gather3A_201, %exp3A : vector<16xf32>
      tpu.vector_store_idx %arg12[%add3A_191, %broadcast_in_dim3A_200], %mul3A_202 : memref<128x17xf32, #tpu.memory_space<vmem>>[vector<16xi32>, vector<16xi32>], vector<16xf32>,
      %broadcast_in_dim3A_203 = arith.constant 1 : i32
      %broadcast_in_dim3A_204 = vector.broadcast %broadcast_in_dim3A_203 : i32 to vector<16xi32>
      %gather3A_205 = tpu.vector_load_idx %arg10[%add3A_191, %broadcast_in_dim3A_204] : memref<128x20xf32, #tpu.memory_space<vmem>>[vector<16xi32>, vector<16xi32>], vector<16xf32>,
      %mul3A_206 = arith.mulf %gather3A_205, %exp3A : vector<16xf32>
      tpu.vector_store_idx %arg12[%add3A_191, %broadcast_in_dim3A_204], %mul3A_206 : memref<128x17xf32, #tpu.memory_space<vmem>>[vector<16xi32>, vector<16xi32>], vector<16xf32>,
      %broadcast_in_dim3A_207 = arith.constant 2 : i32
      %broadcast_in_dim3A_208 = vector.broadcast %broadcast_in_dim3A_207 : i32 to vector<16xi32>
      %gather3A_209 = tpu.vector_load_idx %arg10[%add3A_191, %broadcast_in_dim3A_208] : memref<128x20xf32, #tpu.memory_space<vmem>>[vector<16xi32>, vector<16xi32>], vector<16xf32>,
      %mul3A_210 = arith.mulf %gather3A_209, %exp3A : vector<16xf32>
      tpu.vector_store_idx %arg12[%add3A_191, %broadcast_in_dim3A_208], %mul3A_210 : memref<128x17xf32, #tpu.memory_space<vmem>>[vector<16xi32>, vector<16xi32>], vector<16xf32>,
      %broadcast_in_dim3A_211 = arith.constant 3 : i32
      %broadcast_in_dim3A_212 = vector.broadcast %broadcast_in_dim3A_211 : i32 to vector<16xi32>
      %gather3A_213 = tpu.vector_load_idx %arg10[%add3A_191, %broadcast_in_dim3A_212] : memref<128x20xf32, #tpu.memory_space<vmem>>[vector<16xi32>, vector<16xi32>], vector<16xf32>,
      %mul3A_214 = arith.mulf %gather3A_213, %exp3A : vector<16xf32>
      tpu.vector_store_idx %arg12[%add3A_191, %broadcast_in_dim3A_212], %mul3A_214 : memref<128x17xf32, #tpu.memory_space<vmem>>[vector<16xi32>, vector<16xi32>], vector<16xf32>,
      %broadcast_in_dim3A_215 = arith.constant 4 : i32
      %broadcast_in_dim3A_216 = vector.broadcast %broadcast_in_dim3A_215 : i32 to vector<16xi32>
      %gather3A_217 = tpu.vector_load_idx %arg10[%add3A_191, %broadcast_in_dim3A_216] : memref<128x20xf32, #tpu.memory_space<vmem>>[vector<16xi32>, vector<16xi32>], vector<16xf32>,
      %mul3A_218 = arith.mulf %gather3A_217, %exp3A : vector<16xf32>
      tpu.vector_store_idx %arg12[%add3A_191, %broadcast_in_dim3A_216], %mul3A_218 : memref<128x17xf32, #tpu.memory_space<vmem>>[vector<16xi32>, vector<16xi32>], vector<16xf32>,
      %broadcast_in_dim3A_219 = arith.constant 5 : i32
      %broadcast_in_dim3A_220 = vector.broadcast %broadcast_in_dim3A_219 : i32 to vector<16xi32>
      %gather3A_221 = tpu.vector_load_idx %arg10[%add3A_191, %broadcast_in_dim3A_220] : memref<128x20xf32, #tpu.memory_space<vmem>>[vector<16xi32>, vector<16xi32>], vector<16xf32>,
      %mul3A_222 = arith.mulf %gather3A_221, %exp3A : vector<16xf32>
      tpu.vector_store_idx %arg12[%add3A_191, %broadcast_in_dim3A_220], %mul3A_222 : memref<128x17xf32, #tpu.memory_space<vmem>>[vector<16xi32>, vector<16xi32>], vector<16xf32>,
      %broadcast_in_dim3A_223 = arith.constant 6 : i32
      %broadcast_in_dim3A_224 = vector.broadcast %broadcast_in_dim3A_223 : i32 to vector<16xi32>
      %gather3A_225 = tpu.vector_load_idx %arg10[%add3A_191, %broadcast_in_dim3A_224] : memref<128x20xf32, #tpu.memory_space<vmem>>[vector<16xi32>, vector<16xi32>], vector<16xf32>,
      %mul3A_226 = arith.mulf %gather3A_225, %exp3A : vector<16xf32>
      tpu.vector_store_idx %arg12[%add3A_191, %broadcast_in_dim3A_224], %mul3A_226 : memref<128x17xf32, #tpu.memory_space<vmem>>[vector<16xi32>, vector<16xi32>], vector<16xf32>,
      %broadcast_in_dim3A_227 = arith.constant 7 : i32
      %broadcast_in_dim3A_228 = vector.broadcast %broadcast_in_dim3A_227 : i32 to vector<16xi32>
      %gather3A_229 = tpu.vector_load_idx %arg10[%add3A_191, %broadcast_in_dim3A_228] : memref<128x20xf32, #tpu.memory_space<vmem>>[vector<16xi32>, vector<16xi32>], vector<16xf32>,
      %mul3A_230 = arith.mulf %gather3A_229, %exp3A : vector<16xf32>
      tpu.vector_store_idx %arg12[%add3A_191, %broadcast_in_dim3A_228], %mul3A_230 : memref<128x17xf32, #tpu.memory_space<vmem>>[vector<16xi32>, vector<16xi32>], vector<16xf32>,
      %broadcast_in_dim3A_231 = arith.constant 8 : i32
      %broadcast_in_dim3A_232 = vector.broadcast %broadcast_in_dim3A_231 : i32 to vector<16xi32>
      %gather3A_233 = tpu.vector_load_idx %arg10[%add3A_191, %broadcast_in_dim3A_232] : memref<128x20xf32, #tpu.memory_space<vmem>>[vector<16xi32>, vector<16xi32>], vector<16xf32>,
      %mul3A_234 = arith.mulf %gather3A_233, %exp3A : vector<16xf32>
      tpu.vector_store_idx %arg12[%add3A_191, %broadcast_in_dim3A_232], %mul3A_234 : memref<128x17xf32, #tpu.memory_space<vmem>>[vector<16xi32>, vector<16xi32>], vector<16xf32>,
      %broadcast_in_dim3A_235 = arith.constant 9 : i32
      %broadcast_in_dim3A_236 = vector.broadcast %broadcast_in_dim3A_235 : i32 to vector<16xi32>
      %gather3A_237 = tpu.vector_load_idx %arg10[%add3A_191, %broadcast_in_dim3A_236] : memref<128x20xf32, #tpu.memory_space<vmem>>[vector<16xi32>, vector<16xi32>], vector<16xf32>,
      %mul3A_238 = arith.mulf %gather3A_237, %exp3A : vector<16xf32>
      tpu.vector_store_idx %arg12[%add3A_191, %broadcast_in_dim3A_236], %mul3A_238 : memref<128x17xf32, #tpu.memory_space<vmem>>[vector<16xi32>, vector<16xi32>], vector<16xf32>,
      %broadcast_in_dim3A_239 = arith.constant 10 : i32
      %broadcast_in_dim3A_240 = vector.broadcast %broadcast_in_dim3A_239 : i32 to vector<16xi32>
      %gather3A_241 = tpu.vector_load_idx %arg10[%add3A_191, %broadcast_in_dim3A_240] : memref<128x20xf32, #tpu.memory_space<vmem>>[vector<16xi32>, vector<16xi32>], vector<16xf32>,
      %mul3A_242 = arith.mulf %gather3A_241, %exp3A : vector<16xf32>
      tpu.vector_store_idx %arg12[%add3A_191, %broadcast_in_dim3A_240], %mul3A_242 : memref<128x17xf32, #tpu.memory_space<vmem>>[vector<16xi32>, vector<16xi32>], vector<16xf32>,
      %broadcast_in_dim3A_243 = arith.constant 11 : i32
      %broadcast_in_dim3A_244 = vector.broadcast %broadcast_in_dim3A_243 : i32 to vector<16xi32>
      %gather3A_245 = tpu.vector_load_idx %arg10[%add3A_191, %broadcast_in_dim3A_244] : memref<128x20xf32, #tpu.memory_space<vmem>>[vector<16xi32>, vector<16xi32>], vector<16xf32>,
      %mul3A_246 = arith.mulf %gather3A_245, %exp3A : vector<16xf32>
      tpu.vector_store_idx %arg12[%add3A_191, %broadcast_in_dim3A_244], %mul3A_246 : memref<128x17xf32, #tpu.memory_space<vmem>>[vector<16xi32>, vector<16xi32>], vector<16xf32>,
      %broadcast_in_dim3A_247 = arith.constant 12 : i32
      %broadcast_in_dim3A_248 = vector.broadcast %broadcast_in_dim3A_247 : i32 to vector<16xi32>
      %gather3A_249 = tpu.vector_load_idx %arg10[%add3A_191, %broadcast_in_dim3A_248] : memref<128x20xf32, #tpu.memory_space<vmem>>[vector<16xi32>, vector<16xi32>], vector<16xf32>,
      %mul3A_250 = arith.mulf %gather3A_249, %exp3A : vector<16xf32>
      tpu.vector_store_idx %arg12[%add3A_191, %broadcast_in_dim3A_248], %mul3A_250 : memref<128x17xf32, #tpu.memory_space<vmem>>[vector<16xi32>, vector<16xi32>], vector<16xf32>,
      %broadcast_in_dim3A_251 = arith.constant 13 : i32
      %broadcast_in_dim3A_252 = vector.broadcast %broadcast_in_dim3A_251 : i32 to vector<16xi32>
      %gather3A_253 = tpu.vector_load_idx %arg10[%add3A_191, %broadcast_in_dim3A_252] : memref<128x20xf32, #tpu.memory_space<vmem>>[vector<16xi32>, vector<16xi32>], vector<16xf32>,
      %mul3A_254 = arith.mulf %gather3A_253, %exp3A : vector<16xf32>
      tpu.vector_store_idx %arg12[%add3A_191, %broadcast_in_dim3A_252], %mul3A_254 : memref<128x17xf32, #tpu.memory_space<vmem>>[vector<16xi32>, vector<16xi32>], vector<16xf32>,
      %broadcast_in_dim3A_255 = arith.constant 14 : i32
      %broadcast_in_dim3A_256 = vector.broadcast %broadcast_in_dim3A_255 : i32 to vector<16xi32>
      %gather3A_257 = tpu.vector_load_idx %arg10[%add3A_191, %broadcast_in_dim3A_256] : memref<128x20xf32, #tpu.memory_space<vmem>>[vector<16xi32>, vector<16xi32>], vector<16xf32>,
      %mul3A_258 = arith.mulf %gather3A_257, %exp3A : vector<16xf32>
      tpu.vector_store_idx %arg12[%add3A_191, %broadcast_in_dim3A_256], %mul3A_258 : memref<128x17xf32, #tpu.memory_space<vmem>>[vector<16xi32>, vector<16xi32>], vector<16xf32>,
      %broadcast_in_dim3A_259 = arith.constant 15 : i32
      %broadcast_in_dim3A_260 = vector.broadcast %broadcast_in_dim3A_259 : i32 to vector<16xi32>
      %gather3A_261 = tpu.vector_load_idx %arg10[%add3A_191, %broadcast_in_dim3A_260] : memref<128x20xf32, #tpu.memory_space<vmem>>[vector<16xi32>, vector<16xi32>], vector<16xf32>,
      %mul3A_262 = arith.mulf %gather3A_261, %exp3A : vector<16xf32>
      tpu.vector_store_idx %arg12[%add3A_191, %broadcast_in_dim3A_260], %mul3A_262 : memref<128x17xf32, #tpu.memory_space<vmem>>[vector<16xi32>, vector<16xi32>], vector<16xf32>,
      %add3A_263 = arith.constant 16 : i32
      %add3A_264 = vector.broadcast %add3A_263 : i32 to vector<16xi32>
      %add3A_265 = arith.addi %iota3A, %add3A_264 : vector<16xi32>
      %gather3A_266 = tpu.vector_load_idx %arg10[%add3A_265, %broadcast_in_dim3A_186] : memref<128x20xf32, #tpu.memory_space<vmem>>[vector<16xi32>, vector<16xi32>], vector<16xf32>,
      %gather3A_267 = tpu.vector_load_idx %arg11[%add3A_265, %broadcast_in_dim3A_188] : memref<128x20xf32, #tpu.memory_space<vmem>>[vector<16xi32>, vector<16xi32>], vector<16xf32>,
      %add3A_268 = arith.addf %gather3A_266, %gather3A_267 : vector<16xf32>
      %gt3A_269 = arith.constant 0.000000e+00 : f32
      %gt3A_270 = vector.broadcast %gt3A_269 : f32 to vector<16xf32>
      %gt3A_271 = arith.cmpf ogt, %add3A_268, %gt3A_270 : vector<16xf32>
      %mul3A_272 = arith.constant 2.000000e-01 : f32
      %mul3A_273 = vector.broadcast %mul3A_272 : f32 to vector<16xf32>
      %mul3A_274 = arith.mulf %mul3A_273, %add3A_268 : vector<16xf32>
      %select_n3A_275 = arith.select %gt3A_271, %add3A_268, %mul3A_274 : vector<16xi1>, vector<16xf32>
      %exp3A_276 = math.exp %select_n3A_275 : vector<16xf32>
      tpu.vector_store_idx %arg12[%add3A_265, %broadcast_in_dim3A_186], %exp3A_276 : memref<128x17xf32, #tpu.memory_space<vmem>>[vector<16xi32>, vector<16xi32>], vector<16xf32>,
      %broadcast_in_dim3A_277 = arith.constant 0 : i32
      %broadcast_in_dim3A_278 = vector.broadcast %broadcast_in_dim3A_277 : i32 to vector<16xi32>
      %gather3A_279 = tpu.vector_load_idx %arg10[%add3A_265, %broadcast_in_dim3A_278] : memref<128x20xf32, #tpu.memory_space<vmem>>[vector<16xi32>, vector<16xi32>], vector<16xf32>,
      %mul3A_280 = arith.mulf %gather3A_279, %exp3A_276 : vector<16xf32>
      tpu.vector_store_idx %arg12[%add3A_265, %broadcast_in_dim3A_278], %mul3A_280 : memref<128x17xf32, #tpu.memory_space<vmem>>[vector<16xi32>, vector<16xi32>], vector<16xf32>,
      %broadcast_in_dim3A_281 = arith.constant 1 : i32
      %broadcast_in_dim3A_282 = vector.broadcast %broadcast_in_dim3A_281 : i32 to vector<16xi32>
      %gather3A_283 = tpu.vector_load_idx %arg10[%add3A_265, %broadcast_in_dim3A_282] : memref<128x20xf32, #tpu.memory_space<vmem>>[vector<16xi32>, vector<16xi32>], vector<16xf32>,
      %mul3A_284 = arith.mulf %gather3A_283, %exp3A_276 : vector<16xf32>
      tpu.vector_store_idx %arg12[%add3A_265, %broadcast_in_dim3A_282], %mul3A_284 : memref<128x17xf32, #tpu.memory_space<vmem>>[vector<16xi32>, vector<16xi32>], vector<16xf32>,
      %broadcast_in_dim3A_285 = arith.constant 2 : i32
      %broadcast_in_dim3A_286 = vector.broadcast %broadcast_in_dim3A_285 : i32 to vector<16xi32>
      %gather3A_287 = tpu.vector_load_idx %arg10[%add3A_265, %broadcast_in_dim3A_286] : memref<128x20xf32, #tpu.memory_space<vmem>>[vector<16xi32>, vector<16xi32>], vector<16xf32>,
      %mul3A_288 = arith.mulf %gather3A_287, %exp3A_276 : vector<16xf32>
      tpu.vector_store_idx %arg12[%add3A_265, %broadcast_in_dim3A_286], %mul3A_288 : memref<128x17xf32, #tpu.memory_space<vmem>>[vector<16xi32>, vector<16xi32>], vector<16xf32>,
      %broadcast_in_dim3A_289 = arith.constant 3 : i32
      %broadcast_in_dim3A_290 = vector.broadcast %broadcast_in_dim3A_289 : i32 to vector<16xi32>
      %gather3A_291 = tpu.vector_load_idx %arg10[%add3A_265, %broadcast_in_dim3A_290] : memref<128x20xf32, #tpu.memory_space<vmem>>[vector<16xi32>, vector<16xi32>], vector<16xf32>,
      %mul3A_292 = arith.mulf %gather3A_291, %exp3A_276 : vector<16xf32>
      tpu.vector_store_idx %arg12[%add3A_265, %broadcast_in_dim3A_290], %mul3A_292 : memref<128x17xf32, #tpu.memory_space<vmem>>[vector<16xi32>, vector<16xi32>], vector<16xf32>,
      %broadcast_in_dim3A_293 = arith.constant 4 : i32
      %broadcast_in_dim3A_294 = vector.broadcast %broadcast_in_dim3A_293 : i32 to vector<16xi32>
      %gather3A_295 = tpu.vector_load_idx %arg10[%add3A_265, %broadcast_in_dim3A_294] : memref<128x20xf32, #tpu.memory_space<vmem>>[vector<16xi32>, vector<16xi32>], vector<16xf32>,
      %mul3A_296 = arith.mulf %gather3A_295, %exp3A_276 : vector<16xf32>
      tpu.vector_store_idx %arg12[%add3A_265, %broadcast_in_dim3A_294], %mul3A_296 : memref<128x17xf32, #tpu.memory_space<vmem>>[vector<16xi32>, vector<16xi32>], vector<16xf32>,
      %broadcast_in_dim3A_297 = arith.constant 5 : i32
      %broadcast_in_dim3A_298 = vector.broadcast %broadcast_in_dim3A_297 : i32 to vector<16xi32>
      %gather3A_299 = tpu.vector_load_idx %arg10[%add3A_265, %broadcast_in_dim3A_298] : memref<128x20xf32, #tpu.memory_space<vmem>>[vector<16xi32>, vector<16xi32>], vector<16xf32>,
      %mul3A_300 = arith.mulf %gather3A_299, %exp3A_276 : vector<16xf32>
      tpu.vector_store_idx %arg12[%add3A_265, %broadcast_in_dim3A_298], %mul3A_300 : memref<128x17xf32, #tpu.memory_space<vmem>>[vector<16xi32>, vector<16xi32>], vector<16xf32>,
      %broadcast_in_dim3A_301 = arith.constant 6 : i32
      %broadcast_in_dim3A_302 = vector.broadcast %broadcast_in_dim3A_301 : i32 to vector<16xi32>
      %gather3A_303 = tpu.vector_load_idx %arg10[%add3A_265, %broadcast_in_dim3A_302] : memref<128x20xf32, #tpu.memory_space<vmem>>[vector<16xi32>, vector<16xi32>], vector<16xf32>,
      %mul3A_304 = arith.mulf %gather3A_303, %exp3A_276 : vector<16xf32>
      tpu.vector_store_idx %arg12[%add3A_265, %broadcast_in_dim3A_302], %mul3A_304 : memref<128x17xf32, #tpu.memory_space<vmem>>[vector<16xi32>, vector<16xi32>], vector<16xf32>,
      %broadcast_in_dim3A_305 = arith.constant 7 : i32
      %broadcast_in_dim3A_306 = vector.broadcast %broadcast_in_dim3A_305 : i32 to vector<16xi32>
      %gather3A_307 = tpu.vector_load_idx %arg10[%add3A_265, %broadcast_in_dim3A_306] : memref<128x20xf32, #tpu.memory_space<vmem>>[vector<16xi32>, vector<16xi32>], vector<16xf32>,
      %mul3A_308 = arith.mulf %gather3A_307, %exp3A_276 : vector<16xf32>
      tpu.vector_store_idx %arg12[%add3A_265, %broadcast_in_dim3A_306], %mul3A_308 : memref<128x17xf32, #tpu.memory_space<vmem>>[vector<16xi32>, vector<16xi32>], vector<16xf32>,
      %broadcast_in_dim3A_309 = arith.constant 8 : i32
      %broadcast_in_dim3A_310 = vector.broadcast %broadcast_in_dim3A_309 : i32 to vector<16xi32>
      %gather3A_311 = tpu.vector_load_idx %arg10[%add3A_265, %broadcast_in_dim3A_310] : memref<128x20xf32, #tpu.memory_space<vmem>>[vector<16xi32>, vector<16xi32>], vector<16xf32>,
      %mul3A_312 = arith.mulf %gather3A_311, %exp3A_276 : vector<16xf32>
      tpu.vector_store_idx %arg12[%add3A_265, %broadcast_in_dim3A_310], %mul3A_312 : memref<128x17xf32, #tpu.memory_space<vmem>>[vector<16xi32>, vector<16xi32>], vector<16xf32>,
      %broadcast_in_dim3A_313 = arith.constant 9 : i32
      %broadcast_in_dim3A_314 = vector.broadcast %broadcast_in_dim3A_313 : i32 to vector<16xi32>
      %gather3A_315 = tpu.vector_load_idx %arg10[%add3A_265, %broadcast_in_dim3A_314] : memref<128x20xf32, #tpu.memory_space<vmem>>[vector<16xi32>, vector<16xi32>], vector<16xf32>,
      %mul3A_316 = arith.mulf %gather3A_315, %exp3A_276 : vector<16xf32>
      tpu.vector_store_idx %arg12[%add3A_265, %broadcast_in_dim3A_314], %mul3A_316 : memref<128x17xf32, #tpu.memory_space<vmem>>[vector<16xi32>, vector<16xi32>], vector<16xf32>,
      %broadcast_in_dim3A_317 = arith.constant 10 : i32
      %broadcast_in_dim3A_318 = vector.broadcast %broadcast_in_dim3A_317 : i32 to vector<16xi32>
      %gather3A_319 = tpu.vector_load_idx %arg10[%add3A_265, %broadcast_in_dim3A_318] : memref<128x20xf32, #tpu.memory_space<vmem>>[vector<16xi32>, vector<16xi32>], vector<16xf32>,
      %mul3A_320 = arith.mulf %gather3A_319, %exp3A_276 : vector<16xf32>
      tpu.vector_store_idx %arg12[%add3A_265, %broadcast_in_dim3A_318], %mul3A_320 : memref<128x17xf32, #tpu.memory_space<vmem>>[vector<16xi32>, vector<16xi32>], vector<16xf32>,
      %broadcast_in_dim3A_321 = arith.constant 11 : i32
      %broadcast_in_dim3A_322 = vector.broadcast %broadcast_in_dim3A_321 : i32 to vector<16xi32>
      %gather3A_323 = tpu.vector_load_idx %arg10[%add3A_265, %broadcast_in_dim3A_322] : memref<128x20xf32, #tpu.memory_space<vmem>>[vector<16xi32>, vector<16xi32>], vector<16xf32>,
      %mul3A_324 = arith.mulf %gather3A_323, %exp3A_276 : vector<16xf32>
      tpu.vector_store_idx %arg12[%add3A_265, %broadcast_in_dim3A_322], %mul3A_324 : memref<128x17xf32, #tpu.memory_space<vmem>>[vector<16xi32>, vector<16xi32>], vector<16xf32>,
      %broadcast_in_dim3A_325 = arith.constant 12 : i32
      %broadcast_in_dim3A_326 = vector.broadcast %broadcast_in_dim3A_325 : i32 to vector<16xi32>
      %gather3A_327 = tpu.vector_load_idx %arg10[%add3A_265, %broadcast_in_dim3A_326] : memref<128x20xf32, #tpu.memory_space<vmem>>[vector<16xi32>, vector<16xi32>], vector<16xf32>,
      %mul3A_328 = arith.mulf %gather3A_327, %exp3A_276 : vector<16xf32>
      tpu.vector_store_idx %arg12[%add3A_265, %broadcast_in_dim3A_326], %mul3A_328 : memref<128x17xf32, #tpu.memory_space<vmem>>[vector<16xi32>, vector<16xi32>], vector<16xf32>,
      %broadcast_in_dim3A_329 = arith.constant 13 : i32
      %broadcast_in_dim3A_330 = vector.broadcast %broadcast_in_dim3A_329 : i32 to vector<16xi32>
      %gather3A_331 = tpu.vector_load_idx %arg10[%add3A_265, %broadcast_in_dim3A_330] : memref<128x20xf32, #tpu.memory_space<vmem>>[vector<16xi32>, vector<16xi32>], vector<16xf32>,
      %mul3A_332 = arith.mulf %gather3A_331, %exp3A_276 : vector<16xf32>
      tpu.vector_store_idx %arg12[%add3A_265, %broadcast_in_dim3A_330], %mul3A_332 : memref<128x17xf32, #tpu.memory_space<vmem>>[vector<16xi32>, vector<16xi32>], vector<16xf32>,
      %broadcast_in_dim3A_333 = arith.constant 14 : i32
      %broadcast_in_dim3A_334 = vector.broadcast %broadcast_in_dim3A_333 : i32 to vector<16xi32>
      %gather3A_335 = tpu.vector_load_idx %arg10[%add3A_265, %broadcast_in_dim3A_334] : memref<128x20xf32, #tpu.memory_space<vmem>>[vector<16xi32>, vector<16xi32>], vector<16xf32>,
      %mul3A_336 = arith.mulf %gather3A_335, %exp3A_276 : vector<16xf32>
      tpu.vector_store_idx %arg12[%add3A_265, %broadcast_in_dim3A_334], %mul3A_336 : memref<128x17xf32, #tpu.memory_space<vmem>>[vector<16xi32>, vector<16xi32>], vector<16xf32>,
      %broadcast_in_dim3A_337 = arith.constant 15 : i32
      %broadcast_in_dim3A_338 = vector.broadcast %broadcast_in_dim3A_337 : i32 to vector<16xi32>
      %gather3A_339 = tpu.vector_load_idx %arg10[%add3A_265, %broadcast_in_dim3A_338] : memref<128x20xf32, #tpu.memory_space<vmem>>[vector<16xi32>, vector<16xi32>], vector<16xf32>,
      %mul3A_340 = arith.mulf %gather3A_339, %exp3A_276 : vector<16xf32>
      tpu.vector_store_idx %arg12[%add3A_265, %broadcast_in_dim3A_338], %mul3A_340 : memref<128x17xf32, #tpu.memory_space<vmem>>[vector<16xi32>, vector<16xi32>], vector<16xf32>,
      %add3A_341 = arith.constant 32 : i32
      %add3A_342 = vector.broadcast %add3A_341 : i32 to vector<16xi32>
      %add3A_343 = arith.addi %iota3A, %add3A_342 : vector<16xi32>
      %gather3A_344 = tpu.vector_load_idx %arg10[%add3A_343, %broadcast_in_dim3A_186] : memref<128x20xf32, #tpu.memory_space<vmem>>[vector<16xi32>, vector<16xi32>], vector<16xf32>,
      %gather3A_345 = tpu.vector_load_idx %arg11[%add3A_343, %broadcast_in_dim3A_188] : memref<128x20xf32, #tpu.memory_space<vmem>>[vector<16xi32>, vector<16xi32>], vector<16xf32>,
      %add3A_346 = arith.addf %gather3A_344, %gather3A_345 : vector<16xf32>
      %gt3A_347 = arith.constant 0.000000e+00 : f32
      %gt3A_348 = vector.broadcast %gt3A_347 : f32 to vector<16xf32>
      %gt3A_349 = arith.cmpf ogt, %add3A_346, %gt3A_348 : vector<16xf32>
      %mul3A_350 = arith.constant 2.000000e-01 : f32
      %mul3A_351 = vector.broadcast %mul3A_350 : f32 to vector<16xf32>
      %mul3A_352 = arith.mulf %mul3A_351, %add3A_346 : vector<16xf32>
      %select_n3A_353 = arith.select %gt3A_349, %add3A_346, %mul3A_352 : vector<16xi1>, vector<16xf32>
      %exp3A_354 = math.exp %select_n3A_353 : vector<16xf32>
      tpu.vector_store_idx %arg12[%add3A_343, %broadcast_in_dim3A_186], %exp3A_354 : memref<128x17xf32, #tpu.memory_space<vmem>>[vector<16xi32>, vector<16xi32>], vector<16xf32>,
      %broadcast_in_dim3A_355 = arith.constant 0 : i32
      %broadcast_in_dim3A_356 = vector.broadcast %broadcast_in_dim3A_355 : i32 to vector<16xi32>
      %gather3A_357 = tpu.vector_load_idx %arg10[%add3A_343, %broadcast_in_dim3A_356] : memref<128x20xf32, #tpu.memory_space<vmem>>[vector<16xi32>, vector<16xi32>], vector<16xf32>,
      %mul3A_358 = arith.mulf %gather3A_357, %exp3A_354 : vector<16xf32>
      tpu.vector_store_idx %arg12[%add3A_343, %broadcast_in_dim3A_356], %mul3A_358 : memref<128x17xf32, #tpu.memory_space<vmem>>[vector<16xi32>, vector<16xi32>], vector<16xf32>,
      %broadcast_in_dim3A_359 = arith.constant 1 : i32
      %broadcast_in_dim3A_360 = vector.broadcast %broadcast_in_dim3A_359 : i32 to vector<16xi32>
      %gather3A_361 = tpu.vector_load_idx %arg10[%add3A_343, %broadcast_in_dim3A_360] : memref<128x20xf32, #tpu.memory_space<vmem>>[vector<16xi32>, vector<16xi32>], vector<16xf32>,
      %mul3A_362 = arith.mulf %gather3A_361, %exp3A_354 : vector<16xf32>
      tpu.vector_store_idx %arg12[%add3A_343, %broadcast_in_dim3A_360], %mul3A_362 : memref<128x17xf32, #tpu.memory_space<vmem>>[vector<16xi32>, vector<16xi32>], vector<16xf32>,
      %broadcast_in_dim3A_363 = arith.constant 2 : i32
      %broadcast_in_dim3A_364 = vector.broadcast %broadcast_in_dim3A_363 : i32 to vector<16xi32>
      %gather3A_365 = tpu.vector_load_idx %arg10[%add3A_343, %broadcast_in_dim3A_364] : memref<128x20xf32, #tpu.memory_space<vmem>>[vector<16xi32>, vector<16xi32>], vector<16xf32>,
      %mul3A_366 = arith.mulf %gather3A_365, %exp3A_354 : vector<16xf32>
      tpu.vector_store_idx %arg12[%add3A_343, %broadcast_in_dim3A_364], %mul3A_366 : memref<128x17xf32, #tpu.memory_space<vmem>>[vector<16xi32>, vector<16xi32>], vector<16xf32>,
      %broadcast_in_dim3A_367 = arith.constant 3 : i32
      %broadcast_in_dim3A_368 = vector.broadcast %broadcast_in_dim3A_367 : i32 to vector<16xi32>
      %gather3A_369 = tpu.vector_load_idx %arg10[%add3A_343, %broadcast_in_dim3A_368] : memref<128x20xf32, #tpu.memory_space<vmem>>[vector<16xi32>, vector<16xi32>], vector<16xf32>,
      %mul3A_370 = arith.mulf %gather3A_369, %exp3A_354 : vector<16xf32>
      tpu.vector_store_idx %arg12[%add3A_343, %broadcast_in_dim3A_368], %mul3A_370 : memref<128x17xf32, #tpu.memory_space<vmem>>[vector<16xi32>, vector<16xi32>], vector<16xf32>,
      %broadcast_in_dim3A_371 = arith.constant 4 : i32
      %broadcast_in_dim3A_372 = vector.broadcast %broadcast_in_dim3A_371 : i32 to vector<16xi32>
      %gather3A_373 = tpu.vector_load_idx %arg10[%add3A_343, %broadcast_in_dim3A_372] : memref<128x20xf32, #tpu.memory_space<vmem>>[vector<16xi32>, vector<16xi32>], vector<16xf32>,
      %mul3A_374 = arith.mulf %gather3A_373, %exp3A_354 : vector<16xf32>
      tpu.vector_store_idx %arg12[%add3A_343, %broadcast_in_dim3A_372], %mul3A_374 : memref<128x17xf32, #tpu.memory_space<vmem>>[vector<16xi32>, vector<16xi32>], vector<16xf32>,
      %broadcast_in_dim3A_375 = arith.constant 5 : i32
      %broadcast_in_dim3A_376 = vector.broadcast %broadcast_in_dim3A_375 : i32 to vector<16xi32>
      %gather3A_377 = tpu.vector_load_idx %arg10[%add3A_343, %broadcast_in_dim3A_376] : memref<128x20xf32, #tpu.memory_space<vmem>>[vector<16xi32>, vector<16xi32>], vector<16xf32>,
      %mul3A_378 = arith.mulf %gather3A_377, %exp3A_354 : vector<16xf32>
      tpu.vector_store_idx %arg12[%add3A_343, %broadcast_in_dim3A_376], %mul3A_378 : memref<128x17xf32, #tpu.memory_space<vmem>>[vector<16xi32>, vector<16xi32>], vector<16xf32>,
      %broadcast_in_dim3A_379 = arith.constant 6 : i32
      %broadcast_in_dim3A_380 = vector.broadcast %broadcast_in_dim3A_379 : i32 to vector<16xi32>
      %gather3A_381 = tpu.vector_load_idx %arg10[%add3A_343, %broadcast_in_dim3A_380] : memref<128x20xf32, #tpu.memory_space<vmem>>[vector<16xi32>, vector<16xi32>], vector<16xf32>,
      %mul3A_382 = arith.mulf %gather3A_381, %exp3A_354 : vector<16xf32>
      tpu.vector_store_idx %arg12[%add3A_343, %broadcast_in_dim3A_380], %mul3A_382 : memref<128x17xf32, #tpu.memory_space<vmem>>[vector<16xi32>, vector<16xi32>], vector<16xf32>,
      %broadcast_in_dim3A_383 = arith.constant 7 : i32
      %broadcast_in_dim3A_384 = vector.broadcast %broadcast_in_dim3A_383 : i32 to vector<16xi32>
      %gather3A_385 = tpu.vector_load_idx %arg10[%add3A_343, %broadcast_in_dim3A_384] : memref<128x20xf32, #tpu.memory_space<vmem>>[vector<16xi32>, vector<16xi32>], vector<16xf32>,
      %mul3A_386 = arith.mulf %gather3A_385, %exp3A_354 : vector<16xf32>
      tpu.vector_store_idx %arg12[%add3A_343, %broadcast_in_dim3A_384], %mul3A_386 : memref<128x17xf32, #tpu.memory_space<vmem>>[vector<16xi32>, vector<16xi32>], vector<16xf32>,
      %broadcast_in_dim3A_387 = arith.constant 8 : i32
      %broadcast_in_dim3A_388 = vector.broadcast %broadcast_in_dim3A_387 : i32 to vector<16xi32>
      %gather3A_389 = tpu.vector_load_idx %arg10[%add3A_343, %broadcast_in_dim3A_388] : memref<128x20xf32, #tpu.memory_space<vmem>>[vector<16xi32>, vector<16xi32>], vector<16xf32>,
      %mul3A_390 = arith.mulf %gather3A_389, %exp3A_354 : vector<16xf32>
      tpu.vector_store_idx %arg12[%add3A_343, %broadcast_in_dim3A_388], %mul3A_390 : memref<128x17xf32, #tpu.memory_space<vmem>>[vector<16xi32>, vector<16xi32>], vector<16xf32>,
      %broadcast_in_dim3A_391 = arith.constant 9 : i32
      %broadcast_in_dim3A_392 = vector.broadcast %broadcast_in_dim3A_391 : i32 to vector<16xi32>
      %gather3A_393 = tpu.vector_load_idx %arg10[%add3A_343, %broadcast_in_dim3A_392] : memref<128x20xf32, #tpu.memory_space<vmem>>[vector<16xi32>, vector<16xi32>], vector<16xf32>,
      %mul3A_394 = arith.mulf %gather3A_393, %exp3A_354 : vector<16xf32>
      tpu.vector_store_idx %arg12[%add3A_343, %broadcast_in_dim3A_392], %mul3A_394 : memref<128x17xf32, #tpu.memory_space<vmem>>[vector<16xi32>, vector<16xi32>], vector<16xf32>,
      %broadcast_in_dim3A_395 = arith.constant 10 : i32
      %broadcast_in_dim3A_396 = vector.broadcast %broadcast_in_dim3A_395 : i32 to vector<16xi32>
      %gather3A_397 = tpu.vector_load_idx %arg10[%add3A_343, %broadcast_in_dim3A_396] : memref<128x20xf32, #tpu.memory_space<vmem>>[vector<16xi32>, vector<16xi32>], vector<16xf32>,
      %mul3A_398 = arith.mulf %gather3A_397, %exp3A_354 : vector<16xf32>
      tpu.vector_store_idx %arg12[%add3A_343, %broadcast_in_dim3A_396], %mul3A_398 : memref<128x17xf32, #tpu.memory_space<vmem>>[vector<16xi32>, vector<16xi32>], vector<16xf32>,
      %broadcast_in_dim3A_399 = arith.constant 11 : i32
      %broadcast_in_dim3A_400 = vector.broadcast %broadcast_in_dim3A_399 : i32 to vector<16xi32>
      %gather3A_401 = tpu.vector_load_idx %arg10[%add3A_343, %broadcast_in_dim3A_400] : memref<128x20xf32, #tpu.memory_space<vmem>>[vector<16xi32>, vector<16xi32>], vector<16xf32>,
      %mul3A_402 = arith.mulf %gather3A_401, %exp3A_354 : vector<16xf32>
      tpu.vector_store_idx %arg12[%add3A_343, %broadcast_in_dim3A_400], %mul3A_402 : memref<128x17xf32, #tpu.memory_space<vmem>>[vector<16xi32>, vector<16xi32>], vector<16xf32>,
      %broadcast_in_dim3A_403 = arith.constant 12 : i32
      %broadcast_in_dim3A_404 = vector.broadcast %broadcast_in_dim3A_403 : i32 to vector<16xi32>
      %gather3A_405 = tpu.vector_load_idx %arg10[%add3A_343, %broadcast_in_dim3A_404] : memref<128x20xf32, #tpu.memory_space<vmem>>[vector<16xi32>, vector<16xi32>], vector<16xf32>,
      %mul3A_406 = arith.mulf %gather3A_405, %exp3A_354 : vector<16xf32>
      tpu.vector_store_idx %arg12[%add3A_343, %broadcast_in_dim3A_404], %mul3A_406 : memref<128x17xf32, #tpu.memory_space<vmem>>[vector<16xi32>, vector<16xi32>], vector<16xf32>,
      %broadcast_in_dim3A_407 = arith.constant 13 : i32
      %broadcast_in_dim3A_408 = vector.broadcast %broadcast_in_dim3A_407 : i32 to vector<16xi32>
      %gather3A_409 = tpu.vector_load_idx %arg10[%add3A_343, %broadcast_in_dim3A_408] : memref<128x20xf32, #tpu.memory_space<vmem>>[vector<16xi32>, vector<16xi32>], vector<16xf32>,
      %mul3A_410 = arith.mulf %gather3A_409, %exp3A_354 : vector<16xf32>
      tpu.vector_store_idx %arg12[%add3A_343, %broadcast_in_dim3A_408], %mul3A_410 : memref<128x17xf32, #tpu.memory_space<vmem>>[vector<16xi32>, vector<16xi32>], vector<16xf32>,
      %broadcast_in_dim3A_411 = arith.constant 14 : i32
      %broadcast_in_dim3A_412 = vector.broadcast %broadcast_in_dim3A_411 : i32 to vector<16xi32>
      %gather3A_413 = tpu.vector_load_idx %arg10[%add3A_343, %broadcast_in_dim3A_412] : memref<128x20xf32, #tpu.memory_space<vmem>>[vector<16xi32>, vector<16xi32>], vector<16xf32>,
      %mul3A_414 = arith.mulf %gather3A_413, %exp3A_354 : vector<16xf32>
      tpu.vector_store_idx %arg12[%add3A_343, %broadcast_in_dim3A_412], %mul3A_414 : memref<128x17xf32, #tpu.memory_space<vmem>>[vector<16xi32>, vector<16xi32>], vector<16xf32>,
      %broadcast_in_dim3A_415 = arith.constant 15 : i32
      %broadcast_in_dim3A_416 = vector.broadcast %broadcast_in_dim3A_415 : i32 to vector<16xi32>
      %gather3A_417 = tpu.vector_load_idx %arg10[%add3A_343, %broadcast_in_dim3A_416] : memref<128x20xf32, #tpu.memory_space<vmem>>[vector<16xi32>, vector<16xi32>], vector<16xf32>,
      %mul3A_418 = arith.mulf %gather3A_417, %exp3A_354 : vector<16xf32>
      tpu.vector_store_idx %arg12[%add3A_343, %broadcast_in_dim3A_416], %mul3A_418 : memref<128x17xf32, #tpu.memory_space<vmem>>[vector<16xi32>, vector<16xi32>], vector<16xf32>,
      %add3A_419 = arith.constant 48 : i32
      %add3A_420 = vector.broadcast %add3A_419 : i32 to vector<16xi32>
      %add3A_421 = arith.addi %iota3A, %add3A_420 : vector<16xi32>
      %gather3A_422 = tpu.vector_load_idx %arg10[%add3A_421, %broadcast_in_dim3A_186] : memref<128x20xf32, #tpu.memory_space<vmem>>[vector<16xi32>, vector<16xi32>], vector<16xf32>,
      %gather3A_423 = tpu.vector_load_idx %arg11[%add3A_421, %broadcast_in_dim3A_188] : memref<128x20xf32, #tpu.memory_space<vmem>>[vector<16xi32>, vector<16xi32>], vector<16xf32>,
      %add3A_424 = arith.addf %gather3A_422, %gather3A_423 : vector<16xf32>
      %gt3A_425 = arith.constant 0.000000e+00 : f32
      %gt3A_426 = vector.broadcast %gt3A_425 : f32 to vector<16xf32>
      %gt3A_427 = arith.cmpf ogt, %add3A_424, %gt3A_426 : vector<16xf32>
      %mul3A_428 = arith.constant 2.000000e-01 : f32
      %mul3A_429 = vector.broadcast %mul3A_428 : f32 to vector<16xf32>
      %mul3A_430 = arith.mulf %mul3A_429, %add3A_424 : vector<16xf32>
      %select_n3A_431 = arith.select %gt3A_427, %add3A_424, %mul3A_430 : vector<16xi1>, vector<16xf32>
      %exp3A_432 = math.exp %select_n3A_431 : vector<16xf32>
      tpu.vector_store_idx %arg12[%add3A_421, %broadcast_in_dim3A_186], %exp3A_432 : memref<128x17xf32, #tpu.memory_space<vmem>>[vector<16xi32>, vector<16xi32>], vector<16xf32>,
      %broadcast_in_dim3A_433 = arith.constant 0 : i32
      %broadcast_in_dim3A_434 = vector.broadcast %broadcast_in_dim3A_433 : i32 to vector<16xi32>
      %gather3A_435 = tpu.vector_load_idx %arg10[%add3A_421, %broadcast_in_dim3A_434] : memref<128x20xf32, #tpu.memory_space<vmem>>[vector<16xi32>, vector<16xi32>], vector<16xf32>,
      %mul3A_436 = arith.mulf %gather3A_435, %exp3A_432 : vector<16xf32>
      tpu.vector_store_idx %arg12[%add3A_421, %broadcast_in_dim3A_434], %mul3A_436 : memref<128x17xf32, #tpu.memory_space<vmem>>[vector<16xi32>, vector<16xi32>], vector<16xf32>,
      %broadcast_in_dim3A_437 = arith.constant 1 : i32
      %broadcast_in_dim3A_438 = vector.broadcast %broadcast_in_dim3A_437 : i32 to vector<16xi32>
      %gather3A_439 = tpu.vector_load_idx %arg10[%add3A_421, %broadcast_in_dim3A_438] : memref<128x20xf32, #tpu.memory_space<vmem>>[vector<16xi32>, vector<16xi32>], vector<16xf32>,
      %mul3A_440 = arith.mulf %gather3A_439, %exp3A_432 : vector<16xf32>
      tpu.vector_store_idx %arg12[%add3A_421, %broadcast_in_dim3A_438], %mul3A_440 : memref<128x17xf32, #tpu.memory_space<vmem>>[vector<16xi32>, vector<16xi32>], vector<16xf32>,
      %broadcast_in_dim3A_441 = arith.constant 2 : i32
      %broadcast_in_dim3A_442 = vector.broadcast %broadcast_in_dim3A_441 : i32 to vector<16xi32>
      %gather3A_443 = tpu.vector_load_idx %arg10[%add3A_421, %broadcast_in_dim3A_442] : memref<128x20xf32, #tpu.memory_space<vmem>>[vector<16xi32>, vector<16xi32>], vector<16xf32>,
      %mul3A_444 = arith.mulf %gather3A_443, %exp3A_432 : vector<16xf32>
      tpu.vector_store_idx %arg12[%add3A_421, %broadcast_in_dim3A_442], %mul3A_444 : memref<128x17xf32, #tpu.memory_space<vmem>>[vector<16xi32>, vector<16xi32>], vector<16xf32>,
      %broadcast_in_dim3A_445 = arith.constant 3 : i32
      %broadcast_in_dim3A_446 = vector.broadcast %broadcast_in_dim3A_445 : i32 to vector<16xi32>
      %gather3A_447 = tpu.vector_load_idx %arg10[%add3A_421, %broadcast_in_dim3A_446] : memref<128x20xf32, #tpu.memory_space<vmem>>[vector<16xi32>, vector<16xi32>], vector<16xf32>,
      %mul3A_448 = arith.mulf %gather3A_447, %exp3A_432 : vector<16xf32>
      tpu.vector_store_idx %arg12[%add3A_421, %broadcast_in_dim3A_446], %mul3A_448 : memref<128x17xf32, #tpu.memory_space<vmem>>[vector<16xi32>, vector<16xi32>], vector<16xf32>,
      %broadcast_in_dim3A_449 = arith.constant 4 : i32
      %broadcast_in_dim3A_450 = vector.broadcast %broadcast_in_dim3A_449 : i32 to vector<16xi32>
      %gather3A_451 = tpu.vector_load_idx %arg10[%add3A_421, %broadcast_in_dim3A_450] : memref<128x20xf32, #tpu.memory_space<vmem>>[vector<16xi32>, vector<16xi32>], vector<16xf32>,
      %mul3A_452 = arith.mulf %gather3A_451, %exp3A_432 : vector<16xf32>
      tpu.vector_store_idx %arg12[%add3A_421, %broadcast_in_dim3A_450], %mul3A_452 : memref<128x17xf32, #tpu.memory_space<vmem>>[vector<16xi32>, vector<16xi32>], vector<16xf32>,
      %broadcast_in_dim3A_453 = arith.constant 5 : i32
      %broadcast_in_dim3A_454 = vector.broadcast %broadcast_in_dim3A_453 : i32 to vector<16xi32>
      %gather3A_455 = tpu.vector_load_idx %arg10[%add3A_421, %broadcast_in_dim3A_454] : memref<128x20xf32, #tpu.memory_space<vmem>>[vector<16xi32>, vector<16xi32>], vector<16xf32>,
      %mul3A_456 = arith.mulf %gather3A_455, %exp3A_432 : vector<16xf32>
      tpu.vector_store_idx %arg12[%add3A_421, %broadcast_in_dim3A_454], %mul3A_456 : memref<128x17xf32, #tpu.memory_space<vmem>>[vector<16xi32>, vector<16xi32>], vector<16xf32>,
      %broadcast_in_dim3A_457 = arith.constant 6 : i32
      %broadcast_in_dim3A_458 = vector.broadcast %broadcast_in_dim3A_457 : i32 to vector<16xi32>
      %gather3A_459 = tpu.vector_load_idx %arg10[%add3A_421, %broadcast_in_dim3A_458] : memref<128x20xf32, #tpu.memory_space<vmem>>[vector<16xi32>, vector<16xi32>], vector<16xf32>,
      %mul3A_460 = arith.mulf %gather3A_459, %exp3A_432 : vector<16xf32>
      tpu.vector_store_idx %arg12[%add3A_421, %broadcast_in_dim3A_458], %mul3A_460 : memref<128x17xf32, #tpu.memory_space<vmem>>[vector<16xi32>, vector<16xi32>], vector<16xf32>,
      %broadcast_in_dim3A_461 = arith.constant 7 : i32
      %broadcast_in_dim3A_462 = vector.broadcast %broadcast_in_dim3A_461 : i32 to vector<16xi32>
      %gather3A_463 = tpu.vector_load_idx %arg10[%add3A_421, %broadcast_in_dim3A_462] : memref<128x20xf32, #tpu.memory_space<vmem>>[vector<16xi32>, vector<16xi32>], vector<16xf32>,
      %mul3A_464 = arith.mulf %gather3A_463, %exp3A_432 : vector<16xf32>
      tpu.vector_store_idx %arg12[%add3A_421, %broadcast_in_dim3A_462], %mul3A_464 : memref<128x17xf32, #tpu.memory_space<vmem>>[vector<16xi32>, vector<16xi32>], vector<16xf32>,
      %broadcast_in_dim3A_465 = arith.constant 8 : i32
      %broadcast_in_dim3A_466 = vector.broadcast %broadcast_in_dim3A_465 : i32 to vector<16xi32>
      %gather3A_467 = tpu.vector_load_idx %arg10[%add3A_421, %broadcast_in_dim3A_466] : memref<128x20xf32, #tpu.memory_space<vmem>>[vector<16xi32>, vector<16xi32>], vector<16xf32>,
      %mul3A_468 = arith.mulf %gather3A_467, %exp3A_432 : vector<16xf32>
      tpu.vector_store_idx %arg12[%add3A_421, %broadcast_in_dim3A_466], %mul3A_468 : memref<128x17xf32, #tpu.memory_space<vmem>>[vector<16xi32>, vector<16xi32>], vector<16xf32>,
      %broadcast_in_dim3A_469 = arith.constant 9 : i32
      %broadcast_in_dim3A_470 = vector.broadcast %broadcast_in_dim3A_469 : i32 to vector<16xi32>
      %gather3A_471 = tpu.vector_load_idx %arg10[%add3A_421, %broadcast_in_dim3A_470] : memref<128x20xf32, #tpu.memory_space<vmem>>[vector<16xi32>, vector<16xi32>], vector<16xf32>,
      %mul3A_472 = arith.mulf %gather3A_471, %exp3A_432 : vector<16xf32>
      tpu.vector_store_idx %arg12[%add3A_421, %broadcast_in_dim3A_470], %mul3A_472 : memref<128x17xf32, #tpu.memory_space<vmem>>[vector<16xi32>, vector<16xi32>], vector<16xf32>,
      %broadcast_in_dim3A_473 = arith.constant 10 : i32
      %broadcast_in_dim3A_474 = vector.broadcast %broadcast_in_dim3A_473 : i32 to vector<16xi32>
      %gather3A_475 = tpu.vector_load_idx %arg10[%add3A_421, %broadcast_in_dim3A_474] : memref<128x20xf32, #tpu.memory_space<vmem>>[vector<16xi32>, vector<16xi32>], vector<16xf32>,
      %mul3A_476 = arith.mulf %gather3A_475, %exp3A_432 : vector<16xf32>
      tpu.vector_store_idx %arg12[%add3A_421, %broadcast_in_dim3A_474], %mul3A_476 : memref<128x17xf32, #tpu.memory_space<vmem>>[vector<16xi32>, vector<16xi32>], vector<16xf32>,
      %broadcast_in_dim3A_477 = arith.constant 11 : i32
      %broadcast_in_dim3A_478 = vector.broadcast %broadcast_in_dim3A_477 : i32 to vector<16xi32>
      %gather3A_479 = tpu.vector_load_idx %arg10[%add3A_421, %broadcast_in_dim3A_478] : memref<128x20xf32, #tpu.memory_space<vmem>>[vector<16xi32>, vector<16xi32>], vector<16xf32>,
      %mul3A_480 = arith.mulf %gather3A_479, %exp3A_432 : vector<16xf32>
      tpu.vector_store_idx %arg12[%add3A_421, %broadcast_in_dim3A_478], %mul3A_480 : memref<128x17xf32, #tpu.memory_space<vmem>>[vector<16xi32>, vector<16xi32>], vector<16xf32>,
      %broadcast_in_dim3A_481 = arith.constant 12 : i32
      %broadcast_in_dim3A_482 = vector.broadcast %broadcast_in_dim3A_481 : i32 to vector<16xi32>
      %gather3A_483 = tpu.vector_load_idx %arg10[%add3A_421, %broadcast_in_dim3A_482] : memref<128x20xf32, #tpu.memory_space<vmem>>[vector<16xi32>, vector<16xi32>], vector<16xf32>,
      %mul3A_484 = arith.mulf %gather3A_483, %exp3A_432 : vector<16xf32>
      tpu.vector_store_idx %arg12[%add3A_421, %broadcast_in_dim3A_482], %mul3A_484 : memref<128x17xf32, #tpu.memory_space<vmem>>[vector<16xi32>, vector<16xi32>], vector<16xf32>,
      %broadcast_in_dim3A_485 = arith.constant 13 : i32
      %broadcast_in_dim3A_486 = vector.broadcast %broadcast_in_dim3A_485 : i32 to vector<16xi32>
      %gather3A_487 = tpu.vector_load_idx %arg10[%add3A_421, %broadcast_in_dim3A_486] : memref<128x20xf32, #tpu.memory_space<vmem>>[vector<16xi32>, vector<16xi32>], vector<16xf32>,
      %mul3A_488 = arith.mulf %gather3A_487, %exp3A_432 : vector<16xf32>
      tpu.vector_store_idx %arg12[%add3A_421, %broadcast_in_dim3A_486], %mul3A_488 : memref<128x17xf32, #tpu.memory_space<vmem>>[vector<16xi32>, vector<16xi32>], vector<16xf32>,
      %broadcast_in_dim3A_489 = arith.constant 14 : i32
      %broadcast_in_dim3A_490 = vector.broadcast %broadcast_in_dim3A_489 : i32 to vector<16xi32>
      %gather3A_491 = tpu.vector_load_idx %arg10[%add3A_421, %broadcast_in_dim3A_490] : memref<128x20xf32, #tpu.memory_space<vmem>>[vector<16xi32>, vector<16xi32>], vector<16xf32>,
      %mul3A_492 = arith.mulf %gather3A_491, %exp3A_432 : vector<16xf32>
      tpu.vector_store_idx %arg12[%add3A_421, %broadcast_in_dim3A_490], %mul3A_492 : memref<128x17xf32, #tpu.memory_space<vmem>>[vector<16xi32>, vector<16xi32>], vector<16xf32>,
      %broadcast_in_dim3A_493 = arith.constant 15 : i32
      %broadcast_in_dim3A_494 = vector.broadcast %broadcast_in_dim3A_493 : i32 to vector<16xi32>
      %gather3A_495 = tpu.vector_load_idx %arg10[%add3A_421, %broadcast_in_dim3A_494] : memref<128x20xf32, #tpu.memory_space<vmem>>[vector<16xi32>, vector<16xi32>], vector<16xf32>,
      %mul3A_496 = arith.mulf %gather3A_495, %exp3A_432 : vector<16xf32>
      tpu.vector_store_idx %arg12[%add3A_421, %broadcast_in_dim3A_494], %mul3A_496 : memref<128x17xf32, #tpu.memory_space<vmem>>[vector<16xi32>, vector<16xi32>], vector<16xf32>,
      %add3A_497 = arith.constant 64 : i32
      %add3A_498 = vector.broadcast %add3A_497 : i32 to vector<16xi32>
      %add3A_499 = arith.addi %iota3A, %add3A_498 : vector<16xi32>
      %gather3A_500 = tpu.vector_load_idx %arg10[%add3A_499, %broadcast_in_dim3A_186] : memref<128x20xf32, #tpu.memory_space<vmem>>[vector<16xi32>, vector<16xi32>], vector<16xf32>,
      %gather3A_501 = tpu.vector_load_idx %arg11[%add3A_499, %broadcast_in_dim3A_188] : memref<128x20xf32, #tpu.memory_space<vmem>>[vector<16xi32>, vector<16xi32>], vector<16xf32>,
      %add3A_502 = arith.addf %gather3A_500, %gather3A_501 : vector<16xf32>
      %gt3A_503 = arith.constant 0.000000e+00 : f32
      %gt3A_504 = vector.broadcast %gt3A_503 : f32 to vector<16xf32>
      %gt3A_505 = arith.cmpf ogt, %add3A_502, %gt3A_504 : vector<16xf32>
      %mul3A_506 = arith.constant 2.000000e-01 : f32
      %mul3A_507 = vector.broadcast %mul3A_506 : f32 to vector<16xf32>
      %mul3A_508 = arith.mulf %mul3A_507, %add3A_502 : vector<16xf32>
      %select_n3A_509 = arith.select %gt3A_505, %add3A_502, %mul3A_508 : vector<16xi1>, vector<16xf32>
      %exp3A_510 = math.exp %select_n3A_509 : vector<16xf32>
      tpu.vector_store_idx %arg12[%add3A_499, %broadcast_in_dim3A_186], %exp3A_510 : memref<128x17xf32, #tpu.memory_space<vmem>>[vector<16xi32>, vector<16xi32>], vector<16xf32>,
      %broadcast_in_dim3A_511 = arith.constant 0 : i32
      %broadcast_in_dim3A_512 = vector.broadcast %broadcast_in_dim3A_511 : i32 to vector<16xi32>
      %gather3A_513 = tpu.vector_load_idx %arg10[%add3A_499, %broadcast_in_dim3A_512] : memref<128x20xf32, #tpu.memory_space<vmem>>[vector<16xi32>, vector<16xi32>], vector<16xf32>,
      %mul3A_514 = arith.mulf %gather3A_513, %exp3A_510 : vector<16xf32>
      tpu.vector_store_idx %arg12[%add3A_499, %broadcast_in_dim3A_512], %mul3A_514 : memref<128x17xf32, #tpu.memory_space<vmem>>[vector<16xi32>, vector<16xi32>], vector<16xf32>,
      %broadcast_in_dim3A_515 = arith.constant 1 : i32
      %broadcast_in_dim3A_516 = vector.broadcast %broadcast_in_dim3A_515 : i32 to vector<16xi32>
      %gather3A_517 = tpu.vector_load_idx %arg10[%add3A_499, %broadcast_in_dim3A_516] : memref<128x20xf32, #tpu.memory_space<vmem>>[vector<16xi32>, vector<16xi32>], vector<16xf32>,
      %mul3A_518 = arith.mulf %gather3A_517, %exp3A_510 : vector<16xf32>
      tpu.vector_store_idx %arg12[%add3A_499, %broadcast_in_dim3A_516], %mul3A_518 : memref<128x17xf32, #tpu.memory_space<vmem>>[vector<16xi32>, vector<16xi32>], vector<16xf32>,
      %broadcast_in_dim3A_519 = arith.constant 2 : i32
      %broadcast_in_dim3A_520 = vector.broadcast %broadcast_in_dim3A_519 : i32 to vector<16xi32>
      %gather3A_521 = tpu.vector_load_idx %arg10[%add3A_499, %broadcast_in_dim3A_520] : memref<128x20xf32, #tpu.memory_space<vmem>>[vector<16xi32>, vector<16xi32>], vector<16xf32>,
      %mul3A_522 = arith.mulf %gather3A_521, %exp3A_510 : vector<16xf32>
      tpu.vector_store_idx %arg12[%add3A_499, %broadcast_in_dim3A_520], %mul3A_522 : memref<128x17xf32, #tpu.memory_space<vmem>>[vector<16xi32>, vector<16xi32>], vector<16xf32>,
      %broadcast_in_dim3A_523 = arith.constant 3 : i32
      %broadcast_in_dim3A_524 = vector.broadcast %broadcast_in_dim3A_523 : i32 to vector<16xi32>
      %gather3A_525 = tpu.vector_load_idx %arg10[%add3A_499, %broadcast_in_dim3A_524] : memref<128x20xf32, #tpu.memory_space<vmem>>[vector<16xi32>, vector<16xi32>], vector<16xf32>,
      %mul3A_526 = arith.mulf %gather3A_525, %exp3A_510 : vector<16xf32>
      tpu.vector_store_idx %arg12[%add3A_499, %broadcast_in_dim3A_524], %mul3A_526 : memref<128x17xf32, #tpu.memory_space<vmem>>[vector<16xi32>, vector<16xi32>], vector<16xf32>,
      %broadcast_in_dim3A_527 = arith.constant 4 : i32
      %broadcast_in_dim3A_528 = vector.broadcast %broadcast_in_dim3A_527 : i32 to vector<16xi32>
      %gather3A_529 = tpu.vector_load_idx %arg10[%add3A_499, %broadcast_in_dim3A_528] : memref<128x20xf32, #tpu.memory_space<vmem>>[vector<16xi32>, vector<16xi32>], vector<16xf32>,
      %mul3A_530 = arith.mulf %gather3A_529, %exp3A_510 : vector<16xf32>
      tpu.vector_store_idx %arg12[%add3A_499, %broadcast_in_dim3A_528], %mul3A_530 : memref<128x17xf32, #tpu.memory_space<vmem>>[vector<16xi32>, vector<16xi32>], vector<16xf32>,
      %broadcast_in_dim3A_531 = arith.constant 5 : i32
      %broadcast_in_dim3A_532 = vector.broadcast %broadcast_in_dim3A_531 : i32 to vector<16xi32>
      %gather3A_533 = tpu.vector_load_idx %arg10[%add3A_499, %broadcast_in_dim3A_532] : memref<128x20xf32, #tpu.memory_space<vmem>>[vector<16xi32>, vector<16xi32>], vector<16xf32>,
      %mul3A_534 = arith.mulf %gather3A_533, %exp3A_510 : vector<16xf32>
      tpu.vector_store_idx %arg12[%add3A_499, %broadcast_in_dim3A_532], %mul3A_534 : memref<128x17xf32, #tpu.memory_space<vmem>>[vector<16xi32>, vector<16xi32>], vector<16xf32>,
      %broadcast_in_dim3A_535 = arith.constant 6 : i32
      %broadcast_in_dim3A_536 = vector.broadcast %broadcast_in_dim3A_535 : i32 to vector<16xi32>
      %gather3A_537 = tpu.vector_load_idx %arg10[%add3A_499, %broadcast_in_dim3A_536] : memref<128x20xf32, #tpu.memory_space<vmem>>[vector<16xi32>, vector<16xi32>], vector<16xf32>,
      %mul3A_538 = arith.mulf %gather3A_537, %exp3A_510 : vector<16xf32>
      tpu.vector_store_idx %arg12[%add3A_499, %broadcast_in_dim3A_536], %mul3A_538 : memref<128x17xf32, #tpu.memory_space<vmem>>[vector<16xi32>, vector<16xi32>], vector<16xf32>,
      %broadcast_in_dim3A_539 = arith.constant 7 : i32
      %broadcast_in_dim3A_540 = vector.broadcast %broadcast_in_dim3A_539 : i32 to vector<16xi32>
      %gather3A_541 = tpu.vector_load_idx %arg10[%add3A_499, %broadcast_in_dim3A_540] : memref<128x20xf32, #tpu.memory_space<vmem>>[vector<16xi32>, vector<16xi32>], vector<16xf32>,
      %mul3A_542 = arith.mulf %gather3A_541, %exp3A_510 : vector<16xf32>
      tpu.vector_store_idx %arg12[%add3A_499, %broadcast_in_dim3A_540], %mul3A_542 : memref<128x17xf32, #tpu.memory_space<vmem>>[vector<16xi32>, vector<16xi32>], vector<16xf32>,
      %broadcast_in_dim3A_543 = arith.constant 8 : i32
      %broadcast_in_dim3A_544 = vector.broadcast %broadcast_in_dim3A_543 : i32 to vector<16xi32>
      %gather3A_545 = tpu.vector_load_idx %arg10[%add3A_499, %broadcast_in_dim3A_544] : memref<128x20xf32, #tpu.memory_space<vmem>>[vector<16xi32>, vector<16xi32>], vector<16xf32>,
      %mul3A_546 = arith.mulf %gather3A_545, %exp3A_510 : vector<16xf32>
      tpu.vector_store_idx %arg12[%add3A_499, %broadcast_in_dim3A_544], %mul3A_546 : memref<128x17xf32, #tpu.memory_space<vmem>>[vector<16xi32>, vector<16xi32>], vector<16xf32>,
      %broadcast_in_dim3A_547 = arith.constant 9 : i32
      %broadcast_in_dim3A_548 = vector.broadcast %broadcast_in_dim3A_547 : i32 to vector<16xi32>
      %gather3A_549 = tpu.vector_load_idx %arg10[%add3A_499, %broadcast_in_dim3A_548] : memref<128x20xf32, #tpu.memory_space<vmem>>[vector<16xi32>, vector<16xi32>], vector<16xf32>,
      %mul3A_550 = arith.mulf %gather3A_549, %exp3A_510 : vector<16xf32>
      tpu.vector_store_idx %arg12[%add3A_499, %broadcast_in_dim3A_548], %mul3A_550 : memref<128x17xf32, #tpu.memory_space<vmem>>[vector<16xi32>, vector<16xi32>], vector<16xf32>,
      %broadcast_in_dim3A_551 = arith.constant 10 : i32
      %broadcast_in_dim3A_552 = vector.broadcast %broadcast_in_dim3A_551 : i32 to vector<16xi32>
      %gather3A_553 = tpu.vector_load_idx %arg10[%add3A_499, %broadcast_in_dim3A_552] : memref<128x20xf32, #tpu.memory_space<vmem>>[vector<16xi32>, vector<16xi32>], vector<16xf32>,
      %mul3A_554 = arith.mulf %gather3A_553, %exp3A_510 : vector<16xf32>
      tpu.vector_store_idx %arg12[%add3A_499, %broadcast_in_dim3A_552], %mul3A_554 : memref<128x17xf32, #tpu.memory_space<vmem>>[vector<16xi32>, vector<16xi32>], vector<16xf32>,
      %broadcast_in_dim3A_555 = arith.constant 11 : i32
      %broadcast_in_dim3A_556 = vector.broadcast %broadcast_in_dim3A_555 : i32 to vector<16xi32>
      %gather3A_557 = tpu.vector_load_idx %arg10[%add3A_499, %broadcast_in_dim3A_556] : memref<128x20xf32, #tpu.memory_space<vmem>>[vector<16xi32>, vector<16xi32>], vector<16xf32>,
      %mul3A_558 = arith.mulf %gather3A_557, %exp3A_510 : vector<16xf32>
      tpu.vector_store_idx %arg12[%add3A_499, %broadcast_in_dim3A_556], %mul3A_558 : memref<128x17xf32, #tpu.memory_space<vmem>>[vector<16xi32>, vector<16xi32>], vector<16xf32>,
      %broadcast_in_dim3A_559 = arith.constant 12 : i32
      %broadcast_in_dim3A_560 = vector.broadcast %broadcast_in_dim3A_559 : i32 to vector<16xi32>
      %gather3A_561 = tpu.vector_load_idx %arg10[%add3A_499, %broadcast_in_dim3A_560] : memref<128x20xf32, #tpu.memory_space<vmem>>[vector<16xi32>, vector<16xi32>], vector<16xf32>,
      %mul3A_562 = arith.mulf %gather3A_561, %exp3A_510 : vector<16xf32>
      tpu.vector_store_idx %arg12[%add3A_499, %broadcast_in_dim3A_560], %mul3A_562 : memref<128x17xf32, #tpu.memory_space<vmem>>[vector<16xi32>, vector<16xi32>], vector<16xf32>,
      %broadcast_in_dim3A_563 = arith.constant 13 : i32
      %broadcast_in_dim3A_564 = vector.broadcast %broadcast_in_dim3A_563 : i32 to vector<16xi32>
      %gather3A_565 = tpu.vector_load_idx %arg10[%add3A_499, %broadcast_in_dim3A_564] : memref<128x20xf32, #tpu.memory_space<vmem>>[vector<16xi32>, vector<16xi32>], vector<16xf32>,
      %mul3A_566 = arith.mulf %gather3A_565, %exp3A_510 : vector<16xf32>
      tpu.vector_store_idx %arg12[%add3A_499, %broadcast_in_dim3A_564], %mul3A_566 : memref<128x17xf32, #tpu.memory_space<vmem>>[vector<16xi32>, vector<16xi32>], vector<16xf32>,
      %broadcast_in_dim3A_567 = arith.constant 14 : i32
      %broadcast_in_dim3A_568 = vector.broadcast %broadcast_in_dim3A_567 : i32 to vector<16xi32>
      %gather3A_569 = tpu.vector_load_idx %arg10[%add3A_499, %broadcast_in_dim3A_568] : memref<128x20xf32, #tpu.memory_space<vmem>>[vector<16xi32>, vector<16xi32>], vector<16xf32>,
      %mul3A_570 = arith.mulf %gather3A_569, %exp3A_510 : vector<16xf32>
      tpu.vector_store_idx %arg12[%add3A_499, %broadcast_in_dim3A_568], %mul3A_570 : memref<128x17xf32, #tpu.memory_space<vmem>>[vector<16xi32>, vector<16xi32>], vector<16xf32>,
      %broadcast_in_dim3A_571 = arith.constant 15 : i32
      %broadcast_in_dim3A_572 = vector.broadcast %broadcast_in_dim3A_571 : i32 to vector<16xi32>
      %gather3A_573 = tpu.vector_load_idx %arg10[%add3A_499, %broadcast_in_dim3A_572] : memref<128x20xf32, #tpu.memory_space<vmem>>[vector<16xi32>, vector<16xi32>], vector<16xf32>,
      %mul3A_574 = arith.mulf %gather3A_573, %exp3A_510 : vector<16xf32>
      tpu.vector_store_idx %arg12[%add3A_499, %broadcast_in_dim3A_572], %mul3A_574 : memref<128x17xf32, #tpu.memory_space<vmem>>[vector<16xi32>, vector<16xi32>], vector<16xf32>,
      %add3A_575 = arith.constant 80 : i32
      %add3A_576 = vector.broadcast %add3A_575 : i32 to vector<16xi32>
      %add3A_577 = arith.addi %iota3A, %add3A_576 : vector<16xi32>
      %gather3A_578 = tpu.vector_load_idx %arg10[%add3A_577, %broadcast_in_dim3A_186] : memref<128x20xf32, #tpu.memory_space<vmem>>[vector<16xi32>, vector<16xi32>], vector<16xf32>,
      %gather3A_579 = tpu.vector_load_idx %arg11[%add3A_577, %broadcast_in_dim3A_188] : memref<128x20xf32, #tpu.memory_space<vmem>>[vector<16xi32>, vector<16xi32>], vector<16xf32>,
      %add3A_580 = arith.addf %gather3A_578, %gather3A_579 : vector<16xf32>
      %gt3A_581 = arith.constant 0.000000e+00 : f32
      %gt3A_582 = vector.broadcast %gt3A_581 : f32 to vector<16xf32>
      %gt3A_583 = arith.cmpf ogt, %add3A_580, %gt3A_582 : vector<16xf32>
      %mul3A_584 = arith.constant 2.000000e-01 : f32
      %mul3A_585 = vector.broadcast %mul3A_584 : f32 to vector<16xf32>
      %mul3A_586 = arith.mulf %mul3A_585, %add3A_580 : vector<16xf32>
      %select_n3A_587 = arith.select %gt3A_583, %add3A_580, %mul3A_586 : vector<16xi1>, vector<16xf32>
      %exp3A_588 = math.exp %select_n3A_587 : vector<16xf32>
      tpu.vector_store_idx %arg12[%add3A_577, %broadcast_in_dim3A_186], %exp3A_588 : memref<128x17xf32, #tpu.memory_space<vmem>>[vector<16xi32>, vector<16xi32>], vector<16xf32>,
      %broadcast_in_dim3A_589 = arith.constant 0 : i32
      %broadcast_in_dim3A_590 = vector.broadcast %broadcast_in_dim3A_589 : i32 to vector<16xi32>
      %gather3A_591 = tpu.vector_load_idx %arg10[%add3A_577, %broadcast_in_dim3A_590] : memref<128x20xf32, #tpu.memory_space<vmem>>[vector<16xi32>, vector<16xi32>], vector<16xf32>,
      %mul3A_592 = arith.mulf %gather3A_591, %exp3A_588 : vector<16xf32>
      tpu.vector_store_idx %arg12[%add3A_577, %broadcast_in_dim3A_590], %mul3A_592 : memref<128x17xf32, #tpu.memory_space<vmem>>[vector<16xi32>, vector<16xi32>], vector<16xf32>,
      %broadcast_in_dim3A_593 = arith.constant 1 : i32
      %broadcast_in_dim3A_594 = vector.broadcast %broadcast_in_dim3A_593 : i32 to vector<16xi32>
      %gather3A_595 = tpu.vector_load_idx %arg10[%add3A_577, %broadcast_in_dim3A_594] : memref<128x20xf32, #tpu.memory_space<vmem>>[vector<16xi32>, vector<16xi32>], vector<16xf32>,
      %mul3A_596 = arith.mulf %gather3A_595, %exp3A_588 : vector<16xf32>
      tpu.vector_store_idx %arg12[%add3A_577, %broadcast_in_dim3A_594], %mul3A_596 : memref<128x17xf32, #tpu.memory_space<vmem>>[vector<16xi32>, vector<16xi32>], vector<16xf32>,
      %broadcast_in_dim3A_597 = arith.constant 2 : i32
      %broadcast_in_dim3A_598 = vector.broadcast %broadcast_in_dim3A_597 : i32 to vector<16xi32>
      %gather3A_599 = tpu.vector_load_idx %arg10[%add3A_577, %broadcast_in_dim3A_598] : memref<128x20xf32, #tpu.memory_space<vmem>>[vector<16xi32>, vector<16xi32>], vector<16xf32>,
      %mul3A_600 = arith.mulf %gather3A_599, %exp3A_588 : vector<16xf32>
      tpu.vector_store_idx %arg12[%add3A_577, %broadcast_in_dim3A_598], %mul3A_600 : memref<128x17xf32, #tpu.memory_space<vmem>>[vector<16xi32>, vector<16xi32>], vector<16xf32>,
      %broadcast_in_dim3A_601 = arith.constant 3 : i32
      %broadcast_in_dim3A_602 = vector.broadcast %broadcast_in_dim3A_601 : i32 to vector<16xi32>
      %gather3A_603 = tpu.vector_load_idx %arg10[%add3A_577, %broadcast_in_dim3A_602] : memref<128x20xf32, #tpu.memory_space<vmem>>[vector<16xi32>, vector<16xi32>], vector<16xf32>,
      %mul3A_604 = arith.mulf %gather3A_603, %exp3A_588 : vector<16xf32>
      tpu.vector_store_idx %arg12[%add3A_577, %broadcast_in_dim3A_602], %mul3A_604 : memref<128x17xf32, #tpu.memory_space<vmem>>[vector<16xi32>, vector<16xi32>], vector<16xf32>,
      %broadcast_in_dim3A_605 = arith.constant 4 : i32
      %broadcast_in_dim3A_606 = vector.broadcast %broadcast_in_dim3A_605 : i32 to vector<16xi32>
      %gather3A_607 = tpu.vector_load_idx %arg10[%add3A_577, %broadcast_in_dim3A_606] : memref<128x20xf32, #tpu.memory_space<vmem>>[vector<16xi32>, vector<16xi32>], vector<16xf32>,
      %mul3A_608 = arith.mulf %gather3A_607, %exp3A_588 : vector<16xf32>
      tpu.vector_store_idx %arg12[%add3A_577, %broadcast_in_dim3A_606], %mul3A_608 : memref<128x17xf32, #tpu.memory_space<vmem>>[vector<16xi32>, vector<16xi32>], vector<16xf32>,
      %broadcast_in_dim3A_609 = arith.constant 5 : i32
      %broadcast_in_dim3A_610 = vector.broadcast %broadcast_in_dim3A_609 : i32 to vector<16xi32>
      %gather3A_611 = tpu.vector_load_idx %arg10[%add3A_577, %broadcast_in_dim3A_610] : memref<128x20xf32, #tpu.memory_space<vmem>>[vector<16xi32>, vector<16xi32>], vector<16xf32>,
      %mul3A_612 = arith.mulf %gather3A_611, %exp3A_588 : vector<16xf32>
      tpu.vector_store_idx %arg12[%add3A_577, %broadcast_in_dim3A_610], %mul3A_612 : memref<128x17xf32, #tpu.memory_space<vmem>>[vector<16xi32>, vector<16xi32>], vector<16xf32>,
      %broadcast_in_dim3A_613 = arith.constant 6 : i32
      %broadcast_in_dim3A_614 = vector.broadcast %broadcast_in_dim3A_613 : i32 to vector<16xi32>
      %gather3A_615 = tpu.vector_load_idx %arg10[%add3A_577, %broadcast_in_dim3A_614] : memref<128x20xf32, #tpu.memory_space<vmem>>[vector<16xi32>, vector<16xi32>], vector<16xf32>,
      %mul3A_616 = arith.mulf %gather3A_615, %exp3A_588 : vector<16xf32>
      tpu.vector_store_idx %arg12[%add3A_577, %broadcast_in_dim3A_614], %mul3A_616 : memref<128x17xf32, #tpu.memory_space<vmem>>[vector<16xi32>, vector<16xi32>], vector<16xf32>,
      %broadcast_in_dim3A_617 = arith.constant 7 : i32
      %broadcast_in_dim3A_618 = vector.broadcast %broadcast_in_dim3A_617 : i32 to vector<16xi32>
      %gather3A_619 = tpu.vector_load_idx %arg10[%add3A_577, %broadcast_in_dim3A_618] : memref<128x20xf32, #tpu.memory_space<vmem>>[vector<16xi32>, vector<16xi32>], vector<16xf32>,
      %mul3A_620 = arith.mulf %gather3A_619, %exp3A_588 : vector<16xf32>
      tpu.vector_store_idx %arg12[%add3A_577, %broadcast_in_dim3A_618], %mul3A_620 : memref<128x17xf32, #tpu.memory_space<vmem>>[vector<16xi32>, vector<16xi32>], vector<16xf32>,
      %broadcast_in_dim3A_621 = arith.constant 8 : i32
      %broadcast_in_dim3A_622 = vector.broadcast %broadcast_in_dim3A_621 : i32 to vector<16xi32>
      %gather3A_623 = tpu.vector_load_idx %arg10[%add3A_577, %broadcast_in_dim3A_622] : memref<128x20xf32, #tpu.memory_space<vmem>>[vector<16xi32>, vector<16xi32>], vector<16xf32>,
      %mul3A_624 = arith.mulf %gather3A_623, %exp3A_588 : vector<16xf32>
      tpu.vector_store_idx %arg12[%add3A_577, %broadcast_in_dim3A_622], %mul3A_624 : memref<128x17xf32, #tpu.memory_space<vmem>>[vector<16xi32>, vector<16xi32>], vector<16xf32>,
      %broadcast_in_dim3A_625 = arith.constant 9 : i32
      %broadcast_in_dim3A_626 = vector.broadcast %broadcast_in_dim3A_625 : i32 to vector<16xi32>
      %gather3A_627 = tpu.vector_load_idx %arg10[%add3A_577, %broadcast_in_dim3A_626] : memref<128x20xf32, #tpu.memory_space<vmem>>[vector<16xi32>, vector<16xi32>], vector<16xf32>,
      %mul3A_628 = arith.mulf %gather3A_627, %exp3A_588 : vector<16xf32>
      tpu.vector_store_idx %arg12[%add3A_577, %broadcast_in_dim3A_626], %mul3A_628 : memref<128x17xf32, #tpu.memory_space<vmem>>[vector<16xi32>, vector<16xi32>], vector<16xf32>,
      %broadcast_in_dim3A_629 = arith.constant 10 : i32
      %broadcast_in_dim3A_630 = vector.broadcast %broadcast_in_dim3A_629 : i32 to vector<16xi32>
      %gather3A_631 = tpu.vector_load_idx %arg10[%add3A_577, %broadcast_in_dim3A_630] : memref<128x20xf32, #tpu.memory_space<vmem>>[vector<16xi32>, vector<16xi32>], vector<16xf32>,
      %mul3A_632 = arith.mulf %gather3A_631, %exp3A_588 : vector<16xf32>
      tpu.vector_store_idx %arg12[%add3A_577, %broadcast_in_dim3A_630], %mul3A_632 : memref<128x17xf32, #tpu.memory_space<vmem>>[vector<16xi32>, vector<16xi32>], vector<16xf32>,
      %broadcast_in_dim3A_633 = arith.constant 11 : i32
      %broadcast_in_dim3A_634 = vector.broadcast %broadcast_in_dim3A_633 : i32 to vector<16xi32>
      %gather3A_635 = tpu.vector_load_idx %arg10[%add3A_577, %broadcast_in_dim3A_634] : memref<128x20xf32, #tpu.memory_space<vmem>>[vector<16xi32>, vector<16xi32>], vector<16xf32>,
      %mul3A_636 = arith.mulf %gather3A_635, %exp3A_588 : vector<16xf32>
      tpu.vector_store_idx %arg12[%add3A_577, %broadcast_in_dim3A_634], %mul3A_636 : memref<128x17xf32, #tpu.memory_space<vmem>>[vector<16xi32>, vector<16xi32>], vector<16xf32>,
      %broadcast_in_dim3A_637 = arith.constant 12 : i32
      %broadcast_in_dim3A_638 = vector.broadcast %broadcast_in_dim3A_637 : i32 to vector<16xi32>
      %gather3A_639 = tpu.vector_load_idx %arg10[%add3A_577, %broadcast_in_dim3A_638] : memref<128x20xf32, #tpu.memory_space<vmem>>[vector<16xi32>, vector<16xi32>], vector<16xf32>,
      %mul3A_640 = arith.mulf %gather3A_639, %exp3A_588 : vector<16xf32>
      tpu.vector_store_idx %arg12[%add3A_577, %broadcast_in_dim3A_638], %mul3A_640 : memref<128x17xf32, #tpu.memory_space<vmem>>[vector<16xi32>, vector<16xi32>], vector<16xf32>,
      %broadcast_in_dim3A_641 = arith.constant 13 : i32
      %broadcast_in_dim3A_642 = vector.broadcast %broadcast_in_dim3A_641 : i32 to vector<16xi32>
      %gather3A_643 = tpu.vector_load_idx %arg10[%add3A_577, %broadcast_in_dim3A_642] : memref<128x20xf32, #tpu.memory_space<vmem>>[vector<16xi32>, vector<16xi32>], vector<16xf32>,
      %mul3A_644 = arith.mulf %gather3A_643, %exp3A_588 : vector<16xf32>
      tpu.vector_store_idx %arg12[%add3A_577, %broadcast_in_dim3A_642], %mul3A_644 : memref<128x17xf32, #tpu.memory_space<vmem>>[vector<16xi32>, vector<16xi32>], vector<16xf32>,
      %broadcast_in_dim3A_645 = arith.constant 14 : i32
      %broadcast_in_dim3A_646 = vector.broadcast %broadcast_in_dim3A_645 : i32 to vector<16xi32>
      %gather3A_647 = tpu.vector_load_idx %arg10[%add3A_577, %broadcast_in_dim3A_646] : memref<128x20xf32, #tpu.memory_space<vmem>>[vector<16xi32>, vector<16xi32>], vector<16xf32>,
      %mul3A_648 = arith.mulf %gather3A_647, %exp3A_588 : vector<16xf32>
      tpu.vector_store_idx %arg12[%add3A_577, %broadcast_in_dim3A_646], %mul3A_648 : memref<128x17xf32, #tpu.memory_space<vmem>>[vector<16xi32>, vector<16xi32>], vector<16xf32>,
      %broadcast_in_dim3A_649 = arith.constant 15 : i32
      %broadcast_in_dim3A_650 = vector.broadcast %broadcast_in_dim3A_649 : i32 to vector<16xi32>
      %gather3A_651 = tpu.vector_load_idx %arg10[%add3A_577, %broadcast_in_dim3A_650] : memref<128x20xf32, #tpu.memory_space<vmem>>[vector<16xi32>, vector<16xi32>], vector<16xf32>,
      %mul3A_652 = arith.mulf %gather3A_651, %exp3A_588 : vector<16xf32>
      tpu.vector_store_idx %arg12[%add3A_577, %broadcast_in_dim3A_650], %mul3A_652 : memref<128x17xf32, #tpu.memory_space<vmem>>[vector<16xi32>, vector<16xi32>], vector<16xf32>,
      %add3A_653 = arith.constant 96 : i32
      %add3A_654 = vector.broadcast %add3A_653 : i32 to vector<16xi32>
      %add3A_655 = arith.addi %iota3A, %add3A_654 : vector<16xi32>
      %gather3A_656 = tpu.vector_load_idx %arg10[%add3A_655, %broadcast_in_dim3A_186] : memref<128x20xf32, #tpu.memory_space<vmem>>[vector<16xi32>, vector<16xi32>], vector<16xf32>,
      %gather3A_657 = tpu.vector_load_idx %arg11[%add3A_655, %broadcast_in_dim3A_188] : memref<128x20xf32, #tpu.memory_space<vmem>>[vector<16xi32>, vector<16xi32>], vector<16xf32>,
      %add3A_658 = arith.addf %gather3A_656, %gather3A_657 : vector<16xf32>
      %gt3A_659 = arith.constant 0.000000e+00 : f32
      %gt3A_660 = vector.broadcast %gt3A_659 : f32 to vector<16xf32>
      %gt3A_661 = arith.cmpf ogt, %add3A_658, %gt3A_660 : vector<16xf32>
      %mul3A_662 = arith.constant 2.000000e-01 : f32
      %mul3A_663 = vector.broadcast %mul3A_662 : f32 to vector<16xf32>
      %mul3A_664 = arith.mulf %mul3A_663, %add3A_658 : vector<16xf32>
      %select_n3A_665 = arith.select %gt3A_661, %add3A_658, %mul3A_664 : vector<16xi1>, vector<16xf32>
      %exp3A_666 = math.exp %select_n3A_665 : vector<16xf32>
      tpu.vector_store_idx %arg12[%add3A_655, %broadcast_in_dim3A_186], %exp3A_666 : memref<128x17xf32, #tpu.memory_space<vmem>>[vector<16xi32>, vector<16xi32>], vector<16xf32>,
      %broadcast_in_dim3A_667 = arith.constant 0 : i32
      %broadcast_in_dim3A_668 = vector.broadcast %broadcast_in_dim3A_667 : i32 to vector<16xi32>
      %gather3A_669 = tpu.vector_load_idx %arg10[%add3A_655, %broadcast_in_dim3A_668] : memref<128x20xf32, #tpu.memory_space<vmem>>[vector<16xi32>, vector<16xi32>], vector<16xf32>,
      %mul3A_670 = arith.mulf %gather3A_669, %exp3A_666 : vector<16xf32>
      tpu.vector_store_idx %arg12[%add3A_655, %broadcast_in_dim3A_668], %mul3A_670 : memref<128x17xf32, #tpu.memory_space<vmem>>[vector<16xi32>, vector<16xi32>], vector<16xf32>,
      %broadcast_in_dim3A_671 = arith.constant 1 : i32
      %broadcast_in_dim3A_672 = vector.broadcast %broadcast_in_dim3A_671 : i32 to vector<16xi32>
      %gather3A_673 = tpu.vector_load_idx %arg10[%add3A_655, %broadcast_in_dim3A_672] : memref<128x20xf32, #tpu.memory_space<vmem>>[vector<16xi32>, vector<16xi32>], vector<16xf32>,
      %mul3A_674 = arith.mulf %gather3A_673, %exp3A_666 : vector<16xf32>
      tpu.vector_store_idx %arg12[%add3A_655, %broadcast_in_dim3A_672], %mul3A_674 : memref<128x17xf32, #tpu.memory_space<vmem>>[vector<16xi32>, vector<16xi32>], vector<16xf32>,
      %broadcast_in_dim3A_675 = arith.constant 2 : i32
      %broadcast_in_dim3A_676 = vector.broadcast %broadcast_in_dim3A_675 : i32 to vector<16xi32>
      %gather3A_677 = tpu.vector_load_idx %arg10[%add3A_655, %broadcast_in_dim3A_676] : memref<128x20xf32, #tpu.memory_space<vmem>>[vector<16xi32>, vector<16xi32>], vector<16xf32>,
      %mul3A_678 = arith.mulf %gather3A_677, %exp3A_666 : vector<16xf32>
      tpu.vector_store_idx %arg12[%add3A_655, %broadcast_in_dim3A_676], %mul3A_678 : memref<128x17xf32, #tpu.memory_space<vmem>>[vector<16xi32>, vector<16xi32>], vector<16xf32>,
      %broadcast_in_dim3A_679 = arith.constant 3 : i32
      %broadcast_in_dim3A_680 = vector.broadcast %broadcast_in_dim3A_679 : i32 to vector<16xi32>
      %gather3A_681 = tpu.vector_load_idx %arg10[%add3A_655, %broadcast_in_dim3A_680] : memref<128x20xf32, #tpu.memory_space<vmem>>[vector<16xi32>, vector<16xi32>], vector<16xf32>,
      %mul3A_682 = arith.mulf %gather3A_681, %exp3A_666 : vector<16xf32>
      tpu.vector_store_idx %arg12[%add3A_655, %broadcast_in_dim3A_680], %mul3A_682 : memref<128x17xf32, #tpu.memory_space<vmem>>[vector<16xi32>, vector<16xi32>], vector<16xf32>,
      %broadcast_in_dim3A_683 = arith.constant 4 : i32
      %broadcast_in_dim3A_684 = vector.broadcast %broadcast_in_dim3A_683 : i32 to vector<16xi32>
      %gather3A_685 = tpu.vector_load_idx %arg10[%add3A_655, %broadcast_in_dim3A_684] : memref<128x20xf32, #tpu.memory_space<vmem>>[vector<16xi32>, vector<16xi32>], vector<16xf32>,
      %mul3A_686 = arith.mulf %gather3A_685, %exp3A_666 : vector<16xf32>
      tpu.vector_store_idx %arg12[%add3A_655, %broadcast_in_dim3A_684], %mul3A_686 : memref<128x17xf32, #tpu.memory_space<vmem>>[vector<16xi32>, vector<16xi32>], vector<16xf32>,
      %broadcast_in_dim3A_687 = arith.constant 5 : i32
      %broadcast_in_dim3A_688 = vector.broadcast %broadcast_in_dim3A_687 : i32 to vector<16xi32>
      %gather3A_689 = tpu.vector_load_idx %arg10[%add3A_655, %broadcast_in_dim3A_688] : memref<128x20xf32, #tpu.memory_space<vmem>>[vector<16xi32>, vector<16xi32>], vector<16xf32>,
      %mul3A_690 = arith.mulf %gather3A_689, %exp3A_666 : vector<16xf32>
      tpu.vector_store_idx %arg12[%add3A_655, %broadcast_in_dim3A_688], %mul3A_690 : memref<128x17xf32, #tpu.memory_space<vmem>>[vector<16xi32>, vector<16xi32>], vector<16xf32>,
      %broadcast_in_dim3A_691 = arith.constant 6 : i32
      %broadcast_in_dim3A_692 = vector.broadcast %broadcast_in_dim3A_691 : i32 to vector<16xi32>
      %gather3A_693 = tpu.vector_load_idx %arg10[%add3A_655, %broadcast_in_dim3A_692] : memref<128x20xf32, #tpu.memory_space<vmem>>[vector<16xi32>, vector<16xi32>], vector<16xf32>,
      %mul3A_694 = arith.mulf %gather3A_693, %exp3A_666 : vector<16xf32>
      tpu.vector_store_idx %arg12[%add3A_655, %broadcast_in_dim3A_692], %mul3A_694 : memref<128x17xf32, #tpu.memory_space<vmem>>[vector<16xi32>, vector<16xi32>], vector<16xf32>,
      %broadcast_in_dim3A_695 = arith.constant 7 : i32
      %broadcast_in_dim3A_696 = vector.broadcast %broadcast_in_dim3A_695 : i32 to vector<16xi32>
      %gather3A_697 = tpu.vector_load_idx %arg10[%add3A_655, %broadcast_in_dim3A_696] : memref<128x20xf32, #tpu.memory_space<vmem>>[vector<16xi32>, vector<16xi32>], vector<16xf32>,
      %mul3A_698 = arith.mulf %gather3A_697, %exp3A_666 : vector<16xf32>
      tpu.vector_store_idx %arg12[%add3A_655, %broadcast_in_dim3A_696], %mul3A_698 : memref<128x17xf32, #tpu.memory_space<vmem>>[vector<16xi32>, vector<16xi32>], vector<16xf32>,
      %broadcast_in_dim3A_699 = arith.constant 8 : i32
      %broadcast_in_dim3A_700 = vector.broadcast %broadcast_in_dim3A_699 : i32 to vector<16xi32>
      %gather3A_701 = tpu.vector_load_idx %arg10[%add3A_655, %broadcast_in_dim3A_700] : memref<128x20xf32, #tpu.memory_space<vmem>>[vector<16xi32>, vector<16xi32>], vector<16xf32>,
      %mul3A_702 = arith.mulf %gather3A_701, %exp3A_666 : vector<16xf32>
      tpu.vector_store_idx %arg12[%add3A_655, %broadcast_in_dim3A_700], %mul3A_702 : memref<128x17xf32, #tpu.memory_space<vmem>>[vector<16xi32>, vector<16xi32>], vector<16xf32>,
      %broadcast_in_dim3A_703 = arith.constant 9 : i32
      %broadcast_in_dim3A_704 = vector.broadcast %broadcast_in_dim3A_703 : i32 to vector<16xi32>
      %gather3A_705 = tpu.vector_load_idx %arg10[%add3A_655, %broadcast_in_dim3A_704] : memref<128x20xf32, #tpu.memory_space<vmem>>[vector<16xi32>, vector<16xi32>], vector<16xf32>,
      %mul3A_706 = arith.mulf %gather3A_705, %exp3A_666 : vector<16xf32>
      tpu.vector_store_idx %arg12[%add3A_655, %broadcast_in_dim3A_704], %mul3A_706 : memref<128x17xf32, #tpu.memory_space<vmem>>[vector<16xi32>, vector<16xi32>], vector<16xf32>,
      %broadcast_in_dim3A_707 = arith.constant 10 : i32
      %broadcast_in_dim3A_708 = vector.broadcast %broadcast_in_dim3A_707 : i32 to vector<16xi32>
      %gather3A_709 = tpu.vector_load_idx %arg10[%add3A_655, %broadcast_in_dim3A_708] : memref<128x20xf32, #tpu.memory_space<vmem>>[vector<16xi32>, vector<16xi32>], vector<16xf32>,
      %mul3A_710 = arith.mulf %gather3A_709, %exp3A_666 : vector<16xf32>
      tpu.vector_store_idx %arg12[%add3A_655, %broadcast_in_dim3A_708], %mul3A_710 : memref<128x17xf32, #tpu.memory_space<vmem>>[vector<16xi32>, vector<16xi32>], vector<16xf32>,
      %broadcast_in_dim3A_711 = arith.constant 11 : i32
      %broadcast_in_dim3A_712 = vector.broadcast %broadcast_in_dim3A_711 : i32 to vector<16xi32>
      %gather3A_713 = tpu.vector_load_idx %arg10[%add3A_655, %broadcast_in_dim3A_712] : memref<128x20xf32, #tpu.memory_space<vmem>>[vector<16xi32>, vector<16xi32>], vector<16xf32>,
      %mul3A_714 = arith.mulf %gather3A_713, %exp3A_666 : vector<16xf32>
      tpu.vector_store_idx %arg12[%add3A_655, %broadcast_in_dim3A_712], %mul3A_714 : memref<128x17xf32, #tpu.memory_space<vmem>>[vector<16xi32>, vector<16xi32>], vector<16xf32>,
      %broadcast_in_dim3A_715 = arith.constant 12 : i32
      %broadcast_in_dim3A_716 = vector.broadcast %broadcast_in_dim3A_715 : i32 to vector<16xi32>
      %gather3A_717 = tpu.vector_load_idx %arg10[%add3A_655, %broadcast_in_dim3A_716] : memref<128x20xf32, #tpu.memory_space<vmem>>[vector<16xi32>, vector<16xi32>], vector<16xf32>,
      %mul3A_718 = arith.mulf %gather3A_717, %exp3A_666 : vector<16xf32>
      tpu.vector_store_idx %arg12[%add3A_655, %broadcast_in_dim3A_716], %mul3A_718 : memref<128x17xf32, #tpu.memory_space<vmem>>[vector<16xi32>, vector<16xi32>], vector<16xf32>,
      %broadcast_in_dim3A_719 = arith.constant 13 : i32
      %broadcast_in_dim3A_720 = vector.broadcast %broadcast_in_dim3A_719 : i32 to vector<16xi32>
      %gather3A_721 = tpu.vector_load_idx %arg10[%add3A_655, %broadcast_in_dim3A_720] : memref<128x20xf32, #tpu.memory_space<vmem>>[vector<16xi32>, vector<16xi32>], vector<16xf32>,
      %mul3A_722 = arith.mulf %gather3A_721, %exp3A_666 : vector<16xf32>
      tpu.vector_store_idx %arg12[%add3A_655, %broadcast_in_dim3A_720], %mul3A_722 : memref<128x17xf32, #tpu.memory_space<vmem>>[vector<16xi32>, vector<16xi32>], vector<16xf32>,
      %broadcast_in_dim3A_723 = arith.constant 14 : i32
      %broadcast_in_dim3A_724 = vector.broadcast %broadcast_in_dim3A_723 : i32 to vector<16xi32>
      %gather3A_725 = tpu.vector_load_idx %arg10[%add3A_655, %broadcast_in_dim3A_724] : memref<128x20xf32, #tpu.memory_space<vmem>>[vector<16xi32>, vector<16xi32>], vector<16xf32>,
      %mul3A_726 = arith.mulf %gather3A_725, %exp3A_666 : vector<16xf32>
      tpu.vector_store_idx %arg12[%add3A_655, %broadcast_in_dim3A_724], %mul3A_726 : memref<128x17xf32, #tpu.memory_space<vmem>>[vector<16xi32>, vector<16xi32>], vector<16xf32>,
      %broadcast_in_dim3A_727 = arith.constant 15 : i32
      %broadcast_in_dim3A_728 = vector.broadcast %broadcast_in_dim3A_727 : i32 to vector<16xi32>
      %gather3A_729 = tpu.vector_load_idx %arg10[%add3A_655, %broadcast_in_dim3A_728] : memref<128x20xf32, #tpu.memory_space<vmem>>[vector<16xi32>, vector<16xi32>], vector<16xf32>,
      %mul3A_730 = arith.mulf %gather3A_729, %exp3A_666 : vector<16xf32>
      tpu.vector_store_idx %arg12[%add3A_655, %broadcast_in_dim3A_728], %mul3A_730 : memref<128x17xf32, #tpu.memory_space<vmem>>[vector<16xi32>, vector<16xi32>], vector<16xf32>,
      %add3A_731 = arith.constant 112 : i32
      %add3A_732 = vector.broadcast %add3A_731 : i32 to vector<16xi32>
      %add3A_733 = arith.addi %iota3A, %add3A_732 : vector<16xi32>
      %gather3A_734 = tpu.vector_load_idx %arg10[%add3A_733, %broadcast_in_dim3A_186] : memref<128x20xf32, #tpu.memory_space<vmem>>[vector<16xi32>, vector<16xi32>], vector<16xf32>,
      %gather3A_735 = tpu.vector_load_idx %arg11[%add3A_733, %broadcast_in_dim3A_188] : memref<128x20xf32, #tpu.memory_space<vmem>>[vector<16xi32>, vector<16xi32>], vector<16xf32>,
      %add3A_736 = arith.addf %gather3A_734, %gather3A_735 : vector<16xf32>
      %gt3A_737 = arith.constant 0.000000e+00 : f32
      %gt3A_738 = vector.broadcast %gt3A_737 : f32 to vector<16xf32>
      %gt3A_739 = arith.cmpf ogt, %add3A_736, %gt3A_738 : vector<16xf32>
      %mul3A_740 = arith.constant 2.000000e-01 : f32
      %mul3A_741 = vector.broadcast %mul3A_740 : f32 to vector<16xf32>
      %mul3A_742 = arith.mulf %mul3A_741, %add3A_736 : vector<16xf32>
      %select_n3A_743 = arith.select %gt3A_739, %add3A_736, %mul3A_742 : vector<16xi1>, vector<16xf32>
      %exp3A_744 = math.exp %select_n3A_743 : vector<16xf32>
      tpu.vector_store_idx %arg12[%add3A_733, %broadcast_in_dim3A_186], %exp3A_744 : memref<128x17xf32, #tpu.memory_space<vmem>>[vector<16xi32>, vector<16xi32>], vector<16xf32>,
      %broadcast_in_dim3A_745 = arith.constant 0 : i32
      %broadcast_in_dim3A_746 = vector.broadcast %broadcast_in_dim3A_745 : i32 to vector<16xi32>
      %gather3A_747 = tpu.vector_load_idx %arg10[%add3A_733, %broadcast_in_dim3A_746] : memref<128x20xf32, #tpu.memory_space<vmem>>[vector<16xi32>, vector<16xi32>], vector<16xf32>,
      %mul3A_748 = arith.mulf %gather3A_747, %exp3A_744 : vector<16xf32>
      tpu.vector_store_idx %arg12[%add3A_733, %broadcast_in_dim3A_746], %mul3A_748 : memref<128x17xf32, #tpu.memory_space<vmem>>[vector<16xi32>, vector<16xi32>], vector<16xf32>,
      %broadcast_in_dim3A_749 = arith.constant 1 : i32
      %broadcast_in_dim3A_750 = vector.broadcast %broadcast_in_dim3A_749 : i32 to vector<16xi32>
      %gather3A_751 = tpu.vector_load_idx %arg10[%add3A_733, %broadcast_in_dim3A_750] : memref<128x20xf32, #tpu.memory_space<vmem>>[vector<16xi32>, vector<16xi32>], vector<16xf32>,
      %mul3A_752 = arith.mulf %gather3A_751, %exp3A_744 : vector<16xf32>
      tpu.vector_store_idx %arg12[%add3A_733, %broadcast_in_dim3A_750], %mul3A_752 : memref<128x17xf32, #tpu.memory_space<vmem>>[vector<16xi32>, vector<16xi32>], vector<16xf32>,
      %broadcast_in_dim3A_753 = arith.constant 2 : i32
      %broadcast_in_dim3A_754 = vector.broadcast %broadcast_in_dim3A_753 : i32 to vector<16xi32>
      %gather3A_755 = tpu.vector_load_idx %arg10[%add3A_733, %broadcast_in_dim3A_754] : memref<128x20xf32, #tpu.memory_space<vmem>>[vector<16xi32>, vector<16xi32>], vector<16xf32>,
      %mul3A_756 = arith.mulf %gather3A_755, %exp3A_744 : vector<16xf32>
      tpu.vector_store_idx %arg12[%add3A_733, %broadcast_in_dim3A_754], %mul3A_756 : memref<128x17xf32, #tpu.memory_space<vmem>>[vector<16xi32>, vector<16xi32>], vector<16xf32>,
      %broadcast_in_dim3A_757 = arith.constant 3 : i32
      %broadcast_in_dim3A_758 = vector.broadcast %broadcast_in_dim3A_757 : i32 to vector<16xi32>
      %gather3A_759 = tpu.vector_load_idx %arg10[%add3A_733, %broadcast_in_dim3A_758] : memref<128x20xf32, #tpu.memory_space<vmem>>[vector<16xi32>, vector<16xi32>], vector<16xf32>,
      %mul3A_760 = arith.mulf %gather3A_759, %exp3A_744 : vector<16xf32>
      tpu.vector_store_idx %arg12[%add3A_733, %broadcast_in_dim3A_758], %mul3A_760 : memref<128x17xf32, #tpu.memory_space<vmem>>[vector<16xi32>, vector<16xi32>], vector<16xf32>,
      %broadcast_in_dim3A_761 = arith.constant 4 : i32
      %broadcast_in_dim3A_762 = vector.broadcast %broadcast_in_dim3A_761 : i32 to vector<16xi32>
      %gather3A_763 = tpu.vector_load_idx %arg10[%add3A_733, %broadcast_in_dim3A_762] : memref<128x20xf32, #tpu.memory_space<vmem>>[vector<16xi32>, vector<16xi32>], vector<16xf32>,
      %mul3A_764 = arith.mulf %gather3A_763, %exp3A_744 : vector<16xf32>
      tpu.vector_store_idx %arg12[%add3A_733, %broadcast_in_dim3A_762], %mul3A_764 : memref<128x17xf32, #tpu.memory_space<vmem>>[vector<16xi32>, vector<16xi32>], vector<16xf32>,
      %broadcast_in_dim3A_765 = arith.constant 5 : i32
      %broadcast_in_dim3A_766 = vector.broadcast %broadcast_in_dim3A_765 : i32 to vector<16xi32>
      %gather3A_767 = tpu.vector_load_idx %arg10[%add3A_733, %broadcast_in_dim3A_766] : memref<128x20xf32, #tpu.memory_space<vmem>>[vector<16xi32>, vector<16xi32>], vector<16xf32>,
      %mul3A_768 = arith.mulf %gather3A_767, %exp3A_744 : vector<16xf32>
      tpu.vector_store_idx %arg12[%add3A_733, %broadcast_in_dim3A_766], %mul3A_768 : memref<128x17xf32, #tpu.memory_space<vmem>>[vector<16xi32>, vector<16xi32>], vector<16xf32>,
      %broadcast_in_dim3A_769 = arith.constant 6 : i32
      %broadcast_in_dim3A_770 = vector.broadcast %broadcast_in_dim3A_769 : i32 to vector<16xi32>
      %gather3A_771 = tpu.vector_load_idx %arg10[%add3A_733, %broadcast_in_dim3A_770] : memref<128x20xf32, #tpu.memory_space<vmem>>[vector<16xi32>, vector<16xi32>], vector<16xf32>,
      %mul3A_772 = arith.mulf %gather3A_771, %exp3A_744 : vector<16xf32>
      tpu.vector_store_idx %arg12[%add3A_733, %broadcast_in_dim3A_770], %mul3A_772 : memref<128x17xf32, #tpu.memory_space<vmem>>[vector<16xi32>, vector<16xi32>], vector<16xf32>,
      %broadcast_in_dim3A_773 = arith.constant 7 : i32
      %broadcast_in_dim3A_774 = vector.broadcast %broadcast_in_dim3A_773 : i32 to vector<16xi32>
      %gather3A_775 = tpu.vector_load_idx %arg10[%add3A_733, %broadcast_in_dim3A_774] : memref<128x20xf32, #tpu.memory_space<vmem>>[vector<16xi32>, vector<16xi32>], vector<16xf32>,
      %mul3A_776 = arith.mulf %gather3A_775, %exp3A_744 : vector<16xf32>
      tpu.vector_store_idx %arg12[%add3A_733, %broadcast_in_dim3A_774], %mul3A_776 : memref<128x17xf32, #tpu.memory_space<vmem>>[vector<16xi32>, vector<16xi32>], vector<16xf32>,
      %broadcast_in_dim3A_777 = arith.constant 8 : i32
      %broadcast_in_dim3A_778 = vector.broadcast %broadcast_in_dim3A_777 : i32 to vector<16xi32>
      %gather3A_779 = tpu.vector_load_idx %arg10[%add3A_733, %broadcast_in_dim3A_778] : memref<128x20xf32, #tpu.memory_space<vmem>>[vector<16xi32>, vector<16xi32>], vector<16xf32>,
      %mul3A_780 = arith.mulf %gather3A_779, %exp3A_744 : vector<16xf32>
      tpu.vector_store_idx %arg12[%add3A_733, %broadcast_in_dim3A_778], %mul3A_780 : memref<128x17xf32, #tpu.memory_space<vmem>>[vector<16xi32>, vector<16xi32>], vector<16xf32>,
      %broadcast_in_dim3A_781 = arith.constant 9 : i32
      %broadcast_in_dim3A_782 = vector.broadcast %broadcast_in_dim3A_781 : i32 to vector<16xi32>
      %gather3A_783 = tpu.vector_load_idx %arg10[%add3A_733, %broadcast_in_dim3A_782] : memref<128x20xf32, #tpu.memory_space<vmem>>[vector<16xi32>, vector<16xi32>], vector<16xf32>,
      %mul3A_784 = arith.mulf %gather3A_783, %exp3A_744 : vector<16xf32>
      tpu.vector_store_idx %arg12[%add3A_733, %broadcast_in_dim3A_782], %mul3A_784 : memref<128x17xf32, #tpu.memory_space<vmem>>[vector<16xi32>, vector<16xi32>], vector<16xf32>,
      %broadcast_in_dim3A_785 = arith.constant 10 : i32
      %broadcast_in_dim3A_786 = vector.broadcast %broadcast_in_dim3A_785 : i32 to vector<16xi32>
      %gather3A_787 = tpu.vector_load_idx %arg10[%add3A_733, %broadcast_in_dim3A_786] : memref<128x20xf32, #tpu.memory_space<vmem>>[vector<16xi32>, vector<16xi32>], vector<16xf32>,
      %mul3A_788 = arith.mulf %gather3A_787, %exp3A_744 : vector<16xf32>
      tpu.vector_store_idx %arg12[%add3A_733, %broadcast_in_dim3A_786], %mul3A_788 : memref<128x17xf32, #tpu.memory_space<vmem>>[vector<16xi32>, vector<16xi32>], vector<16xf32>,
      %broadcast_in_dim3A_789 = arith.constant 11 : i32
      %broadcast_in_dim3A_790 = vector.broadcast %broadcast_in_dim3A_789 : i32 to vector<16xi32>
      %gather3A_791 = tpu.vector_load_idx %arg10[%add3A_733, %broadcast_in_dim3A_790] : memref<128x20xf32, #tpu.memory_space<vmem>>[vector<16xi32>, vector<16xi32>], vector<16xf32>,
      %mul3A_792 = arith.mulf %gather3A_791, %exp3A_744 : vector<16xf32>
      tpu.vector_store_idx %arg12[%add3A_733, %broadcast_in_dim3A_790], %mul3A_792 : memref<128x17xf32, #tpu.memory_space<vmem>>[vector<16xi32>, vector<16xi32>], vector<16xf32>,
      %broadcast_in_dim3A_793 = arith.constant 12 : i32
      %broadcast_in_dim3A_794 = vector.broadcast %broadcast_in_dim3A_793 : i32 to vector<16xi32>
      %gather3A_795 = tpu.vector_load_idx %arg10[%add3A_733, %broadcast_in_dim3A_794] : memref<128x20xf32, #tpu.memory_space<vmem>>[vector<16xi32>, vector<16xi32>], vector<16xf32>,
      %mul3A_796 = arith.mulf %gather3A_795, %exp3A_744 : vector<16xf32>
      tpu.vector_store_idx %arg12[%add3A_733, %broadcast_in_dim3A_794], %mul3A_796 : memref<128x17xf32, #tpu.memory_space<vmem>>[vector<16xi32>, vector<16xi32>], vector<16xf32>,
      %broadcast_in_dim3A_797 = arith.constant 13 : i32
      %broadcast_in_dim3A_798 = vector.broadcast %broadcast_in_dim3A_797 : i32 to vector<16xi32>
      %gather3A_799 = tpu.vector_load_idx %arg10[%add3A_733, %broadcast_in_dim3A_798] : memref<128x20xf32, #tpu.memory_space<vmem>>[vector<16xi32>, vector<16xi32>], vector<16xf32>,
      %mul3A_800 = arith.mulf %gather3A_799, %exp3A_744 : vector<16xf32>
      tpu.vector_store_idx %arg12[%add3A_733, %broadcast_in_dim3A_798], %mul3A_800 : memref<128x17xf32, #tpu.memory_space<vmem>>[vector<16xi32>, vector<16xi32>], vector<16xf32>,
      %broadcast_in_dim3A_801 = arith.constant 14 : i32
      %broadcast_in_dim3A_802 = vector.broadcast %broadcast_in_dim3A_801 : i32 to vector<16xi32>
      %gather3A_803 = tpu.vector_load_idx %arg10[%add3A_733, %broadcast_in_dim3A_802] : memref<128x20xf32, #tpu.memory_space<vmem>>[vector<16xi32>, vector<16xi32>], vector<16xf32>,
      %mul3A_804 = arith.mulf %gather3A_803, %exp3A_744 : vector<16xf32>
      tpu.vector_store_idx %arg12[%add3A_733, %broadcast_in_dim3A_802], %mul3A_804 : memref<128x17xf32, #tpu.memory_space<vmem>>[vector<16xi32>, vector<16xi32>], vector<16xf32>,
      %broadcast_in_dim3A_805 = arith.constant 15 : i32
      %broadcast_in_dim3A_806 = vector.broadcast %broadcast_in_dim3A_805 : i32 to vector<16xi32>
      %gather3A_807 = tpu.vector_load_idx %arg10[%add3A_733, %broadcast_in_dim3A_806] : memref<128x20xf32, #tpu.memory_space<vmem>>[vector<16xi32>, vector<16xi32>], vector<16xf32>,
      %mul3A_808 = arith.mulf %gather3A_807, %exp3A_744 : vector<16xf32>
      tpu.vector_store_idx %arg12[%add3A_733, %broadcast_in_dim3A_806], %mul3A_808 : memref<128x17xf32, #tpu.memory_space<vmem>>[vector<16xi32>, vector<16xi32>], vector<16xf32>,
      "tpu.region"() ({
        %run_scoped3A = tpu.sem_alloc : memref<!tpu.dma_semaphore, #tpu.memory_space<semaphore_mem>>
        %dma_start3A_810 = arith.constant 0 : i32
        %dma_start3A_811 = arith.constant 0 : i32
        %dma_start3A_812 = tpu.memref_slice %arg15[%dma_start3A_810, %dma_start3A_811] : memref<50176x17xf32, #tpu.memory_space<vmem_shared>> -> memref<50176x17xf32, #tpu.memory_space<vmem_shared>>
        tpu.enqueue_indirect_dma source(%arg12 : memref<128x17xf32, #tpu.memory_space<vmem>>) target(%dma_start3A_812 : memref<50176x17xf32, #tpu.memory_space<vmem_shared>>) offsets(%arg7 : memref<128xi32, #tpu.memory_space<vmem>>) semaphore(%run_scoped3A : memref<!tpu.dma_semaphore, #tpu.memory_space<semaphore_mem>>) {add = true}
        %dma_wait3A_813 = arith.constant 0 : i32
        %dma_wait3A_814 = arith.constant 0 : i32
        %dma_wait3A_815 = tpu.memref_slice %arg15[%dma_wait3A_813, %dma_wait3A_814] : memref<50176x17xf32, #tpu.memory_space<vmem_shared>> -> memref<50176x17xf32, #tpu.memory_space<vmem_shared>>
        tpu.wait_indirect_dma semaphore(%run_scoped3A : memref<!tpu.dma_semaphore, #tpu.memory_space<semaphore_mem>>) src(%arg12 : memref<128x17xf32, #tpu.memory_space<vmem>>) dst(%dma_wait3A_815 : memref<50176x17xf32, #tpu.memory_space<vmem_shared>>)
        tpu.yield
      }) : () -> ()
      %scan3A_809 = arith.constant 0 : i32
      scf.yield %scan3A_809 : i32
    }
    %scan3A_56 = arith.constant 400 : i32
    %barrier3A_57 = arith.constant 0 : index
    tpu.barrier barrier_id(%barrier3A_57)
    %scan3A_58 = arith.constant 0 : i32
    %scan3A_59 = arith.constant 0 : i32
    %scan3A_60 = arith.constant 16 : i32
    %scan3A_61 = arith.addi %scan3A_59, %scan3A_60 : i32
    %scan3A_62 = arith.constant 1 : i32
    %scan3A_63 = scf.for %scan3A_66 = %scan3A_59 to %scan3A_61 step %scan3A_62 iter_args(%scan3A_67 = %scan3A_58) -> (i32)  : i32 {
      %mul3A_68 = arith.constant 196 : i32
      %mul3A_69 = arith.muli %scan3A_66, %mul3A_68 : i32
      %add3A_70 = arith.addi %mul3A_0, %mul3A_69 : i32
      "tpu.region"() ({
        %run_scoped3A = tpu.sem_alloc : memref<!tpu.dma_semaphore, #tpu.memory_space<semaphore_mem>>
        %dma_start3A = arith.constant 0 : i32
        %dma_start3A_73 = tpu.memref_slice %arg15[%add3A_70, %dma_start3A] : memref<50176x17xf32, #tpu.memory_space<vmem_shared>> -> memref<196x17xf32, #tpu.memory_space<vmem_shared>>
        %dma_start3A_74 = arith.constant 0 : i32
        %dma_start3A_75 = tpu.memref_slice %arg15[%add3A_70, %dma_start3A_74] : memref<50176x17xf32, #tpu.memory_space<vmem_shared>> -> memref<196x17xf32, #tpu.memory_space<vmem_shared>>
        tpu.enqueue_dma source(%dma_start3A_75 : memref<196x17xf32, #tpu.memory_space<vmem_shared>>) target(%arg14 : memref<196x17xf32, #tpu.memory_space<vmem>>) target_semaphore(%run_scoped3A : memref<!tpu.dma_semaphore, #tpu.memory_space<semaphore_mem>>)
        %dma_wait3A = arith.constant 0 : i32
        %dma_wait3A_76 = tpu.memref_slice %arg15[%add3A_70, %dma_wait3A] : memref<50176x17xf32, #tpu.memory_space<vmem_shared>> -> memref<196x17xf32, #tpu.memory_space<vmem_shared>>
        %dma_wait3A_77 = arith.constant 0 : i32
        %dma_wait3A_78 = tpu.memref_slice %arg15[%add3A_70, %dma_wait3A_77] : memref<50176x17xf32, #tpu.memory_space<vmem_shared>> -> memref<196x17xf32, #tpu.memory_space<vmem_shared>>
        tpu.wait_dma2 semaphore(%run_scoped3A : memref<!tpu.dma_semaphore, #tpu.memory_space<semaphore_mem>>) src(%dma_wait3A_78 : memref<196x17xf32, #tpu.memory_space<vmem_shared>>) dst(%arg14 : memref<196x17xf32, #tpu.memory_space<vmem>>)
        tpu.yield
      }) : () -> ()
      %add3A_71 = arith.addi %mul3A_41, %add3A_70 : i32
      "tpu.region"() ({
        %run_scoped3A = tpu.sem_alloc : memref<!tpu.dma_semaphore, #tpu.memory_space<semaphore_mem>>
        %dma_start3A = arith.constant 0 : i32
        %dma_start3A_73 = tpu.memref_slice %arg5[%add3A_71, %dma_start3A] : memref<200704x17xf32, #tpu.memory_space<hbm>> -> memref<196x17xf32, #tpu.memory_space<hbm>>
        %dma_start3A_74 = arith.constant 0 : i32
        %dma_start3A_75 = tpu.memref_slice %arg5[%add3A_71, %dma_start3A_74] : memref<200704x17xf32, #tpu.memory_space<hbm>> -> memref<196x17xf32, #tpu.memory_space<hbm>>
        tpu.enqueue_dma source(%arg14 : memref<196x17xf32, #tpu.memory_space<vmem>>) target(%dma_start3A_75 : memref<196x17xf32, #tpu.memory_space<hbm>>) target_semaphore(%run_scoped3A : memref<!tpu.dma_semaphore, #tpu.memory_space<semaphore_mem>>)
        %dma_wait3A = arith.constant 0 : i32
        %dma_wait3A_76 = tpu.memref_slice %arg5[%add3A_71, %dma_wait3A] : memref<200704x17xf32, #tpu.memory_space<hbm>> -> memref<196x17xf32, #tpu.memory_space<hbm>>
        %dma_wait3A_77 = arith.constant 0 : i32
        %dma_wait3A_78 = tpu.memref_slice %arg5[%add3A_71, %dma_wait3A_77] : memref<200704x17xf32, #tpu.memory_space<hbm>> -> memref<196x17xf32, #tpu.memory_space<hbm>>
        tpu.wait_dma2 semaphore(%run_scoped3A : memref<!tpu.dma_semaphore, #tpu.memory_space<semaphore_mem>>) src(%arg14 : memref<196x17xf32, #tpu.memory_space<vmem>>) dst(%dma_wait3A_78 : memref<196x17xf32, #tpu.memory_space<hbm>>)
        tpu.yield
      }) : () -> ()
      %scan3A_72 = arith.constant 0 : i32
      scf.yield %scan3A_72 : i32
    }
    %scan3A_64 = arith.constant 16 : i32
    %barrier3A_65 = arith.constant 0 : index
    tpu.barrier barrier_id(%barrier3A_65)
    return
  }
}

module attributes {stable_mosaic.version = 14 : i64} {
  func.func @_proj_body(%arg0: i32, %arg1: memref<256x16xf32, #tpu.memory_space<vmem>>, %arg2: memref<256x16xf32, #tpu.memory_space<vmem>>, %arg3: memref<256x128xf32, #tpu.memory_space<vmem>>, %arg4: memref<16x64xf32, #tpu.memory_space<vmem>>, %arg5: memref<16x64xf32, #tpu.memory_space<vmem>>, %arg6: memref<128x64xf32, #tpu.memory_space<vmem>>, %arg7: memref<16x64xf32, #tpu.memory_space<vmem>>, %arg8: memref<16x64xf32, #tpu.memory_space<vmem>>, %arg9: memref<128x64xf32, #tpu.memory_space<vmem>>, %arg10: memref<64x8xf32, #tpu.memory_space<vmem>>, %arg11: memref<1x64xf32, #tpu.memory_space<vmem>>, %arg12: memref<256x64xf32, #tpu.memory_space<vmem>>, %arg13: memref<256x64xf32, #tpu.memory_space<vmem>>, %arg14: memref<256x8xf32, #tpu.memory_space<vmem>>) attributes {dimension_semantics = [#tpu.dimension_semantics<arbitrary>], iteration_bounds = array<i64: 196>, scalar_prefetch = 0 : i64, scratch_operands = 0 : i64, tpu.core_type = #tpu.core_type<tc>, window_params = [{transform_indices = @transform_0, window_bounds = array<i64: 256, 16>}, {transform_indices = @transform_1, window_bounds = array<i64: 256, 16>}, {transform_indices = @transform_2, window_bounds = array<i64: 256, 128>}, {pipeline_mode = #tpu.pipeline_mode<synchronous>, transform_indices = @transform_3, window_bounds = array<i64: 16, 64>}, {pipeline_mode = #tpu.pipeline_mode<synchronous>, transform_indices = @transform_4, window_bounds = array<i64: 16, 64>}, {pipeline_mode = #tpu.pipeline_mode<synchronous>, transform_indices = @transform_5, window_bounds = array<i64: 128, 64>}, {pipeline_mode = #tpu.pipeline_mode<synchronous>, transform_indices = @transform_6, window_bounds = array<i64: 16, 64>}, {pipeline_mode = #tpu.pipeline_mode<synchronous>, transform_indices = @transform_7, window_bounds = array<i64: 16, 64>}, {pipeline_mode = #tpu.pipeline_mode<synchronous>, transform_indices = @transform_8, window_bounds = array<i64: 128, 64>}, {pipeline_mode = #tpu.pipeline_mode<synchronous>, transform_indices = @transform_9, window_bounds = array<i64: 64, 8>}, {pipeline_mode = #tpu.pipeline_mode<synchronous>, transform_indices = @transform_10, window_bounds = array<i64: 1, 64>}, {transform_indices = @transform_11, window_bounds = array<i64: 256, 64>}, {transform_indices = @transform_12, window_bounds = array<i64: 256, 64>}, {transform_indices = @transform_13, window_bounds = array<i64: 256, 8>}]} {
    %get3A = arith.constant 0 : index
    %get3A_0 = arith.constant 0 : index
    %get3A_1 = vector.load %arg1[%get3A, %get3A_0] : memref<256x16xf32, #tpu.memory_space<vmem>>, vector<256x16xf32>
    %get3A_2 = arith.constant 0 : index
    %get3A_3 = arith.constant 0 : index
    %get3A_4 = vector.load %arg2[%get3A_2, %get3A_3] : memref<256x16xf32, #tpu.memory_space<vmem>>, vector<256x16xf32>
    %get3A_5 = arith.constant 0 : index
    %get3A_6 = arith.constant 0 : index
    %get3A_7 = vector.load %arg3[%get3A_5, %get3A_6] : memref<256x128xf32, #tpu.memory_space<vmem>>, vector<256x128xf32>
    %get3A_8 = arith.constant 0 : index
    %get3A_9 = arith.constant 0 : index
    %get3A_10 = vector.load %arg4[%get3A_8, %get3A_9] : memref<16x64xf32, #tpu.memory_space<vmem>>, vector<16x64xf32>
    %dot_general3A = arith.constant dense<0.000000e+00> : vector<256x64xf32>
    %dot_general3A_11 = tpu.matmul %get3A_1, %get3A_10, %dot_general3A {dimension_numbers = #tpu.dot_dimension_numbers<[1], [0], [0], [1], [0, 0, 1, 1], [], []>, transpose_lhs_hint = false} : vector<256x16xf32>, vector<16x64xf32>, vector<256x64xf32> -> vector<256x64xf32>
    %get3A_12 = arith.constant 0 : index
    %get3A_13 = arith.constant 0 : index
    %get3A_14 = vector.load %arg5[%get3A_12, %get3A_13] : memref<16x64xf32, #tpu.memory_space<vmem>>, vector<16x64xf32>
    %dot_general3A_15 = arith.constant dense<0.000000e+00> : vector<256x64xf32>
    %dot_general3A_16 = tpu.matmul %get3A_4, %get3A_14, %dot_general3A_15 {dimension_numbers = #tpu.dot_dimension_numbers<[1], [0], [0], [1], [0, 0, 1, 1], [], []>, transpose_lhs_hint = false} : vector<256x16xf32>, vector<16x64xf32>, vector<256x64xf32> -> vector<256x64xf32>
    %add3A = arith.addf %dot_general3A_11, %dot_general3A_16 : vector<256x64xf32>
    %get3A_17 = arith.constant 0 : index
    %get3A_18 = arith.constant 0 : index
    %get3A_19 = vector.load %arg6[%get3A_17, %get3A_18] : memref<128x64xf32, #tpu.memory_space<vmem>>, vector<128x64xf32>
    %dot_general3A_20 = arith.constant dense<0.000000e+00> : vector<256x64xf32>
    %dot_general3A_21 = tpu.matmul %get3A_7, %get3A_19, %dot_general3A_20 {dimension_numbers = #tpu.dot_dimension_numbers<[1], [0], [0], [1], [0, 0, 1, 1], [], []>, transpose_lhs_hint = false} : vector<256x128xf32>, vector<128x64xf32>, vector<256x64xf32> -> vector<256x64xf32>
    %add3A_22 = arith.addf %add3A, %dot_general3A_21 : vector<256x64xf32>
    %get3A_23 = arith.constant 0 : index
    %get3A_24 = arith.constant 0 : index
    %get3A_25 = vector.load %arg7[%get3A_23, %get3A_24] : memref<16x64xf32, #tpu.memory_space<vmem>>, vector<16x64xf32>
    %dot_general3A_26 = arith.constant dense<0.000000e+00> : vector<256x64xf32>
    %dot_general3A_27 = tpu.matmul %get3A_1, %get3A_25, %dot_general3A_26 {dimension_numbers = #tpu.dot_dimension_numbers<[1], [0], [0], [1], [0, 0, 1, 1], [], []>, transpose_lhs_hint = false} : vector<256x16xf32>, vector<16x64xf32>, vector<256x64xf32> -> vector<256x64xf32>
    %get3A_28 = arith.constant 0 : index
    %get3A_29 = arith.constant 0 : index
    %get3A_30 = vector.load %arg8[%get3A_28, %get3A_29] : memref<16x64xf32, #tpu.memory_space<vmem>>, vector<16x64xf32>
    %dot_general3A_31 = arith.constant dense<0.000000e+00> : vector<256x64xf32>
    %dot_general3A_32 = tpu.matmul %get3A_4, %get3A_30, %dot_general3A_31 {dimension_numbers = #tpu.dot_dimension_numbers<[1], [0], [0], [1], [0, 0, 1, 1], [], []>, transpose_lhs_hint = false} : vector<256x16xf32>, vector<16x64xf32>, vector<256x64xf32> -> vector<256x64xf32>
    %add3A_33 = arith.addf %dot_general3A_27, %dot_general3A_32 : vector<256x64xf32>
    %get3A_34 = arith.constant 0 : index
    %get3A_35 = arith.constant 0 : index
    %get3A_36 = vector.load %arg9[%get3A_34, %get3A_35] : memref<128x64xf32, #tpu.memory_space<vmem>>, vector<128x64xf32>
    %dot_general3A_37 = arith.constant dense<0.000000e+00> : vector<256x64xf32>
    %dot_general3A_38 = tpu.matmul %get3A_7, %get3A_36, %dot_general3A_37 {dimension_numbers = #tpu.dot_dimension_numbers<[1], [0], [0], [1], [0, 0, 1, 1], [], []>, transpose_lhs_hint = false} : vector<256x128xf32>, vector<128x64xf32>, vector<256x64xf32> -> vector<256x64xf32>
    %add3A_39 = arith.addf %add3A_33, %dot_general3A_38 : vector<256x64xf32>
    %swap3A = arith.constant 0 : index
    %swap3A_40 = arith.constant 0 : index
    %swap3A_41 = vector.load %arg12[%swap3A, %swap3A_40] : memref<256x64xf32, #tpu.memory_space<vmem>>, vector<256x64xf32>
    tpu.vector_store %arg12[%swap3A, %swap3A_40], %add3A_22 {strides = array<i32>} : memref<256x64xf32, #tpu.memory_space<vmem>>, vector<256x64xf32>,
    %get3A_42 = arith.constant 0 : index
    %get3A_43 = arith.constant 0 : index
    %get3A_44 = vector.load %arg11[%get3A_42, %get3A_43] : memref<1x64xf32, #tpu.memory_space<vmem>>, vector<1x64xf32>
    %add3A_45 = vector.broadcast %get3A_44 : vector<1x64xf32> to vector<256x64xf32>
    %add3A_46 = arith.addf %add3A_39, %add3A_45 : vector<256x64xf32>
    %swap3A_47 = arith.constant 0 : index
    %swap3A_48 = arith.constant 0 : index
    %swap3A_49 = vector.load %arg13[%swap3A_47, %swap3A_48] : memref<256x64xf32, #tpu.memory_space<vmem>>, vector<256x64xf32>
    tpu.vector_store %arg13[%swap3A_47, %swap3A_48], %add3A_46 {strides = array<i32>} : memref<256x64xf32, #tpu.memory_space<vmem>>, vector<256x64xf32>,
    %get3A_50 = arith.constant 0 : index
    %get3A_51 = arith.constant 0 : index
    %get3A_52 = vector.load %arg10[%get3A_50, %get3A_51] : memref<64x8xf32, #tpu.memory_space<vmem>>, vector<64x8xf32>
    %dot_general3A_53 = arith.constant dense<0.000000e+00> : vector<256x8xf32>
    %dot_general3A_54 = tpu.matmul %add3A_22, %get3A_52, %dot_general3A_53 {dimension_numbers = #tpu.dot_dimension_numbers<[1], [0], [0], [1], [0, 0, 1, 1], [], []>, transpose_lhs_hint = false} : vector<256x64xf32>, vector<64x8xf32>, vector<256x8xf32> -> vector<256x8xf32>
    %swap3A_55 = arith.constant 0 : index
    %swap3A_56 = arith.constant 0 : index
    %swap3A_57 = vector.load %arg14[%swap3A_55, %swap3A_56] : memref<256x8xf32, #tpu.memory_space<vmem>>, vector<256x8xf32>
    tpu.vector_store %arg14[%swap3A_55, %swap3A_56], %dot_general3A_54 {strides = array<i32>} : memref<256x8xf32, #tpu.memory_space<vmem>>, vector<256x8xf32>,
    return
  }
  func.func @transform_0(%arg0: i32) -> (i32, i32) {
    %c0_i32 = arith.constant 0 : i32
    %c0_i32_0 = arith.constant 0 : i32
    return %arg0, %c0_i32 : i32, i32
  }
  func.func @transform_1(%arg0: i32) -> (i32, i32) {
    %c0_i32 = arith.constant 0 : i32
    %c0_i32_0 = arith.constant 0 : i32
    return %arg0, %c0_i32 : i32, i32
  }
  func.func @transform_2(%arg0: i32) -> (i32, i32) {
    %c0_i32 = arith.constant 0 : i32
    %c0_i32_0 = arith.constant 0 : i32
    return %arg0, %c0_i32 : i32, i32
  }
  func.func @transform_3(%arg0: i32) -> (i32, i32) {
    %c0_i32 = arith.constant 0 : i32
    %c0_i32_0 = arith.constant 0 : i32
    %c0_i32_1 = arith.constant 0 : i32
    return %c0_i32, %c0_i32_0 : i32, i32
  }
  func.func @transform_4(%arg0: i32) -> (i32, i32) {
    %c0_i32 = arith.constant 0 : i32
    %c0_i32_0 = arith.constant 0 : i32
    %c0_i32_1 = arith.constant 0 : i32
    return %c0_i32, %c0_i32_0 : i32, i32
  }
  func.func @transform_5(%arg0: i32) -> (i32, i32) {
    %c0_i32 = arith.constant 0 : i32
    %c0_i32_0 = arith.constant 0 : i32
    %c0_i32_1 = arith.constant 0 : i32
    return %c0_i32, %c0_i32_0 : i32, i32
  }
  func.func @transform_6(%arg0: i32) -> (i32, i32) {
    %c0_i32 = arith.constant 0 : i32
    %c0_i32_0 = arith.constant 0 : i32
    %c0_i32_1 = arith.constant 0 : i32
    return %c0_i32, %c0_i32_0 : i32, i32
  }
  func.func @transform_7(%arg0: i32) -> (i32, i32) {
    %c0_i32 = arith.constant 0 : i32
    %c0_i32_0 = arith.constant 0 : i32
    %c0_i32_1 = arith.constant 0 : i32
    return %c0_i32, %c0_i32_0 : i32, i32
  }
  func.func @transform_8(%arg0: i32) -> (i32, i32) {
    %c0_i32 = arith.constant 0 : i32
    %c0_i32_0 = arith.constant 0 : i32
    %c0_i32_1 = arith.constant 0 : i32
    return %c0_i32, %c0_i32_0 : i32, i32
  }
  func.func @transform_9(%arg0: i32) -> (i32, i32) {
    %c0_i32 = arith.constant 0 : i32
    %c0_i32_0 = arith.constant 0 : i32
    %c0_i32_1 = arith.constant 0 : i32
    return %c0_i32, %c0_i32_0 : i32, i32
  }
  func.func @transform_10(%arg0: i32) -> (i32, i32) {
    %c0_i32 = arith.constant 0 : i32
    %c0_i32_0 = arith.constant 0 : i32
    %c0_i32_1 = arith.constant 0 : i32
    return %c0_i32, %c0_i32_0 : i32, i32
  }
  func.func @transform_11(%arg0: i32) -> (i32, i32) {
    %c0_i32 = arith.constant 0 : i32
    %c0_i32_0 = arith.constant 0 : i32
    return %arg0, %c0_i32 : i32, i32
  }
  func.func @transform_12(%arg0: i32) -> (i32, i32) {
    %c0_i32 = arith.constant 0 : i32
    %c0_i32_0 = arith.constant 0 : i32
    return %arg0, %c0_i32 : i32, i32
  }
  func.func @transform_13(%arg0: i32) -> (i32, i32) {
    %c0_i32 = arith.constant 0 : i32
    %c0_i32_0 = arith.constant 0 : i32
    return %arg0, %c0_i32 : i32, i32
  }
}

module attributes {stable_mosaic.version = 14 : i64} {
  func.func @_fin_body(%arg0: i32, %arg1: memref<256x64xf32, #tpu.memory_space<vmem>>, %arg2: memref<256x64xf32, #tpu.memory_space<vmem>>, %arg3: memref<256x64xf32, #tpu.memory_space<vmem>>, %arg4: memref<256x64xf32, #tpu.memory_space<vmem>>) attributes {dimension_semantics = [#tpu.dimension_semantics<arbitrary>], iteration_bounds = array<i64: 196>, scalar_prefetch = 0 : i64, scratch_operands = 0 : i64, tpu.core_type = #tpu.core_type<tc>, window_params = [{transform_indices = @transform_0, window_bounds = array<i64: 256, 64>}, {transform_indices = @transform_1, window_bounds = array<i64: 256, 64>}, {transform_indices = @transform_2, window_bounds = array<i64: 256, 64>}, {transform_indices = @transform_3, window_bounds = array<i64: 256, 64>}]} {
    %get3A = arith.constant 0 : index
    %get3A_0 = arith.constant 0 : index
    %get3A_1 = vector.load %arg1[%get3A, %get3A_0] : memref<256x64xf32, #tpu.memory_space<vmem>>, vector<256x64xf32>
    %get3A_2 = arith.constant 0 : index
    %get3A_3 = arith.constant 0 : index
    %get3A_4 = vector.load %arg2[%get3A_2, %get3A_3] : memref<256x64xf32, #tpu.memory_space<vmem>>, vector<256x64xf32>
    %add3A = arith.constant 1.000000e-16 : f32
    %add3A_5 = vector.broadcast %add3A : f32 to vector<256x64xf32>
    %add3A_6 = arith.addf %get3A_4, %add3A_5 : vector<256x64xf32>
    %div3A = arith.divf %get3A_1, %add3A_6 : vector<256x64xf32>
    %get3A_7 = arith.constant 0 : index
    %get3A_8 = arith.constant 0 : index
    %get3A_9 = vector.load %arg3[%get3A_7, %get3A_8] : memref<256x64xf32, #tpu.memory_space<vmem>>, vector<256x64xf32>
    %add3A_10 = arith.addf %div3A, %get3A_9 : vector<256x64xf32>
    %gt3A = arith.constant 0.000000e+00 : f32
    %gt3A_11 = vector.broadcast %gt3A : f32 to vector<256x64xf32>
    %gt3A_12 = arith.cmpf ogt, %add3A_10, %gt3A_11 : vector<256x64xf32>
    %exp3A = math.exp %add3A_10 : vector<256x64xf32>
    %sub3A = arith.constant 1.000000e+00 : f32
    %sub3A_13 = vector.broadcast %sub3A : f32 to vector<256x64xf32>
    %sub3A_14 = arith.subf %exp3A, %sub3A_13 : vector<256x64xf32>
    %select_n3A = arith.select %gt3A_12, %add3A_10, %sub3A_14 : vector<256x64xi1>, vector<256x64xf32>
    %swap3A = arith.constant 0 : index
    %swap3A_15 = arith.constant 0 : index
    %swap3A_16 = vector.load %arg4[%swap3A, %swap3A_15] : memref<256x64xf32, #tpu.memory_space<vmem>>, vector<256x64xf32>
    tpu.vector_store %arg4[%swap3A, %swap3A_15], %select_n3A {strides = array<i32>} : memref<256x64xf32, #tpu.memory_space<vmem>>, vector<256x64xf32>,
    return
  }
  func.func @transform_0(%arg0: i32) -> (i32, i32) {
    %c0_i32 = arith.constant 0 : i32
    %c0_i32_0 = arith.constant 0 : i32
    return %arg0, %c0_i32 : i32, i32
  }
  func.func @transform_1(%arg0: i32) -> (i32, i32) {
    %c0_i32 = arith.constant 0 : i32
    %c0_i32_0 = arith.constant 0 : i32
    return %arg0, %c0_i32 : i32, i32
  }
  func.func @transform_2(%arg0: i32) -> (i32, i32) {
    %c0_i32 = arith.constant 0 : i32
    %c0_i32_0 = arith.constant 0 : i32
    return %arg0, %c0_i32 : i32, i32
  }
  func.func @transform_3(%arg0: i32) -> (i32, i32) {
    %c0_i32 = arith.constant 0 : i32
    %c0_i32_0 = arith.constant 0 : i32
    return %arg0, %c0_i32 : i32, i32
  }
}

</mosaic_0001>

<sc_bundles>
// kernel: kernel.6.cloned.1.call-start
scs
__scs_entry_jumppad:
0x0: {  	(pc) =	sbr.rel $0x88, $3  }
0x1: {  	(tag) =	ssettag $0x0;
	lr =	simm.s32 $0x1  }
0x2: {  	[smem:$0x3F96] =	sst lr;
	_ =	strace $0xD0000000  }
0x3: {  	_ = 	snop  }
0x4: {  	_ = 	snop  }
0x5: {  	_ = 	snop  }
0x6: {  	_ = 	snop  }
0x7: {  	_ = 	snop  }
__scs_overlays_trampoline_lowered:
0x8: {  	[smem:$0x3FA5] =	sst s0  }
0x9: {  	[smem:$0x3FA6] =	sst s1  }
0xa: {  	[smem:$0x3FA7] =	sst s2  }
0xb: {  	[smem:$0x3FA8] =	sst s3  }
0xc: {  	[smem:$0x3FA9] =	sst s4  }
0xd: {  	[smem:$0x3FAA] =	sst s5  }
0xe: {  	[smem:$0x3FAB] =	sst s6  }
0xf: {  	[smem:$0x3FAC] =	sst s7  }
0x10: {  	[smem:$0x3FAD] =	sst s8  }
0x11: {  	[smem:$0x3FAE] =	sst s9;
	s0 =	simm.s32 @!p0 $0x0  }
0x12: {  	s1 =	sld [smem:$0x3F94];
	s0 =	simm.s32 @p0 $0x1  }
0x13: {  	[smem:$0x3FAF] =	sst s0;
	s0 =	simm.s32 @!p1 $0x0  }
0x14: {  	s2 =	sld [smem:$0x3F93];
	s0 =	simm.s32 @p1 $0x1  }
0x15: {  	[smem:$0x3FB0] =	sst s0;
	s0 =	simm.s32 @!p2 $0x0  }
0x16: {  	s3 =	sld [smem:$0x3FDB];
	s0 =	simm.s32 @p2 $0x1  }
0x17: {  	s4 =	simm.s32 $0x1BF5;
	[smem:$0x3FB2] =	sst s0  }
0x18: {  	s0 =	sld [smem:$0x3F95];
	_ =	swait.ge [sflag:s4], $0x0  }
0x19: {  	s7 =	sld [smem:$0x3F96]  }
0x1a: {  	s8 =	sadd.s32 $0xFFFFE003, lr  }
0x1b: {  	s9 =	sadd.s32 $0xFFFFFEF7, lr;
	s5 =	simm.s32 $0xFFFFFFFF;
	p2 =	slt.u32 s8, $0xFFFFF086  }
0x1c: {  	p1 =	slt.u32 s9, $0xF7A;
	s5 =	simm.s32 @!p2 $0x0  }
0x1d: {  	s5 =	simm.s32 @p1 $0x1;
	p0 =	seq.s32 s7, s2  }
0x1e: {  	s7 =	smul.u32 @!p0 $0xF7A, s2;
	p2 =	seq.s32 @!p0 s5, $0x0  }
0x1f: {  	s9 =	smul.u32 $0xF7A, s1;
	s8 =	simm.s32 @!p0 $0x1BF5;
	p2 =	por !p2, p0  }
0x20: {  	[sflag:s8] =	ssyncset.s32 @!p0 $0xFFFFF086;
	s6 =	sadd.s32 @!p0 s3, s7;
	s7 =	simm.s32 @!p0 $0x108  }
0x21: {  	s3 =	sadd.s32 s3, s9;
	s6 =	sadd.s32 @!p0 $0x88, s6;
	s7 =	simm.s32 @p2 $0x1082  }
0x22: {  	[simem:s7], [sflag:s8] =	dma.local @!p0 [hbm:s6], $0xF7A  }
0x23: {  	s9 =	sor.u32 $0xD0000000, s2;
	s6 =	simm.s32 $0x108;
	_ =	swait.ge @!p0 [sflag:s8], $0x0  }
0x24: {  	s3 =	sadd.s32 $0x88, s3;
	s6 =	simm.s32 @!p1 $0x1082;
	[sflag:s4] =	ssyncset.s32 $0xFFFFF086  }
0x25: {  	[simem:s6], [sflag:s4] =	dma.local [hbm:s3], $0xF7A  }
0x26: {  	[smem:$0x3F96] =	sst s1;
	(tag) =	ssettag s2;
	_ =	strace s9  }
0x27: {  	s1 =	sld [smem:$0x3FA6]  }
0x28: {  	s2 =	sld [smem:$0x3FA7]  }
0x29: {  	s4 =	sld [smem:$0x3FA9]  }
0x2a: {  	p0 =	seq.s32 s5, $0x0;
	s5 =	sld [smem:$0x3FAA]  }
0x2b: {  	s6 =	sld [smem:$0x3FAB]  }
0x2c: {  	s7 =	sld [smem:$0x3FAC]  }
0x2d: {  	s3 =	simm.s32 $0x108;
	s8 =	sld [smem:$0x3FAD]  }
0x2e: {  	s3 =	simm.s32 @!p0 $0x1082;
	s9 =	sld [smem:$0x3FAE]  }
0x2f: {  	lr =	sadd.s32 s0, s3;
	s0 =	sld [smem:$0x3FA5]  }
0x30: {  	s3 =	sld [smem:$0x3FA8]  }
0x31: {  	[smem:$0x3FB1] =	sst s10  }
0x32: {  	s10 =	sld [smem:$0x3FAF];
	_ =	sdelay $0x3  }
0x33: {  	p0 =	seq.s32 s10, $0x1;
	s10 =	sld [smem:$0x3FB1];
	_ =	sdelay $0x3  }
0x34: {  	[smem:$0x3FB1] =	sst s10  }
0x35: {  	s10 =	sld [smem:$0x3FB0];
	_ =	sdelay $0x3  }
0x36: {  	p1 =	seq.s32 s10, $0x1;
	s10 =	sld [smem:$0x3FB1];
	_ =	sdelay $0x3  }
0x37: {  	[smem:$0x3FB1] =	sst s10  }
0x38: {  	s10 =	sld [smem:$0x3FB2]  }
0x39: {  	_ = 	snop;
	(pc) =	sbr.ind lr, $3  }
0x3a: {  	_ = 	snop  }
0x3b: {  	_ = 	snop  }
0x3c: {  	p2 =	seq.s32 s10, $0x1;
	s10 =	sld [smem:$0x3FB1]  }
0x3d: {  	_ =	shalt  }
0x3e: {  	_ =	shalt  }
0x3f: {  	_ =	shalt  }
0x40: {  	_ =	shalt  }
0x41: {  	_ =	shalt  }
0x42: {  	_ =	shalt  }
0x43: {  	_ =	shalt  }
0x44: {  	_ =	shalt  }
0x45: {  	_ =	shalt  }
0x46: {  	_ =	shalt  }
0x47: {  	_ =	shalt  }
0x48: {  	_ =	shalt  }
0x49: {  	_ =	shalt  }
0x4a: {  	_ =	shalt  }
0x4b: {  	_ =	shalt  }
0x4c: {  	_ =	shalt  }
0x4d: {  	_ =	shalt  }
0x4e: {  	_ =	shalt  }
0x4f: {  	_ =	shalt  }
0x50: {  	_ =	shalt  }
0x51: {  	_ =	shalt  }
0x52: {  	_ =	shalt  }
0x53: {  	_ =	shalt  }
0x54: {  	_ =	shalt  }
0x55: {  	_ =	shalt  }
0x56: {  	_ =	shalt  }
0x57: {  	_ =	shalt  }
0x58: {  	_ =	shalt  }
0x59: {  	_ =	shalt  }
0x5a: {  	_ =	shalt  }
0x5b: {  	_ =	shalt  }
0x5c: {  	_ =	shalt  }
0x5d: {  	_ =	shalt  }
0x5e: {  	_ =	shalt  }
0x5f: {  	_ =	shalt  }
0x60: {  	_ =	shalt  }
0x61: {  	_ =	shalt  }
0x62: {  	_ =	shalt  }
0x63: {  	_ =	shalt  }
0x64: {  	_ =	shalt  }
0x65: {  	_ =	shalt  }
0x66: {  	_ =	shalt  }
0x67: {  	_ =	shalt  }
0x68: {  	_ =	shalt  }
0x69: {  	_ =	shalt  }
0x6a: {  	_ =	shalt  }
0x6b: {  	_ =	shalt  }
0x6c: {  	_ =	shalt  }
0x6d: {  	_ =	shalt  }
0x6e: {  	_ =	shalt  }
0x6f: {  	_ =	shalt  }
0x70: {  	_ =	shalt  }
0x71: {  	_ =	shalt  }
0x72: {  	_ =	shalt  }
0x73: {  	_ =	shalt  }
0x74: {  	_ =	shalt  }
0x75: {  	_ =	shalt  }
0x76: {  	_ =	shalt  }
0x77: {  	_ =	shalt  }
0x78: {  	_ =	shalt  }
0x79: {  	_ =	shalt  }
0x7a: {  	_ =	shalt  }
0x7b: {  	_ =	shalt  }
0x7c: {  	_ =	shalt  }
0x7d: {  	_ =	shalt  }
0x7e: {  	_ =	shalt  }
0x7f: {  	_ =	shalt  }
0x80: {  	_ =	shalt  }
0x81: {  	_ =	shalt  }
0x82: {  	_ =	shalt  }
0x83: {  	_ =	shalt  }
0x84: {  	_ =	shalt  }
0x85: {  	_ =	shalt  }
0x86: {  	_ =	shalt  }
0x87: {  	_ =	shalt  }
.Lfunc_end0:
.L_simem_size_0:
called_computation_lowered:
.L_overlay_start_0:
0x88: {  	s2 =	sld [smem:$0x3FD9]  }
0x89: {  	s3 =	sld [smem:$0x3FFE];
	_ =	sdelay $0x1  }
0x8a: {  	s1 =	srdreg.scid  }
0x8b: {  	s0 =	sand.u32 $0x1, s1  }
0x8c: {  	s16 =	sshll.u32 s0, $0xA;
	s2 =	sadd.s32 s3, s2  }
0x8d: {  	s2 =	sadd.s32 s2, s16  }
0x8e: {  	[smem:$0x3FBD] =	sst s2  }
0x8f: {  	_ = 	snop  }
0x90: {  	(tm) =	ssettm $0x1  }
0x91: {  	s17 =	sld [smem:$0x3FFB];
	_ =	sdelay $0x3  }
0x92: {  	_ =	strace s17  }
0x93: {  	s2 =	sld [smem:$0x3FFC];
	_ =	sdelay $0x3  }
0x94: {  	_ =	strace s2  }
0x95: {  	s2 =	sld [smem:$0x3FFD];
	_ =	sdelay $0x3  }
0x96: {  	_ =	strace s2  }
0x97: {  	_ =	strace $0x8FFFFFFF  }
0x98: {  	s18 =	sld [smem:$0x3FDB];
	_ =	sdelay $0x1  }
0x99: {  	s19 =	simm.s32 $_scs_section_size  }
0x9a: {  	s4 =	simm.s32 $_size__tile_overlayer_lowered;
	s5 =	simm.s32 $_tile_overlayer_lowered  }
0x9b: {  	s22 =	simm.s32 $0x1BFF;
	s21 =	sshll.u32 s5, $0x1;
	s2 =	sadd.s32 s19, s18  }
0x9c: {  	s6 =	simm.s32 $0x0;
	s20 =	sshll.u32 s4, $0x1;
	s4 =	sadd.s32 s21, s2  }
0x9d: {  	[timem:s6], [sflag:s22] =	dma.local [hbm:s4], s20  }
0x9e: {  	_ =	swait.ge [sflag:s22], s20  }
0x9f: {  	s3 =	ssub.s32 $0x0, s20;
	[sflag:s22] =	ssyncset.done $0x0  }
0xa0: {  	[sflag:s22] =	ssyncadd.s32 s3;
	_ =	sdelay $0x1  }
0xa1: {  	s23 =	simm.s32 $0x1B8B  }
0xa2: {  	_ =	swait.ge [sflag:s23], $0x1  }
0xa3: {  	[sflag:s23] =	ssyncset.done $0x0  }
0xa4: {  	s25 =	simm.s32 $0x1B8E;
	s24 =	sld [smem:$0x3FFE];
	[sflag:s23] =	ssyncadd.s32 $0xFFFFFFFF  }
0xa5: {  	s26 =	simm.s32 $execute0_lowered;
	[smem:$0x3FD2] =	sst s25  }
0xa6: {  	s4 =	sshll.u32 s26, $0x1;
	_ =	strace $0x80000046;
	[dreg:$0x1] =	wrdreg $0xFFFFFFFF  }
0xa7: {  	s28 =	simm.s32 $_size_execute0_lowered;
	s2 =	sadd.s32 s2, s4;
	[dreg:$0x0] =	wrdreg $0x0  }
0xa8: {  	s4 =	sshll.u32 s28, $0x1;
	[dreg:$0x2] =	wrdreg s2  }
0xa9: {  	[dreg:$0x3] =	wrdreg s4  }
0xaa: {  	[dreg:$0x4] =	wrdreg $0xC0  }
0xab: {  	_ =	task [dreg:s6], $0x5FFFF  }
0xac: {  	[dreg:$0x1] =	wrdreg $0xFFFFFFFF  }
0xad: {  	[dreg:$0x0] =	wrdreg $0x60  }
0xae: {  	[dreg:$0x2] =	wrdreg s24  }
0xaf: {  	[dreg:$0x3] =	wrdreg $0x9  }
0xb0: {  	_ =	task.clear_ibuf [dreg:s6], $0x4FFFF;
	_ =	strace $0x90000046  }
0xb1: {  	s29 =	simm.s32 $0x9;
	_ =	strace $0x80000048  }
0xb2: {  	_ =	swait.ge [sflag:s29], $0x1  }
0xb3: {  	[sflag:s29] =	ssyncadd.s32 $0xFFFFFFFF  }
0xb4: {  	_ =	strace $0x90000048  }
0xb5: {  	_ =	sfence  }
0xb6: {  	s30 =	sld [smem:$0x0];
	_ =	sdelay $0x2  }
0xb7: {  	s31 =	sshll.u32 s1, $0xD;
	s1 =	sshrl.u32 s1, $0x2  }
0xb8: {  	s3 =	sand.u32 $0x4000, s31;
	s1 =	sadd.s32 s1, s30  }
0xb9: {  	s0 =	sor.u32 s3, s0;
	s1 =	sshll.u32 s1, $0x11  }
0xba: {  	s0 =	sor.u32 s1, s0  }
0xbb: {  	s0 =	sadd.s32 $0x8F2B, s0  }
0xbc: {  	[sflag:s0] =	ssyncadd.remote.s32 $0x1  }
0xbd: {  	_ =	sfence.sel $0xFFFF  }
0xbe: {  	[dreg:$0x0] =	wrdreg $0xFFFFFFFF;
	(pc) =	sbr.abs _section_cstart, $3  }
0xbf: {  	[dreg:$0x1] =	wrdreg $0xFFFFFFFF  }
0xc0: {  	_ =	task.clear_ibuf [dreg:s6], $0x2FFFF;
	_ =	strace $0x9FFFFFFF  }
0xc1: {  	(tm) =	ssettm $0x7FFFFFFF  }
tec
execute0_lowered:
.L_overlay_start_1:
0x0: {  	(tag) =	ssettag $0x1  }
0x1: {  	s5 =	rddreg [dreg:$0x0]  }
0x2: {  	s0 =	rddreg [dreg:$0x1];
	s2 =	simm.s32 $0x0;
	s1 =	stileid.u32  }
0x3: {  	s3 =	srdreg.scid;
	s12 =	simm.s32 $0x1;
	s7 =	smul.u32 $0xC40, s1  }
0x4: {  	s13 =	simm.s32 $0x0;
	s6 =	sand.u32 $0x1, s3;
	s9 =	smul.u32 $0x1880, s1  }
0x5: {  	[smem:$0x7FF] =	sst s2;
	s3 =	sadd.s32 $0xC800, s5;
	s8 =	smul.u32 $0x620, s6  }
0x6: {  	s4 =	sadd.s32 $0xD000, s5;
	s29 =	ssub.s32 $0x2, s6;
	s6 =	smul.u32 $0xC40, s6  }
0x7: {  	_ =	strace $0x80000047;
	s9 =	sadd.s32 s9, s5;
	s10 =	sshrl.u32 s29, $0x1  }
0x8: {  	s7 =	sadd.s32 s8, s7;
	s30 =	ssub.s32 s29, s10;
	s31 =	sadd.s32 s6, s9  }
0x9: {  	s10 =	simm.s32 $0x2;
	s7 =	sshrl.u32 s7, $0x3;
	s6 =	sadd.s32 $0x26000, s31  }
0xa: {  	s8 =	sadd.s32 $0xD800, s31;
	s11 =	sadd.s32 s7, s5;
	s5 =	smax.u32 s30, $0x1  }
0xb: {  	s7 =	sadd.s32 $0x9400, s11;
	s9 =	sadd.s32 $0xAE00, s11;
	s11 =	simm.s32 $0x70  }
.LBB2_1:
0xc: {  	s14 =	sadd.s32 $0x0, s7  }
0xd: {  	[tilespmem:s2], [sflag:$0x2] =	stream.linear.gather [hbm4b:s14+s2], $0x70, $0x38;
	[tilespmem:$0x770] =	vst v63  }
0xe: {  	_ =	swait.ge [sflag:s10], $0x70  }
0xf: {  	[sflag:s10] =	ssyncset.done $0x0  }
0x10: {  	[sflag:s10] =	ssyncadd.s32 $0xFFFFFF90  }
0x11: {  	[tilespmem:s11], [sflag:$0x1] =	stream.indirect.gather [hbm4b:s3+s11], $0x10, s2, s11, $0xb8;
	[tilespmem:$0x770] =	vst v63  }
0x12: {  	_ =	swait.ge [sflag:s12], $0x700  }
0x13: {  	[sflag:s12] =	ssyncset.done $0x0  }
0x14: {  	[sflag:s12] =	ssyncadd.s32 $0xFFFFF900  }
0x15: {  	[hbm4b:s6+s2] =	stream.linear.scatter [tilespmem:s11], [sflag:$0x2], $0x700, $0x38;
	[tilespmem:$0x770] =	vst v63  }
0x16: {  	s17 =	sadd.s32 $0xE, s7;
	_ =	swait.ge [sflag:s10], $0x700  }
0x17: {  	s15 =	simm.s32 $0x1C;
	s14 =	sadd.s32 $0xE0, s6;
	[sflag:s10] =	ssyncset.done $0x0  }
.LBB2_2:
0x18: {  	s18 =	sadd.s32 s15, s7;
	s16 =	simm.s32 $0x0;
	[sflag:s10] =	ssyncadd.s32 $0xFFFFF900  }
0x19: {  	[tilespmem:s16], [sflag:$0x2] =	stream.linear.gather [hbm4b:s17+s16], $0x70, $0x38;
	[tilespmem:$0x770] =	vst v63  }
0x1a: {  	p0 =	sne.s32 s15, $0xB6;
	s15 =	sadd.s32 $0xE, s15;
	_ =	swait.ge [sflag:s10], $0x70  }
0x1b: {  	s17 =	smov.u32 s18;
	[sflag:s10] =	ssyncset.done $0x0  }
0x1c: {  	[sflag:s10] =	ssyncadd.s32 $0xFFFFFF90  }
0x1d: {  	[tilespmem:s11], [sflag:$0x1] =	stream.indirect.gather [hbm4b:s3+s11], $0x10, s16, s11, $0xb8;
	[tilespmem:$0x770] =	vst v63  }
0x1e: {  	_ =	swait.ge [sflag:s12], $0x700  }
.Ltmp0:
0x1f: {  	[sflag:s12] =	ssyncset.done $0x0;
	(pc) =	sbr.rel @p0 .LBB2_2-.Ltmp0, $4  }
0x20: {  	[sflag:s12] =	ssyncadd.s32 $0xFFFFF900  }
0x21: {  	[hbm4b:s14+s16] =	stream.linear.scatter [tilespmem:s11], [sflag:$0x2], $0x700, $0x38;
	[tilespmem:$0x770] =	vst v63  }
0x22: {  	_ =	swait.ge [sflag:s10], $0x700  }
0x23: {  	s14 =	sadd.s32 $0xE0, s14;
	[sflag:s10] =	ssyncset.done $0x0  }
0x24: {  	[sflag:s10] =	ssyncadd.s32 $0xFFFFF900  }
0x25: {  	[tilespmem:s16], [sflag:$0x2] =	stream.linear.gather [hbm4b:s17+s16], $0x70, $0x38;
	[tilespmem:$0x770] =	vst v63  }
0x26: {  	_ =	swait.ge [sflag:s10], $0x70  }
0x27: {  	[sflag:s10] =	ssyncset.done $0x0  }
0x28: {  	[sflag:s10] =	ssyncadd.s32 $0xFFFFFF90  }
0x29: {  	[tilespmem:s11], [sflag:$0x1] =	stream.indirect.gather [hbm4b:s3+s11], $0x10, s16, s11, $0xb8;
	[tilespmem:$0x770] =	vst v63  }
0x2a: {  	_ =	swait.ge [sflag:s12], $0x700  }
0x2b: {  	p1 =	por $0x1, $0x1;
	[sflag:s12] =	ssyncset.done $0x0  }
.Ltmp1:
0x2c: {  	[sflag:s12] =	ssyncadd.s32 $0xFFFFF900;
	(pc) =	sbr.rel @!p1 .LBB2_8-.Ltmp1, $4  }
0x2d: {  	[hbm4b:s14+s16] =	stream.linear.scatter [tilespmem:s11], [sflag:$0x2], $0x700, $0x38;
	[tilespmem:$0x770] =	vst v63  }
0x2e: {  	_ =	swait.ge [sflag:s10], $0x700  }
0x2f: {  	p0 =	por $0x0, $0x0;
	[sflag:s10] =	ssyncset.done $0x0  }
0x30: {  	s15 =	smov.u32 s8;
	s14 =	simm.s32 $0xE;
	[sflag:s10] =	ssyncadd.s32 $0xFFFFF900  }
0x31: {  	s15 =	sadd.s32 $0x0, s9  }
0x32: {  	[tilespmem:s2], [sflag:$0x2] =	stream.linear.gather [hbm4b:s15+s2], $0x70, $0x38;
	[tilespmem:$0x770] =	vst v63  }
0x33: {  	_ =	swait.ge [sflag:s10], $0x70  }
0x34: {  	[sflag:s10] =	ssyncset.done $0x0  }
0x35: {  	[sflag:s10] =	ssyncadd.s32 $0xFFFFFF90  }
0x36: {  	[tilespmem:s11], [sflag:$0x1] =	stream.indirect.gather [hbm4b:s4+s11], $0x10, s2, s11, $0xb8;
	[tilespmem:$0x770] =	vst v63  }
0x37: {  	p1 =	por $0x1, $0x1;
	_ =	swait.ge [sflag:s12], $0x700  }
.Ltmp2:
0x38: {  	[sflag:s12] =	ssyncset.done $0x0;
	(pc) =	sbr.rel @!p1 .LBB2_5-.Ltmp2, $4  }
0x39: {  	[sflag:s12] =	ssyncadd.s32 $0xFFFFF900  }
0x3a: {  	[hbm4b:s8+s2] =	stream.linear.scatter [tilespmem:s11], [sflag:$0x2], $0x700, $0x38;
	[tilespmem:$0x770] =	vst v63  }
0x3b: {  	s16 =	simm.s32 $0x1C;
	_ =	swait.ge [sflag:s10], $0x700  }
0x3c: {  	p0 =	por $0x1, $0x1;
	s15 =	sadd.s32 $0xE0, s8;
	[sflag:s10] =	ssyncset.done $0x0  }
.LBB2_6:
0x3d: {  	s17 =	sadd.s32 s14, s9  }
0x3e: {  	[sflag:s10] =	ssyncadd.s32 $0xFFFFF900;
	s14 =	smov.u32 s16;
	s18 =	sadd.s32 $0xE, s16  }
0x3f: {  	[tilespmem:s2], [sflag:$0x2] =	stream.linear.gather [hbm4b:s17+s2], $0x70, $0x38;
	[tilespmem:$0x770] =	vst v63  }
0x40: {  	p1 =	sne.s32 s16, $0xB6;
	_ =	swait.ge [sflag:s10], $0x70  }
0x41: {  	[sflag:s10] =	ssyncset.done $0x0  }
0x42: {  	[sflag:s10] =	ssyncadd.s32 $0xFFFFFF90  }
0x43: {  	[tilespmem:s11], [sflag:$0x1] =	stream.indirect.gather [hbm4b:s4+s11], $0x10, s2, s11, $0xb8;
	[tilespmem:$0x770] =	vst v63  }
0x44: {  	_ =	swait.ge [sflag:s12], $0x700  }
.Ltmp3:
0x45: {  	[sflag:s12] =	ssyncset.done $0x0;
	(pc) =	sbr.rel @p1 .LBB2_6-.Ltmp3, $4  }
0x46: {  	[sflag:s12] =	ssyncadd.s32 $0xFFFFF900  }
0x47: {  	[hbm4b:s15+s2] =	stream.linear.scatter [tilespmem:s11], [sflag:$0x2], $0x700, $0x38;
	[tilespmem:$0x770] =	vst v63  }
0x48: {  	_ =	swait.ge [sflag:s10], $0x700  }
0x49: {  	s16 =	smov.u32 s18;
	s15 =	sadd.s32 $0xE0, s15;
	[sflag:s10] =	ssyncset.done $0x0  }
0x4a: {  	s16 =	smov.u32 s14  }
.LBB2_8:
0x4b: {  	s14 =	sadd.s32 s16, s9;
	[sflag:s10] =	ssyncadd.s32 @p0 $0xFFFFF900  }
0x4c: {  	[tilespmem:s2], [sflag:$0x2] =	stream.linear.gather [hbm4b:s14+s2], $0x70, $0x38;
	[tilespmem:$0x770] =	vst v63  }
0x4d: {  	_ =	swait.ge [sflag:s10], $0x70  }
0x4e: {  	[sflag:s10] =	ssyncset.done $0x0  }
0x4f: {  	[sflag:s10] =	ssyncadd.s32 $0xFFFFFF90  }
0x50: {  	[tilespmem:s11], [sflag:$0x1] =	stream.indirect.gather [hbm4b:s4+s11], $0x10, s2, s11, $0xb8;
	[tilespmem:$0x770] =	vst v63  }
0x51: {  	_ =	swait.ge [sflag:s12], $0x700  }
0x52: {  	s13 =	sadd.s32 $0x1, s13;
	[sflag:s12] =	ssyncset.done $0x0  }
0x53: {  	p0 =	sne.s32 s13, s5;
	[sflag:s12] =	ssyncadd.s32 $0xFFFFF900  }
0x54: {  	[hbm4b:s15+s2] =	stream.linear.scatter [tilespmem:s11], [sflag:$0x2], $0x700, $0x38;
	[tilespmem:$0x770] =	vst v63  }
.Ltmp4:
0x55: {  	_ = 	snop;
	(pc) =	sbr.rel @p0 .LBB2_1-.Ltmp4, $4  }
.Ltmp5:
0x56: {  	_ = 	snop;
	(pc) =	sbr.rel @!p0 .LBB2_9-.Ltmp5, $4  }
0x57: {  	_ =	swait.ge [sflag:s10], $0x700  }
0x58: {  	[sflag:s10] =	ssyncset.done $0x0  }
0x59: {  	[sflag:s10] =	ssyncadd.s32 $0xFFFFF900  }
0x5a: {  	_ = 	snop  }
.LBB2_5:
.Ltmp6:
0x5b: {  	(pc) =	sbr.rel .LBB2_8-.Ltmp6, $2  }
0x5c: {  	_ =	sdelay $0x2  }
0x5d: {  	s16 =	simm.s32 $0xE  }
.LBB2_9:
0x5e: {  	_ =	sfence.sel $0x180000  }
0x5f: {  	[bflag:$0x0] =	sbarrier.arrive $0xFFFF  }
0x60: {  	p0 =	sne.s32 s1, $0x0;
	_ =	strace $0x90000047  }
0x61: {  	s0 =	sadd.s32 @!p0 $0x100000, s0;
	[bflag:$0x2] =	sbarrier.arrive $0xFFFF  }
0x62: {  	[sflag:s0] =	ssyncadd.tile.s32 @!p0 $0x1;
	_ =	shalt  }
.Lfunc_end2:
_tile_overlayer_lowered:
.L_overlay_start_2:
0x63: {  	(tag) =	ssettag $0x2  }
0x64: {  	s0 =	rddreg [dreg:$0x0];
	s2 =	stileid.u32  }
0x65: {  	s1 =	rddreg [dreg:$0x1];
	p0 =	sne.s32 s2, $0x0  }
0x66: {  	s3 =	rddreg [dreg:$0x2];
	[bflag:$0x3] =	sbarrier.arrive $0xFFFF;
	s2 =	simm.s32 @!p0 $0x1C02  }
0x67: {  	[timem:s3], [sflag:s2] =	dma.local @!p0 [hbm:s0], s1  }
0x68: {  	s0 =	simm.s32 @!p0 $0x2  }
0x69: {  	_ =	swait.ge @!p0 [sflag:s0], s1  }
0x6a: {  	s1 =	ssub.s32 @!p0 $0x0, s1;
	[sflag:s0] =	ssyncset.done @!p0 $0x0  }
0x6b: {  	[sflag:s0] =	ssyncadd.s32 @!p0 s1  }
0x6c: {  	[bflag:$0x3] =	sbarrier.arrive $0xFFFF  }
0x6d: {  	_ =	shalt  }

// kernel: kernel.9.cloned.1.call-start
scs
__scs_entry_jumppad:
0x0: {  	(pc) =	sbr.rel $0x88, $3  }
0x1: {  	(tag) =	ssettag $0x0;
	lr =	simm.s32 $0x1  }
0x2: {  	[smem:$0x3F96] =	sst lr;
	_ =	strace $0xD0000000  }
0x3: {  	_ = 	snop  }
0x4: {  	_ = 	snop  }
0x5: {  	_ = 	snop  }
0x6: {  	_ = 	snop  }
0x7: {  	_ = 	snop  }
__scs_overlays_trampoline_lowered:
0x8: {  	[smem:$0x3FA5] =	sst s0  }
0x9: {  	[smem:$0x3FA6] =	sst s1  }
0xa: {  	[smem:$0x3FA7] =	sst s2  }
0xb: {  	[smem:$0x3FA8] =	sst s3  }
0xc: {  	[smem:$0x3FA9] =	sst s4  }
0xd: {  	[smem:$0x3FAA] =	sst s5  }
0xe: {  	[smem:$0x3FAB] =	sst s6  }
0xf: {  	[smem:$0x3FAC] =	sst s7  }
0x10: {  	[smem:$0x3FAD] =	sst s8  }
0x11: {  	[smem:$0x3FAE] =	sst s9;
	s0 =	simm.s32 @!p0 $0x0  }
0x12: {  	s1 =	sld [smem:$0x3F94];
	s0 =	simm.s32 @p0 $0x1  }
0x13: {  	[smem:$0x3FAF] =	sst s0;
	s0 =	simm.s32 @!p1 $0x0  }
0x14: {  	s2 =	sld [smem:$0x3F93];
	s0 =	simm.s32 @p1 $0x1  }
0x15: {  	[smem:$0x3FB0] =	sst s0;
	s0 =	simm.s32 @!p2 $0x0  }
0x16: {  	s3 =	sld [smem:$0x3FDB];
	s0 =	simm.s32 @p2 $0x1  }
0x17: {  	s4 =	simm.s32 $0x1BF5;
	[smem:$0x3FB2] =	sst s0  }
0x18: {  	s0 =	sld [smem:$0x3F95];
	_ =	swait.ge [sflag:s4], $0x0  }
0x19: {  	s7 =	sld [smem:$0x3F96]  }
0x1a: {  	s8 =	sadd.s32 $0xFFFFE003, lr  }
0x1b: {  	s9 =	sadd.s32 $0xFFFFFEF7, lr;
	s5 =	simm.s32 $0xFFFFFFFF;
	p2 =	slt.u32 s8, $0xFFFFF086  }
0x1c: {  	p1 =	slt.u32 s9, $0xF7A;
	s5 =	simm.s32 @!p2 $0x0  }
0x1d: {  	s5 =	simm.s32 @p1 $0x1;
	p0 =	seq.s32 s7, s2  }
0x1e: {  	s7 =	smul.u32 @!p0 $0xF7A, s2;
	p2 =	seq.s32 @!p0 s5, $0x0  }
0x1f: {  	s9 =	smul.u32 $0xF7A, s1;
	s8 =	simm.s32 @!p0 $0x1BF5;
	p2 =	por !p2, p0  }
0x20: {  	[sflag:s8] =	ssyncset.s32 @!p0 $0xFFFFF086;
	s6 =	sadd.s32 @!p0 s3, s7;
	s7 =	simm.s32 @!p0 $0x108  }
0x21: {  	s3 =	sadd.s32 s3, s9;
	s6 =	sadd.s32 @!p0 $0x88, s6;
	s7 =	simm.s32 @p2 $0x1082  }
0x22: {  	[simem:s7], [sflag:s8] =	dma.local @!p0 [hbm:s6], $0xF7A  }
0x23: {  	s9 =	sor.u32 $0xD0000000, s2;
	s6 =	simm.s32 $0x108;
	_ =	swait.ge @!p0 [sflag:s8], $0x0  }
0x24: {  	s3 =	sadd.s32 $0x88, s3;
	s6 =	simm.s32 @!p1 $0x1082;
	[sflag:s4] =	ssyncset.s32 $0xFFFFF086  }
0x25: {  	[simem:s6], [sflag:s4] =	dma.local [hbm:s3], $0xF7A  }
0x26: {  	[smem:$0x3F96] =	sst s1;
	(tag) =	ssettag s2;
	_ =	strace s9  }
0x27: {  	s1 =	sld [smem:$0x3FA6]  }
0x28: {  	s2 =	sld [smem:$0x3FA7]  }
0x29: {  	s4 =	sld [smem:$0x3FA9]  }
0x2a: {  	p0 =	seq.s32 s5, $0x0;
	s5 =	sld [smem:$0x3FAA]  }
0x2b: {  	s6 =	sld [smem:$0x3FAB]  }
0x2c: {  	s7 =	sld [smem:$0x3FAC]  }
0x2d: {  	s3 =	simm.s32 $0x108;
	s8 =	sld [smem:$0x3FAD]  }
0x2e: {  	s3 =	simm.s32 @!p0 $0x1082;
	s9 =	sld [smem:$0x3FAE]  }
0x2f: {  	lr =	sadd.s32 s0, s3;
	s0 =	sld [smem:$0x3FA5]  }
0x30: {  	s3 =	sld [smem:$0x3FA8]  }
0x31: {  	[smem:$0x3FB1] =	sst s10  }
0x32: {  	s10 =	sld [smem:$0x3FAF];
	_ =	sdelay $0x3  }
0x33: {  	p0 =	seq.s32 s10, $0x1;
	s10 =	sld [smem:$0x3FB1];
	_ =	sdelay $0x3  }
0x34: {  	[smem:$0x3FB1] =	sst s10  }
0x35: {  	s10 =	sld [smem:$0x3FB0];
	_ =	sdelay $0x3  }
0x36: {  	p1 =	seq.s32 s10, $0x1;
	s10 =	sld [smem:$0x3FB1];
	_ =	sdelay $0x3  }
0x37: {  	[smem:$0x3FB1] =	sst s10  }
0x38: {  	s10 =	sld [smem:$0x3FB2]  }
0x39: {  	_ = 	snop;
	(pc) =	sbr.ind lr, $3  }
0x3a: {  	_ = 	snop  }
0x3b: {  	_ = 	snop  }
0x3c: {  	p2 =	seq.s32 s10, $0x1;
	s10 =	sld [smem:$0x3FB1]  }
0x3d: {  	_ =	shalt  }
0x3e: {  	_ =	shalt  }
0x3f: {  	_ =	shalt  }
0x40: {  	_ =	shalt  }
0x41: {  	_ =	shalt  }
0x42: {  	_ =	shalt  }
0x43: {  	_ =	shalt  }
0x44: {  	_ =	shalt  }
0x45: {  	_ =	shalt  }
0x46: {  	_ =	shalt  }
0x47: {  	_ =	shalt  }
0x48: {  	_ =	shalt  }
0x49: {  	_ =	shalt  }
0x4a: {  	_ =	shalt  }
0x4b: {  	_ =	shalt  }
0x4c: {  	_ =	shalt  }
0x4d: {  	_ =	shalt  }
0x4e: {  	_ =	shalt  }
0x4f: {  	_ =	shalt  }
0x50: {  	_ =	shalt  }
0x51: {  	_ =	shalt  }
0x52: {  	_ =	shalt  }
0x53: {  	_ =	shalt  }
0x54: {  	_ =	shalt  }
0x55: {  	_ =	shalt  }
0x56: {  	_ =	shalt  }
0x57: {  	_ =	shalt  }
0x58: {  	_ =	shalt  }
0x59: {  	_ =	shalt  }
0x5a: {  	_ =	shalt  }
0x5b: {  	_ =	shalt  }
0x5c: {  	_ =	shalt  }
0x5d: {  	_ =	shalt  }
0x5e: {  	_ =	shalt  }
0x5f: {  	_ =	shalt  }
0x60: {  	_ =	shalt  }
0x61: {  	_ =	shalt  }
0x62: {  	_ =	shalt  }
0x63: {  	_ =	shalt  }
0x64: {  	_ =	shalt  }
0x65: {  	_ =	shalt  }
0x66: {  	_ =	shalt  }
0x67: {  	_ =	shalt  }
0x68: {  	_ =	shalt  }
0x69: {  	_ =	shalt  }
0x6a: {  	_ =	shalt  }
0x6b: {  	_ =	shalt  }
0x6c: {  	_ =	shalt  }
0x6d: {  	_ =	shalt  }
0x6e: {  	_ =	shalt  }
0x6f: {  	_ =	shalt  }
0x70: {  	_ =	shalt  }
0x71: {  	_ =	shalt  }
0x72: {  	_ =	shalt  }
0x73: {  	_ =	shalt  }
0x74: {  	_ =	shalt  }
0x75: {  	_ =	shalt  }
0x76: {  	_ =	shalt  }
0x77: {  	_ =	shalt  }
0x78: {  	_ =	shalt  }
0x79: {  	_ =	shalt  }
0x7a: {  	_ =	shalt  }
0x7b: {  	_ =	shalt  }
0x7c: {  	_ =	shalt  }
0x7d: {  	_ =	shalt  }
0x7e: {  	_ =	shalt  }
0x7f: {  	_ =	shalt  }
0x80: {  	_ =	shalt  }
0x81: {  	_ =	shalt  }
0x82: {  	_ =	shalt  }
0x83: {  	_ =	shalt  }
0x84: {  	_ =	shalt  }
0x85: {  	_ =	shalt  }
0x86: {  	_ =	shalt  }
0x87: {  	_ =	shalt  }
.Lfunc_end0:
.L_simem_size_0:
called_computation.1_lowered:
.L_overlay_start_0:
0x88: {  	s2 =	sld [smem:$0x3FD9]  }
0x89: {  	s3 =	sld [smem:$0x3FFE];
	_ =	sdelay $0x1  }
0x8a: {  	s1 =	srdreg.scid  }
0x8b: {  	s0 =	sand.u32 $0x1, s1  }
0x8c: {  	s17 =	sshll.u32 s0, $0xA;
	s2 =	sadd.s32 s3, s2  }
0x8d: {  	s2 =	sadd.s32 s2, s17  }
0x8e: {  	[smem:$0x3FBD] =	sst s2  }
0x8f: {  	_ = 	snop  }
0x90: {  	s2 =	sld [smem:$0x3FD0];
	(tm) =	ssettm $0x1  }
0x91: {  	s18 =	sld [smem:$0x3FFB];
	_ =	sdelay $0x3  }
0x92: {  	_ =	strace s18  }
0x93: {  	s3 =	sld [smem:$0x3FFC];
	_ =	sdelay $0x3  }
0x94: {  	_ =	strace s3  }
0x95: {  	s3 =	sld [smem:$0x3FFD];
	_ =	sdelay $0x3  }
0x96: {  	_ =	strace s3  }
0x97: {  	_ =	strace $0x8FFFFFFF  }
0x98: {  	s19 =	sld [smem:$0x3FDB];
	_ =	sdelay $0x1  }
0x99: {  	s4 =	simm.s32 $_scs_section_size  }
0x9a: {  	s5 =	simm.s32 $_size__tile_overlayer_lowered;
	s6 =	simm.s32 $_tile_overlayer_lowered  }
0x9b: {  	s22 =	simm.s32 $0x1BFF;
	s21 =	sshll.u32 s6, $0x1;
	s3 =	sadd.s32 s4, s19  }
0x9c: {  	s7 =	simm.s32 $0x0;
	s20 =	sshll.u32 s5, $0x1;
	s5 =	sadd.s32 s21, s3  }
0x9d: {  	[timem:s7], [sflag:s22] =	dma.local [hbm:s5], s20  }
0x9e: {  	_ =	swait.ge [sflag:s22], s20  }
0x9f: {  	s4 =	ssub.s32 $0x0, s20;
	[sflag:s22] =	ssyncset.done $0x0  }
0xa0: {  	[sflag:s22] =	ssyncadd.s32 s4;
	_ =	sdelay $0x1  }
0xa1: {  	s23 =	simm.s32 $0x1B8B  }
0xa2: {  	_ =	swait.ge [sflag:s23], $0x1  }
0xa3: {  	[sflag:s23] =	ssyncset.done $0x0  }
0xa4: {  	s25 =	simm.s32 $0x1B8E;
	s24 =	sld [smem:$0x3FFE];
	[sflag:s23] =	ssyncadd.s32 $0xFFFFFFFF  }
0xa5: {  	s26 =	simm.s32 $execute0_lowered;
	[smem:$0x3FD2] =	sst s25  }
0xa6: {  	s5 =	sshll.u32 s26, $0x1;
	_ =	strace $0x80000049;
	[dreg:$0x1] =	wrdreg $0xFFFFFFFF  }
0xa7: {  	s28 =	simm.s32 $_size_execute0_lowered;
	s3 =	sadd.s32 s3, s5;
	[dreg:$0x0] =	wrdreg $0x0  }
0xa8: {  	s5 =	sshll.u32 s28, $0x1;
	[dreg:$0x2] =	wrdreg s3  }
0xa9: {  	[dreg:$0x3] =	wrdreg s5  }
0xaa: {  	[dreg:$0x4] =	wrdreg $0xC0  }
0xab: {  	_ =	task [dreg:s7], $0x5FFFF  }
0xac: {  	[dreg:$0x1] =	wrdreg $0xFFFFFFFF  }
0xad: {  	[dreg:$0x0] =	wrdreg $0x60  }
0xae: {  	[dreg:$0x2] =	wrdreg s2  }
0xaf: {  	[dreg:$0x3] =	wrdreg s24  }
0xb0: {  	[dreg:$0x4] =	wrdreg $0x4AC00  }
0xb1: {  	[dreg:$0x5] =	wrdreg $0x9  }
0xb2: {  	_ =	task.clear_ibuf [dreg:s7], $0x6FFFF;
	_ =	strace $0x90000049  }
0xb3: {  	s29 =	simm.s32 $0x9;
	_ =	strace $0x8000004B  }
0xb4: {  	_ =	swait.ge [sflag:s29], $0x1  }
0xb5: {  	[sflag:s29] =	ssyncadd.s32 $0xFFFFFFFF  }
0xb6: {  	_ =	strace $0x9000004B  }
0xb7: {  	_ =	sfence  }
0xb8: {  	s30 =	sld [smem:$0x0];
	_ =	sdelay $0x2  }
0xb9: {  	s31 =	sshll.u32 s1, $0xD;
	s1 =	sshrl.u32 s1, $0x2  }
0xba: {  	s3 =	sand.u32 $0x4000, s31;
	s1 =	sadd.s32 s1, s30  }
0xbb: {  	s0 =	sor.u32 s3, s0;
	s1 =	sshll.u32 s1, $0x11  }
0xbc: {  	s0 =	sor.u32 s1, s0  }
0xbd: {  	s0 =	sadd.s32 $0x8F2B, s0  }
0xbe: {  	[sflag:s0] =	ssyncadd.remote.s32 $0x1  }
0xbf: {  	_ =	sfence.sel $0xFFFF  }
0xc0: {  	[dreg:$0x0] =	wrdreg $0xFFFFFFFF;
	(pc) =	sbr.abs _section_cstart, $3  }
0xc1: {  	[dreg:$0x1] =	wrdreg $0xFFFFFFFF  }
0xc2: {  	_ =	task.clear_ibuf [dreg:s7], $0x2FFFF;
	_ =	strace $0x9FFFFFFF  }
0xc3: {  	(tm) =	ssettm $0x7FFFFFFF  }
tec
execute0_lowered:
.L_overlay_start_1:
0x0: {  	(tag) =	ssettag $0x1  }
0x1: {  	v0 =	vlaneseq.u32  }
0x2: {  	v0 =	vmul.u32 $0x18, v0;
	_ =	sdelay $0x1  }
0x3: {  	v4 =	vadd.s32 $0x10, v0  }
0x4: {  	v33 =	vadd.s32 $0x11, v0;
	[tilespmem:$0x1FC20] =	vst v4  }
0x5: {  	v34 =	vor.u32 $0x1, v0;
	[tilespmem:$0x1FC30] =	vst v33  }
0x6: {  	v35 =	vor.u32 $0x2, v0;
	[tilespmem:$0x1FC40] =	vst v34  }
0x7: {  	v36 =	vor.u32 $0x3, v0;
	[tilespmem:$0x1FC50] =	vst v35  }
0x8: {  	v37 =	vor.u32 $0x4, v0;
	[tilespmem:$0x1FC60] =	vst v36  }
0x9: {  	v38 =	vor.u32 $0x5, v0;
	[tilespmem:$0x1FC70] =	vst v37  }
0xa: {  	v39 =	vor.u32 $0x6, v0;
	[tilespmem:$0x1FC80] =	vst v38  }
0xb: {  	v40 =	vor.u32 $0x7, v0;
	[tilespmem:$0x1FC90] =	vst v39  }
0xc: {  	v41 =	vadd.s32 $0x8, v0;
	[tilespmem:$0x1FCA0] =	vst v40  }
0xd: {  	v42 =	vadd.s32 $0x9, v0;
	[tilespmem:$0x1FCB0] =	vst v41  }
0xe: {  	s0 =	srdreg.scid;
	v43 =	vadd.s32 $0xA, v0;
	[tilespmem:$0x1FCC0] =	vst v42  }
0xf: {  	s4 =	sand.u32 $0x1, s0;
	v44 =	vadd.s32 $0xB, v0;
	[tilespmem:$0x1FCD0] =	vst v43  }
0x10: {  	s13 =	rddreg [dreg:$0x0];
	s0 =	smul.u32 $0x18800, s4;
	v45 =	vadd.s32 $0xC, v0;
	[tilespmem:$0x1FCE0] =	vst v44  }
0x11: {  	s5 =	rddreg [dreg:$0x1];
	s3 =	simm.s32 $0x0;
	v46 =	vadd.s32 $0xD, v0;
	[tilespmem:$0x1FCF0] =	vst v45  }
0x12: {  	[smem:$0x7FF] =	sst s3;
	v47 =	vadd.s32 $0xE, v0;
	s1 =	sadd.s32 $0xC400, s0;
	[tilespmem:$0x1FD00] =	vst v46  }
0x13: {  	v48 =	vadd.s32 $0xF, v0;
	v2 =	vmov s1;
	s1 =	rddreg [dreg:$0x2];
	_ =	strace $0x8000004A;
	[tilespmem:$0x1FD10] =	vst v47  }
0x14: {  	v49 =	vadd.s32 $0x190, v0;
	[tilespmem:$0x1FD20] =	vst v48  }
0x15: {  	v50 =	vadd.s32 $0x191, v0;
	[tilespmem:$0x1FD30] =	vst v49  }
0x16: {  	v51 =	vadd.s32 $0x180, v0;
	[tilespmem:$0x1FD40] =	vst v50  }
0x17: {  	v52 =	vadd.s32 $0x181, v0;
	[tilespmem:$0x1FD50] =	vst v51  }
0x18: {  	v53 =	vadd.s32 $0x182, v0;
	[tilespmem:$0x1FD60] =	vst v52  }
0x19: {  	v54 =	vadd.s32 $0x183, v0;
	[tilespmem:$0x1FD70] =	vst v53  }
0x1a: {  	v55 =	vadd.s32 $0x184, v0;
	[tilespmem:$0x1FD80] =	vst v54  }
0x1b: {  	v56 =	vadd.s32 $0x185, v0;
	[tilespmem:$0x1FD90] =	vst v55  }
0x1c: {  	v3 =	vadd.s32 $0x186, v0;
	[tilespmem:$0x1FDA0] =	vst v56  }
0x1d: {  	v57 =	vadd.s32 $0x189, v0;
	[tilespmem:$0x1FDB0] =	vst v3  }
0x1e: {  	v58 =	vadd.s32 $0x18D, v0;
	[tilespmem:$0x1FDE0] =	vst v57  }
0x1f: {  	v59 =	vadd.s32 $0x18E, v0;
	[tilespmem:$0x1FE20] =	vst v58  }
0x20: {  	v60 =	vadd.s32 $0x18F, v0;
	[tilespmem:$0x1FE30] =	vst v59  }
0x21: {  	v61 =	vadd.s32 $0x310, v0;
	[tilespmem:$0x1FE40] =	vst v60  }
0x22: {  	v62 =	vadd.s32 $0x311, v0;
	[tilespmem:$0x1FE50] =	vst v61  }
0x23: {  	v63 =	vadd.s32 $0x305, v0;
	[tilespmem:$0x1FE60] =	vst v62  }
0x24: {  	v5 =	vadd.s32 $0x306, v0;
	[tilespmem:$0x1FEC0] =	vst v63  }
0x25: {  	v6 =	vadd.s32 $0x307, v0;
	[tilespmem:$0x1FED0] =	vst v5  }
0x26: {  	v7 =	vadd.s32 $0x308, v0;
	[tilespmem:$0x1FEE0] =	vst v6  }
0x27: {  	v8 =	vadd.s32 $0x309, v0;
	[tilespmem:$0x1FEF0] =	vst v7  }
0x28: {  	v9 =	vadd.s32 $0x30A, v0;
	[tilespmem:$0x1FF00] =	vst v8  }
0x29: {  	v10 =	vadd.s32 $0x30B, v0;
	[tilespmem:$0x1FF10] =	vst v9  }
0x2a: {  	v11 =	vadd.s32 $0x30C, v0;
	[tilespmem:$0x1FF20] =	vst v10  }
0x2b: {  	v12 =	vadd.s32 $0x30D, v0;
	[tilespmem:$0x1FF30] =	vst v11  }
0x2c: {  	v14 =	vadd.s32 $0x30E, v0;
	[tilespmem:$0x1FF40] =	vst v12  }
0x2d: {  	v15 =	vadd.s32 $0x30F, v0;
	[tilespmem:$0x1FF50] =	vst v14  }
0x2e: {  	v16 =	vadd.s32 $0x490, v0;
	[tilespmem:$0x1FF60] =	vst v15  }
0x2f: {  	s11 =	stileid.u32;
	v17 =	vadd.s32 $0x491, v0;
	[tilespmem:$0x1FF70] =	vst v16  }
0x30: {  	s28 =	simm.s32 $0x3;
	s2 =	smul.u32 $0x1900, s11;
	v18 =	vadd.s32 $0x480, v0;
	[tilespmem:$0x1FF80] =	vst v17  }
0x31: {  	s29 =	simm.s32 $0x80;
	s30 =	simm.s32 $0x1;
	s7 =	smul.u32 $0x49800, s11;
	v19 =	vadd.s32 $0x481, v0;
	[tilespmem:$0x1FF90] =	vst v18  }
0x32: {  	s31 =	simm.s32 $0x2;
	s26 =	smul.u32 $0x24C0, s11;
	s6 =	ssub.s32 $0x2, s4;
	v20 =	vadd.s32 $0x482, v0;
	[tilespmem:$0x1FFA0] =	vst v19  }
0x33: {  	s9 =	smul.u32 $0x49800, s4;
	s4 =	sadd.s32 $0x57800, s5;
	s10 =	sshrl.u32 s6, $0x1;
	v21 =	vadd.s32 $0x483, v0;
	[tilespmem:$0x1FFB0] =	vst v20  }
0x34: {  	s8 =	sadd.s32 s2, s5;
	s7 =	sshrl.u32 s7, $0x2;
	v23 =	vadd.s32 $0x484, v0;
	s6 =	ssub.s32 s6, s10;
	[tilespmem:$0x1FFC0] =	vst v21  }
0x35: {  	v1 =	vmov s0;
	s5 =	sadd.s32 s9, s5;
	s0 =	simm.s32 $0x100;
	s9 =	simm.s32 $0x3860;
	[tilespmem:$0x1FFD0] =	vst v23  }
0x36: {  	s10 =	simm.s32 $0x0;
	s6 =	smax.u32 s6, $0x1;
	v3 =	vadd.s32 $0x187, v0;
	[tilespmem:$0x1FFE0] =	vst v1;
	s12 =	sadd.s32 s7, s1  }
0x37: {  	s5 =	sadd.s32 s26, s5;
	[dreg:$0x4] =	wrdreg s6;
	[tilespmem:$0x1FDC0] =	vst v3;
	s19 =	sadd.s32 $0x1260, s12  }
0x38: {  	s26 =	simm.s32 $0x2600;
	v3 =	vadd.s32 $0x188, v0;
	[tilespmem:$0x1FFF0] =	vst v2;
	s20 =	sadd.s32 $0x24C0, s12;
	[dreg:$0x5] =	wrdreg s19  }
0x39: {  	s7 =	simm.s32 $0xE00;
	s21 =	sadd.s32 $0x3720, s12;
	[tilespmem:$0x1FDD0] =	vst v3;
	v3 =	vadd.s32 $0x18A, v0;
	[dreg:$0x6] =	wrdreg s20  }
0x3a: {  	s22 =	sadd.s32 $0x4980, s12;
	s23 =	sadd.s32 $0x5BE0, s12;
	[dreg:$0x7] =	wrdreg s21;
	[tilespmem:$0x1FDF0] =	vst v3;
	v3 =	vadd.s32 $0x18B, v0  }
0x3b: {  	s24 =	sadd.s32 $0x6E40, s12;
	s25 =	sadd.s32 $0x80A0, s12;
	[dreg:$0x8] =	wrdreg s22;
	[tilespmem:$0x1FE00] =	vst v3;
	v3 =	vadd.s32 $0x18C, v0  }
0x3c: {  	s14 =	sadd.s32 $0x9300, s12;
	s15 =	sadd.s32 $0xA560, s12;
	[dreg:$0x9] =	wrdreg s23;
	[tilespmem:$0x1FE10] =	vst v3;
	v3 =	vadd.s32 $0x300, v0  }
0x3d: {  	s16 =	sadd.s32 $0xB7C0, s12;
	s17 =	sadd.s32 $0xCA20, s12;
	[dreg:$0xa] =	wrdreg s24;
	[tilespmem:$0x1FE70] =	vst v3;
	v3 =	vadd.s32 $0x301, v0  }
0x3e: {  	s18 =	sadd.s32 $0xDC80, s12;
	[dreg:$0xb] =	wrdreg s25;
	s19 =	sadd.s32 $0xEEE0, s12;
	[tilespmem:$0x1FE80] =	vst v3;
	v3 =	vadd.s32 $0x302, v0  }
0x3f: {  	s20 =	sadd.s32 $0x10140, s12;
	s21 =	sadd.s32 $0x113A0, s12;
	s22 =	sadd.s32 $0x3E800, s8;
	[tilespmem:$0x1FE90] =	vst v3;
	v3 =	vadd.s32 $0x303, v0  }
0x40: {  	s23 =	sadd.s32 s2, s13;
	s24 =	sadd.s32 $0xEA800, s5;
	s25 =	sadd.s32 $0x10F400, s5;
	[tilespmem:$0x1FEA0] =	vst v3;
	v3 =	vadd.s32 $0x304, v0  }
0x41: {  	v13 =	vimm.f32 $0.0e+00;
	s2 =	simm.s32 $0x200;
	s5 =	simm.s32 $0x180;
	s8 =	simm.s32 $0x1A00;
	[tilespmem:$0x1FEB0] =	vst v3  }
.LBB2_1:
0x42: {  	s11 =	simm.s32 $0x0  }
0x43: {  	s6 =	simm.s32 $0x60;
	[tilespmem:s11+$0x2600] =	vst v13  }
.LBB2_2:
0x44: {  	p0 =	sne.s32 s6, $0x4920;
	[tilespmem:s11+$0x2601] =	vst v13;
	s11 =	smov.u32 s6;
	s6 =	sadd.s32 $0x60, s6  }
.Ltmp0:
0x45: {  	(pc) =	sbr.rel @p0 .LBB2_2-.Ltmp0, $3  }
0x46: {  	_ =	sdelay $0x1  }
0x47: {  	s11 =	sshra.s32 s11, $0x2  }
0x48: {  	[tilespmem:s11+$0x2600] =	vst v13  }
0x49: {  	[tilespmem:s11+$0x2601] =	vst v13  }
0x4a: {  	[spmem:s12] =	stream.linear.scatter [tilespmem:s26], [sflag:$0x3], $0x1260, $0x38;
	[tilespmem:$0x11B00] =	vst v63  }
0x4b: {  	_ =	swait.ge [sflag:s28], $0x1260  }
0x4c: {  	[sflag:s28] =	ssyncset.done $0x0  }
0x4d: {  	s6 =	rddreg [dreg:$0x5];
	[sflag:s28] =	ssyncadd.s32 $0xFFFFEDA0  }
0x4e: {  	[spmem:s6] =	stream.linear.scatter [tilespmem:s26], [sflag:$0x3], $0x1260, $0x38;
	[tilespmem:$0x11B00] =	vst v63  }
0x4f: {  	_ =	swait.ge [sflag:s28], $0x1260  }
0x50: {  	[sflag:s28] =	ssyncset.done $0x0  }
0x51: {  	s11 =	rddreg [dreg:$0x6];
	[sflag:s28] =	ssyncadd.s32 $0xFFFFEDA0  }
0x52: {  	[spmem:s11] =	stream.linear.scatter [tilespmem:s26], [sflag:$0x3], $0x1260, $0x38;
	[tilespmem:$0x11B00] =	vst v63  }
0x53: {  	_ =	swait.ge [sflag:s28], $0x1260  }
0x54: {  	[sflag:s28] =	ssyncset.done $0x0  }
0x55: {  	s13 =	rddreg [dreg:$0x7];
	[sflag:s28] =	ssyncadd.s32 $0xFFFFEDA0  }
0x56: {  	[spmem:s13] =	stream.linear.scatter [tilespmem:s26], [sflag:$0x3], $0x1260, $0x38;
	[tilespmem:$0x11B00] =	vst v63  }
0x57: {  	_ =	swait.ge [sflag:s28], $0x1260  }
0x58: {  	[sflag:s28] =	ssyncset.done $0x0  }
0x59: {  	s11 =	rddreg [dreg:$0x8];
	[sflag:s28] =	ssyncadd.s32 $0xFFFFEDA0  }
0x5a: {  	[spmem:s11] =	stream.linear.scatter [tilespmem:s26], [sflag:$0x3], $0x1260, $0x38;
	[tilespmem:$0x11B00] =	vst v63  }
0x5b: {  	_ =	swait.ge [sflag:s28], $0x1260  }
0x5c: {  	[sflag:s28] =	ssyncset.done $0x0  }
0x5d: {  	s13 =	rddreg [dreg:$0x9];
	[sflag:s28] =	ssyncadd.s32 $0xFFFFEDA0  }
0x5e: {  	[spmem:s13] =	stream.linear.scatter [tilespmem:s26], [sflag:$0x3], $0x1260, $0x38;
	[tilespmem:$0x11B00] =	vst v63  }
0x5f: {  	_ =	swait.ge [sflag:s28], $0x1260  }
0x60: {  	[sflag:s28] =	ssyncset.done $0x0  }
0x61: {  	s11 =	rddreg [dreg:$0xa];
	[sflag:s28] =	ssyncadd.s32 $0xFFFFEDA0  }
0x62: {  	[spmem:s11] =	stream.linear.scatter [tilespmem:s26], [sflag:$0x3], $0x1260, $0x38;
	[tilespmem:$0x11B00] =	vst v63  }
0x63: {  	_ =	swait.ge [sflag:s28], $0x1260  }
0x64: {  	[sflag:s28] =	ssyncset.done $0x0  }
0x65: {  	s13 =	rddreg [dreg:$0xb];
	[sflag:s28] =	ssyncadd.s32 $0xFFFFEDA0  }
0x66: {  	[spmem:s13] =	stream.linear.scatter [tilespmem:s26], [sflag:$0x3], $0x1260, $0x38;
	[tilespmem:$0x11B00] =	vst v63  }
0x67: {  	_ =	swait.ge [sflag:s28], $0x1260  }
0x68: {  	[sflag:s28] =	ssyncset.done $0x0  }
0x69: {  	[sflag:s28] =	ssyncadd.s32 $0xFFFFEDA0  }
0x6a: {  	[spmem:s14] =	stream.linear.scatter [tilespmem:s26], [sflag:$0x3], $0x1260, $0x38;
	[tilespmem:$0x11B00] =	vst v63  }
0x6b: {  	_ =	swait.ge [sflag:s28], $0x1260  }
0x6c: {  	[sflag:s28] =	ssyncset.done $0x0  }
0x6d: {  	[sflag:s28] =	ssyncadd.s32 $0xFFFFEDA0  }
0x6e: {  	[spmem:s15] =	stream.linear.scatter [tilespmem:s26], [sflag:$0x3], $0x1260, $0x38;
	[tilespmem:$0x11B00] =	vst v63  }
0x6f: {  	_ =	swait.ge [sflag:s28], $0x1260  }
0x70: {  	[sflag:s28] =	ssyncset.done $0x0  }
0x71: {  	[sflag:s28] =	ssyncadd.s32 $0xFFFFEDA0  }
0x72: {  	[spmem:s16] =	stream.linear.scatter [tilespmem:s26], [sflag:$0x3], $0x1260, $0x38;
	[tilespmem:$0x11B00] =	vst v63  }
0x73: {  	_ =	swait.ge [sflag:s28], $0x1260  }
0x74: {  	[sflag:s28] =	ssyncset.done $0x0  }
0x75: {  	[sflag:s28] =	ssyncadd.s32 $0xFFFFEDA0  }
0x76: {  	[spmem:s17] =	stream.linear.scatter [tilespmem:s26], [sflag:$0x3], $0x1260, $0x38;
	[tilespmem:$0x11B00] =	vst v63  }
0x77: {  	_ =	swait.ge [sflag:s28], $0x1260  }
0x78: {  	[sflag:s28] =	ssyncset.done $0x0  }
0x79: {  	[sflag:s28] =	ssyncadd.s32 $0xFFFFEDA0  }
0x7a: {  	[spmem:s18] =	stream.linear.scatter [tilespmem:s26], [sflag:$0x3], $0x1260, $0x38;
	[tilespmem:$0x11B00] =	vst v63  }
0x7b: {  	_ =	swait.ge [sflag:s28], $0x1260  }
0x7c: {  	[sflag:s28] =	ssyncset.done $0x0  }
0x7d: {  	[sflag:s28] =	ssyncadd.s32 $0xFFFFEDA0  }
0x7e: {  	[spmem:s19] =	stream.linear.scatter [tilespmem:s26], [sflag:$0x3], $0x1260, $0x38;
	[tilespmem:$0x11B00] =	vst v63  }
0x7f: {  	_ =	swait.ge [sflag:s28], $0x1260  }
0x80: {  	[sflag:s28] =	ssyncset.done $0x0  }
0x81: {  	[sflag:s28] =	ssyncadd.s32 $0xFFFFEDA0  }
0x82: {  	[spmem:s20] =	stream.linear.scatter [tilespmem:s26], [sflag:$0x3], $0x1260, $0x38;
	[tilespmem:$0x11B00] =	vst v63  }
0x83: {  	_ =	swait.ge [sflag:s28], $0x1260  }
0x84: {  	[sflag:s28] =	ssyncset.done $0x0  }
0x85: {  	[sflag:s28] =	ssyncadd.s32 $0xFFFFEDA0  }
0x86: {  	[spmem:s21] =	stream.linear.scatter [tilespmem:s26], [sflag:$0x3], $0x1260, $0x38;
	[tilespmem:$0x11B00] =	vst v63  }
0x87: {  	_ =	swait.ge [sflag:s28], $0x1260  }
0x88: {  	[sflag:s28] =	ssyncset.done $0x0  }
0x89: {  	[sflag:s28] =	ssyncadd.s32 $0xFFFFEDA0  }
0x8a: {  	[bflag:$0x0] =	sbarrier.arrive $0xFFFF  }
0x8b: {  	s11 =	simm.s32 $0x0;
	v2 =	vld [tilespmem:$0x1FFE0]  }
.LBB2_4:
0x8c: {  	s6 =	sadd.s32 s11, s23  }
0x8d: {  	[tilespmem:s3], [sflag:$0x1] =	stream.linear.gather [hbm4b:s6+s3], $0x80, $0x38;
	[tilespmem:$0x11B00] =	vst v63  }
0x8e: {  	s13 =	sadd.s32 s11, s22  }
0x8f: {  	[tilespmem:s29], [sflag:$0x2] =	stream.linear.gather [hbm4b:s13+s3], $0x80, $0x38;
	[tilespmem:$0x11B00] =	vst v63  }
0x90: {  	_ =	swait.ge [sflag:s30], $0x80  }
0x91: {  	[sflag:s30] =	ssyncset.done $0x0  }
0x92: {  	[sflag:s30] =	ssyncadd.s32 $0xFFFFFF80  }
0x93: {  	_ =	swait.ge [sflag:s31], $0x80  }
0x94: {  	[sflag:s31] =	ssyncset.done $0x0  }
0x95: {  	[sflag:s31] =	ssyncadd.s32 $0xFFFFFF80  }
0x96: {  	v4 =	vld [tilespmem:$0x0]  }
0x97: {  	v5 =	vld [tilespmem:$0x80]  }
0x98: {  	v6 =	vld [tilespmem:$0x10]  }
0x99: {  	v7 =	vld [tilespmem:$0x90]  }
0x9a: {  	v8 =	vld [tilespmem:$0x20]  }
0x9b: {  	v9 =	vld [tilespmem:$0xA0];
	v4 =	vadd.s32 v2, v4  }
0x9c: {  	[tilespmem:$0x100] =	vst v4;
	v4 =	vadd.s32 v2, v5;
	v5 =	vld [tilespmem:$0x30]  }
0x9d: {  	[tilespmem:$0x180] =	vst v4;
	v4 =	vadd.s32 v2, v6;
	v6 =	vld [tilespmem:$0xB0]  }
0x9e: {  	[tilespmem:$0x110] =	vst v4;
	v4 =	vadd.s32 v2, v7;
	v7 =	vld [tilespmem:$0x40]  }
0x9f: {  	[tilespmem:$0x190] =	vst v4;
	v4 =	vadd.s32 v2, v8;
	v8 =	vld [tilespmem:$0xC0]  }
0xa0: {  	[tilespmem:$0x120] =	vst v4;
	v4 =	vadd.s32 v2, v9;
	v9 =	vld [tilespmem:$0x50]  }
0xa1: {  	[tilespmem:$0x1A0] =	vst v4;
	v4 =	vadd.s32 v2, v5;
	v5 =	vld [tilespmem:$0xD0]  }
0xa2: {  	[tilespmem:$0x130] =	vst v4;
	v4 =	vadd.s32 v2, v6;
	v6 =	vld [tilespmem:$0x60]  }
0xa3: {  	[tilespmem:$0x1B0] =	vst v4;
	v4 =	vadd.s32 v2, v7;
	v7 =	vld [tilespmem:$0xE0]  }
0xa4: {  	[tilespmem:$0x140] =	vst v4;
	v4 =	vadd.s32 v2, v8;
	v8 =	vld [tilespmem:$0x70]  }
0xa5: {  	[tilespmem:$0x1C0] =	vst v4;
	v4 =	vadd.s32 v2, v9;
	v9 =	vld [tilespmem:$0xF0]  }
0xa6: {  	[tilespmem:$0x150] =	vst v4;
	v4 =	vadd.s32 v2, v5  }
0xa7: {  	[tilespmem:$0x1D0] =	vst v4;
	v4 =	vadd.s32 v2, v6  }
0xa8: {  	[tilespmem:$0x160] =	vst v4;
	v4 =	vadd.s32 v2, v7  }
0xa9: {  	[tilespmem:$0x1E0] =	vst v4;
	v4 =	vadd.s32 v2, v8  }
0xaa: {  	[tilespmem:$0x170] =	vst v4;
	v4 =	vadd.s32 v2, v9  }
0xab: {  	[tilespmem:$0x1F0] =	vst v4  }
0xac: {  	[tilespmem:s2], [sflag:$0x1] =	stream.indirect.gather [hbm4b:s4+s29], $0x14, s0, s29, $0xb8;
	[tilespmem:$0x11B00] =	vst v63  }
0xad: {  	_ = 	snop  }
0xae: {  	[tilespmem:s7], [sflag:$0x2] =	stream.indirect.gather [hbm4b:s4+s29], $0x14, s5, s29, $0xb8;
	[tilespmem:$0x11B00] =	vst v63  }
0xaf: {  	_ =	swait.ge [sflag:s30], $0xA00  }
0xb0: {  	[sflag:s30] =	ssyncset.done $0x0  }
0xb1: {  	[sflag:s30] =	ssyncadd.s32 $0xFFFFF600  }
0xb2: {  	_ =	swait.ge [sflag:s31], $0xA00  }
0xb3: {  	v6 =	vld [tilespmem:$0x1FC20]  }
0xb4: {  	v5 =	vld [tilespmem:$0x1FC30];
	_ =	sdelay $0x4  }
0xb5: {  	[sflag:s31] =	ssyncset.done $0x0  }
0xb6: {  	[sflag:s31] =	ssyncadd.s32 $0xFFFFF600  }
0xb7: {  	v4 =	vld.idx.msk [tilespmem:v6+s2+$0x0], $0xffff  }
0xb8: {  	v5 =	vld.idx.msk [tilespmem:v5+s7+$0x0], $0xffff;
	_ =	sdelay $0x4  }
0xb9: {  	v4 =	vadd.f32 v5, v4;
	_ =	sdelay $0x1  }
0xba: {  	v5 =	vmul.f32 $2.000000030e-01, v4  }
0xbb: {  	vm0 =	vgt.f32 v4, $0.0e+00  }
0xbc: {  	v4 =	vsel vm0, v4, v5  }
0xbd: {  	v4 =	vmul.f32 $1.442695020e+00, v4;
	_ =	sdelay $0x1  }
0xbe: {  	(erf) = vpow2.f32 v4;
	_ =	sdelay $0x8  }
0xbf: {  	v4 =	vpop (erf)  }
0xc0: {  	[tilespmem:v6+s8+$0x0] =	vst.idx.msk $0xffff, v4;
	v6 =	vld [tilespmem:$0x1FC40]  }
0xc1: {  	v5 =	vld.idx.msk [tilespmem:v0+s2+$0x0], $0xffff;
	_ =	sdelay $0x4  }
0xc2: {  	v5 =	vmul.f32 v4, v5;
	_ =	sdelay $0x1  }
0xc3: {  	[tilespmem:v0+s8+$0x0] =	vst.idx.msk $0xffff, v5  }
0xc4: {  	v5 =	vld.idx.msk [tilespmem:v6+s2+$0x0], $0xffff;
	_ =	sdelay $0x4  }
0xc5: {  	v5 =	vmul.f32 v4, v5;
	_ =	sdelay $0x1  }
0xc6: {  	[tilespmem:v6+s8+$0x0] =	vst.idx.msk $0xffff, v5;
	v6 =	vld [tilespmem:$0x1FC50];
	_ =	sdelay $0x7  }
0xc7: {  	v5 =	vld.idx.msk [tilespmem:v6+s2+$0x0], $0xffff;
	_ =	sdelay $0x4  }
0xc8: {  	v5 =	vmul.f32 v5, v4;
	_ =	sdelay $0x1  }
0xc9: {  	[tilespmem:v6+s8+$0x0] =	vst.idx.msk $0xffff, v5;
	v6 =	vld [tilespmem:$0x1FC60];
	_ =	sdelay $0x7  }
0xca: {  	v5 =	vld.idx.msk [tilespmem:v6+s2+$0x0], $0xffff;
	_ =	sdelay $0x4  }
0xcb: {  	v5 =	vmul.f32 v5, v4;
	_ =	sdelay $0x1  }
0xcc: {  	[tilespmem:v6+s8+$0x0] =	vst.idx.msk $0xffff, v5;
	v6 =	vld [tilespmem:$0x1FC70];
	_ =	sdelay $0x7  }
0xcd: {  	v5 =	vld.idx.msk [tilespmem:v6+s2+$0x0], $0xffff;
	_ =	sdelay $0x4  }
0xce: {  	v5 =	vmul.f32 v5, v4;
	_ =	sdelay $0x1  }
0xcf: {  	[tilespmem:v6+s8+$0x0] =	vst.idx.msk $0xffff, v5;
	v6 =	vld [tilespmem:$0x1FC80];
	_ =	sdelay $0x7  }
0xd0: {  	v5 =	vld.idx.msk [tilespmem:v6+s2+$0x0], $0xffff;
	_ =	sdelay $0x4  }
0xd1: {  	v5 =	vmul.f32 v5, v4;
	_ =	sdelay $0x1  }
0xd2: {  	[tilespmem:v6+s8+$0x0] =	vst.idx.msk $0xffff, v5;
	v6 =	vld [tilespmem:$0x1FC90];
	_ =	sdelay $0x7  }
0xd3: {  	v5 =	vld.idx.msk [tilespmem:v6+s2+$0x0], $0xffff;
	_ =	sdelay $0x4  }
0xd4: {  	v5 =	vmul.f32 v5, v4;
	_ =	sdelay $0x1  }
0xd5: {  	[tilespmem:v6+s8+$0x0] =	vst.idx.msk $0xffff, v5;
	v6 =	vld [tilespmem:$0x1FCA0];
	_ =	sdelay $0x6  }
0xd6: {  	v1 =	vld [tilespmem:$0x1FCB0]  }
0xd7: {  	v5 =	vld.idx.msk [tilespmem:v6+s2+$0x0], $0xffff;
	_ =	sdelay $0x4  }
0xd8: {  	v5 =	vmul.f32 v5, v4;
	_ =	sdelay $0x1  }
0xd9: {  	[tilespmem:v6+s8+$0x0] =	vst.idx.msk $0xffff, v5  }
0xda: {  	v5 =	vld.idx.msk [tilespmem:v1+s2+$0x0], $0xffff;
	_ =	sdelay $0x4  }
0xdb: {  	v5 =	vmul.f32 v5, v4;
	_ =	sdelay $0x1  }
0xdc: {  	[tilespmem:v1+s8+$0x0] =	vst.idx.msk $0xffff, v5;
	v1 =	vld [tilespmem:$0x1FCC0];
	_ =	sdelay $0x7  }
0xdd: {  	v5 =	vld.idx.msk [tilespmem:v1+s2+$0x0], $0xffff;
	_ =	sdelay $0x4  }
0xde: {  	v5 =	vmul.f32 v5, v4;
	_ =	sdelay $0x1  }
0xdf: {  	[tilespmem:v1+s8+$0x0] =	vst.idx.msk $0xffff, v5;
	v1 =	vld [tilespmem:$0x1FCD0];
	_ =	sdelay $0x6  }
0xe0: {  	v6 =	vld [tilespmem:$0x1FCE0]  }
0xe1: {  	v5 =	vld.idx.msk [tilespmem:v1+s2+$0x0], $0xffff;
	_ =	sdelay $0x4  }
0xe2: {  	v5 =	vmul.f32 v5, v4;
	_ =	sdelay $0x1  }
0xe3: {  	[tilespmem:v1+s8+$0x0] =	vst.idx.msk $0xffff, v5;
	v1 =	vld [tilespmem:$0x1FCF0]  }
0xe4: {  	v5 =	vld.idx.msk [tilespmem:v6+s2+$0x0], $0xffff;
	_ =	sdelay $0x4  }
0xe5: {  	v5 =	vmul.f32 v5, v4;
	_ =	sdelay $0x1  }
0xe6: {  	[tilespmem:v6+s8+$0x0] =	vst.idx.msk $0xffff, v5  }
0xe7: {  	v5 =	vld.idx.msk [tilespmem:v1+s2+$0x0], $0xffff;
	_ =	sdelay $0x4  }
0xe8: {  	v5 =	vmul.f32 v5, v4;
	_ =	sdelay $0x1  }
0xe9: {  	[tilespmem:v1+s8+$0x0] =	vst.idx.msk $0xffff, v5;
	v1 =	vld [tilespmem:$0x1FD00];
	_ =	sdelay $0x7  }
0xea: {  	v5 =	vld.idx.msk [tilespmem:v1+s2+$0x0], $0xffff;
	_ =	sdelay $0x4  }
0xeb: {  	v5 =	vmul.f32 v5, v4;
	_ =	sdelay $0x1  }
0xec: {  	[tilespmem:v1+s8+$0x0] =	vst.idx.msk $0xffff, v5;
	v1 =	vld [tilespmem:$0x1FD10];
	_ =	sdelay $0x6  }
0xed: {  	v6 =	vld [tilespmem:$0x1FD20]  }
0xee: {  	v5 =	vld.idx.msk [tilespmem:v1+s2+$0x0], $0xffff;
	_ =	sdelay $0x4  }
0xef: {  	v5 =	vmul.f32 v5, v4;
	_ =	sdelay $0x1  }
0xf0: {  	[tilespmem:v1+s8+$0x0] =	vst.idx.msk $0xffff, v5  }
0xf1: {  	v5 =	vld.idx.msk [tilespmem:v6+s2+$0x0], $0xffff;
	_ =	sdelay $0x4  }
0xf2: {  	v4 =	vmul.f32 v5, v4  }
0xf3: {  	v1 =	vld [tilespmem:$0x1FD40]  }
0xf4: {  	[tilespmem:v6+s8+$0x0] =	vst.idx.msk $0xffff, v4;
	v6 =	vld [tilespmem:$0x1FD30];
	_ =	sdelay $0x6  }
0xf5: {  	v5 =	vld.idx.msk [tilespmem:v1+s7+$0x0], $0xffff  }
0xf6: {  	v4 =	vld.idx.msk [tilespmem:v6+s2+$0x0], $0xffff;
	_ =	sdelay $0x4  }
0xf7: {  	v4 =	vadd.f32 v5, v4;
	_ =	sdelay $0x1  }
0xf8: {  	v5 =	vmul.f32 $2.000000030e-01, v4  }
0xf9: {  	vm9 =	vgt.f32 v4, $0.0e+00  }
0xfa: {  	v4 =	vsel vm9, v4, v5  }
0xfb: {  	v4 =	vmul.f32 $1.442695020e+00, v4;
	_ =	sdelay $0x1  }
0xfc: {  	(erf) = vpow2.f32 v4;
	_ =	sdelay $0x2  }
0xfd: {  	v1 =	vld [tilespmem:$0x1FD50];
	_ =	sdelay $0x5  }
0xfe: {  	v4 =	vpop (erf)  }
0xff: {  	[tilespmem:v6+s8+$0x0] =	vst.idx.msk $0xffff, v4;
	v6 =	vld [tilespmem:$0x1FD60]  }
0x100: {  	v5 =	vld.idx.msk [tilespmem:v1+s2+$0x0], $0xffff;
	_ =	sdelay $0x4  }
0x101: {  	v5 =	vmul.f32 v4, v5;
	_ =	sdelay $0x1  }
0x102: {  	[tilespmem:v1+s8+$0x0] =	vst.idx.msk $0xffff, v5;
	v1 =	vld [tilespmem:$0x1FD70]  }
0x103: {  	v5 =	vld.idx.msk [tilespmem:v6+s2+$0x0], $0xffff;
	_ =	sdelay $0x4  }
0x104: {  	v5 =	vmul.f32 v4, v5;
	_ =	sdelay $0x1  }
0x105: {  	[tilespmem:v6+s8+$0x0] =	vst.idx.msk $0xffff, v5  }
0x106: {  	v5 =	vld.idx.msk [tilespmem:v1+s2+$0x0], $0xffff;
	_ =	sdelay $0x4  }
0x107: {  	v5 =	vmul.f32 v5, v4;
	_ =	sdelay $0x1  }
0x108: {  	[tilespmem:v1+s8+$0x0] =	vst.idx.msk $0xffff, v5;
	v1 =	vld [tilespmem:$0x1FD80];
	_ =	sdelay $0x7  }
0x109: {  	v5 =	vld.idx.msk [tilespmem:v1+s2+$0x0], $0xffff;
	_ =	sdelay $0x4  }
0x10a: {  	v5 =	vmul.f32 v5, v4;
	_ =	sdelay $0x1  }
0x10b: {  	[tilespmem:v1+s8+$0x0] =	vst.idx.msk $0xffff, v5;
	v1 =	vld [tilespmem:$0x1FD90];
	_ =	sdelay $0x6  }
0x10c: {  	v6 =	vld [tilespmem:$0x1FDA0]  }
0x10d: {  	v5 =	vld.idx.msk [tilespmem:v1+s2+$0x0], $0xffff;
	_ =	sdelay $0x4  }
0x10e: {  	v5 =	vmul.f32 v5, v4;
	_ =	sdelay $0x1  }
0x10f: {  	[tilespmem:v1+s8+$0x0] =	vst.idx.msk $0xffff, v5;
	v1 =	vld [tilespmem:$0x1FDB0]  }
0x110: {  	v5 =	vld.idx.msk [tilespmem:v6+s2+$0x0], $0xffff;
	_ =	sdelay $0x4  }
0x111: {  	v5 =	vmul.f32 v5, v4;
	_ =	sdelay $0x1  }
0x112: {  	[tilespmem:v6+s8+$0x0] =	vst.idx.msk $0xffff, v5  }
0x113: {  	v5 =	vld.idx.msk [tilespmem:v1+s2+$0x0], $0xffff;
	_ =	sdelay $0x4  }
0x114: {  	v5 =	vmul.f32 v5, v4;
	_ =	sdelay $0x1  }
0x115: {  	[tilespmem:v1+s8+$0x0] =	vst.idx.msk $0xffff, v5;
	v1 =	vld [tilespmem:$0x1FDC0];
	_ =	sdelay $0x7  }
0x116: {  	v5 =	vld.idx.msk [tilespmem:v1+s2+$0x0], $0xffff;
	_ =	sdelay $0x4  }
0x117: {  	v5 =	vmul.f32 v5, v4;
	_ =	sdelay $0x1  }
0x118: {  	[tilespmem:v1+s8+$0x0] =	vst.idx.msk $0xffff, v5;
	v1 =	vld [tilespmem:$0x1FDD0];
	_ =	sdelay $0x6  }
0x119: {  	v6 =	vld [tilespmem:$0x1FDE0]  }
0x11a: {  	v5 =	vld.idx.msk [tilespmem:v1+s2+$0x0], $0xffff;
	_ =	sdelay $0x4  }
0x11b: {  	v5 =	vmul.f32 v5, v4;
	_ =	sdelay $0x1  }
0x11c: {  	[tilespmem:v1+s8+$0x0] =	vst.idx.msk $0xffff, v5;
	v1 =	vld [tilespmem:$0x1FDF0]  }
0x11d: {  	v5 =	vld.idx.msk [tilespmem:v6+s2+$0x0], $0xffff;
	_ =	sdelay $0x4  }
0x11e: {  	v5 =	vmul.f32 v5, v4;
	_ =	sdelay $0x1  }
0x11f: {  	[tilespmem:v6+s8+$0x0] =	vst.idx.msk $0xffff, v5  }
0x120: {  	v5 =	vld.idx.msk [tilespmem:v1+s2+$0x0], $0xffff;
	_ =	sdelay $0x4  }
0x121: {  	v5 =	vmul.f32 v5, v4;
	_ =	sdelay $0x1  }
0x122: {  	[tilespmem:v1+s8+$0x0] =	vst.idx.msk $0xffff, v5;
	v1 =	vld [tilespmem:$0x1FE00];
	_ =	sdelay $0x7  }
0x123: {  	v5 =	vld.idx.msk [tilespmem:v1+s2+$0x0], $0xffff;
	_ =	sdelay $0x4  }
0x124: {  	v5 =	vmul.f32 v5, v4;
	_ =	sdelay $0x1  }
0x125: {  	[tilespmem:v1+s8+$0x0] =	vst.idx.msk $0xffff, v5;
	v1 =	vld [tilespmem:$0x1FE10];
	_ =	sdelay $0x6  }
0x126: {  	v6 =	vld [tilespmem:$0x1FE20]  }
0x127: {  	v5 =	vld.idx.msk [tilespmem:v1+s2+$0x0], $0xffff;
	_ =	sdelay $0x4  }
0x128: {  	v5 =	vmul.f32 v5, v4;
	_ =	sdelay $0x1  }
0x129: {  	[tilespmem:v1+s8+$0x0] =	vst.idx.msk $0xffff, v5  }
0x12a: {  	v5 =	vld.idx.msk [tilespmem:v6+s2+$0x0], $0xffff;
	_ =	sdelay $0x4  }
0x12b: {  	v5 =	vmul.f32 v5, v4;
	_ =	sdelay $0x1  }
0x12c: {  	[tilespmem:v6+s8+$0x0] =	vst.idx.msk $0xffff, v5;
	v6 =	vld [tilespmem:$0x1FE30];
	_ =	sdelay $0x7  }
0x12d: {  	v5 =	vld.idx.msk [tilespmem:v6+s2+$0x0], $0xffff;
	_ =	sdelay $0x4  }
0x12e: {  	v5 =	vmul.f32 v5, v4;
	_ =	sdelay $0x1  }
0x12f: {  	[tilespmem:v6+s8+$0x0] =	vst.idx.msk $0xffff, v5;
	v6 =	vld [tilespmem:$0x1FE40];
	_ =	sdelay $0x7  }
0x130: {  	v5 =	vld.idx.msk [tilespmem:v6+s2+$0x0], $0xffff;
	_ =	sdelay $0x4  }
0x131: {  	v4 =	vmul.f32 v5, v4  }
0x132: {  	v1 =	vld [tilespmem:$0x1FE60]  }
0x133: {  	[tilespmem:v6+s8+$0x0] =	vst.idx.msk $0xffff, v4;
	v6 =	vld [tilespmem:$0x1FE50];
	_ =	sdelay $0x6  }
0x134: {  	v5 =	vld.idx.msk [tilespmem:v1+s7+$0x0], $0xffff  }
0x135: {  	v4 =	vld.idx.msk [tilespmem:v6+s2+$0x0], $0xffff;
	_ =	sdelay $0x4  }
0x136: {  	v4 =	vadd.f32 v5, v4;
	_ =	sdelay $0x1  }
0x137: {  	v5 =	vmul.f32 $2.000000030e-01, v4  }
0x138: {  	vm10 =	vgt.f32 v4, $0.0e+00  }
0x139: {  	v4 =	vsel vm10, v4, v5  }
0x13a: {  	v4 =	vmul.f32 $1.442695020e+00, v4;
	_ =	sdelay $0x1  }
0x13b: {  	(erf) = vpow2.f32 v4;
	_ =	sdelay $0x2  }
0x13c: {  	v1 =	vld [tilespmem:$0x1FE70];
	_ =	sdelay $0x5  }
0x13d: {  	v4 =	vpop (erf)  }
0x13e: {  	[tilespmem:v6+s8+$0x0] =	vst.idx.msk $0xffff, v4  }
0x13f: {  	v5 =	vld.idx.msk [tilespmem:v1+s2+$0x0], $0xffff;
	_ =	sdelay $0x4  }
0x140: {  	v5 =	vmul.f32 v4, v5;
	_ =	sdelay $0x1  }
0x141: {  	[tilespmem:v1+s8+$0x0] =	vst.idx.msk $0xffff, v5;
	v1 =	vld [tilespmem:$0x1FE80];
	_ =	sdelay $0x7  }
0x142: {  	v5 =	vld.idx.msk [tilespmem:v1+s2+$0x0], $0xffff;
	_ =	sdelay $0x4  }
0x143: {  	v5 =	vmul.f32 v4, v5;
	_ =	sdelay $0x1  }
0x144: {  	[tilespmem:v1+s8+$0x0] =	vst.idx.msk $0xffff, v5;
	v1 =	vld [tilespmem:$0x1FE90];
	_ =	sdelay $0x7  }
0x145: {  	v5 =	vld.idx.msk [tilespmem:v1+s2+$0x0], $0xffff;
	_ =	sdelay $0x4  }
0x146: {  	v5 =	vmul.f32 v5, v4;
	_ =	sdelay $0x1  }
0x147: {  	[tilespmem:v1+s8+$0x0] =	vst.idx.msk $0xffff, v5;
	v1 =	vld [tilespmem:$0x1FEA0];
	_ =	sdelay $0x7  }
0x148: {  	v5 =	vld.idx.msk [tilespmem:v1+s2+$0x0], $0xffff;
	_ =	sdelay $0x4  }
0x149: {  	v5 =	vmul.f32 v5, v4;
	_ =	sdelay $0x1  }
0x14a: {  	[tilespmem:v1+s8+$0x0] =	vst.idx.msk $0xffff, v5;
	v1 =	vld [tilespmem:$0x1FEB0];
	_ =	sdelay $0x7  }
0x14b: {  	v5 =	vld.idx.msk [tilespmem:v1+s2+$0x0], $0xffff;
	_ =	sdelay $0x4  }
0x14c: {  	v5 =	vmul.f32 v5, v4;
	_ =	sdelay $0x1  }
0x14d: {  	[tilespmem:v1+s8+$0x0] =	vst.idx.msk $0xffff, v5;
	v1 =	vld [tilespmem:$0x1FEC0];
	_ =	sdelay $0x7  }
0x14e: {  	v5 =	vld.idx.msk [tilespmem:v1+s2+$0x0], $0xffff;
	_ =	sdelay $0x4  }
0x14f: {  	v5 =	vmul.f32 v5, v4;
	_ =	sdelay $0x1  }
0x150: {  	[tilespmem:v1+s8+$0x0] =	vst.idx.msk $0xffff, v5;
	v1 =	vld [tilespmem:$0x1FED0];
	_ =	sdelay $0x7  }
0x151: {  	v5 =	vld.idx.msk [tilespmem:v1+s2+$0x0], $0xffff;
	_ =	sdelay $0x4  }
0x152: {  	v5 =	vmul.f32 v5, v4;
	_ =	sdelay $0x1  }
0x153: {  	[tilespmem:v1+s8+$0x0] =	vst.idx.msk $0xffff, v5;
	v1 =	vld [tilespmem:$0x1FEE0];
	_ =	sdelay $0x7  }
0x154: {  	v5 =	vld.idx.msk [tilespmem:v1+s2+$0x0], $0xffff;
	_ =	sdelay $0x4  }
0x155: {  	v5 =	vmul.f32 v5, v4;
	_ =	sdelay $0x1  }
0x156: {  	[tilespmem:v1+s8+$0x0] =	vst.idx.msk $0xffff, v5;
	v1 =	vld [tilespmem:$0x1FEF0];
	_ =	sdelay $0x7  }
0x157: {  	v5 =	vld.idx.msk [tilespmem:v1+s2+$0x0], $0xffff;
	_ =	sdelay $0x4  }
0x158: {  	v5 =	vmul.f32 v5, v4;
	_ =	sdelay $0x1  }
0x159: {  	[tilespmem:v1+s8+$0x0] =	vst.idx.msk $0xffff, v5;
	v1 =	vld [tilespmem:$0x1FF00];
	_ =	sdelay $0x7  }
0x15a: {  	v5 =	vld.idx.msk [tilespmem:v1+s2+$0x0], $0xffff;
	_ =	sdelay $0x4  }
0x15b: {  	v5 =	vmul.f32 v5, v4;
	_ =	sdelay $0x1  }
0x15c: {  	[tilespmem:v1+s8+$0x0] =	vst.idx.msk $0xffff, v5;
	v1 =	vld [tilespmem:$0x1FF10];
	_ =	sdelay $0x7  }
0x15d: {  	v5 =	vld.idx.msk [tilespmem:v1+s2+$0x0], $0xffff;
	_ =	sdelay $0x4  }
0x15e: {  	v5 =	vmul.f32 v5, v4;
	_ =	sdelay $0x1  }
0x15f: {  	[tilespmem:v1+s8+$0x0] =	vst.idx.msk $0xffff, v5;
	v1 =	vld [tilespmem:$0x1FF20];
	_ =	sdelay $0x7  }
0x160: {  	v5 =	vld.idx.msk [tilespmem:v1+s2+$0x0], $0xffff;
	_ =	sdelay $0x4  }
0x161: {  	v5 =	vmul.f32 v5, v4;
	_ =	sdelay $0x1  }
0x162: {  	[tilespmem:v1+s8+$0x0] =	vst.idx.msk $0xffff, v5;
	v1 =	vld [tilespmem:$0x1FF30];
	_ =	sdelay $0x7  }
0x163: {  	v5 =	vld.idx.msk [tilespmem:v1+s2+$0x0], $0xffff;
	_ =	sdelay $0x4  }
0x164: {  	v5 =	vmul.f32 v5, v4;
	_ =	sdelay $0x1  }
0x165: {  	[tilespmem:v1+s8+$0x0] =	vst.idx.msk $0xffff, v5;
	v1 =	vld [tilespmem:$0x1FF40];
	_ =	sdelay $0x7  }
0x166: {  	v5 =	vld.idx.msk [tilespmem:v1+s2+$0x0], $0xffff;
	_ =	sdelay $0x4  }
0x167: {  	v5 =	vmul.f32 v5, v4;
	_ =	sdelay $0x1  }
0x168: {  	[tilespmem:v1+s8+$0x0] =	vst.idx.msk $0xffff, v5;
	v1 =	vld [tilespmem:$0x1FF50];
	_ =	sdelay $0x7  }
0x169: {  	v5 =	vld.idx.msk [tilespmem:v1+s2+$0x0], $0xffff;
	_ =	sdelay $0x4  }
0x16a: {  	v5 =	vmul.f32 v5, v4;
	_ =	sdelay $0x1  }
0x16b: {  	[tilespmem:v1+s8+$0x0] =	vst.idx.msk $0xffff, v5;
	v1 =	vld [tilespmem:$0x1FF60];
	_ =	sdelay $0x7  }
0x16c: {  	v5 =	vld.idx.msk [tilespmem:v1+s2+$0x0], $0xffff;
	_ =	sdelay $0x4  }
0x16d: {  	v4 =	vmul.f32 v5, v4  }
0x16e: {  	v3 =	vld [tilespmem:$0x1FF80]  }
0x16f: {  	[tilespmem:v1+s8+$0x0] =	vst.idx.msk $0xffff, v4;
	v1 =	vld [tilespmem:$0x1FF70];
	_ =	sdelay $0x6  }
0x170: {  	v5 =	vld.idx.msk [tilespmem:v3+s7+$0x0], $0xffff  }
0x171: {  	v4 =	vld.idx.msk [tilespmem:v1+s2+$0x0], $0xffff;
	_ =	sdelay $0x4  }
0x172: {  	v4 =	vadd.f32 v5, v4;
	_ =	sdelay $0x1  }
0x173: {  	v5 =	vmul.f32 $2.000000030e-01, v4  }
0x174: {  	vm11 =	vgt.f32 v4, $0.0e+00  }
0x175: {  	v4 =	vsel vm11, v4, v5  }
0x176: {  	v4 =	vmul.f32 $1.442695020e+00, v4;
	_ =	sdelay $0x1  }
0x177: {  	(erf) = vpow2.f32 v4;
	_ =	sdelay $0x8  }
0x178: {  	v4 =	vpop (erf)  }
0x179: {  	[tilespmem:v1+s8+$0x0] =	vst.idx.msk $0xffff, v4;
	v1 =	vld [tilespmem:$0x1FF90];
	_ =	sdelay $0x7  }
0x17a: {  	v5 =	vld.idx.msk [tilespmem:v1+s2+$0x0], $0xffff;
	_ =	sdelay $0x4  }
0x17b: {  	v5 =	vmul.f32 v4, v5;
	_ =	sdelay $0x1  }
0x17c: {  	[tilespmem:v1+s8+$0x0] =	vst.idx.msk $0xffff, v5;
	v1 =	vld [tilespmem:$0x1FFA0];
	_ =	sdelay $0x7  }
0x17d: {  	v5 =	vld.idx.msk [tilespmem:v1+s2+$0x0], $0xffff;
	_ =	sdelay $0x4  }
0x17e: {  	v5 =	vmul.f32 v4, v5;
	_ =	sdelay $0x1  }
0x17f: {  	[tilespmem:v1+s8+$0x0] =	vst.idx.msk $0xffff, v5;
	v1 =	vld [tilespmem:$0x1FFB0];
	_ =	sdelay $0x7  }
0x180: {  	v5 =	vld.idx.msk [tilespmem:v1+s2+$0x0], $0xffff;
	_ =	sdelay $0x4  }
0x181: {  	v5 =	vmul.f32 v5, v4;
	_ =	sdelay $0x1  }
0x182: {  	[tilespmem:v1+s8+$0x0] =	vst.idx.msk $0xffff, v5  }
0x183: {  	v5 =	vld.idx.msk [tilespmem:v21+s2+$0x0], $0xffff;
	_ =	sdelay $0x4  }
0x184: {  	v5 =	vmul.f32 v5, v4;
	_ =	sdelay $0x1  }
0x185: {  	[tilespmem:v21+s8+$0x0] =	vst.idx.msk $0xffff, v5  }
0x186: {  	v5 =	vld.idx.msk [tilespmem:v23+s2+$0x0], $0xffff;
	_ =	sdelay $0x2  }
0x187: {  	v1 =	vadd.s32 $0x485, v0;
	_ =	sdelay $0x1  }
0x188: {  	v5 =	vmul.f32 v5, v4;
	_ =	sdelay $0x1  }
0x189: {  	[tilespmem:v23+s8+$0x0] =	vst.idx.msk $0xffff, v5  }
0x18a: {  	v5 =	vld.idx.msk [tilespmem:v1+s2+$0x0], $0xffff;
	_ =	sdelay $0x2  }
0x18b: {  	v3 =	vadd.s32 $0x486, v0;
	_ =	sdelay $0x1  }
0x18c: {  	v5 =	vmul.f32 v5, v4;
	_ =	sdelay $0x1  }
0x18d: {  	[tilespmem:v1+s8+$0x0] =	vst.idx.msk $0xffff, v5  }
0x18e: {  	v5 =	vld.idx.msk [tilespmem:v3+s2+$0x0], $0xffff;
	_ =	sdelay $0x2  }
0x18f: {  	[tilespmem:$0x1FAB0] =	vst v1;
	v1 =	vadd.s32 $0x487, v0;
	_ =	sdelay $0x1  }
0x190: {  	v5 =	vmul.f32 v5, v4;
	_ =	sdelay $0x1  }
0x191: {  	[tilespmem:v3+s8+$0x0] =	vst.idx.msk $0xffff, v5  }
0x192: {  	v5 =	vld.idx.msk [tilespmem:v1+s2+$0x0], $0xffff;
	_ =	sdelay $0x2  }
0x193: {  	[tilespmem:$0x1FAC0] =	vst v3;
	v3 =	vadd.s32 $0x488, v0;
	_ =	sdelay $0x1  }
0x194: {  	v5 =	vmul.f32 v5, v4;
	_ =	sdelay $0x1  }
0x195: {  	[tilespmem:v1+s8+$0x0] =	vst.idx.msk $0xffff, v5  }
0x196: {  	v5 =	vld.idx.msk [tilespmem:v3+s2+$0x0], $0xffff;
	_ =	sdelay $0x2  }
0x197: {  	[tilespmem:$0x1FAD0] =	vst v1;
	v1 =	vadd.s32 $0x489, v0;
	_ =	sdelay $0x1  }
0x198: {  	v5 =	vmul.f32 v5, v4;
	_ =	sdelay $0x1  }
0x199: {  	[tilespmem:v3+s8+$0x0] =	vst.idx.msk $0xffff, v5  }
0x19a: {  	v5 =	vld.idx.msk [tilespmem:v1+s2+$0x0], $0xffff;
	_ =	sdelay $0x2  }
0x19b: {  	[tilespmem:$0x1FAE0] =	vst v3;
	v3 =	vadd.s32 $0x48A, v0;
	_ =	sdelay $0x1  }
0x19c: {  	v5 =	vmul.f32 v5, v4;
	_ =	sdelay $0x1  }
0x19d: {  	[tilespmem:v1+s8+$0x0] =	vst.idx.msk $0xffff, v5  }
0x19e: {  	v5 =	vld.idx.msk [tilespmem:v3+s2+$0x0], $0xffff;
	_ =	sdelay $0x2  }
0x19f: {  	[tilespmem:$0x1FAF0] =	vst v1;
	v1 =	vadd.s32 $0x48B, v0;
	_ =	sdelay $0x1  }
0x1a0: {  	v5 =	vmul.f32 v5, v4;
	_ =	sdelay $0x1  }
0x1a1: {  	[tilespmem:v3+s8+$0x0] =	vst.idx.msk $0xffff, v5  }
0x1a2: {  	v5 =	vld.idx.msk [tilespmem:v1+s2+$0x0], $0xffff;
	_ =	sdelay $0x2  }
0x1a3: {  	[tilespmem:$0x1FB00] =	vst v3;
	v3 =	vadd.s32 $0x48C, v0;
	_ =	sdelay $0x1  }
0x1a4: {  	v5 =	vmul.f32 v5, v4;
	_ =	sdelay $0x1  }
0x1a5: {  	[tilespmem:v1+s8+$0x0] =	vst.idx.msk $0xffff, v5  }
0x1a6: {  	v5 =	vld.idx.msk [tilespmem:v3+s2+$0x0], $0xffff;
	_ =	sdelay $0x2  }
0x1a7: {  	[tilespmem:$0x1FB10] =	vst v1;
	v1 =	vadd.s32 $0x48D, v0;
	_ =	sdelay $0x1  }
0x1a8: {  	v5 =	vmul.f32 v5, v4;
	_ =	sdelay $0x1  }
0x1a9: {  	[tilespmem:v3+s8+$0x0] =	vst.idx.msk $0xffff, v5  }
0x1aa: {  	v5 =	vld.idx.msk [tilespmem:v1+s2+$0x0], $0xffff;
	_ =	sdelay $0x2  }
0x1ab: {  	[tilespmem:$0x1FB20] =	vst v3;
	v3 =	vadd.s32 $0x48E, v0;
	_ =	sdelay $0x1  }
0x1ac: {  	v5 =	vmul.f32 v5, v4;
	_ =	sdelay $0x1  }
0x1ad: {  	[tilespmem:v1+s8+$0x0] =	vst.idx.msk $0xffff, v5  }
0x1ae: {  	v5 =	vld.idx.msk [tilespmem:v3+s2+$0x0], $0xffff;
	_ =	sdelay $0x2  }
0x1af: {  	[tilespmem:$0x1FB30] =	vst v1;
	v1 =	vadd.s32 $0x48F, v0;
	_ =	sdelay $0x1  }
0x1b0: {  	v5 =	vmul.f32 v5, v4;
	_ =	sdelay $0x1  }
0x1b1: {  	[tilespmem:v3+s8+$0x0] =	vst.idx.msk $0xffff, v5  }
0x1b2: {  	v5 =	vld.idx.msk [tilespmem:v1+s2+$0x0], $0xffff;
	_ =	sdelay $0x2  }
0x1b3: {  	[tilespmem:$0x1FB40] =	vst v3;
	v3 =	vadd.s32 $0x610, v0  }
0x1b4: {  	v6 =	vadd.s32 $0x611, v0  }
0x1b5: {  	v4 =	vmul.f32 v5, v4;
	_ =	sdelay $0x1  }
0x1b6: {  	[tilespmem:v1+s8+$0x0] =	vst.idx.msk $0xffff, v4  }
0x1b7: {  	v4 =	vld.idx.msk [tilespmem:v3+s2+$0x0], $0xffff  }
0x1b8: {  	v5 =	vld.idx.msk [tilespmem:v6+s7+$0x0], $0xffff;
	_ =	sdelay $0x4  }
0x1b9: {  	v4 =	vadd.f32 v5, v4;
	_ =	sdelay $0x1  }
0x1ba: {  	v5 =	vmul.f32 $2.000000030e-01, v4  }
0x1bb: {  	vm12 =	vgt.f32 v4, $0.0e+00  }
0x1bc: {  	v4 =	vsel vm12, v4, v5  }
0x1bd: {  	v4 =	vmul.f32 $1.442695020e+00, v4;
	_ =	sdelay $0x1  }
0x1be: {  	(erf) = vpow2.f32 v4;
	_ =	sdelay $0x5  }
0x1bf: {  	[tilespmem:$0x1FB50] =	vst v1;
	v1 =	vor.u32 $0x600, v0;
	_ =	sdelay $0x2  }
0x1c0: {  	v4 =	vpop (erf)  }
0x1c1: {  	[tilespmem:v3+s8+$0x0] =	vst.idx.msk $0xffff, v4  }
0x1c2: {  	v5 =	vld.idx.msk [tilespmem:v1+s2+$0x0], $0xffff;
	_ =	sdelay $0x2  }
0x1c3: {  	[tilespmem:$0x1FB70] =	vst v3;
	v3 =	vor.u32 $0x601, v0;
	_ =	sdelay $0x1  }
0x1c4: {  	v5 =	vmul.f32 v4, v5;
	_ =	sdelay $0x1  }
0x1c5: {  	[tilespmem:v1+s8+$0x0] =	vst.idx.msk $0xffff, v5  }
0x1c6: {  	v5 =	vld.idx.msk [tilespmem:v3+s2+$0x0], $0xffff;
	_ =	sdelay $0x2  }
0x1c7: {  	[tilespmem:$0x1FB80] =	vst v1;
	v1 =	vor.u32 $0x602, v0;
	_ =	sdelay $0x1  }
0x1c8: {  	v5 =	vmul.f32 v4, v5;
	_ =	sdelay $0x1  }
0x1c9: {  	[tilespmem:v3+s8+$0x0] =	vst.idx.msk $0xffff, v5  }
0x1ca: {  	v5 =	vld.idx.msk [tilespmem:v1+s2+$0x0], $0xffff;
	_ =	sdelay $0x2  }
0x1cb: {  	[tilespmem:$0x1FB90] =	vst v3;
	v3 =	vor.u32 $0x603, v0;
	_ =	sdelay $0x1  }
0x1cc: {  	v5 =	vmul.f32 v5, v4;
	_ =	sdelay $0x1  }
0x1cd: {  	[tilespmem:v1+s8+$0x0] =	vst.idx.msk $0xffff, v5  }
0x1ce: {  	v5 =	vld.idx.msk [tilespmem:v3+s2+$0x0], $0xffff;
	_ =	sdelay $0x2  }
0x1cf: {  	[tilespmem:$0x1FBA0] =	vst v1;
	v1 =	vor.u32 $0x604, v0;
	_ =	sdelay $0x1  }
0x1d0: {  	v5 =	vmul.f32 v5, v4;
	_ =	sdelay $0x1  }
0x1d1: {  	[tilespmem:v3+s8+$0x0] =	vst.idx.msk $0xffff, v5  }
0x1d2: {  	v5 =	vld.idx.msk [tilespmem:v1+s2+$0x0], $0xffff;
	_ =	sdelay $0x2  }
0x1d3: {  	[tilespmem:$0x1FBB0] =	vst v3;
	v3 =	vor.u32 $0x605, v0;
	_ =	sdelay $0x1  }
0x1d4: {  	v5 =	vmul.f32 v5, v4;
	_ =	sdelay $0x1  }
0x1d5: {  	[tilespmem:v1+s8+$0x0] =	vst.idx.msk $0xffff, v5  }
0x1d6: {  	v5 =	vld.idx.msk [tilespmem:v3+s2+$0x0], $0xffff;
	_ =	sdelay $0x2  }
0x1d7: {  	[tilespmem:$0x1FBC0] =	vst v1;
	v1 =	vor.u32 $0x606, v0;
	_ =	sdelay $0x1  }
0x1d8: {  	v5 =	vmul.f32 v5, v4;
	_ =	sdelay $0x1  }
0x1d9: {  	[tilespmem:v3+s8+$0x0] =	vst.idx.msk $0xffff, v5  }
0x1da: {  	v5 =	vld.idx.msk [tilespmem:v1+s2+$0x0], $0xffff;
	_ =	sdelay $0x2  }
0x1db: {  	[tilespmem:$0x1FBD0] =	vst v3;
	v3 =	vor.u32 $0x607, v0;
	_ =	sdelay $0x1  }
0x1dc: {  	v5 =	vmul.f32 v5, v4;
	_ =	sdelay $0x1  }
0x1dd: {  	[tilespmem:v1+s8+$0x0] =	vst.idx.msk $0xffff, v5  }
0x1de: {  	v5 =	vld.idx.msk [tilespmem:v3+s2+$0x0], $0xffff;
	_ =	sdelay $0x2  }
0x1df: {  	[tilespmem:$0x1FBE0] =	vst v1;
	v1 =	vadd.s32 $0x608, v0;
	_ =	sdelay $0x1  }
0x1e0: {  	v5 =	vmul.f32 v5, v4;
	_ =	sdelay $0x1  }
0x1e1: {  	[tilespmem:v3+s8+$0x0] =	vst.idx.msk $0xffff, v5  }
0x1e2: {  	v5 =	vld.idx.msk [tilespmem:v1+s2+$0x0], $0xffff;
	_ =	sdelay $0x2  }
0x1e3: {  	v35 =	vadd.s32 $0x609, v0;
	_ =	sdelay $0x1  }
0x1e4: {  	v5 =	vmul.f32 v5, v4;
	_ =	sdelay $0x1  }
0x1e5: {  	[tilespmem:v1+s8+$0x0] =	vst.idx.msk $0xffff, v5  }
0x1e6: {  	v5 =	vld.idx.msk [tilespmem:v35+s2+$0x0], $0xffff;
	_ =	sdelay $0x2  }
0x1e7: {  	v36 =	vadd.s32 $0x60A, v0;
	_ =	sdelay $0x1  }
0x1e8: {  	v5 =	vmul.f32 v5, v4;
	_ =	sdelay $0x1  }
0x1e9: {  	[tilespmem:v35+s8+$0x0] =	vst.idx.msk $0xffff, v5  }
0x1ea: {  	v5 =	vld.idx.msk [tilespmem:v36+s2+$0x0], $0xffff;
	_ =	sdelay $0x2  }
0x1eb: {  	v38 =	vadd.s32 $0x60B, v0;
	_ =	sdelay $0x1  }
0x1ec: {  	v5 =	vmul.f32 v5, v4;
	_ =	sdelay $0x1  }
0x1ed: {  	[tilespmem:v36+s8+$0x0] =	vst.idx.msk $0xffff, v5  }
0x1ee: {  	v5 =	vld.idx.msk [tilespmem:v38+s2+$0x0], $0xffff;
	_ =	sdelay $0x2  }
0x1ef: {  	v39 =	vadd.s32 $0x60C, v0;
	_ =	sdelay $0x1  }
0x1f0: {  	v5 =	vmul.f32 v5, v4;
	_ =	sdelay $0x1  }
0x1f1: {  	[tilespmem:v38+s8+$0x0] =	vst.idx.msk $0xffff, v5  }
0x1f2: {  	v5 =	vld.idx.msk [tilespmem:v39+s2+$0x0], $0xffff;
	_ =	sdelay $0x2  }
0x1f3: {  	v41 =	vadd.s32 $0x60D, v0;
	_ =	sdelay $0x1  }
0x1f4: {  	v5 =	vmul.f32 v5, v4;
	_ =	sdelay $0x1  }
0x1f5: {  	[tilespmem:v39+s8+$0x0] =	vst.idx.msk $0xffff, v5  }
0x1f6: {  	v5 =	vld.idx.msk [tilespmem:v41+s2+$0x0], $0xffff;
	_ =	sdelay $0x2  }
0x1f7: {  	v43 =	vadd.s32 $0x60E, v0;
	_ =	sdelay $0x1  }
0x1f8: {  	v5 =	vmul.f32 v5, v4;
	_ =	sdelay $0x1  }
0x1f9: {  	[tilespmem:v41+s8+$0x0] =	vst.idx.msk $0xffff, v5  }
0x1fa: {  	v5 =	vld.idx.msk [tilespmem:v43+s2+$0x0], $0xffff;
	_ =	sdelay $0x2  }
0x1fb: {  	v45 =	vadd.s32 $0x60F, v0;
	_ =	sdelay $0x1  }
0x1fc: {  	v5 =	vmul.f32 v5, v4;
	_ =	sdelay $0x1  }
0x1fd: {  	[tilespmem:v43+s8+$0x0] =	vst.idx.msk $0xffff, v5  }
0x1fe: {  	v5 =	vld.idx.msk [tilespmem:v45+s2+$0x0], $0xffff;
	_ =	sdelay $0x2  }
0x1ff: {  	v47 =	vadd.s32 $0x790, v0  }
0x200: {  	[tilespmem:$0x1FC00] =	vst v1;
	v1 =	vadd.s32 $0x791, v0  }
0x201: {  	v4 =	vmul.f32 v5, v4;
	_ =	sdelay $0x1  }
0x202: {  	[tilespmem:v45+s8+$0x0] =	vst.idx.msk $0xffff, v4  }
0x203: {  	v4 =	vld.idx.msk [tilespmem:v47+s2+$0x0], $0xffff  }
0x204: {  	v5 =	vld.idx.msk [tilespmem:v1+s7+$0x0], $0xffff;
	_ =	sdelay $0x4  }
0x205: {  	v4 =	vadd.f32 v5, v4;
	_ =	sdelay $0x1  }
0x206: {  	v5 =	vmul.f32 $2.000000030e-01, v4  }
0x207: {  	vm13 =	vgt.f32 v4, $0.0e+00  }
0x208: {  	v4 =	vsel vm13, v4, v5  }
0x209: {  	v4 =	vmul.f32 $1.442695020e+00, v4;
	_ =	sdelay $0x1  }
0x20a: {  	(erf) = vpow2.f32 v4;
	_ =	sdelay $0x5  }
0x20b: {  	v49 =	vadd.s32 $0x780, v0;
	_ =	sdelay $0x2  }
0x20c: {  	v4 =	vpop (erf)  }
0x20d: {  	[tilespmem:v47+s8+$0x0] =	vst.idx.msk $0xffff, v4  }
0x20e: {  	v5 =	vld.idx.msk [tilespmem:v49+s2+$0x0], $0xffff;
	_ =	sdelay $0x2  }
0x20f: {  	v34 =	vadd.s32 $0x781, v0;
	_ =	sdelay $0x1  }
0x210: {  	v5 =	vmul.f32 v4, v5;
	_ =	sdelay $0x1  }
0x211: {  	[tilespmem:v49+s8+$0x0] =	vst.idx.msk $0xffff, v5  }
0x212: {  	v5 =	vld.idx.msk [tilespmem:v34+s2+$0x0], $0xffff;
	_ =	sdelay $0x2  }
0x213: {  	v31 =	vadd.s32 $0x782, v0;
	_ =	sdelay $0x1  }
0x214: {  	v5 =	vmul.f32 v4, v5;
	_ =	sdelay $0x1  }
0x215: {  	[tilespmem:v34+s8+$0x0] =	vst.idx.msk $0xffff, v5  }
0x216: {  	v5 =	vld.idx.msk [tilespmem:v31+s2+$0x0], $0xffff;
	_ =	sdelay $0x2  }
0x217: {  	[tilespmem:$0x1FBF0] =	vst v3;
	v3 =	vadd.s32 $0x783, v0;
	_ =	sdelay $0x1  }
0x218: {  	v5 =	vmul.f32 v5, v4;
	_ =	sdelay $0x1  }
0x219: {  	[tilespmem:v31+s8+$0x0] =	vst.idx.msk $0xffff, v5  }
0x21a: {  	v5 =	vld.idx.msk [tilespmem:v3+s2+$0x0], $0xffff;
	_ =	sdelay $0x2  }
0x21b: {  	v53 =	vadd.s32 $0x784, v0;
	_ =	sdelay $0x1  }
0x21c: {  	v5 =	vmul.f32 v5, v4;
	_ =	sdelay $0x1  }
0x21d: {  	[tilespmem:v3+s8+$0x0] =	vst.idx.msk $0xffff, v5  }
0x21e: {  	v5 =	vld.idx.msk [tilespmem:v53+s2+$0x0], $0xffff;
	_ =	sdelay $0x2  }
0x21f: {  	v54 =	vadd.s32 $0x785, v0;
	_ =	sdelay $0x1  }
0x220: {  	v5 =	vmul.f32 v5, v4;
	_ =	sdelay $0x1  }
0x221: {  	[tilespmem:v53+s8+$0x0] =	vst.idx.msk $0xffff, v5  }
0x222: {  	v5 =	vld.idx.msk [tilespmem:v54+s2+$0x0], $0xffff;
	_ =	sdelay $0x2  }
0x223: {  	v56 =	vadd.s32 $0x786, v0;
	_ =	sdelay $0x1  }
0x224: {  	v5 =	vmul.f32 v5, v4;
	_ =	sdelay $0x1  }
0x225: {  	[tilespmem:v54+s8+$0x0] =	vst.idx.msk $0xffff, v5  }
0x226: {  	v5 =	vld.idx.msk [tilespmem:v56+s2+$0x0], $0xffff;
	_ =	sdelay $0x2  }
0x227: {  	v57 =	vadd.s32 $0x787, v0;
	_ =	sdelay $0x1  }
0x228: {  	v5 =	vmul.f32 v5, v4;
	_ =	sdelay $0x1  }
0x229: {  	[tilespmem:v56+s8+$0x0] =	vst.idx.msk $0xffff, v5  }
0x22a: {  	v5 =	vld.idx.msk [tilespmem:v57+s2+$0x0], $0xffff;
	_ =	sdelay $0x2  }
0x22b: {  	v59 =	vadd.s32 $0x788, v0;
	_ =	sdelay $0x1  }
0x22c: {  	v5 =	vmul.f32 v5, v4;
	_ =	sdelay $0x1  }
0x22d: {  	[tilespmem:v57+s8+$0x0] =	vst.idx.msk $0xffff, v5  }
0x22e: {  	v5 =	vld.idx.msk [tilespmem:v59+s2+$0x0], $0xffff;
	_ =	sdelay $0x2  }
0x22f: {  	v22 =	vadd.s32 $0x789, v0;
	_ =	sdelay $0x1  }
0x230: {  	v5 =	vmul.f32 v5, v4;
	_ =	sdelay $0x1  }
0x231: {  	[tilespmem:v59+s8+$0x0] =	vst.idx.msk $0xffff, v5  }
0x232: {  	v5 =	vld.idx.msk [tilespmem:v22+s2+$0x0], $0xffff;
	_ =	sdelay $0x2  }
0x233: {  	v40 =	vadd.s32 $0x78A, v0;
	_ =	sdelay $0x1  }
0x234: {  	v5 =	vmul.f32 v5, v4;
	_ =	sdelay $0x1  }
0x235: {  	[tilespmem:v22+s8+$0x0] =	vst.idx.msk $0xffff, v5  }
0x236: {  	v5 =	vld.idx.msk [tilespmem:v40+s2+$0x0], $0xffff;
	_ =	sdelay $0x2  }
0x237: {  	v58 =	vadd.s32 $0x78B, v0;
	_ =	sdelay $0x1  }
0x238: {  	v5 =	vmul.f32 v5, v4;
	_ =	sdelay $0x1  }
0x239: {  	[tilespmem:v40+s8+$0x0] =	vst.idx.msk $0xffff, v5  }
0x23a: {  	v5 =	vld.idx.msk [tilespmem:v58+s2+$0x0], $0xffff;
	_ =	sdelay $0x2  }
0x23b: {  	v62 =	vadd.s32 $0x78C, v0;
	_ =	sdelay $0x1  }
0x23c: {  	v5 =	vmul.f32 v5, v4;
	_ =	sdelay $0x1  }
0x23d: {  	[tilespmem:v58+s8+$0x0] =	vst.idx.msk $0xffff, v5  }
0x23e: {  	v5 =	vld.idx.msk [tilespmem:v62+s2+$0x0], $0xffff;
	_ =	sdelay $0x2  }
0x23f: {  	v63 =	vadd.s32 $0x78D, v0;
	_ =	sdelay $0x1  }
0x240: {  	v5 =	vmul.f32 v5, v4;
	_ =	sdelay $0x1  }
0x241: {  	[tilespmem:v62+s8+$0x0] =	vst.idx.msk $0xffff, v5  }
0x242: {  	v5 =	vld.idx.msk [tilespmem:v63+s2+$0x0], $0xffff;
	_ =	sdelay $0x2  }
0x243: {  	v50 =	vadd.s32 $0x78E, v0;
	_ =	sdelay $0x1  }
0x244: {  	v5 =	vmul.f32 v5, v4;
	_ =	sdelay $0x1  }
0x245: {  	[tilespmem:v63+s8+$0x0] =	vst.idx.msk $0xffff, v5  }
0x246: {  	v5 =	vld.idx.msk [tilespmem:v50+s2+$0x0], $0xffff;
	_ =	sdelay $0x2  }
0x247: {  	v25 =	vadd.s32 $0x78F, v0;
	_ =	sdelay $0x1  }
0x248: {  	v5 =	vmul.f32 v5, v4;
	_ =	sdelay $0x1  }
0x249: {  	[tilespmem:v50+s8+$0x0] =	vst.idx.msk $0xffff, v5  }
0x24a: {  	v5 =	vld.idx.msk [tilespmem:v25+s2+$0x0], $0xffff;
	_ =	sdelay $0x2  }
0x24b: {  	v24 =	vadd.s32 $0x910, v0  }
0x24c: {  	v26 =	vadd.s32 $0x911, v0  }
0x24d: {  	v4 =	vmul.f32 v5, v4;
	_ =	sdelay $0x1  }
0x24e: {  	[tilespmem:v25+s8+$0x0] =	vst.idx.msk $0xffff, v4  }
0x24f: {  	v4 =	vld.idx.msk [tilespmem:v24+s2+$0x0], $0xffff  }
0x250: {  	v5 =	vld.idx.msk [tilespmem:v26+s7+$0x0], $0xffff;
	_ =	sdelay $0x4  }
0x251: {  	v4 =	vadd.f32 v5, v4;
	_ =	sdelay $0x1  }
0x252: {  	v5 =	vmul.f32 $2.000000030e-01, v4  }
0x253: {  	vm14 =	vgt.f32 v4, $0.0e+00  }
0x254: {  	v4 =	vsel vm14, v4, v5  }
0x255: {  	v4 =	vmul.f32 $1.442695020e+00, v4;
	_ =	sdelay $0x1  }
0x256: {  	(erf) = vpow2.f32 v4;
	_ =	sdelay $0x5  }
0x257: {  	v28 =	vadd.s32 $0x900, v0;
	_ =	sdelay $0x2  }
0x258: {  	v4 =	vpop (erf)  }
0x259: {  	[tilespmem:v24+s8+$0x0] =	vst.idx.msk $0xffff, v4  }
0x25a: {  	v5 =	vld.idx.msk [tilespmem:v28+s2+$0x0], $0xffff;
	_ =	sdelay $0x2  }
0x25b: {  	v27 =	vadd.s32 $0x901, v0;
	_ =	sdelay $0x1  }
0x25c: {  	v5 =	vmul.f32 v4, v5;
	_ =	sdelay $0x1  }
0x25d: {  	[tilespmem:v28+s8+$0x0] =	vst.idx.msk $0xffff, v5  }
0x25e: {  	v5 =	vld.idx.msk [tilespmem:v27+s2+$0x0], $0xffff;
	_ =	sdelay $0x2  }
0x25f: {  	v29 =	vadd.s32 $0x902, v0;
	_ =	sdelay $0x1  }
0x260: {  	v5 =	vmul.f32 v4, v5;
	_ =	sdelay $0x1  }
0x261: {  	[tilespmem:v27+s8+$0x0] =	vst.idx.msk $0xffff, v5  }
0x262: {  	v5 =	vld.idx.msk [tilespmem:v29+s2+$0x0], $0xffff;
	_ =	sdelay $0x2  }
0x263: {  	v30 =	vadd.s32 $0x903, v0;
	_ =	sdelay $0x1  }
0x264: {  	v5 =	vmul.f32 v5, v4;
	_ =	sdelay $0x1  }
0x265: {  	[tilespmem:v29+s8+$0x0] =	vst.idx.msk $0xffff, v5  }
0x266: {  	v5 =	vld.idx.msk [tilespmem:v30+s2+$0x0], $0xffff;
	_ =	sdelay $0x2  }
0x267: {  	v33 =	vadd.s32 $0x904, v0;
	_ =	sdelay $0x1  }
0x268: {  	v5 =	vmul.f32 v5, v4;
	_ =	sdelay $0x1  }
0x269: {  	[tilespmem:v30+s8+$0x0] =	vst.idx.msk $0xffff, v5  }
0x26a: {  	v5 =	vld.idx.msk [tilespmem:v33+s2+$0x0], $0xffff;
	_ =	sdelay $0x2  }
0x26b: {  	v52 =	vadd.s32 $0x905, v0;
	_ =	sdelay $0x1  }
0x26c: {  	v5 =	vmul.f32 v5, v4;
	_ =	sdelay $0x1  }
0x26d: {  	[tilespmem:v33+s8+$0x0] =	vst.idx.msk $0xffff, v5  }
0x26e: {  	v5 =	vld.idx.msk [tilespmem:v52+s2+$0x0], $0xffff;
	_ =	sdelay $0x2  }
0x26f: {  	v37 =	vadd.s32 $0x906, v0;
	_ =	sdelay $0x1  }
0x270: {  	v5 =	vmul.f32 v5, v4;
	_ =	sdelay $0x1  }
0x271: {  	[tilespmem:v52+s8+$0x0] =	vst.idx.msk $0xffff, v5  }
0x272: {  	v5 =	vld.idx.msk [tilespmem:v37+s2+$0x0], $0xffff;
	_ =	sdelay $0x2  }
0x273: {  	v42 =	vadd.s32 $0x907, v0;
	_ =	sdelay $0x1  }
0x274: {  	v5 =	vmul.f32 v5, v4;
	_ =	sdelay $0x1  }
0x275: {  	[tilespmem:v37+s8+$0x0] =	vst.idx.msk $0xffff, v5  }
0x276: {  	v5 =	vld.idx.msk [tilespmem:v42+s2+$0x0], $0xffff;
	_ =	sdelay $0x2  }
0x277: {  	v46 =	vadd.s32 $0x908, v0;
	_ =	sdelay $0x1  }
0x278: {  	v5 =	vmul.f32 v5, v4;
	_ =	sdelay $0x1  }
0x279: {  	[tilespmem:v42+s8+$0x0] =	vst.idx.msk $0xffff, v5  }
0x27a: {  	v5 =	vld.idx.msk [tilespmem:v46+s2+$0x0], $0xffff;
	_ =	sdelay $0x2  }
0x27b: {  	v48 =	vadd.s32 $0x909, v0;
	_ =	sdelay $0x1  }
0x27c: {  	v5 =	vmul.f32 v5, v4;
	_ =	sdelay $0x1  }
0x27d: {  	[tilespmem:v46+s8+$0x0] =	vst.idx.msk $0xffff, v5  }
0x27e: {  	v5 =	vld.idx.msk [tilespmem:v48+s2+$0x0], $0xffff;
	_ =	sdelay $0x2  }
0x27f: {  	v55 =	vadd.s32 $0x90A, v0;
	_ =	sdelay $0x1  }
0x280: {  	v5 =	vmul.f32 v5, v4;
	_ =	sdelay $0x1  }
0x281: {  	[tilespmem:v48+s8+$0x0] =	vst.idx.msk $0xffff, v5  }
0x282: {  	v5 =	vld.idx.msk [tilespmem:v55+s2+$0x0], $0xffff;
	_ =	sdelay $0x2  }
0x283: {  	v60 =	vadd.s32 $0x90B, v0;
	_ =	sdelay $0x1  }
0x284: {  	v5 =	vmul.f32 v5, v4;
	_ =	sdelay $0x1  }
0x285: {  	[tilespmem:v55+s8+$0x0] =	vst.idx.msk $0xffff, v5  }
0x286: {  	v5 =	vld.idx.msk [tilespmem:v60+s2+$0x0], $0xffff;
	_ =	sdelay $0x2  }
0x287: {  	[tilespmem:$0x1FB60] =	vst v6;
	v6 =	vadd.s32 $0x90C, v0;
	_ =	sdelay $0x1  }
0x288: {  	v5 =	vmul.f32 v5, v4;
	_ =	sdelay $0x1  }
0x289: {  	[tilespmem:v60+s8+$0x0] =	vst.idx.msk $0xffff, v5  }
0x28a: {  	v5 =	vld.idx.msk [tilespmem:v6+s2+$0x0], $0xffff;
	_ =	sdelay $0x3  }
0x28b: {  	v13 =	vadd.s32 $0x90D, v0  }
0x28c: {  	v5 =	vmul.f32 v5, v4;
	_ =	sdelay $0x2  }
0x28d: {  	[tilespmem:v6+s8+$0x0] =	vst.idx.msk $0xffff, v5  }
0x28e: {  	v5 =	vmov v6;
	v6 =	vld.idx.msk [tilespmem:v13+s2+$0x0], $0xffff;
	_ =	sdelay $0x2  }
0x28f: {  	v32 =	vadd.s32 $0x90E, v0;
	_ =	sdelay $0x1  }
0x290: {  	v6 =	vmul.f32 v6, v4;
	_ =	sdelay $0x1  }
0x291: {  	[tilespmem:v13+s8+$0x0] =	vst.idx.msk $0xffff, v6  }
0x292: {  	v6 =	vld.idx.msk [tilespmem:v32+s2+$0x0], $0xffff;
	_ =	sdelay $0x2  }
0x293: {  	v51 =	vadd.s32 $0x90F, v0;
	_ =	sdelay $0x1  }
0x294: {  	v6 =	vmul.f32 v6, v4;
	_ =	sdelay $0x1  }
0x295: {  	[tilespmem:v32+s8+$0x0] =	vst.idx.msk $0xffff, v6  }
0x296: {  	v6 =	vld.idx.msk [tilespmem:v51+s2+$0x0], $0xffff;
	_ =	sdelay $0x2  }
0x297: {  	v7 =	vadd.s32 $0xA90, v0  }
0x298: {  	[tilespmem:$0x1FC10] =	vst v1;
	v1 =	vadd.s32 $0xA91, v0  }
0x299: {  	v4 =	vmul.f32 v6, v4;
	_ =	sdelay $0x1  }
0x29a: {  	[tilespmem:v51+s8+$0x0] =	vst.idx.msk $0xffff, v4  }
0x29b: {  	v4 =	vld.idx.msk [tilespmem:v7+s2+$0x0], $0xffff  }
0x29c: {  	v6 =	vld.idx.msk [tilespmem:v1+s7+$0x0], $0xffff;
	_ =	sdelay $0x4  }
0x29d: {  	v4 =	vadd.f32 v6, v4;
	_ =	sdelay $0x1  }
0x29e: {  	v6 =	vmul.f32 $2.000000030e-01, v4  }
0x29f: {  	vm15 =	vgt.f32 v4, $0.0e+00  }
0x2a0: {  	v4 =	vsel vm15, v4, v6  }
0x2a1: {  	v4 =	vmul.f32 $1.442695020e+00, v4;
	_ =	sdelay $0x1  }
0x2a2: {  	(erf) = vpow2.f32 v4;
	_ =	sdelay $0x4  }
0x2a3: {  	v4 =	vmov v7  }
0x2a4: {  	v7 =	vadd.s32 $0xA80, v0;
	_ =	sdelay $0x2  }
0x2a5: {  	v21 =	vpop (erf)  }
0x2a6: {  	[tilespmem:v4+s8+$0x0] =	vst.idx.msk $0xffff, v21  }
0x2a7: {  	v6 =	vld.idx.msk [tilespmem:v7+s2+$0x0], $0xffff;
	_ =	sdelay $0x3  }
0x2a8: {  	v8 =	vadd.s32 $0xA81, v0  }
0x2a9: {  	v6 =	vmul.f32 v21, v6;
	_ =	sdelay $0x2  }
0x2aa: {  	[tilespmem:v7+s8+$0x0] =	vst.idx.msk $0xffff, v6  }
0x2ab: {  	v6 =	vmov v7;
	v7 =	vld.idx.msk [tilespmem:v8+s2+$0x0], $0xffff;
	_ =	sdelay $0x3  }
0x2ac: {  	v44 =	vadd.s32 $0xA82, v0  }
0x2ad: {  	v7 =	vmul.f32 v21, v7;
	_ =	sdelay $0x2  }
0x2ae: {  	[tilespmem:v8+s8+$0x0] =	vst.idx.msk $0xffff, v7  }
0x2af: {  	v7 =	vmov v8;
	v8 =	vld.idx.msk [tilespmem:v44+s2+$0x0], $0xffff;
	_ =	sdelay $0x2  }
0x2b0: {  	v61 =	vadd.s32 $0xA83, v0;
	_ =	sdelay $0x1  }
0x2b1: {  	v8 =	vmul.f32 v8, v21;
	_ =	sdelay $0x1  }
0x2b2: {  	[tilespmem:v44+s8+$0x0] =	vst.idx.msk $0xffff, v8  }
0x2b3: {  	v9 =	vld.idx.msk [tilespmem:v61+s2+$0x0], $0xffff;
	_ =	sdelay $0x2  }
0x2b4: {  	v8 =	vadd.s32 $0xA84, v0;
	_ =	sdelay $0x1  }
0x2b5: {  	v9 =	vmul.f32 v9, v21;
	_ =	sdelay $0x1  }
0x2b6: {  	[tilespmem:v61+s8+$0x0] =	vst.idx.msk $0xffff, v9  }
0x2b7: {  	v10 =	vld.idx.msk [tilespmem:v8+s2+$0x0], $0xffff;
	_ =	sdelay $0x2  }
0x2b8: {  	v9 =	vadd.s32 $0xA85, v0;
	_ =	sdelay $0x1  }
0x2b9: {  	v10 =	vmul.f32 v10, v21;
	_ =	sdelay $0x1  }
0x2ba: {  	[tilespmem:v8+s8+$0x0] =	vst.idx.msk $0xffff, v10  }
0x2bb: {  	v11 =	vld.idx.msk [tilespmem:v9+s2+$0x0], $0xffff;
	_ =	sdelay $0x2  }
0x2bc: {  	v10 =	vadd.s32 $0xA86, v0;
	_ =	sdelay $0x1  }
0x2bd: {  	v11 =	vmul.f32 v11, v21;
	_ =	sdelay $0x1  }
0x2be: {  	[tilespmem:v9+s8+$0x0] =	vst.idx.msk $0xffff, v11  }
0x2bf: {  	v12 =	vld.idx.msk [tilespmem:v10+s2+$0x0], $0xffff;
	_ =	sdelay $0x2  }
0x2c0: {  	v11 =	vadd.s32 $0xA87, v0;
	_ =	sdelay $0x1  }
0x2c1: {  	v12 =	vmul.f32 v12, v21;
	_ =	sdelay $0x1  }
0x2c2: {  	[tilespmem:v10+s8+$0x0] =	vst.idx.msk $0xffff, v12  }
0x2c3: {  	v14 =	vld.idx.msk [tilespmem:v11+s2+$0x0], $0xffff;
	_ =	sdelay $0x2  }
0x2c4: {  	v12 =	vadd.s32 $0xA88, v0;
	_ =	sdelay $0x1  }
0x2c5: {  	v14 =	vmul.f32 v14, v21;
	_ =	sdelay $0x1  }
0x2c6: {  	[tilespmem:v11+s8+$0x0] =	vst.idx.msk $0xffff, v14  }
0x2c7: {  	v15 =	vld.idx.msk [tilespmem:v12+s2+$0x0], $0xffff;
	_ =	sdelay $0x2  }
0x2c8: {  	v14 =	vadd.s32 $0xA89, v0;
	_ =	sdelay $0x1  }
0x2c9: {  	v15 =	vmul.f32 v15, v21;
	_ =	sdelay $0x1  }
0x2ca: {  	[tilespmem:v12+s8+$0x0] =	vst.idx.msk $0xffff, v15  }
0x2cb: {  	v16 =	vld.idx.msk [tilespmem:v14+s2+$0x0], $0xffff;
	_ =	sdelay $0x2  }
0x2cc: {  	v15 =	vadd.s32 $0xA8A, v0;
	_ =	sdelay $0x1  }
0x2cd: {  	v16 =	vmul.f32 v16, v21;
	_ =	sdelay $0x1  }
0x2ce: {  	[tilespmem:v14+s8+$0x0] =	vst.idx.msk $0xffff, v16  }
0x2cf: {  	v17 =	vld.idx.msk [tilespmem:v15+s2+$0x0], $0xffff;
	_ =	sdelay $0x2  }
0x2d0: {  	v16 =	vadd.s32 $0xA8B, v0;
	_ =	sdelay $0x1  }
0x2d1: {  	v17 =	vmul.f32 v17, v21;
	_ =	sdelay $0x1  }
0x2d2: {  	[tilespmem:v15+s8+$0x0] =	vst.idx.msk $0xffff, v17  }
0x2d3: {  	v18 =	vld.idx.msk [tilespmem:v16+s2+$0x0], $0xffff;
	_ =	sdelay $0x2  }
0x2d4: {  	v17 =	vadd.s32 $0xA8C, v0;
	_ =	sdelay $0x1  }
0x2d5: {  	v18 =	vmul.f32 v18, v21;
	_ =	sdelay $0x1  }
0x2d6: {  	[tilespmem:v16+s8+$0x0] =	vst.idx.msk $0xffff, v18  }
0x2d7: {  	v19 =	vld.idx.msk [tilespmem:v17+s2+$0x0], $0xffff;
	_ =	sdelay $0x2  }
0x2d8: {  	v18 =	vadd.s32 $0xA8D, v0;
	_ =	sdelay $0x1  }
0x2d9: {  	v19 =	vmul.f32 v19, v21;
	_ =	sdelay $0x1  }
0x2da: {  	[tilespmem:v17+s8+$0x0] =	vst.idx.msk $0xffff, v19  }
0x2db: {  	v20 =	vld.idx.msk [tilespmem:v18+s2+$0x0], $0xffff;
	_ =	sdelay $0x2  }
0x2dc: {  	v19 =	vadd.s32 $0xA8E, v0;
	_ =	sdelay $0x1  }
0x2dd: {  	v20 =	vmul.f32 v20, v21;
	_ =	sdelay $0x1  }
0x2de: {  	[tilespmem:v18+s8+$0x0] =	vst.idx.msk $0xffff, v20  }
0x2df: {  	v23 =	vld.idx.msk [tilespmem:v19+s2+$0x0], $0xffff;
	_ =	sdelay $0x2  }
0x2e0: {  	v20 =	vadd.s32 $0xA8F, v0;
	_ =	sdelay $0x1  }
0x2e1: {  	v23 =	vmul.f32 v23, v21;
	_ =	sdelay $0x1  }
0x2e2: {  	[tilespmem:v19+s8+$0x0] =	vst.idx.msk $0xffff, v23  }
0x2e3: {  	v23 =	vld.idx.msk [tilespmem:v20+s2+$0x0], $0xffff;
	_ =	sdelay $0x4  }
0x2e4: {  	v21 =	vmul.f32 v23, v21  }
0x2e5: {  	p0 =	sne.s32 s11, $0x18F0  }
.Ltmp1:
0x2e6: {  	[tilespmem:v20+s8+$0x0] =	vst.idx.msk $0xffff, v21;
	(pc) =	sbr.rel @p0 .LBB2_4-.Ltmp1, $4  }
0x2e7: {  	v23 =	vld [tilespmem:$0x1FFD0];
	[spmem:s1] =	stream.indirect.scatter.add.f32 [tilespmem:s8], [sflag:$0x3], $0x11, s29, s29, $0xb8  }
0x2e8: {  	v21 =	vld [tilespmem:$0x1FFC0];
	_ =	swait.ge [sflag:s28], $0x880  }
0x2e9: {  	[sflag:s28] =	ssyncset.done $0x0  }
0x2ea: {  	s11 =	sadd.s32 $0x10, s11;
	[sflag:s28] =	ssyncadd.s32 $0xFFFFF780  }
0x2eb: {  	[tilespmem:$0x1F950] =	vst v61  }
0x2ec: {  	[tilespmem:$0x1F960] =	vst v44  }
0x2ed: {  	[tilespmem:$0x1F970] =	vst v7  }
0x2ee: {  	[tilespmem:$0x1F980] =	vst v6  }
0x2ef: {  	[tilespmem:$0x1F990] =	vst v1  }
0x2f0: {  	[tilespmem:$0x1F9A0] =	vst v4  }
0x2f1: {  	[tilespmem:$0x1F9B0] =	vst v51  }
0x2f2: {  	[tilespmem:$0x1F9C0] =	vst v32  }
0x2f3: {  	[tilespmem:$0x1F9D0] =	vst v13  }
0x2f4: {  	[tilespmem:$0x1F9E0] =	vst v5  }
0x2f5: {  	[tilespmem:$0x1F9F0] =	vst v60  }
0x2f6: {  	[tilespmem:$0x1FA00] =	vst v55  }
0x2f7: {  	[tilespmem:$0x1FA10] =	vst v48  }
0x2f8: {  	[tilespmem:$0x1FA20] =	vst v46  }
0x2f9: {  	[tilespmem:$0x1FA30] =	vst v42  }
0x2fa: {  	[tilespmem:$0x1FA40] =	vst v37  }
0x2fb: {  	[tilespmem:$0x1FA50] =	vst v52  }
0x2fc: {  	[tilespmem:$0x1FA60] =	vst v33  }
0x2fd: {  	[tilespmem:$0x1FA70] =	vst v30  }
0x2fe: {  	[tilespmem:$0x1FA80] =	vst v29  }
0x2ff: {  	[tilespmem:$0x1FA90] =	vst v27  }
0x300: {  	[tilespmem:$0x1FAA0] =	vst v28  }
0x301: {  	[bflag:$0x0] =	sbarrier.arrive $0xFFFF  }
0x302: {  	[tilespmem:s9], [sflag:$0x3] =	stream.linear.gather [spmem:s12], $0x1260, $0x38;
	[tilespmem:$0x11B00] =	vst v63  }
0x303: {  	_ =	swait.ge [sflag:s28], $0x1260  }
0x304: {  	[sflag:s28] =	ssyncset.done $0x0  }
0x305: {  	s6 =	sadd.s32 $0x0, s24;
	[sflag:s28] =	ssyncadd.s32 $0xFFFFEDA0  }
0x306: {  	[hbm4b:s6+s3] =	stream.linear.scatter [tilespmem:s9], [sflag:$0x3], $0x1260, $0x38;
	[tilespmem:$0x11B00] =	vst v63  }
0x307: {  	v23 =	vmov v26;
	_ =	swait.ge [sflag:s28], $0x1260  }
0x308: {  	v21 =	vmovc v24;
	v7 =	vmovc v25;
	v6 =	vmov v50;
	v5 =	vmov v3;
	v4 =	vmov v34;
	s11 =	simm.s32 $0x24C;
	s6 =	smov.u32 s12;
	[sflag:s28] =	ssyncset.done $0x0;
	v2 =	vld [tilespmem:$0x1FFF0]  }
.LBB2_6:
0x309: {  	p0 =	sne.s32 s11, $0x2274;
	[sflag:s28] =	ssyncadd.s32 $0xFFFFEDA0;
	s6 =	sadd.s32 $0x1260, s6  }
0x30a: {  	[tilespmem:s9], [sflag:$0x3] =	stream.linear.gather [spmem:s6], $0x1260, $0x38;
	[tilespmem:$0x11B00] =	vst v63  }
0x30b: {  	s13 =	smov.u32 s11;
	s11 =	sadd.s32 $0x24C, s11;
	_ =	swait.ge [sflag:s28], $0x1260  }
.Ltmp2:
0x30c: {  	[sflag:s28] =	ssyncset.done $0x0;
	(pc) =	sbr.rel @p0 .LBB2_6-.Ltmp2, $4  }
0x30d: {  	s13 =	sadd.s32 s13, s24;
	[sflag:s28] =	ssyncadd.s32 $0xFFFFEDA0  }
0x30e: {  	[hbm4b:s13+s3] =	stream.linear.scatter [tilespmem:s9], [sflag:$0x3], $0x1260, $0x38;
	[tilespmem:$0x11B00] =	vst v63  }
0x30f: {  	_ =	swait.ge [sflag:s28], $0x1260  }
0x310: {  	[sflag:s28] =	ssyncset.done $0x0  }
0x311: {  	[sflag:s28] =	ssyncadd.s32 $0xFFFFEDA0  }
0x312: {  	[bflag:$0x0] =	sbarrier.arrive $0xFFFF  }
0x313: {  	[spmem:s12] =	stream.linear.scatter [tilespmem:s26], [sflag:$0x3], $0x1260, $0x38;
	[tilespmem:$0x11B00] =	vst v63  }
0x314: {  	_ =	swait.ge [sflag:s28], $0x1260  }
0x315: {  	[sflag:s28] =	ssyncset.done $0x0  }
0x316: {  	s6 =	rddreg [dreg:$0x5];
	[sflag:s28] =	ssyncadd.s32 $0xFFFFEDA0  }
0x317: {  	[spmem:s6] =	stream.linear.scatter [tilespmem:s26], [sflag:$0x3], $0x1260, $0x38;
	[tilespmem:$0x11B00] =	vst v63  }
0x318: {  	_ =	swait.ge [sflag:s28], $0x1260  }
0x319: {  	[sflag:s28] =	ssyncset.done $0x0  }
0x31a: {  	s11 =	rddreg [dreg:$0x6];
	[sflag:s28] =	ssyncadd.s32 $0xFFFFEDA0  }
0x31b: {  	[spmem:s11] =	stream.linear.scatter [tilespmem:s26], [sflag:$0x3], $0x1260, $0x38;
	[tilespmem:$0x11B00] =	vst v63  }
0x31c: {  	_ =	swait.ge [sflag:s28], $0x1260  }
0x31d: {  	[sflag:s28] =	ssyncset.done $0x0  }
0x31e: {  	s13 =	rddreg [dreg:$0x7];
	[sflag:s28] =	ssyncadd.s32 $0xFFFFEDA0  }
0x31f: {  	[spmem:s13] =	stream.linear.scatter [tilespmem:s26], [sflag:$0x3], $0x1260, $0x38;
	[tilespmem:$0x11B00] =	vst v63  }
0x320: {  	_ =	swait.ge [sflag:s28], $0x1260  }
0x321: {  	[sflag:s28] =	ssyncset.done $0x0  }
0x322: {  	s11 =	rddreg [dreg:$0x8];
	[sflag:s28] =	ssyncadd.s32 $0xFFFFEDA0  }
0x323: {  	[spmem:s11] =	stream.linear.scatter [tilespmem:s26], [sflag:$0x3], $0x1260, $0x38;
	[tilespmem:$0x11B00] =	vst v63  }
0x324: {  	_ =	swait.ge [sflag:s28], $0x1260  }
0x325: {  	[sflag:s28] =	ssyncset.done $0x0  }
0x326: {  	s13 =	rddreg [dreg:$0x9];
	[sflag:s28] =	ssyncadd.s32 $0xFFFFEDA0  }
0x327: {  	[spmem:s13] =	stream.linear.scatter [tilespmem:s26], [sflag:$0x3], $0x1260, $0x38;
	[tilespmem:$0x11B00] =	vst v63  }
0x328: {  	_ =	swait.ge [sflag:s28], $0x1260  }
0x329: {  	[sflag:s28] =	ssyncset.done $0x0  }
0x32a: {  	s11 =	rddreg [dreg:$0xa];
	[sflag:s28] =	ssyncadd.s32 $0xFFFFEDA0  }
0x32b: {  	[spmem:s11] =	stream.linear.scatter [tilespmem:s26], [sflag:$0x3], $0x1260, $0x38;
	[tilespmem:$0x11B00] =	vst v63  }
0x32c: {  	_ =	swait.ge [sflag:s28], $0x1260  }
0x32d: {  	[sflag:s28] =	ssyncset.done $0x0  }
0x32e: {  	s13 =	rddreg [dreg:$0xb];
	[sflag:s28] =	ssyncadd.s32 $0xFFFFEDA0  }
0x32f: {  	[spmem:s13] =	stream.linear.scatter [tilespmem:s26], [sflag:$0x3], $0x1260, $0x38;
	[tilespmem:$0x11B00] =	vst v63  }
0x330: {  	_ =	swait.ge [sflag:s28], $0x1260  }
0x331: {  	[sflag:s28] =	ssyncset.done $0x0  }
0x332: {  	[sflag:s28] =	ssyncadd.s32 $0xFFFFEDA0  }
0x333: {  	[spmem:s14] =	stream.linear.scatter [tilespmem:s26], [sflag:$0x3], $0x1260, $0x38;
	[tilespmem:$0x11B00] =	vst v63  }
0x334: {  	_ =	swait.ge [sflag:s28], $0x1260  }
0x335: {  	[sflag:s28] =	ssyncset.done $0x0  }
0x336: {  	[sflag:s28] =	ssyncadd.s32 $0xFFFFEDA0  }
0x337: {  	[spmem:s15] =	stream.linear.scatter [tilespmem:s26], [sflag:$0x3], $0x1260, $0x38;
	[tilespmem:$0x11B00] =	vst v63  }
0x338: {  	_ =	swait.ge [sflag:s28], $0x1260  }
0x339: {  	[sflag:s28] =	ssyncset.done $0x0  }
0x33a: {  	[sflag:s28] =	ssyncadd.s32 $0xFFFFEDA0  }
0x33b: {  	[spmem:s16] =	stream.linear.scatter [tilespmem:s26], [sflag:$0x3], $0x1260, $0x38;
	[tilespmem:$0x11B00] =	vst v63  }
0x33c: {  	_ =	swait.ge [sflag:s28], $0x1260  }
0x33d: {  	[sflag:s28] =	ssyncset.done $0x0  }
0x33e: {  	[sflag:s28] =	ssyncadd.s32 $0xFFFFEDA0  }
0x33f: {  	[spmem:s17] =	stream.linear.scatter [tilespmem:s26], [sflag:$0x3], $0x1260, $0x38;
	[tilespmem:$0x11B00] =	vst v63  }
0x340: {  	_ =	swait.ge [sflag:s28], $0x1260  }
0x341: {  	[sflag:s28] =	ssyncset.done $0x0  }
0x342: {  	[sflag:s28] =	ssyncadd.s32 $0xFFFFEDA0  }
0x343: {  	[spmem:s18] =	stream.linear.scatter [tilespmem:s26], [sflag:$0x3], $0x1260, $0x38;
	[tilespmem:$0x11B00] =	vst v63  }
0x344: {  	_ =	swait.ge [sflag:s28], $0x1260  }
0x345: {  	[sflag:s28] =	ssyncset.done $0x0  }
0x346: {  	[sflag:s28] =	ssyncadd.s32 $0xFFFFEDA0  }
0x347: {  	[spmem:s19] =	stream.linear.scatter [tilespmem:s26], [sflag:$0x3], $0x1260, $0x38;
	[tilespmem:$0x11B00] =	vst v63  }
0x348: {  	_ =	swait.ge [sflag:s28], $0x1260  }
0x349: {  	[sflag:s28] =	ssyncset.done $0x0  }
0x34a: {  	[sflag:s28] =	ssyncadd.s32 $0xFFFFEDA0  }
0x34b: {  	[spmem:s20] =	stream.linear.scatter [tilespmem:s26], [sflag:$0x3], $0x1260, $0x38;
	[tilespmem:$0x11B00] =	vst v63  }
0x34c: {  	_ =	swait.ge [sflag:s28], $0x1260  }
0x34d: {  	[sflag:s28] =	ssyncset.done $0x0  }
0x34e: {  	[sflag:s28] =	ssyncadd.s32 $0xFFFFEDA0  }
0x34f: {  	[spmem:s21] =	stream.linear.scatter [tilespmem:s26], [sflag:$0x3], $0x1260, $0x38;
	[tilespmem:$0x11B00] =	vst v63  }
0x350: {  	_ =	swait.ge [sflag:s28], $0x1260  }
0x351: {  	[sflag:s28] =	ssyncset.done $0x0  }
0x352: {  	[sflag:s28] =	ssyncadd.s32 $0xFFFFEDA0  }
0x353: {  	[bflag:$0x0] =	sbarrier.arrive $0xFFFF  }
0x354: {  	[tilespmem:$0x1F7B0] =	vst v35  }
0x355: {  	[tilespmem:$0x1F7C0] =	vst v36  }
0x356: {  	[tilespmem:$0x1F7D0] =	vst v38  }
0x357: {  	[tilespmem:$0x1F7E0] =	vst v39  }
0x358: {  	[tilespmem:$0x1F7F0] =	vst v41  }
0x359: {  	[tilespmem:$0x1F800] =	vst v43  }
0x35a: {  	[tilespmem:$0x1F810] =	vst v45  }
0x35b: {  	[tilespmem:$0x1F820] =	vst v47  }
0x35c: {  	[tilespmem:$0x1F830] =	vst v49  }
0x35d: {  	[tilespmem:$0x1F840] =	vst v4  }
0x35e: {  	[tilespmem:$0x1F850] =	vst v31  }
0x35f: {  	[tilespmem:$0x1F860] =	vst v5  }
0x360: {  	[tilespmem:$0x1F870] =	vst v53  }
0x361: {  	[tilespmem:$0x1F880] =	vst v54  }
0x362: {  	[tilespmem:$0x1F890] =	vst v56  }
0x363: {  	[tilespmem:$0x1F8A0] =	vst v57  }
0x364: {  	[tilespmem:$0x1F8B0] =	vst v59  }
0x365: {  	[tilespmem:$0x1F8C0] =	vst v22  }
0x366: {  	[tilespmem:$0x1F8D0] =	vst v40  }
0x367: {  	[tilespmem:$0x1F8E0] =	vst v58  }
0x368: {  	[tilespmem:$0x1F8F0] =	vst v62  }
0x369: {  	[tilespmem:$0x1F900] =	vst v63  }
0x36a: {  	[tilespmem:$0x1F910] =	vst v6  }
0x36b: {  	[tilespmem:$0x1F920] =	vst v7;
	v3 =	vld [tilespmem:$0x1F970]  }
0x36c: {  	[tilespmem:$0x1F930] =	vst v21;
	v31 =	vld [tilespmem:$0x1F960]  }
0x36d: {  	s11 =	simm.s32 $0x0;
	[tilespmem:$0x1F940] =	vst v23;
	v1 =	vld [tilespmem:$0x1F950]  }
.LBB2_8:
0x36e: {  	s6 =	sadd.s32 s11, s23  }
0x36f: {  	[tilespmem:s3], [sflag:$0x1] =	stream.linear.gather [hbm4b:s6+s3], $0x80, $0x38;
	[tilespmem:$0x11B00] =	vst v63  }
0x370: {  	s13 =	sadd.s32 s11, s22  }
0x371: {  	[tilespmem:s29], [sflag:$0x2] =	stream.linear.gather [hbm4b:s13+s3], $0x80, $0x38;
	[tilespmem:$0x11B00] =	vst v63  }
0x372: {  	_ =	swait.ge [sflag:s30], $0x80  }
0x373: {  	[sflag:s30] =	ssyncset.done $0x0  }
0x374: {  	[sflag:s30] =	ssyncadd.s32 $0xFFFFFF80  }
0x375: {  	_ =	swait.ge [sflag:s31], $0x80  }
0x376: {  	v28 =	vld [tilespmem:$0x1FC60]  }
0x377: {  	v33 =	vld [tilespmem:$0x1FCA0]  }
0x378: {  	v37 =	vld [tilespmem:$0x1FCE0]  }
0x379: {  	v42 =	vld [tilespmem:$0x1FD20]  }
0x37a: {  	v46 =	vld [tilespmem:$0x1FD60]  }
0x37b: {  	v50 =	vld [tilespmem:$0x1FDA0]  }
0x37c: {  	v60 =	vld [tilespmem:$0x1FE20]  }
0x37d: {  	v13 =	vld [tilespmem:$0x1FE30]  }
0x37e: {  	v32 =	vld [tilespmem:$0x1FE40]  }
0x37f: {  	v51 =	vld [tilespmem:$0x1FE50]  }
0x380: {  	v5 =	vld [tilespmem:$0x1FED0]  }
0x381: {  	v29 =	vld [tilespmem:$0x1FC70]  }
0x382: {  	v4 =	vld [tilespmem:$0x1FEC0]  }
0x383: {  	v40 =	vld [tilespmem:$0x1FE80]  }
0x384: {  	v22 =	vld [tilespmem:$0x1FE70]  }
0x385: {  	v61 =	vld [tilespmem:$0x1FE60]  }
0x386: {  	v52 =	vld [tilespmem:$0x1FDB0]  }
0x387: {  	v47 =	vld [tilespmem:$0x1FD70]  }
0x388: {  	v43 =	vld [tilespmem:$0x1FD30]  }
0x389: {  	v38 =	vld [tilespmem:$0x1FCF0]  }
0x38a: {  	v34 =	vld [tilespmem:$0x1FCB0]  }
0x38b: {  	v30 =	vld [tilespmem:$0x1FC80]  }
0x38c: {  	v6 =	vld [tilespmem:$0x1FEE0]  }
0x38d: {  	v62 =	vld [tilespmem:$0x1FEA0]  }
0x38e: {  	v53 =	vld [tilespmem:$0x1FDC0]  }
0x38f: {  	v48 =	vld [tilespmem:$0x1FD80]  }
0x390: {  	v44 =	vld [tilespmem:$0x1FD40]  }
0x391: {  	v39 =	vld [tilespmem:$0x1FD00]  }
0x392: {  	v35 =	vld [tilespmem:$0x1FCC0]  }
0x393: {  	v7 =	vld [tilespmem:$0x1FEF0]  }
0x394: {  	v63 =	vld [tilespmem:$0x1FEB0]  }
0x395: {  	v49 =	vld [tilespmem:$0x1FD90]  }
0x396: {  	v45 =	vld [tilespmem:$0x1FD50]  }
0x397: {  	[sflag:s31] =	ssyncset.done $0x0;
	v41 =	vld [tilespmem:$0x1FD10]  }
0x398: {  	v36 =	vld [tilespmem:$0x1FCD0];
	[sflag:s31] =	ssyncadd.s32 $0xFFFFFF80  }
0x399: {  	v21 =	vld [tilespmem:$0x0]  }
0x39a: {  	v23 =	vld [tilespmem:$0x80]  }
0x39b: {  	v24 =	vld [tilespmem:$0x10]  }
0x39c: {  	v25 =	vld [tilespmem:$0x90]  }
0x39d: {  	v26 =	vld [tilespmem:$0x20]  }
0x39e: {  	v27 =	vld [tilespmem:$0xA0]  }
0x39f: {  	v54 =	vld [tilespmem:$0xB0];
	v21 =	vadd.s32 v2, v21  }
0x3a0: {  	[tilespmem:$0x100] =	vst v21;
	v21 =	vadd.s32 v2, v23;
	v23 =	vld [tilespmem:$0x30]  }
0x3a1: {  	v55 =	vld [tilespmem:$0x40];
	[tilespmem:$0x180] =	vst v21;
	v21 =	vadd.s32 v2, v24  }
0x3a2: {  	v56 =	vld [tilespmem:$0xC0];
	[tilespmem:$0x110] =	vst v21;
	v21 =	vadd.s32 v2, v25  }
0x3a3: {  	v57 =	vld [tilespmem:$0x50];
	[tilespmem:$0x190] =	vst v21;
	v21 =	vadd.s32 v2, v26  }
0x3a4: {  	v58 =	vld [tilespmem:$0x60];
	[tilespmem:$0x120] =	vst v21;
	v21 =	vadd.s32 v2, v27  }
0x3a5: {  	[tilespmem:$0x1A0] =	vst v21;
	v21 =	vadd.s32 v2, v23;
	v23 =	vld [tilespmem:$0xD0]  }
0x3a6: {  	v59 =	vld [tilespmem:$0xE0];
	[tilespmem:$0x130] =	vst v21;
	v21 =	vadd.s32 v2, v54  }
0x3a7: {  	v24 =	vld [tilespmem:$0x1FC20];
	[tilespmem:$0x1B0] =	vst v21;
	v21 =	vadd.s32 v2, v55  }
0x3a8: {  	v26 =	vld [tilespmem:$0x70];
	[tilespmem:$0x140] =	vst v21;
	v21 =	vadd.s32 v2, v56  }
0x3a9: {  	v27 =	vld [tilespmem:$0xF0];
	[tilespmem:$0x1C0] =	vst v21;
	v21 =	vadd.s32 v2, v57  }
0x3aa: {  	v25 =	vld [tilespmem:$0x1FC40];
	[tilespmem:$0x150] =	vst v21;
	v21 =	vadd.s32 v2, v23  }
0x3ab: {  	v54 =	vld [tilespmem:$0x1FDD0];
	[tilespmem:$0x1D0] =	vst v21;
	v21 =	vadd.s32 v2, v58  }
0x3ac: {  	v55 =	vld [tilespmem:$0x1FDE0];
	[tilespmem:$0x160] =	vst v21;
	v21 =	vadd.s32 v2, v59  }
0x3ad: {  	v56 =	vld [tilespmem:$0x1FDF0];
	[tilespmem:$0x1E0] =	vst v21;
	v21 =	vadd.s32 v2, v26  }
0x3ae: {  	v57 =	vld [tilespmem:$0x1FE00];
	[tilespmem:$0x170] =	vst v21;
	v21 =	vadd.s32 v2, v27  }
0x3af: {  	v23 =	vld [tilespmem:$0x1FC30];
	[tilespmem:$0x1F0] =	vst v21  }
0x3b0: {  	v58 =	vld [tilespmem:$0x1FE90];
	[tilespmem:s2], [sflag:$0x1] =	stream.indirect.gather [hbm4b:s4+s29], $0x14, s0, s29, $0xb8  }
0x3b1: {  	v59 =	vld [tilespmem:$0x1FE10]  }
0x3b2: {  	v26 =	vld [tilespmem:$0x1FC50];
	[tilespmem:s7], [sflag:$0x2] =	stream.indirect.gather [hbm4b:s4+s29], $0x14, s5, s29, $0xb8  }
0x3b3: {  	v27 =	vld [tilespmem:$0x1FC90];
	_ =	swait.ge [sflag:s30], $0xA00  }
0x3b4: {  	[sflag:s30] =	ssyncset.done $0x0  }
0x3b5: {  	[sflag:s30] =	ssyncadd.s32 $0xFFFFF600  }
0x3b6: {  	_ =	swait.ge [sflag:s31], $0xA00  }
0x3b7: {  	[sflag:s31] =	ssyncset.done $0x0  }
0x3b8: {  	[sflag:s31] =	ssyncadd.s32 $0xFFFFF600  }
0x3b9: {  	v21 =	vld.idx.msk [tilespmem:v24+s2+$0x0], $0xffff  }
0x3ba: {  	v23 =	vld.idx.msk [tilespmem:v23+s7+$0x0], $0xffff;
	_ =	sdelay $0x4  }
0x3bb: {  	v21 =	vadd.f32 v23, v21;
	_ =	sdelay $0x1  }
0x3bc: {  	v23 =	vmul.f32 $2.000000030e-01, v21  }
0x3bd: {  	vm0 =	vgt.f32 v21, $0.0e+00  }
0x3be: {  	v21 =	vsel vm0, v21, v23  }
0x3bf: {  	v21 =	vmul.f32 $1.442695020e+00, v21;
	_ =	sdelay $0x1  }
0x3c0: {  	(erf) = vpow2.f32 v21;
	_ =	sdelay $0x8  }
0x3c1: {  	v21 =	vpop (erf)  }
0x3c2: {  	[tilespmem:v24+s8+$0x0] =	vst.idx.msk $0xffff, v21  }
0x3c3: {  	v23 =	vld.idx.msk [tilespmem:v0+s2+$0x0], $0xffff;
	_ =	sdelay $0x4  }
0x3c4: {  	v23 =	vmul.f32 v21, v23;
	_ =	sdelay $0x1  }
0x3c5: {  	[tilespmem:v0+s8+$0x0] =	vst.idx.msk $0xffff, v23  }
0x3c6: {  	v23 =	vld.idx.msk [tilespmem:v25+s2+$0x0], $0xffff;
	_ =	sdelay $0x4  }
0x3c7: {  	v23 =	vmul.f32 v21, v23;
	_ =	sdelay $0x1  }
0x3c8: {  	[tilespmem:v25+s8+$0x0] =	vst.idx.msk $0xffff, v23  }
0x3c9: {  	v23 =	vld.idx.msk [tilespmem:v26+s2+$0x0], $0xffff;
	_ =	sdelay $0x4  }
0x3ca: {  	v23 =	vmul.f32 v23, v21;
	_ =	sdelay $0x1  }
0x3cb: {  	[tilespmem:v26+s8+$0x0] =	vst.idx.msk $0xffff, v23  }
0x3cc: {  	v23 =	vld.idx.msk [tilespmem:v28+s2+$0x0], $0xffff;
	_ =	sdelay $0x4  }
0x3cd: {  	v23 =	vmul.f32 v23, v21;
	_ =	sdelay $0x1  }
0x3ce: {  	[tilespmem:v28+s8+$0x0] =	vst.idx.msk $0xffff, v23  }
0x3cf: {  	v23 =	vld.idx.msk [tilespmem:v29+s2+$0x0], $0xffff;
	_ =	sdelay $0x4  }
0x3d0: {  	v23 =	vmul.f32 v23, v21;
	_ =	sdelay $0x1  }
0x3d1: {  	[tilespmem:v29+s8+$0x0] =	vst.idx.msk $0xffff, v23  }
0x3d2: {  	v23 =	vld.idx.msk [tilespmem:v30+s2+$0x0], $0xffff;
	_ =	sdelay $0x4  }
0x3d3: {  	v23 =	vmul.f32 v23, v21;
	_ =	sdelay $0x1  }
0x3d4: {  	[tilespmem:v30+s8+$0x0] =	vst.idx.msk $0xffff, v23  }
0x3d5: {  	v23 =	vld.idx.msk [tilespmem:v27+s2+$0x0], $0xffff;
	_ =	sdelay $0x4  }
0x3d6: {  	v23 =	vmul.f32 v23, v21;
	_ =	sdelay $0x1  }
0x3d7: {  	[tilespmem:v27+s8+$0x0] =	vst.idx.msk $0xffff, v23  }
0x3d8: {  	v23 =	vld.idx.msk [tilespmem:v33+s2+$0x0], $0xffff;
	_ =	sdelay $0x4  }
0x3d9: {  	v23 =	vmul.f32 v23, v21;
	_ =	sdelay $0x1  }
0x3da: {  	[tilespmem:v33+s8+$0x0] =	vst.idx.msk $0xffff, v23  }
0x3db: {  	v23 =	vld.idx.msk [tilespmem:v34+s2+$0x0], $0xffff;
	_ =	sdelay $0x4  }
0x3dc: {  	v23 =	vmul.f32 v23, v21;
	_ =	sdelay $0x1  }
0x3dd: {  	[tilespmem:v34+s8+$0x0] =	vst.idx.msk $0xffff, v23  }
0x3de: {  	v23 =	vld.idx.msk [tilespmem:v35+s2+$0x0], $0xffff;
	_ =	sdelay $0x4  }
0x3df: {  	v23 =	vmul.f32 v23, v21;
	_ =	sdelay $0x1  }
0x3e0: {  	[tilespmem:v35+s8+$0x0] =	vst.idx.msk $0xffff, v23  }
0x3e1: {  	v23 =	vld.idx.msk [tilespmem:v36+s2+$0x0], $0xffff;
	_ =	sdelay $0x4  }
0x3e2: {  	v23 =	vmul.f32 v23, v21;
	_ =	sdelay $0x1  }
0x3e3: {  	[tilespmem:v36+s8+$0x0] =	vst.idx.msk $0xffff, v23  }
0x3e4: {  	v23 =	vld.idx.msk [tilespmem:v37+s2+$0x0], $0xffff;
	_ =	sdelay $0x4  }
0x3e5: {  	v23 =	vmul.f32 v23, v21;
	_ =	sdelay $0x1  }
0x3e6: {  	[tilespmem:v37+s8+$0x0] =	vst.idx.msk $0xffff, v23  }
0x3e7: {  	v23 =	vld.idx.msk [tilespmem:v38+s2+$0x0], $0xffff;
	_ =	sdelay $0x4  }
0x3e8: {  	v23 =	vmul.f32 v23, v21;
	_ =	sdelay $0x1  }
0x3e9: {  	[tilespmem:v38+s8+$0x0] =	vst.idx.msk $0xffff, v23  }
0x3ea: {  	v23 =	vld.idx.msk [tilespmem:v39+s2+$0x0], $0xffff;
	_ =	sdelay $0x4  }
0x3eb: {  	v23 =	vmul.f32 v23, v21;
	_ =	sdelay $0x1  }
0x3ec: {  	[tilespmem:v39+s8+$0x0] =	vst.idx.msk $0xffff, v23  }
0x3ed: {  	v23 =	vld.idx.msk [tilespmem:v41+s2+$0x0], $0xffff;
	_ =	sdelay $0x4  }
0x3ee: {  	v23 =	vmul.f32 v23, v21;
	_ =	sdelay $0x1  }
0x3ef: {  	[tilespmem:v41+s8+$0x0] =	vst.idx.msk $0xffff, v23  }
0x3f0: {  	v23 =	vld.idx.msk [tilespmem:v42+s2+$0x0], $0xffff;
	_ =	sdelay $0x4  }
0x3f1: {  	v21 =	vmul.f32 v23, v21;
	_ =	sdelay $0x1  }
0x3f2: {  	[tilespmem:v42+s8+$0x0] =	vst.idx.msk $0xffff, v21  }
0x3f3: {  	v21 =	vld.idx.msk [tilespmem:v43+s2+$0x0], $0xffff  }
0x3f4: {  	v23 =	vld.idx.msk [tilespmem:v44+s7+$0x0], $0xffff;
	_ =	sdelay $0x4  }
0x3f5: {  	v21 =	vadd.f32 v23, v21;
	_ =	sdelay $0x1  }
0x3f6: {  	v23 =	vmul.f32 $2.000000030e-01, v21  }
0x3f7: {  	vm9 =	vgt.f32 v21, $0.0e+00  }
0x3f8: {  	v21 =	vsel vm9, v21, v23  }
0x3f9: {  	v21 =	vmul.f32 $1.442695020e+00, v21;
	_ =	sdelay $0x1  }
0x3fa: {  	(erf) = vpow2.f32 v21;
	_ =	sdelay $0x8  }
0x3fb: {  	v21 =	vpop (erf)  }
0x3fc: {  	[tilespmem:v43+s8+$0x0] =	vst.idx.msk $0xffff, v21  }
0x3fd: {  	v23 =	vld.idx.msk [tilespmem:v45+s2+$0x0], $0xffff;
	_ =	sdelay $0x4  }
0x3fe: {  	v23 =	vmul.f32 v21, v23;
	_ =	sdelay $0x1  }
0x3ff: {  	[tilespmem:v45+s8+$0x0] =	vst.idx.msk $0xffff, v23  }
0x400: {  	v23 =	vld.idx.msk [tilespmem:v46+s2+$0x0], $0xffff;
	_ =	sdelay $0x4  }
0x401: {  	v23 =	vmul.f32 v21, v23;
	_ =	sdelay $0x1  }
0x402: {  	[tilespmem:v46+s8+$0x0] =	vst.idx.msk $0xffff, v23  }
0x403: {  	v23 =	vld.idx.msk [tilespmem:v47+s2+$0x0], $0xffff;
	_ =	sdelay $0x4  }
0x404: {  	v23 =	vmul.f32 v23, v21;
	_ =	sdelay $0x1  }
0x405: {  	[tilespmem:v47+s8+$0x0] =	vst.idx.msk $0xffff, v23  }
0x406: {  	v23 =	vld.idx.msk [tilespmem:v48+s2+$0x0], $0xffff;
	_ =	sdelay $0x4  }
0x407: {  	v23 =	vmul.f32 v23, v21;
	_ =	sdelay $0x1  }
0x408: {  	[tilespmem:v48+s8+$0x0] =	vst.idx.msk $0xffff, v23  }
0x409: {  	v23 =	vld.idx.msk [tilespmem:v49+s2+$0x0], $0xffff;
	_ =	sdelay $0x4  }
0x40a: {  	v23 =	vmul.f32 v23, v21;
	_ =	sdelay $0x1  }
0x40b: {  	[tilespmem:v49+s8+$0x0] =	vst.idx.msk $0xffff, v23  }
0x40c: {  	v23 =	vld.idx.msk [tilespmem:v50+s2+$0x0], $0xffff;
	_ =	sdelay $0x4  }
0x40d: {  	v23 =	vmul.f32 v23, v21;
	_ =	sdelay $0x1  }
0x40e: {  	[tilespmem:v50+s8+$0x0] =	vst.idx.msk $0xffff, v23  }
0x40f: {  	v23 =	vld.idx.msk [tilespmem:v52+s2+$0x0], $0xffff;
	_ =	sdelay $0x4  }
0x410: {  	v23 =	vmul.f32 v23, v21;
	_ =	sdelay $0x1  }
0x411: {  	[tilespmem:v52+s8+$0x0] =	vst.idx.msk $0xffff, v23  }
0x412: {  	v23 =	vld.idx.msk [tilespmem:v53+s2+$0x0], $0xffff;
	_ =	sdelay $0x4  }
0x413: {  	v23 =	vmul.f32 v23, v21;
	_ =	sdelay $0x1  }
0x414: {  	[tilespmem:v53+s8+$0x0] =	vst.idx.msk $0xffff, v23  }
0x415: {  	v23 =	vld.idx.msk [tilespmem:v54+s2+$0x0], $0xffff;
	_ =	sdelay $0x4  }
0x416: {  	v23 =	vmul.f32 v23, v21;
	_ =	sdelay $0x1  }
0x417: {  	[tilespmem:v54+s8+$0x0] =	vst.idx.msk $0xffff, v23  }
0x418: {  	v23 =	vld.idx.msk [tilespmem:v55+s2+$0x0], $0xffff;
	_ =	sdelay $0x4  }
0x419: {  	v23 =	vmul.f32 v23, v21;
	_ =	sdelay $0x1  }
0x41a: {  	[tilespmem:v55+s8+$0x0] =	vst.idx.msk $0xffff, v23  }
0x41b: {  	v23 =	vld.idx.msk [tilespmem:v56+s2+$0x0], $0xffff;
	_ =	sdelay $0x4  }
0x41c: {  	v23 =	vmul.f32 v23, v21;
	_ =	sdelay $0x1  }
0x41d: {  	[tilespmem:v56+s8+$0x0] =	vst.idx.msk $0xffff, v23  }
0x41e: {  	v23 =	vld.idx.msk [tilespmem:v57+s2+$0x0], $0xffff;
	_ =	sdelay $0x4  }
0x41f: {  	v23 =	vmul.f32 v23, v21;
	_ =	sdelay $0x1  }
0x420: {  	[tilespmem:v57+s8+$0x0] =	vst.idx.msk $0xffff, v23  }
0x421: {  	v23 =	vld.idx.msk [tilespmem:v59+s2+$0x0], $0xffff;
	_ =	sdelay $0x4  }
0x422: {  	v23 =	vmul.f32 v23, v21;
	_ =	sdelay $0x1  }
0x423: {  	[tilespmem:v59+s8+$0x0] =	vst.idx.msk $0xffff, v23  }
0x424: {  	v23 =	vld.idx.msk [tilespmem:v60+s2+$0x0], $0xffff;
	_ =	sdelay $0x4  }
0x425: {  	v23 =	vmul.f32 v23, v21;
	_ =	sdelay $0x1  }
0x426: {  	[tilespmem:v60+s8+$0x0] =	vst.idx.msk $0xffff, v23  }
0x427: {  	v23 =	vld.idx.msk [tilespmem:v13+s2+$0x0], $0xffff;
	_ =	sdelay $0x4  }
0x428: {  	v23 =	vmul.f32 v23, v21;
	_ =	sdelay $0x1  }
0x429: {  	[tilespmem:v13+s8+$0x0] =	vst.idx.msk $0xffff, v23  }
0x42a: {  	v23 =	vld.idx.msk [tilespmem:v32+s2+$0x0], $0xffff;
	_ =	sdelay $0x4  }
0x42b: {  	v21 =	vmul.f32 v23, v21;
	_ =	sdelay $0x1  }
0x42c: {  	[tilespmem:v32+s8+$0x0] =	vst.idx.msk $0xffff, v21  }
0x42d: {  	v21 =	vld.idx.msk [tilespmem:v51+s2+$0x0], $0xffff  }
0x42e: {  	v23 =	vld.idx.msk [tilespmem:v61+s7+$0x0], $0xffff;
	_ =	sdelay $0x4  }
0x42f: {  	v21 =	vadd.f32 v23, v21;
	_ =	sdelay $0x1  }
0x430: {  	v23 =	vmul.f32 $2.000000030e-01, v21  }
0x431: {  	vm10 =	vgt.f32 v21, $0.0e+00  }
0x432: {  	v21 =	vsel vm10, v21, v23  }
0x433: {  	v21 =	vmul.f32 $1.442695020e+00, v21;
	_ =	sdelay $0x1  }
0x434: {  	(erf) = vpow2.f32 v21;
	_ =	sdelay $0x8  }
0x435: {  	v21 =	vpop (erf)  }
0x436: {  	[tilespmem:v51+s8+$0x0] =	vst.idx.msk $0xffff, v21  }
0x437: {  	v23 =	vld.idx.msk [tilespmem:v22+s2+$0x0], $0xffff;
	_ =	sdelay $0x4  }
0x438: {  	v23 =	vmul.f32 v21, v23;
	_ =	sdelay $0x1  }
0x439: {  	[tilespmem:v22+s8+$0x0] =	vst.idx.msk $0xffff, v23  }
0x43a: {  	v23 =	vld.idx.msk [tilespmem:v40+s2+$0x0], $0xffff;
	_ =	sdelay $0x4  }
0x43b: {  	v23 =	vmul.f32 v21, v23;
	_ =	sdelay $0x1  }
0x43c: {  	[tilespmem:v40+s8+$0x0] =	vst.idx.msk $0xffff, v23  }
0x43d: {  	v23 =	vld.idx.msk [tilespmem:v58+s2+$0x0], $0xffff;
	_ =	sdelay $0x4  }
0x43e: {  	v23 =	vmul.f32 v23, v21;
	_ =	sdelay $0x1  }
0x43f: {  	[tilespmem:v58+s8+$0x0] =	vst.idx.msk $0xffff, v23  }
0x440: {  	v23 =	vld.idx.msk [tilespmem:v62+s2+$0x0], $0xffff;
	_ =	sdelay $0x4  }
0x441: {  	v23 =	vmul.f32 v23, v21;
	_ =	sdelay $0x1  }
0x442: {  	[tilespmem:v62+s8+$0x0] =	vst.idx.msk $0xffff, v23  }
0x443: {  	v23 =	vld.idx.msk [tilespmem:v63+s2+$0x0], $0xffff;
	_ =	sdelay $0x4  }
0x444: {  	v23 =	vmul.f32 v23, v21;
	_ =	sdelay $0x1  }
0x445: {  	[tilespmem:v63+s8+$0x0] =	vst.idx.msk $0xffff, v23  }
0x446: {  	v23 =	vld.idx.msk [tilespmem:v4+s2+$0x0], $0xffff;
	_ =	sdelay $0x4  }
0x447: {  	v23 =	vmul.f32 v23, v21;
	_ =	sdelay $0x1  }
0x448: {  	[tilespmem:v4+s8+$0x0] =	vst.idx.msk $0xffff, v23  }
0x449: {  	v23 =	vld.idx.msk [tilespmem:v5+s2+$0x0], $0xffff;
	_ =	sdelay $0x4  }
0x44a: {  	v23 =	vmul.f32 v23, v21;
	_ =	sdelay $0x1  }
0x44b: {  	[tilespmem:v5+s8+$0x0] =	vst.idx.msk $0xffff, v23  }
0x44c: {  	v23 =	vld.idx.msk [tilespmem:v6+s2+$0x0], $0xffff;
	_ =	sdelay $0x4  }
0x44d: {  	v23 =	vmul.f32 v23, v21;
	_ =	sdelay $0x1  }
0x44e: {  	v13 =	vld [tilespmem:$0x1FF00];
	[tilespmem:v6+s8+$0x0] =	vst.idx.msk $0xffff, v23  }
0x44f: {  	v23 =	vld.idx.msk [tilespmem:v7+s2+$0x0], $0xffff;
	_ =	sdelay $0x4  }
0x450: {  	v23 =	vmul.f32 v23, v21;
	_ =	sdelay $0x1  }
0x451: {  	[tilespmem:v7+s8+$0x0] =	vst.idx.msk $0xffff, v23  }
0x452: {  	v23 =	vld.idx.msk [tilespmem:v13+s2+$0x0], $0xffff;
	_ =	sdelay $0x4  }
0x453: {  	v23 =	vmul.f32 v23, v21;
	_ =	sdelay $0x1  }
0x454: {  	[tilespmem:v13+s8+$0x0] =	vst.idx.msk $0xffff, v23;
	v13 =	vld [tilespmem:$0x1FF10];
	_ =	sdelay $0x7  }
0x455: {  	v23 =	vld.idx.msk [tilespmem:v13+s2+$0x0], $0xffff;
	_ =	sdelay $0x4  }
0x456: {  	v23 =	vmul.f32 v23, v21;
	_ =	sdelay $0x1  }
0x457: {  	[tilespmem:v13+s8+$0x0] =	vst.idx.msk $0xffff, v23;
	v13 =	vld [tilespmem:$0x1FF20];
	_ =	sdelay $0x7  }
0x458: {  	v23 =	vld.idx.msk [tilespmem:v13+s2+$0x0], $0xffff;
	_ =	sdelay $0x4  }
0x459: {  	v23 =	vmul.f32 v23, v21;
	_ =	sdelay $0x1  }
0x45a: {  	[tilespmem:v13+s8+$0x0] =	vst.idx.msk $0xffff, v23;
	v13 =	vld [tilespmem:$0x1FF30];
	_ =	sdelay $0x7  }
0x45b: {  	v23 =	vld.idx.msk [tilespmem:v13+s2+$0x0], $0xffff;
	_ =	sdelay $0x4  }
0x45c: {  	v23 =	vmul.f32 v23, v21;
	_ =	sdelay $0x1  }
0x45d: {  	[tilespmem:v13+s8+$0x0] =	vst.idx.msk $0xffff, v23;
	v13 =	vld [tilespmem:$0x1FF40];
	_ =	sdelay $0x7  }
0x45e: {  	v23 =	vld.idx.msk [tilespmem:v13+s2+$0x0], $0xffff;
	_ =	sdelay $0x4  }
0x45f: {  	v23 =	vmul.f32 v23, v21;
	_ =	sdelay $0x1  }
0x460: {  	[tilespmem:v13+s8+$0x0] =	vst.idx.msk $0xffff, v23;
	v13 =	vld [tilespmem:$0x1FF50];
	_ =	sdelay $0x7  }
0x461: {  	v23 =	vld.idx.msk [tilespmem:v13+s2+$0x0], $0xffff;
	_ =	sdelay $0x4  }
0x462: {  	v23 =	vmul.f32 v23, v21;
	_ =	sdelay $0x1  }
0x463: {  	[tilespmem:v13+s8+$0x0] =	vst.idx.msk $0xffff, v23;
	v13 =	vld [tilespmem:$0x1FF60];
	_ =	sdelay $0x7  }
0x464: {  	v23 =	vld.idx.msk [tilespmem:v13+s2+$0x0], $0xffff;
	_ =	sdelay $0x4  }
0x465: {  	v21 =	vmul.f32 v23, v21  }
0x466: {  	v22 =	vld [tilespmem:$0x1FF80]  }
0x467: {  	[tilespmem:v13+s8+$0x0] =	vst.idx.msk $0xffff, v21;
	v13 =	vld [tilespmem:$0x1FF70];
	_ =	sdelay $0x6  }
0x468: {  	v23 =	vld.idx.msk [tilespmem:v22+s7+$0x0], $0xffff  }
0x469: {  	v21 =	vld.idx.msk [tilespmem:v13+s2+$0x0], $0xffff;
	_ =	sdelay $0x4  }
0x46a: {  	v21 =	vadd.f32 v23, v21;
	_ =	sdelay $0x1  }
0x46b: {  	v23 =	vmul.f32 $2.000000030e-01, v21  }
0x46c: {  	vm11 =	vgt.f32 v21, $0.0e+00  }
0x46d: {  	v21 =	vsel vm11, v21, v23  }
0x46e: {  	v21 =	vmul.f32 $1.442695020e+00, v21;
	_ =	sdelay $0x1  }
0x46f: {  	(erf) = vpow2.f32 v21;
	_ =	sdelay $0x8  }
0x470: {  	v21 =	vpop (erf)  }
0x471: {  	[tilespmem:v13+s8+$0x0] =	vst.idx.msk $0xffff, v21;
	v13 =	vld [tilespmem:$0x1FF90];
	_ =	sdelay $0x7  }
0x472: {  	v23 =	vld.idx.msk [tilespmem:v13+s2+$0x0], $0xffff;
	_ =	sdelay $0x4  }
0x473: {  	v23 =	vmul.f32 v21, v23;
	_ =	sdelay $0x1  }
0x474: {  	[tilespmem:v13+s8+$0x0] =	vst.idx.msk $0xffff, v23;
	v13 =	vld [tilespmem:$0x1FFA0];
	_ =	sdelay $0x7  }
0x475: {  	v23 =	vld.idx.msk [tilespmem:v13+s2+$0x0], $0xffff;
	_ =	sdelay $0x4  }
0x476: {  	v23 =	vmul.f32 v21, v23;
	_ =	sdelay $0x1  }
0x477: {  	[tilespmem:v13+s8+$0x0] =	vst.idx.msk $0xffff, v23;
	v13 =	vld [tilespmem:$0x1FFB0];
	_ =	sdelay $0x7  }
0x478: {  	v23 =	vld.idx.msk [tilespmem:v13+s2+$0x0], $0xffff;
	_ =	sdelay $0x4  }
0x479: {  	v23 =	vmul.f32 v23, v21;
	_ =	sdelay $0x1  }
0x47a: {  	[tilespmem:v13+s8+$0x0] =	vst.idx.msk $0xffff, v23;
	v13 =	vld [tilespmem:$0x1FFC0];
	_ =	sdelay $0x7  }
0x47b: {  	v23 =	vld.idx.msk [tilespmem:v13+s2+$0x0], $0xffff;
	_ =	sdelay $0x4  }
0x47c: {  	v23 =	vmul.f32 v23, v21;
	_ =	sdelay $0x1  }
0x47d: {  	[tilespmem:v13+s8+$0x0] =	vst.idx.msk $0xffff, v23;
	v13 =	vld [tilespmem:$0x1FFD0];
	_ =	sdelay $0x7  }
0x47e: {  	v23 =	vld.idx.msk [tilespmem:v13+s2+$0x0], $0xffff;
	_ =	sdelay $0x4  }
0x47f: {  	v23 =	vmul.f32 v23, v21;
	_ =	sdelay $0x1  }
0x480: {  	[tilespmem:v13+s8+$0x0] =	vst.idx.msk $0xffff, v23;
	v13 =	vld [tilespmem:$0x1FAB0];
	_ =	sdelay $0x7  }
0x481: {  	v23 =	vld.idx.msk [tilespmem:v13+s2+$0x0], $0xffff;
	_ =	sdelay $0x4  }
0x482: {  	v23 =	vmul.f32 v23, v21;
	_ =	sdelay $0x1  }
0x483: {  	[tilespmem:v13+s8+$0x0] =	vst.idx.msk $0xffff, v23;
	v13 =	vld [tilespmem:$0x1FAC0];
	_ =	sdelay $0x7  }
0x484: {  	v23 =	vld.idx.msk [tilespmem:v13+s2+$0x0], $0xffff;
	_ =	sdelay $0x4  }
0x485: {  	v23 =	vmul.f32 v23, v21;
	_ =	sdelay $0x1  }
0x486: {  	[tilespmem:v13+s8+$0x0] =	vst.idx.msk $0xffff, v23;
	v13 =	vld [tilespmem:$0x1FAD0];
	_ =	sdelay $0x7  }
0x487: {  	v23 =	vld.idx.msk [tilespmem:v13+s2+$0x0], $0xffff;
	_ =	sdelay $0x4  }
0x488: {  	v23 =	vmul.f32 v23, v21;
	_ =	sdelay $0x1  }
0x489: {  	[tilespmem:v13+s8+$0x0] =	vst.idx.msk $0xffff, v23;
	v13 =	vld [tilespmem:$0x1FAE0];
	_ =	sdelay $0x7  }
0x48a: {  	v23 =	vld.idx.msk [tilespmem:v13+s2+$0x0], $0xffff;
	_ =	sdelay $0x4  }
0x48b: {  	v23 =	vmul.f32 v23, v21;
	_ =	sdelay $0x1  }
0x48c: {  	[tilespmem:v13+s8+$0x0] =	vst.idx.msk $0xffff, v23;
	v13 =	vld [tilespmem:$0x1FAF0];
	_ =	sdelay $0x7  }
0x48d: {  	v23 =	vld.idx.msk [tilespmem:v13+s2+$0x0], $0xffff;
	_ =	sdelay $0x4  }
0x48e: {  	v23 =	vmul.f32 v23, v21;
	_ =	sdelay $0x1  }
0x48f: {  	[tilespmem:v13+s8+$0x0] =	vst.idx.msk $0xffff, v23;
	v13 =	vld [tilespmem:$0x1FB00];
	_ =	sdelay $0x7  }
0x490: {  	v23 =	vld.idx.msk [tilespmem:v13+s2+$0x0], $0xffff;
	_ =	sdelay $0x4  }
0x491: {  	v23 =	vmul.f32 v23, v21;
	_ =	sdelay $0x1  }
0x492: {  	[tilespmem:v13+s8+$0x0] =	vst.idx.msk $0xffff, v23;
	v13 =	vld [tilespmem:$0x1FB10];
	_ =	sdelay $0x7  }
0x493: {  	v23 =	vld.idx.msk [tilespmem:v13+s2+$0x0], $0xffff;
	_ =	sdelay $0x4  }
0x494: {  	v23 =	vmul.f32 v23, v21;
	_ =	sdelay $0x1  }
0x495: {  	[tilespmem:v13+s8+$0x0] =	vst.idx.msk $0xffff, v23;
	v13 =	vld [tilespmem:$0x1FB20];
	_ =	sdelay $0x7  }
0x496: {  	v23 =	vld.idx.msk [tilespmem:v13+s2+$0x0], $0xffff;
	_ =	sdelay $0x4  }
0x497: {  	v23 =	vmul.f32 v23, v21;
	_ =	sdelay $0x1  }
0x498: {  	[tilespmem:v13+s8+$0x0] =	vst.idx.msk $0xffff, v23;
	v13 =	vld [tilespmem:$0x1FB30];
	_ =	sdelay $0x7  }
0x499: {  	v23 =	vld.idx.msk [tilespmem:v13+s2+$0x0], $0xffff;
	_ =	sdelay $0x4  }
0x49a: {  	v23 =	vmul.f32 v23, v21;
	_ =	sdelay $0x1  }
0x49b: {  	[tilespmem:v13+s8+$0x0] =	vst.idx.msk $0xffff, v23;
	v13 =	vld [tilespmem:$0x1FB40];
	_ =	sdelay $0x7  }
0x49c: {  	v23 =	vld.idx.msk [tilespmem:v13+s2+$0x0], $0xffff;
	_ =	sdelay $0x4  }
0x49d: {  	v23 =	vmul.f32 v23, v21;
	_ =	sdelay $0x1  }
0x49e: {  	[tilespmem:v13+s8+$0x0] =	vst.idx.msk $0xffff, v23;
	v13 =	vld [tilespmem:$0x1FB50];
	_ =	sdelay $0x7  }
0x49f: {  	v23 =	vld.idx.msk [tilespmem:v13+s2+$0x0], $0xffff;
	_ =	sdelay $0x4  }
0x4a0: {  	v21 =	vmul.f32 v23, v21  }
0x4a1: {  	v22 =	vld [tilespmem:$0x1FB60]  }
0x4a2: {  	[tilespmem:v13+s8+$0x0] =	vst.idx.msk $0xffff, v21;
	v13 =	vld [tilespmem:$0x1FB70];
	_ =	sdelay $0x6  }
0x4a3: {  	v23 =	vld.idx.msk [tilespmem:v22+s7+$0x0], $0xffff  }
0x4a4: {  	v21 =	vld.idx.msk [tilespmem:v13+s2+$0x0], $0xffff;
	_ =	sdelay $0x4  }
0x4a5: {  	v21 =	vadd.f32 v23, v21;
	_ =	sdelay $0x1  }
0x4a6: {  	v23 =	vmul.f32 $2.000000030e-01, v21  }
0x4a7: {  	vm12 =	vgt.f32 v21, $0.0e+00  }
0x4a8: {  	v21 =	vsel vm12, v21, v23  }
0x4a9: {  	v21 =	vmul.f32 $1.442695020e+00, v21;
	_ =	sdelay $0x1  }
0x4aa: {  	(erf) = vpow2.f32 v21;
	_ =	sdelay $0x8  }
0x4ab: {  	v21 =	vpop (erf)  }
0x4ac: {  	[tilespmem:v13+s8+$0x0] =	vst.idx.msk $0xffff, v21;
	v13 =	vld [tilespmem:$0x1FB80];
	_ =	sdelay $0x7  }
0x4ad: {  	v23 =	vld.idx.msk [tilespmem:v13+s2+$0x0], $0xffff;
	_ =	sdelay $0x4  }
0x4ae: {  	v23 =	vmul.f32 v21, v23;
	_ =	sdelay $0x1  }
0x4af: {  	[tilespmem:v13+s8+$0x0] =	vst.idx.msk $0xffff, v23;
	v13 =	vld [tilespmem:$0x1FB90];
	_ =	sdelay $0x7  }
0x4b0: {  	v23 =	vld.idx.msk [tilespmem:v13+s2+$0x0], $0xffff;
	_ =	sdelay $0x4  }
0x4b1: {  	v23 =	vmul.f32 v21, v23;
	_ =	sdelay $0x1  }
0x4b2: {  	[tilespmem:v13+s8+$0x0] =	vst.idx.msk $0xffff, v23;
	v13 =	vld [tilespmem:$0x1FBA0];
	_ =	sdelay $0x7  }
0x4b3: {  	v23 =	vld.idx.msk [tilespmem:v13+s2+$0x0], $0xffff;
	_ =	sdelay $0x4  }
0x4b4: {  	v23 =	vmul.f32 v23, v21;
	_ =	sdelay $0x1  }
0x4b5: {  	[tilespmem:v13+s8+$0x0] =	vst.idx.msk $0xffff, v23;
	v13 =	vld [tilespmem:$0x1FBB0];
	_ =	sdelay $0x7  }
0x4b6: {  	v23 =	vld.idx.msk [tilespmem:v13+s2+$0x0], $0xffff;
	_ =	sdelay $0x4  }
0x4b7: {  	v23 =	vmul.f32 v23, v21;
	_ =	sdelay $0x1  }
0x4b8: {  	[tilespmem:v13+s8+$0x0] =	vst.idx.msk $0xffff, v23;
	v13 =	vld [tilespmem:$0x1FBC0];
	_ =	sdelay $0x7  }
0x4b9: {  	v23 =	vld.idx.msk [tilespmem:v13+s2+$0x0], $0xffff;
	_ =	sdelay $0x4  }
0x4ba: {  	v23 =	vmul.f32 v23, v21;
	_ =	sdelay $0x1  }
0x4bb: {  	[tilespmem:v13+s8+$0x0] =	vst.idx.msk $0xffff, v23;
	v13 =	vld [tilespmem:$0x1FBD0];
	_ =	sdelay $0x7  }
0x4bc: {  	v23 =	vld.idx.msk [tilespmem:v13+s2+$0x0], $0xffff;
	_ =	sdelay $0x4  }
0x4bd: {  	v23 =	vmul.f32 v23, v21;
	_ =	sdelay $0x1  }
0x4be: {  	[tilespmem:v13+s8+$0x0] =	vst.idx.msk $0xffff, v23;
	v13 =	vld [tilespmem:$0x1FBE0];
	_ =	sdelay $0x7  }
0x4bf: {  	v23 =	vld.idx.msk [tilespmem:v13+s2+$0x0], $0xffff;
	_ =	sdelay $0x4  }
0x4c0: {  	v23 =	vmul.f32 v23, v21;
	_ =	sdelay $0x1  }
0x4c1: {  	[tilespmem:v13+s8+$0x0] =	vst.idx.msk $0xffff, v23;
	v13 =	vld [tilespmem:$0x1FBF0];
	_ =	sdelay $0x7  }
0x4c2: {  	v23 =	vld.idx.msk [tilespmem:v13+s2+$0x0], $0xffff;
	_ =	sdelay $0x4  }
0x4c3: {  	v23 =	vmul.f32 v23, v21;
	_ =	sdelay $0x1  }
0x4c4: {  	[tilespmem:v13+s8+$0x0] =	vst.idx.msk $0xffff, v23;
	v13 =	vld [tilespmem:$0x1FC00];
	_ =	sdelay $0x7  }
0x4c5: {  	v23 =	vld.idx.msk [tilespmem:v13+s2+$0x0], $0xffff;
	_ =	sdelay $0x4  }
0x4c6: {  	v23 =	vmul.f32 v23, v21;
	_ =	sdelay $0x1  }
0x4c7: {  	[tilespmem:v13+s8+$0x0] =	vst.idx.msk $0xffff, v23;
	v13 =	vld [tilespmem:$0x1F7B0];
	_ =	sdelay $0x7  }
0x4c8: {  	v23 =	vld.idx.msk [tilespmem:v13+s2+$0x0], $0xffff;
	_ =	sdelay $0x4  }
0x4c9: {  	v23 =	vmul.f32 v23, v21;
	_ =	sdelay $0x1  }
0x4ca: {  	[tilespmem:v13+s8+$0x0] =	vst.idx.msk $0xffff, v23;
	v13 =	vld [tilespmem:$0x1F7C0];
	_ =	sdelay $0x7  }
0x4cb: {  	v23 =	vld.idx.msk [tilespmem:v13+s2+$0x0], $0xffff;
	_ =	sdelay $0x4  }
0x4cc: {  	v23 =	vmul.f32 v23, v21;
	_ =	sdelay $0x1  }
0x4cd: {  	[tilespmem:v13+s8+$0x0] =	vst.idx.msk $0xffff, v23;
	v13 =	vld [tilespmem:$0x1F7D0];
	_ =	sdelay $0x7  }
0x4ce: {  	v23 =	vld.idx.msk [tilespmem:v13+s2+$0x0], $0xffff;
	_ =	sdelay $0x4  }
0x4cf: {  	v23 =	vmul.f32 v23, v21;
	_ =	sdelay $0x1  }
0x4d0: {  	[tilespmem:v13+s8+$0x0] =	vst.idx.msk $0xffff, v23;
	v13 =	vld [tilespmem:$0x1F7E0];
	_ =	sdelay $0x7  }
0x4d1: {  	v23 =	vld.idx.msk [tilespmem:v13+s2+$0x0], $0xffff;
	_ =	sdelay $0x4  }
0x4d2: {  	v23 =	vmul.f32 v23, v21;
	_ =	sdelay $0x1  }
0x4d3: {  	[tilespmem:v13+s8+$0x0] =	vst.idx.msk $0xffff, v23;
	v13 =	vld [tilespmem:$0x1F7F0];
	_ =	sdelay $0x7  }
0x4d4: {  	v23 =	vld.idx.msk [tilespmem:v13+s2+$0x0], $0xffff;
	_ =	sdelay $0x4  }
0x4d5: {  	v23 =	vmul.f32 v23, v21;
	_ =	sdelay $0x1  }
0x4d6: {  	[tilespmem:v13+s8+$0x0] =	vst.idx.msk $0xffff, v23;
	v13 =	vld [tilespmem:$0x1F800];
	_ =	sdelay $0x7  }
0x4d7: {  	v23 =	vld.idx.msk [tilespmem:v13+s2+$0x0], $0xffff;
	_ =	sdelay $0x4  }
0x4d8: {  	v23 =	vmul.f32 v23, v21;
	_ =	sdelay $0x1  }
0x4d9: {  	[tilespmem:v13+s8+$0x0] =	vst.idx.msk $0xffff, v23;
	v13 =	vld [tilespmem:$0x1F810];
	_ =	sdelay $0x7  }
0x4da: {  	v23 =	vld.idx.msk [tilespmem:v13+s2+$0x0], $0xffff;
	_ =	sdelay $0x4  }
0x4db: {  	v21 =	vmul.f32 v23, v21  }
0x4dc: {  	v22 =	vld [tilespmem:$0x1FC10]  }
0x4dd: {  	[tilespmem:v13+s8+$0x0] =	vst.idx.msk $0xffff, v21;
	v13 =	vld [tilespmem:$0x1F820];
	_ =	sdelay $0x6  }
0x4de: {  	v23 =	vld.idx.msk [tilespmem:v22+s7+$0x0], $0xffff  }
0x4df: {  	v21 =	vld.idx.msk [tilespmem:v13+s2+$0x0], $0xffff;
	_ =	sdelay $0x4  }
0x4e0: {  	v21 =	vadd.f32 v23, v21;
	_ =	sdelay $0x1  }
0x4e1: {  	v23 =	vmul.f32 $2.000000030e-01, v21  }
0x4e2: {  	vm13 =	vgt.f32 v21, $0.0e+00  }
0x4e3: {  	v21 =	vsel vm13, v21, v23  }
0x4e4: {  	v21 =	vmul.f32 $1.442695020e+00, v21;
	_ =	sdelay $0x1  }
0x4e5: {  	(erf) = vpow2.f32 v21;
	_ =	sdelay $0x8  }
0x4e6: {  	v21 =	vpop (erf)  }
0x4e7: {  	[tilespmem:v13+s8+$0x0] =	vst.idx.msk $0xffff, v21;
	v13 =	vld [tilespmem:$0x1F830];
	_ =	sdelay $0x7  }
0x4e8: {  	v23 =	vld.idx.msk [tilespmem:v13+s2+$0x0], $0xffff;
	_ =	sdelay $0x4  }
0x4e9: {  	v23 =	vmul.f32 v21, v23;
	_ =	sdelay $0x1  }
0x4ea: {  	[tilespmem:v13+s8+$0x0] =	vst.idx.msk $0xffff, v23;
	v13 =	vld [tilespmem:$0x1F840];
	_ =	sdelay $0x7  }
0x4eb: {  	v23 =	vld.idx.msk [tilespmem:v13+s2+$0x0], $0xffff;
	_ =	sdelay $0x4  }
0x4ec: {  	v23 =	vmul.f32 v21, v23;
	_ =	sdelay $0x1  }
0x4ed: {  	[tilespmem:v13+s8+$0x0] =	vst.idx.msk $0xffff, v23;
	v13 =	vld [tilespmem:$0x1F850];
	_ =	sdelay $0x7  }
0x4ee: {  	v23 =	vld.idx.msk [tilespmem:v13+s2+$0x0], $0xffff;
	_ =	sdelay $0x4  }
0x4ef: {  	v23 =	vmul.f32 v23, v21;
	_ =	sdelay $0x1  }
0x4f0: {  	[tilespmem:v13+s8+$0x0] =	vst.idx.msk $0xffff, v23;
	v13 =	vld [tilespmem:$0x1F860];
	_ =	sdelay $0x7  }
0x4f1: {  	v23 =	vld.idx.msk [tilespmem:v13+s2+$0x0], $0xffff;
	_ =	sdelay $0x4  }
0x4f2: {  	v23 =	vmul.f32 v23, v21;
	_ =	sdelay $0x1  }
0x4f3: {  	[tilespmem:v13+s8+$0x0] =	vst.idx.msk $0xffff, v23;
	v13 =	vld [tilespmem:$0x1F870];
	_ =	sdelay $0x7  }
0x4f4: {  	v23 =	vld.idx.msk [tilespmem:v13+s2+$0x0], $0xffff;
	_ =	sdelay $0x4  }
0x4f5: {  	v23 =	vmul.f32 v23, v21;
	_ =	sdelay $0x1  }
0x4f6: {  	[tilespmem:v13+s8+$0x0] =	vst.idx.msk $0xffff, v23;
	v13 =	vld [tilespmem:$0x1F880];
	_ =	sdelay $0x7  }
0x4f7: {  	v23 =	vld.idx.msk [tilespmem:v13+s2+$0x0], $0xffff;
	_ =	sdelay $0x4  }
0x4f8: {  	v23 =	vmul.f32 v23, v21;
	_ =	sdelay $0x1  }
0x4f9: {  	[tilespmem:v13+s8+$0x0] =	vst.idx.msk $0xffff, v23;
	v13 =	vld [tilespmem:$0x1F890];
	_ =	sdelay $0x7  }
0x4fa: {  	v23 =	vld.idx.msk [tilespmem:v13+s2+$0x0], $0xffff;
	_ =	sdelay $0x4  }
0x4fb: {  	v23 =	vmul.f32 v23, v21;
	_ =	sdelay $0x1  }
0x4fc: {  	[tilespmem:v13+s8+$0x0] =	vst.idx.msk $0xffff, v23;
	v13 =	vld [tilespmem:$0x1F8A0];
	_ =	sdelay $0x7  }
0x4fd: {  	v23 =	vld.idx.msk [tilespmem:v13+s2+$0x0], $0xffff;
	_ =	sdelay $0x4  }
0x4fe: {  	v23 =	vmul.f32 v23, v21;
	_ =	sdelay $0x1  }
0x4ff: {  	[tilespmem:v13+s8+$0x0] =	vst.idx.msk $0xffff, v23;
	v13 =	vld [tilespmem:$0x1F8B0];
	_ =	sdelay $0x7  }
0x500: {  	v23 =	vld.idx.msk [tilespmem:v13+s2+$0x0], $0xffff;
	_ =	sdelay $0x4  }
0x501: {  	v23 =	vmul.f32 v23, v21;
	_ =	sdelay $0x1  }
0x502: {  	[tilespmem:v13+s8+$0x0] =	vst.idx.msk $0xffff, v23;
	v13 =	vld [tilespmem:$0x1F8C0];
	_ =	sdelay $0x7  }
0x503: {  	v23 =	vld.idx.msk [tilespmem:v13+s2+$0x0], $0xffff;
	_ =	sdelay $0x4  }
0x504: {  	v23 =	vmul.f32 v23, v21;
	_ =	sdelay $0x1  }
0x505: {  	[tilespmem:v13+s8+$0x0] =	vst.idx.msk $0xffff, v23;
	v13 =	vld [tilespmem:$0x1F8D0];
	_ =	sdelay $0x7  }
0x506: {  	v23 =	vld.idx.msk [tilespmem:v13+s2+$0x0], $0xffff;
	_ =	sdelay $0x4  }
0x507: {  	v23 =	vmul.f32 v23, v21;
	_ =	sdelay $0x1  }
0x508: {  	[tilespmem:v13+s8+$0x0] =	vst.idx.msk $0xffff, v23;
	v13 =	vld [tilespmem:$0x1F8E0];
	_ =	sdelay $0x7  }
0x509: {  	v23 =	vld.idx.msk [tilespmem:v13+s2+$0x0], $0xffff;
	_ =	sdelay $0x4  }
0x50a: {  	v23 =	vmul.f32 v23, v21;
	_ =	sdelay $0x1  }
0x50b: {  	[tilespmem:v13+s8+$0x0] =	vst.idx.msk $0xffff, v23;
	v13 =	vld [tilespmem:$0x1F8F0];
	_ =	sdelay $0x7  }
0x50c: {  	v23 =	vld.idx.msk [tilespmem:v13+s2+$0x0], $0xffff;
	_ =	sdelay $0x4  }
0x50d: {  	v23 =	vmul.f32 v23, v21;
	_ =	sdelay $0x1  }
0x50e: {  	[tilespmem:v13+s8+$0x0] =	vst.idx.msk $0xffff, v23;
	v13 =	vld [tilespmem:$0x1F900];
	_ =	sdelay $0x7  }
0x50f: {  	v23 =	vld.idx.msk [tilespmem:v13+s2+$0x0], $0xffff;
	_ =	sdelay $0x4  }
0x510: {  	v23 =	vmul.f32 v23, v21;
	_ =	sdelay $0x1  }
0x511: {  	[tilespmem:v13+s8+$0x0] =	vst.idx.msk $0xffff, v23;
	v13 =	vld [tilespmem:$0x1F910];
	_ =	sdelay $0x7  }
0x512: {  	v23 =	vld.idx.msk [tilespmem:v13+s2+$0x0], $0xffff;
	_ =	sdelay $0x4  }
0x513: {  	v23 =	vmul.f32 v23, v21;
	_ =	sdelay $0x1  }
0x514: {  	[tilespmem:v13+s8+$0x0] =	vst.idx.msk $0xffff, v23;
	v13 =	vld [tilespmem:$0x1F920];
	_ =	sdelay $0x7  }
0x515: {  	v23 =	vld.idx.msk [tilespmem:v13+s2+$0x0], $0xffff;
	_ =	sdelay $0x4  }
0x516: {  	v21 =	vmul.f32 v23, v21  }
0x517: {  	v22 =	vld [tilespmem:$0x1F940]  }
0x518: {  	[tilespmem:v13+s8+$0x0] =	vst.idx.msk $0xffff, v21;
	v13 =	vld [tilespmem:$0x1F930];
	_ =	sdelay $0x6  }
0x519: {  	v23 =	vld.idx.msk [tilespmem:v22+s7+$0x0], $0xffff  }
0x51a: {  	v21 =	vld.idx.msk [tilespmem:v13+s2+$0x0], $0xffff;
	_ =	sdelay $0x4  }
0x51b: {  	v21 =	vadd.f32 v23, v21;
	_ =	sdelay $0x1  }
0x51c: {  	v23 =	vmul.f32 $2.000000030e-01, v21  }
0x51d: {  	vm14 =	vgt.f32 v21, $0.0e+00  }
0x51e: {  	v21 =	vsel vm14, v21, v23  }
0x51f: {  	v21 =	vmul.f32 $1.442695020e+00, v21;
	_ =	sdelay $0x1  }
0x520: {  	(erf) = vpow2.f32 v21;
	_ =	sdelay $0x8  }
0x521: {  	v21 =	vpop (erf)  }
0x522: {  	[tilespmem:v13+s8+$0x0] =	vst.idx.msk $0xffff, v21;
	v13 =	vld [tilespmem:$0x1FAA0];
	_ =	sdelay $0x7  }
0x523: {  	v23 =	vld.idx.msk [tilespmem:v13+s2+$0x0], $0xffff;
	_ =	sdelay $0x4  }
0x524: {  	v23 =	vmul.f32 v21, v23;
	_ =	sdelay $0x1  }
0x525: {  	[tilespmem:v13+s8+$0x0] =	vst.idx.msk $0xffff, v23;
	v13 =	vld [tilespmem:$0x1FA90];
	_ =	sdelay $0x7  }
0x526: {  	v23 =	vld.idx.msk [tilespmem:v13+s2+$0x0], $0xffff;
	_ =	sdelay $0x4  }
0x527: {  	v23 =	vmul.f32 v21, v23;
	_ =	sdelay $0x1  }
0x528: {  	[tilespmem:v13+s8+$0x0] =	vst.idx.msk $0xffff, v23;
	v13 =	vld [tilespmem:$0x1FA80];
	_ =	sdelay $0x7  }
0x529: {  	v23 =	vld.idx.msk [tilespmem:v13+s2+$0x0], $0xffff;
	_ =	sdelay $0x4  }
0x52a: {  	v23 =	vmul.f32 v23, v21;
	_ =	sdelay $0x1  }
0x52b: {  	[tilespmem:v13+s8+$0x0] =	vst.idx.msk $0xffff, v23;
	v13 =	vld [tilespmem:$0x1FA70];
	_ =	sdelay $0x7  }
0x52c: {  	v23 =	vld.idx.msk [tilespmem:v13+s2+$0x0], $0xffff;
	_ =	sdelay $0x4  }
0x52d: {  	v23 =	vmul.f32 v23, v21;
	_ =	sdelay $0x1  }
0x52e: {  	[tilespmem:v13+s8+$0x0] =	vst.idx.msk $0xffff, v23;
	v13 =	vld [tilespmem:$0x1FA60];
	_ =	sdelay $0x7  }
0x52f: {  	v23 =	vld.idx.msk [tilespmem:v13+s2+$0x0], $0xffff;
	_ =	sdelay $0x4  }
0x530: {  	v23 =	vmul.f32 v23, v21;
	_ =	sdelay $0x1  }
0x531: {  	[tilespmem:v13+s8+$0x0] =	vst.idx.msk $0xffff, v23;
	v13 =	vld [tilespmem:$0x1FA50];
	_ =	sdelay $0x7  }
0x532: {  	v23 =	vld.idx.msk [tilespmem:v13+s2+$0x0], $0xffff;
	_ =	sdelay $0x4  }
0x533: {  	v23 =	vmul.f32 v23, v21;
	_ =	sdelay $0x1  }
0x534: {  	[tilespmem:v13+s8+$0x0] =	vst.idx.msk $0xffff, v23;
	v13 =	vld [tilespmem:$0x1FA40];
	_ =	sdelay $0x7  }
0x535: {  	v23 =	vld.idx.msk [tilespmem:v13+s2+$0x0], $0xffff;
	_ =	sdelay $0x4  }
0x536: {  	v23 =	vmul.f32 v23, v21;
	_ =	sdelay $0x1  }
0x537: {  	[tilespmem:v13+s8+$0x0] =	vst.idx.msk $0xffff, v23;
	v13 =	vld [tilespmem:$0x1FA30];
	_ =	sdelay $0x7  }
0x538: {  	v23 =	vld.idx.msk [tilespmem:v13+s2+$0x0], $0xffff;
	_ =	sdelay $0x4  }
0x539: {  	v23 =	vmul.f32 v23, v21;
	_ =	sdelay $0x1  }
0x53a: {  	[tilespmem:v13+s8+$0x0] =	vst.idx.msk $0xffff, v23;
	v13 =	vld [tilespmem:$0x1FA20];
	_ =	sdelay $0x7  }
0x53b: {  	v23 =	vld.idx.msk [tilespmem:v13+s2+$0x0], $0xffff;
	_ =	sdelay $0x4  }
0x53c: {  	v23 =	vmul.f32 v23, v21;
	_ =	sdelay $0x1  }
0x53d: {  	[tilespmem:v13+s8+$0x0] =	vst.idx.msk $0xffff, v23;
	v13 =	vld [tilespmem:$0x1FA10];
	_ =	sdelay $0x7  }
0x53e: {  	v23 =	vld.idx.msk [tilespmem:v13+s2+$0x0], $0xffff;
	_ =	sdelay $0x4  }
0x53f: {  	v23 =	vmul.f32 v23, v21;
	_ =	sdelay $0x1  }
0x540: {  	[tilespmem:v13+s8+$0x0] =	vst.idx.msk $0xffff, v23;
	v13 =	vld [tilespmem:$0x1FA00];
	_ =	sdelay $0x7  }
0x541: {  	v23 =	vld.idx.msk [tilespmem:v13+s2+$0x0], $0xffff;
	_ =	sdelay $0x4  }
0x542: {  	v23 =	vmul.f32 v23, v21;
	_ =	sdelay $0x1  }
0x543: {  	[tilespmem:v13+s8+$0x0] =	vst.idx.msk $0xffff, v23;
	v13 =	vld [tilespmem:$0x1F9F0];
	_ =	sdelay $0x7  }
0x544: {  	v23 =	vld.idx.msk [tilespmem:v13+s2+$0x0], $0xffff;
	_ =	sdelay $0x4  }
0x545: {  	v23 =	vmul.f32 v23, v21;
	_ =	sdelay $0x1  }
0x546: {  	[tilespmem:v13+s8+$0x0] =	vst.idx.msk $0xffff, v23;
	v13 =	vld [tilespmem:$0x1F9E0];
	_ =	sdelay $0x7  }
0x547: {  	v23 =	vld.idx.msk [tilespmem:v13+s2+$0x0], $0xffff;
	_ =	sdelay $0x4  }
0x548: {  	v23 =	vmul.f32 v23, v21;
	_ =	sdelay $0x1  }
0x549: {  	[tilespmem:v13+s8+$0x0] =	vst.idx.msk $0xffff, v23;
	v13 =	vld [tilespmem:$0x1F9D0];
	_ =	sdelay $0x7  }
0x54a: {  	v23 =	vld.idx.msk [tilespmem:v13+s2+$0x0], $0xffff;
	_ =	sdelay $0x4  }
0x54b: {  	v23 =	vmul.f32 v23, v21;
	_ =	sdelay $0x1  }
0x54c: {  	[tilespmem:v13+s8+$0x0] =	vst.idx.msk $0xffff, v23;
	v13 =	vld [tilespmem:$0x1F9C0];
	_ =	sdelay $0x7  }
0x54d: {  	v23 =	vld.idx.msk [tilespmem:v13+s2+$0x0], $0xffff;
	_ =	sdelay $0x4  }
0x54e: {  	v23 =	vmul.f32 v23, v21;
	_ =	sdelay $0x1  }
0x54f: {  	[tilespmem:v13+s8+$0x0] =	vst.idx.msk $0xffff, v23;
	v13 =	vld [tilespmem:$0x1F9B0];
	_ =	sdelay $0x7  }
0x550: {  	v23 =	vld.idx.msk [tilespmem:v13+s2+$0x0], $0xffff;
	_ =	sdelay $0x4  }
0x551: {  	v21 =	vmul.f32 v23, v21  }
0x552: {  	v22 =	vld [tilespmem:$0x1F990]  }
0x553: {  	[tilespmem:v13+s8+$0x0] =	vst.idx.msk $0xffff, v21;
	v13 =	vld [tilespmem:$0x1F9A0];
	_ =	sdelay $0x6  }
0x554: {  	v23 =	vld.idx.msk [tilespmem:v22+s7+$0x0], $0xffff  }
0x555: {  	v21 =	vld.idx.msk [tilespmem:v13+s2+$0x0], $0xffff;
	_ =	sdelay $0x4  }
0x556: {  	v21 =	vadd.f32 v23, v21;
	_ =	sdelay $0x1  }
0x557: {  	v23 =	vmul.f32 $2.000000030e-01, v21  }
0x558: {  	vm15 =	vgt.f32 v21, $0.0e+00  }
0x559: {  	v21 =	vsel vm15, v21, v23  }
0x55a: {  	v21 =	vmul.f32 $1.442695020e+00, v21;
	_ =	sdelay $0x1  }
0x55b: {  	(erf) = vpow2.f32 v21;
	_ =	sdelay $0x8  }
0x55c: {  	v21 =	vpop (erf)  }
0x55d: {  	[tilespmem:v13+s8+$0x0] =	vst.idx.msk $0xffff, v21;
	v13 =	vld [tilespmem:$0x1F980];
	_ =	sdelay $0x7  }
0x55e: {  	v23 =	vld.idx.msk [tilespmem:v13+s2+$0x0], $0xffff;
	_ =	sdelay $0x4  }
0x55f: {  	v23 =	vmul.f32 v21, v23;
	_ =	sdelay $0x1  }
0x560: {  	[tilespmem:v13+s8+$0x0] =	vst.idx.msk $0xffff, v23  }
0x561: {  	v23 =	vld.idx.msk [tilespmem:v3+s2+$0x0], $0xffff;
	_ =	sdelay $0x4  }
0x562: {  	v23 =	vmul.f32 v21, v23;
	_ =	sdelay $0x1  }
0x563: {  	[tilespmem:v3+s8+$0x0] =	vst.idx.msk $0xffff, v23  }
0x564: {  	v23 =	vld.idx.msk [tilespmem:v31+s2+$0x0], $0xffff;
	_ =	sdelay $0x4  }
0x565: {  	v23 =	vmul.f32 v23, v21;
	_ =	sdelay $0x1  }
0x566: {  	[tilespmem:v31+s8+$0x0] =	vst.idx.msk $0xffff, v23  }
0x567: {  	v23 =	vld.idx.msk [tilespmem:v1+s2+$0x0], $0xffff;
	_ =	sdelay $0x4  }
0x568: {  	v23 =	vmul.f32 v23, v21;
	_ =	sdelay $0x1  }
0x569: {  	[tilespmem:v1+s8+$0x0] =	vst.idx.msk $0xffff, v23  }
0x56a: {  	v23 =	vld.idx.msk [tilespmem:v8+s2+$0x0], $0xffff;
	_ =	sdelay $0x4  }
0x56b: {  	v23 =	vmul.f32 v23, v21;
	_ =	sdelay $0x1  }
0x56c: {  	[tilespmem:v8+s8+$0x0] =	vst.idx.msk $0xffff, v23  }
0x56d: {  	v23 =	vld.idx.msk [tilespmem:v9+s2+$0x0], $0xffff;
	_ =	sdelay $0x4  }
0x56e: {  	v23 =	vmul.f32 v23, v21;
	_ =	sdelay $0x1  }
0x56f: {  	[tilespmem:v9+s8+$0x0] =	vst.idx.msk $0xffff, v23  }
0x570: {  	v23 =	vld.idx.msk [tilespmem:v10+s2+$0x0], $0xffff;
	_ =	sdelay $0x4  }
0x571: {  	v23 =	vmul.f32 v23, v21;
	_ =	sdelay $0x1  }
0x572: {  	[tilespmem:v10+s8+$0x0] =	vst.idx.msk $0xffff, v23  }
0x573: {  	v23 =	vld.idx.msk [tilespmem:v11+s2+$0x0], $0xffff;
	_ =	sdelay $0x4  }
0x574: {  	v23 =	vmul.f32 v23, v21;
	_ =	sdelay $0x1  }
0x575: {  	[tilespmem:v11+s8+$0x0] =	vst.idx.msk $0xffff, v23  }
0x576: {  	v23 =	vld.idx.msk [tilespmem:v12+s2+$0x0], $0xffff;
	_ =	sdelay $0x4  }
0x577: {  	v23 =	vmul.f32 v23, v21;
	_ =	sdelay $0x1  }
0x578: {  	[tilespmem:v12+s8+$0x0] =	vst.idx.msk $0xffff, v23  }
0x579: {  	v23 =	vld.idx.msk [tilespmem:v14+s2+$0x0], $0xffff;
	_ =	sdelay $0x4  }
0x57a: {  	v23 =	vmul.f32 v23, v21;
	_ =	sdelay $0x1  }
0x57b: {  	[tilespmem:v14+s8+$0x0] =	vst.idx.msk $0xffff, v23  }
0x57c: {  	v23 =	vld.idx.msk [tilespmem:v15+s2+$0x0], $0xffff;
	_ =	sdelay $0x4  }
0x57d: {  	v23 =	vmul.f32 v23, v21;
	_ =	sdelay $0x1  }
0x57e: {  	[tilespmem:v15+s8+$0x0] =	vst.idx.msk $0xffff, v23  }
0x57f: {  	v23 =	vld.idx.msk [tilespmem:v16+s2+$0x0], $0xffff;
	_ =	sdelay $0x4  }
0x580: {  	v23 =	vmul.f32 v23, v21;
	_ =	sdelay $0x1  }
0x581: {  	[tilespmem:v16+s8+$0x0] =	vst.idx.msk $0xffff, v23  }
0x582: {  	v23 =	vld.idx.msk [tilespmem:v17+s2+$0x0], $0xffff;
	_ =	sdelay $0x4  }
0x583: {  	v23 =	vmul.f32 v23, v21;
	_ =	sdelay $0x1  }
0x584: {  	[tilespmem:v17+s8+$0x0] =	vst.idx.msk $0xffff, v23  }
0x585: {  	v23 =	vld.idx.msk [tilespmem:v18+s2+$0x0], $0xffff;
	_ =	sdelay $0x4  }
0x586: {  	v23 =	vmul.f32 v23, v21;
	_ =	sdelay $0x1  }
0x587: {  	[tilespmem:v18+s8+$0x0] =	vst.idx.msk $0xffff, v23  }
0x588: {  	v23 =	vld.idx.msk [tilespmem:v19+s2+$0x0], $0xffff;
	_ =	sdelay $0x4  }
0x589: {  	v23 =	vmul.f32 v23, v21;
	_ =	sdelay $0x1  }
0x58a: {  	[tilespmem:v19+s8+$0x0] =	vst.idx.msk $0xffff, v23  }
0x58b: {  	v23 =	vld.idx.msk [tilespmem:v20+s2+$0x0], $0xffff;
	_ =	sdelay $0x4  }
0x58c: {  	v21 =	vmul.f32 v23, v21  }
0x58d: {  	p0 =	sne.s32 s11, $0x18F0  }
.Ltmp3:
0x58e: {  	[tilespmem:v20+s8+$0x0] =	vst.idx.msk $0xffff, v21;
	(pc) =	sbr.rel @p0 .LBB2_8-.Ltmp3, $4  }
0x58f: {  	[spmem:s1] =	stream.indirect.scatter.add.f32 [tilespmem:s8], [sflag:$0x3], $0x11, s29, s29, $0xb8;
	[tilespmem:$0x11B00] =	vst v63  }
0x590: {  	_ =	swait.ge [sflag:s28], $0x880  }
0x591: {  	[sflag:s28] =	ssyncset.done $0x0  }
0x592: {  	s11 =	sadd.s32 $0x10, s11;
	[sflag:s28] =	ssyncadd.s32 $0xFFFFF780  }
0x593: {  	[bflag:$0x0] =	sbarrier.arrive $0xFFFF  }
0x594: {  	[tilespmem:s9], [sflag:$0x3] =	stream.linear.gather [spmem:s12], $0x1260, $0x38;
	[tilespmem:$0x11B00] =	vst v63  }
0x595: {  	_ =	swait.ge [sflag:s28], $0x1260  }
0x596: {  	[sflag:s28] =	ssyncset.done $0x0  }
0x597: {  	s6 =	sadd.s32 $0x0, s25;
	[sflag:s28] =	ssyncadd.s32 $0xFFFFEDA0  }
0x598: {  	[hbm4b:s6+s3] =	stream.linear.scatter [tilespmem:s9], [sflag:$0x3], $0x1260, $0x38;
	[tilespmem:$0x11B00] =	vst v63  }
0x599: {  	_ =	swait.ge [sflag:s28], $0x1260  }
0x59a: {  	s11 =	simm.s32 $0x24C;
	s6 =	smov.u32 s12;
	[sflag:s28] =	ssyncset.done $0x0  }
.LBB2_10:
0x59b: {  	p0 =	sne.s32 s11, $0x2274;
	[sflag:s28] =	ssyncadd.s32 $0xFFFFEDA0;
	s6 =	sadd.s32 $0x1260, s6  }
0x59c: {  	[tilespmem:s9], [sflag:$0x3] =	stream.linear.gather [spmem:s6], $0x1260, $0x38;
	[tilespmem:$0x11B00] =	vst v63  }
0x59d: {  	s13 =	smov.u32 s11;
	s11 =	sadd.s32 $0x24C, s11;
	_ =	swait.ge [sflag:s28], $0x1260  }
.Ltmp4:
0x59e: {  	[sflag:s28] =	ssyncset.done $0x0;
	(pc) =	sbr.rel @p0 .LBB2_10-.Ltmp4, $4  }
0x59f: {  	s13 =	sadd.s32 s13, s25;
	[sflag:s28] =	ssyncadd.s32 $0xFFFFEDA0  }
0x5a0: {  	[hbm4b:s13+s3] =	stream.linear.scatter [tilespmem:s9], [sflag:$0x3], $0x1260, $0x38;
	[tilespmem:$0x11B00] =	vst v63  }
0x5a1: {  	_ =	swait.ge [sflag:s28], $0x1260  }
0x5a2: {  	[sflag:s28] =	ssyncset.done $0x0  }
0x5a3: {  	s10 =	sadd.s32 $0x1, s10;
	s6 =	rddreg [dreg:$0x4]  }
0x5a4: {  	p0 =	sne.s32 s10, s6  }
.Ltmp5:
0x5a5: {  	_ = 	snop;
	(pc) =	sbr.rel @p0 .LBB2_1-.Ltmp5, $4  }
0x5a6: {  	[sflag:s28] =	ssyncadd.s32 $0xFFFFEDA0  }
0x5a7: {  	[bflag:$0x0] =	sbarrier.arrive $0xFFFF  }
0x5a8: {  	v21 =	vld [tilespmem:$0x1FFC0]  }
0x5a9: {  	v13 =	vimm.f32 $0.0e+00;
	v23 =	vld [tilespmem:$0x1FFD0]  }
0x5aa: {  	_ =	sfence.sel $0x180000  }
0x5ab: {  	[bflag:$0x0] =	sbarrier.arrive $0xFFFF  }
0x5ac: {  	_ =	strace $0x9000004A  }
0x5ad: {  	s0 =	stileid.u32;
	[bflag:$0x2] =	sbarrier.arrive $0xFFFF  }
0x5ae: {  	p0 =	sne.s32 s0, $0x0;
	s0 =	rddreg [dreg:$0x3]  }
0x5af: {  	s0 =	sadd.s32 @!p0 $0x100000, s0  }
0x5b0: {  	[sflag:s0] =	ssyncadd.tile.s32 @!p0 $0x1;
	_ =	shalt  }
.Lfunc_end2:
_tile_overlayer_lowered:
.L_overlay_start_2:
0x5b1: {  	(tag) =	ssettag $0x2  }
0x5b2: {  	s0 =	rddreg [dreg:$0x0];
	s2 =	stileid.u32  }
0x5b3: {  	s1 =	rddreg [dreg:$0x1];
	p0 =	sne.s32 s2, $0x0  }
0x5b4: {  	s3 =	rddreg [dreg:$0x2];
	[bflag:$0x3] =	sbarrier.arrive $0xFFFF;
	s2 =	simm.s32 @!p0 $0x1C03  }
0x5b5: {  	[timem:s3], [sflag:s2] =	dma.local @!p0 [hbm:s0], s1  }
0x5b6: {  	s0 =	simm.s32 @!p0 $0x3  }
0x5b7: {  	_ =	swait.ge @!p0 [sflag:s0], s1  }
0x5b8: {  	s1 =	ssub.s32 @!p0 $0x0, s1;
	[sflag:s0] =	ssyncset.done @!p0 $0x0  }
0x5b9: {  	[sflag:s0] =	ssyncadd.s32 @!p0 s1  }
0x5ba: {  	[bflag:$0x3] =	sbarrier.arrive $0xFFFF  }
0x5bb: {  	_ =	shalt  }

</sc_bundles>
